<compile_context>
chip_gen: v7x
topology: tpu7x:2x2x1
jax: 0.10.2.dev20260603
libtpu: 0.0.44.dev20260713+nightly
codegen_flags: <defaults>
</compile_context>

<pallas_src>
import functools

import jax
import jax.numpy as jnp
from jax import lax
from jax.experimental import pallas as pl
from jax.experimental.pallas import tpu as pltpu
from jax.experimental.pallas import tpu_sc as plsc

B = 16
N = 16384
M = 64
L = 16
NC = 2
NS = 16
NW = NC * NS
TRW = B * N // 2
SPW = TRW // 16
CH = 2048
NCHUNK = SPW // CH
GRP = CH // L
GT = CH // 1024

_mesh = plsc.VectorSubcoreMesh(core_axis_name="c", subcore_axis_name="s")


def _body(face_h, lmp_h, gzp_h, tbox_h, tlm_h, tgz_h, mat_h, lab_h, out_h,
          face_v0, face_v1, lmp_v0, lmp_v1, gzp_v0, gzp_v1,
          mat_v0, mat_v1, lab_v0, lab_v1,
          tbox_v, tlm_v, tgz_v, out_v, sem0, sem1):
    cid = lax.axis_index("c")
    sid = lax.axis_index("s")
    wid = sid * NC + cid
    tr = wid // 16
    stripe = wid % 16
    w0 = stripe * SPW

    pltpu.sync_copy(tbox_h.at[pl.ds(tr * 8, 8)], tbox_v)
    pltpu.sync_copy(tlm_h.at[pl.ds(tr * 8, 8)], tlm_v)
    pltpu.sync_copy(tgz_h.at[pl.ds(tr * 8, 8)], tgz_v)

    bufs = ((face_v0, lmp_v0, gzp_v0, mat_v0, lab_v0, sem0),
            (face_v1, lmp_v1, gzp_v1, mat_v1, lab_v1, sem1))

    def start(c, slot):
        fv, lv, gv, mv, bv, sem = bufs[slot]
        base = w0 + c * CH
        gz0 = (base // 1024) * 256
        hs = []
        for j in range(4):
            hs.append(pltpu.async_copy(
                face_h.at[j, tr, pl.ds(base, CH)], fv.at[pl.ds(j * CH, CH)], sem))
        for j in range(10):
            hs.append(pltpu.async_copy(
                lmp_h.at[j, tr, pl.ds(base, CH)], lv.at[pl.ds(j * CH, CH)], sem))
        hs.append(pltpu.async_copy(
            gzp_h.at[pl.ds(tr * 8, 8), pl.ds(gz0, GT * 256)], gv, sem))
        hs.append(pltpu.async_copy(mat_h.at[tr, pl.ds(base, CH)], mv, sem))
        hs.append(pltpu.async_copy(lab_h.at[tr, pl.ds(base, CH)], bv, sem))
        return hs

    iota = jnp.arange(L, dtype=jnp.int32)
    izero = iota * 0
    if5 = [iota + j * CH for j in range(4)]
    if10 = [iota + j * CH for j in range(10)]
    it4 = [izero + j * M for j in range(4)]
    it10 = [izero + j * M for j in range(10)]
    it2 = [izero + j * M for j in range(2)]
    ig2 = [iota + j * 128 for j in range(2)]

    def compute(slot, accs):
        fv, lv, gv, mv, bv, _ = bufs[slot]

        def group(g, accs):
            abox, alm, agz = accs
            off = g * L
            row = (g // 8) % 8
            fvo = fv.at[pl.ds(off, L)]
            lvo = lv.at[pl.ds(off, L)]
            m = plsc.load_gather(mv.at[pl.ds(off, L)], [iota])
            lab = plsc.load_gather(bv.at[pl.ds(off, L)], [iota])
            maskf = jnp.where(lab > 0.0, 1.0, 0.0).astype(jnp.float32)

            def sl1(pred_sl, p_bases, tbl_ref, t_bases, ncomp):
                sq = jnp.zeros((L,), jnp.float32)
                mx = jnp.zeros((L,), jnp.float32)
                for j in range(ncomp):
                    p = plsc.load_gather(pred_sl, [p_bases[j]])
                    t = plsc.load_gather(tbl_ref, [m + t_bases[j]])
                    d = jnp.abs(p - t)
                    dm = jnp.minimum(d, 1.0)
                    sq = sq + dm * dm
                    mx = mx + jnp.maximum(d, 1.0)
                return (0.5 * sq + mx - float(ncomp)) * maskf

            abox = abox + sl1(fvo, if5, tbox_v.at[row], it4, 4)
            alm = alm + sl1(lvo, if10, tlm_v.at[row], it10, 10)

            gb = (g // 64) * 256 + (g % 8) * L
            gvo = gv.at[row, pl.ds(gb, L)]
            sq = jnp.zeros((L,), jnp.float32)
            mx = jnp.zeros((L,), jnp.float32)
            for j in range(2):
                p = plsc.load_gather(gvo, [ig2[j]])
                t = plsc.load_gather(tgz_v.at[row], [m + it2[j]])
                d = jnp.abs(p - t)
                dm = jnp.minimum(d, 1.0)
                sq = sq + dm * dm
                mx = mx + jnp.maximum(d, 1.0)
            agz = agz + (0.5 * sq + mx - 2.0) * maskf
            return (abox, alm, agz)

        return lax.fori_loop(0, GRP, group, accs)

    z = jnp.zeros((L,), jnp.float32)
    accs = (z, z, z)
    pending = start(0, 0)
    for c in range(NCHUNK):
        for hd in pending:
            hd.wait()
        if c + 1 < NCHUNK:
            nxt = start(c + 1, (c + 1) % 2)
        else:
            nxt = []
        accs = compute(c % 2, accs)
        pending = nxt

    out_v[0, :] = accs[0]
    out_v[1, :] = accs[1]
    out_v[2, :] = accs[2]
    pltpu.sync_copy(out_v, out_h.at[wid])


_sc_loss = functools.partial(
    pl.kernel,
    out_type=jax.ShapeDtypeStruct((NW, 3, L), jnp.float32),
    mesh=_mesh,
    scratch_types=[
        pltpu.VMEM((4 * CH,), jnp.float32),
        pltpu.VMEM((4 * CH,), jnp.float32),
        pltpu.VMEM((10 * CH,), jnp.float32),
        pltpu.VMEM((10 * CH,), jnp.float32),
        pltpu.VMEM((8, GT * 256), jnp.float32),
        pltpu.VMEM((8, GT * 256), jnp.float32),
        pltpu.VMEM((CH,), jnp.int32),
        pltpu.VMEM((CH,), jnp.int32),
        pltpu.VMEM((CH,), jnp.float32),
        pltpu.VMEM((CH,), jnp.float32),
        pltpu.VMEM((8, 4 * M), jnp.float32),
        pltpu.VMEM((8, 10 * M), jnp.float32),
        pltpu.VMEM((8, 2 * M), jnp.float32),
        pltpu.VMEM((3, L), jnp.float32),
        pltpu.SemaphoreType.DMA,
        pltpu.SemaphoreType.DMA,
    ],
    compiler_params=pltpu.CompilerParams(
        needs_layout_passes=False, use_tc_tiling_on_sc=False),
)(_body)


def _tile_view(x):
    c = x.shape[2]
    return (x.transpose(2, 0, 1)
             .reshape(c, 2, 8, 128, 128)
             .transpose(0, 1, 3, 2, 4)
             .reshape(c, 2, TRW))


def _tile_view2(x):
    return (x.reshape(2, 8, 128, 128)
             .transpose(0, 2, 1, 3)
             .reshape(2, TRW))


def _bce_body(x_ref, lab_ref, out_ref):
    x = x_ref[...]
    lab = lab_ref[...]
    v = jnp.maximum(x, 0.0) - x * lab + jnp.log1p(jnp.exp(-jnp.abs(x)))
    out_ref[...] = jnp.sum(v).reshape(1, 1)


_bce_tc = pl.pallas_call(
    _bce_body,
    out_shape=jax.ShapeDtypeStruct((1, 1), jnp.float32),
)


def kernel(face_preds, landmark_preds, gaze_preds, boxes, landmarks, gaze,
           matches, labels):
    bce = _bce_tc(face_preds[:, :, 4], labels)[0, 0]
    part = _sc_loss(
        _tile_view(face_preds),
        _tile_view(landmark_preds),
        gaze_preds.reshape(B, 128, 128, 2).transpose(0, 1, 3, 2).reshape(B, 32768),
        jnp.transpose(boxes, (0, 2, 1)).reshape(B, 4 * M),
        jnp.transpose(landmarks, (0, 2, 1)).reshape(B, 10 * M),
        jnp.transpose(gaze, (0, 2, 1)).reshape(B, 2 * M),
        _tile_view2(matches.astype(jnp.int32)),
        _tile_view2(labels),
    )
    s = jnp.sum(part, axis=(0, 2))
    face_loss = bce + s[0]
    landmark_loss = s[1]
    gaze_loss = s[2]
    total_loss = face_loss + landmark_loss + gaze_loss
    return (total_loss, face_loss, landmark_loss, gaze_loss)

# --- scband reference (transcript-rebuilt; emitter-appended) ---
"""Pipeline reference for scband-multi-task-loss-1589137899665 (READ-ONLY COPY).

The authoritative reference and input builder live on the scoring server;
editing this copy changes nothing except your own understanding.
"""

import jax, jax.numpy as jnp
import numpy as np

B, N, M = 16, 16384, 64

def setup_inputs(seed: int = 0) -> dict:
    key = jax.random.key(seed)
    ks = jax.random.split(key, 8)
    return {
        'face_preds': jax.random.normal(ks[0], (B, N, 5), dtype=jnp.float32),
        'landmark_preds': jax.random.normal(ks[1], (B, N, 10), dtype=jnp.float32),
        'gaze_preds': jax.random.normal(ks[2], (B, N, 2), dtype=jnp.float32),
        'boxes': jax.random.uniform(ks[3], (B, M, 4), dtype=jnp.float32),
        'landmarks': jax.random.uniform(ks[4], (B, M, 10), dtype=jnp.float32),
        'gaze': jax.random.normal(ks[5], (B, M, 2), dtype=jnp.float32),
        'matches': jax.random.randint(ks[6], (B, N), 0, M, dtype=jnp.int64),
        'labels': jax.random.uniform(ks[7], (B, N), dtype=jnp.float32),
    }

def _smooth_l1(p, t):
    d = jnp.abs(p - t)
    return jnp.where(d < 1.0, 0.5 * d * d, d - 0.5)

def reference(face_preds, landmark_preds, gaze_preds, boxes, landmarks, gaze, matches, labels):
    lambda_face = 1.0
    lambda_landmark = 1.0
    lambda_gaze = 1.0
    bidx = jnp.arange(face_preds.shape[0])[:, None]
    # BCE-with-logits, sum reduction
    x = face_preds[:, :, 4]
    face_cls_loss = jnp.sum(jnp.maximum(x, 0.0) - x * labels + jnp.log1p(jnp.exp(-jnp.abs(x))))
    # positive mask (branchless: masked sums are 0 when there are no positives,
    # matching torch's if/else that returns 0.0)
    mask = (labels > 0).astype(face_preds.dtype)
    # gather matched targets per anchor: boxes[i][matches[i]]
    box_targets = boxes[bidx, matches]            # [B, N, 4]
    landmark_targets = landmarks[bidx, matches]   # [B, N, 10]
    gaze_targets = gaze[bidx, matches]            # [B, N, 2]
    box_loss = jnp.sum(_smooth_l1(face_preds[:, :, :4], box_targets) * mask[:, :, None])
    landmark_loss = jnp.sum(_smooth_l1(landmark_preds, landmark_targets) * mask[:, :, None])
    gaze_loss = jnp.sum(_smooth_l1(gaze_preds, gaze_targets) * mask[:, :, None])
    face_loss = face_cls_loss + box_loss
    total_loss = lambda_face * face_loss + lambda_landmark * landmark_loss + lambda_gaze * gaze_loss
    return (total_loss, face_loss, landmark_loss, gaze_loss)

if __name__ == "__main__":
    import jax
    _d = setup_inputs()
    print(jax.jit(kernel)(*tuple(_d.values())))

</pallas_src>

<mosaic_0001>
#map = affine_map<(d0, d1) -> (0, 0, 0)>
#map1 = affine_map<(d0, d1) -> (0, 0)>
module attributes {stable_mosaic.version = 14 : i64} {
  func.func @_body(%arg0: i32, %arg1: i32, %arg2: memref<5x2x131072xf32, #tpu.memory_space<hbm>>, %arg3: memref<10x2x131072xf32, #tpu.memory_space<hbm>>, %arg4: memref<16x32768xf32, #tpu.memory_space<hbm>>, %arg5: memref<16x256xf32, #tpu.memory_space<hbm>>, %arg6: memref<16x640xf32, #tpu.memory_space<hbm>>, %arg7: memref<16x128xf32, #tpu.memory_space<hbm>>, %arg8: memref<2x131072xi32, #tpu.memory_space<hbm>>, %arg9: memref<2x131072xf32, #tpu.memory_space<hbm>>, %arg10: memref<32x3x16xf32, #tpu.memory_space<hbm>>, %arg11: memref<8192xf32, #tpu.memory_space<vmem>>, %arg12: memref<8192xf32, #tpu.memory_space<vmem>>, %arg13: memref<20480xf32, #tpu.memory_space<vmem>>, %arg14: memref<20480xf32, #tpu.memory_space<vmem>>, %arg15: memref<8x512xf32, #tpu.memory_space<vmem>>, %arg16: memref<8x512xf32, #tpu.memory_space<vmem>>, %arg17: memref<2048xi32, #tpu.memory_space<vmem>>, %arg18: memref<2048xi32, #tpu.memory_space<vmem>>, %arg19: memref<2048xf32, #tpu.memory_space<vmem>>, %arg20: memref<2048xf32, #tpu.memory_space<vmem>>, %arg21: memref<8x256xf32, #tpu.memory_space<vmem>>, %arg22: memref<8x640xf32, #tpu.memory_space<vmem>>, %arg23: memref<8x128xf32, #tpu.memory_space<vmem>>, %arg24: memref<3x16xf32, #tpu.memory_space<vmem>>, %arg25: memref<!tpu.dma_semaphore, #tpu.memory_space<semaphore_mem>>, %arg26: memref<!tpu.dma_semaphore, #tpu.memory_space<semaphore_mem>>) attributes {dimension_semantics = [#tpu.dimension_semantics<core_parallel>, #tpu.dimension_semantics<subcore_parallel>], iteration_bounds = array<i64: 2, 16>, scalar_prefetch = 0 : i64, scratch_operands = 16 : i64, tpu.core_type = #tpu.core_type<sc_vector_subcore>, window_params = [{transform_indices = #map}, {transform_indices = #map}, {transform_indices = #map1}, {transform_indices = #map1}, {transform_indices = #map1}, {transform_indices = #map1}, {transform_indices = #map1}, {transform_indices = #map1}, {transform_indices = #map}]} {
    %mul3A = arith.constant 2 : i32
    %mul3A_0 = arith.muli %arg1, %mul3A : i32
    %add3A = arith.addi %mul3A_0, %arg0 : i32
    %jit3A = arith.constant 16 : i32
    %div3A = arith.divsi %add3A, %jit3A : i32
    %sign3A = arith.constant 0 : i32
    %sign3A_1 = arith.cmpi sgt, %add3A, %sign3A : i32
    %sign3A_2 = arith.extui %sign3A_1 : i1 to i32
    %sign3A_3 = arith.constant 0 : i32
    %sign3A_4 = arith.cmpi slt, %add3A, %sign3A_3 : i32
    %sign3A_5 = arith.extui %sign3A_4 : i1 to i32
    %sign3A_6 = arith.subi %sign3A_2, %sign3A_5 : i32
    %sign3A_7 = arith.constant 0 : i32
    %sign3A_8 = arith.cmpi sgt, %jit3A, %sign3A_7 : i32
    %sign3A_9 = arith.extui %sign3A_8 : i1 to i32
    %sign3A_10 = arith.constant 0 : i32
    %sign3A_11 = arith.cmpi slt, %jit3A, %sign3A_10 : i32
    %sign3A_12 = arith.extui %sign3A_11 : i1 to i32
    %sign3A_13 = arith.subi %sign3A_9, %sign3A_12 : i32
    %ne3A = arith.cmpi ne, %sign3A_6, %sign3A_13 : i32
    %rem3A = arith.remsi %add3A, %jit3A : i32
    %ne3A_14 = arith.constant 0 : i32
    %ne3A_15 = arith.cmpi ne, %rem3A, %ne3A_14 : i32
    %and3A = arith.andi %ne3A, %ne3A_15 : i1
    %sub3A = arith.constant 1 : i32
    %sub3A_16 = arith.subi %div3A, %sub3A : i32
    %select_n3A = arith.select %and3A, %sub3A_16, %div3A : i32
    %jit3A_17 = arith.constant 16 : i32
    %eq3A = arith.constant 0 : i32
    %eq3A_18 = arith.cmpi eq, %jit3A_17, %eq3A : i32
    %jit3A_19 = arith.constant 1 : i32
    %select_n3A_20 = arith.select %eq3A_18, %jit3A_19, %jit3A_17 : i32
    %rem3A_21 = arith.remsi %add3A, %select_n3A_20 : i32
    %ne3A_22 = arith.constant 0 : i32
    %ne3A_23 = arith.cmpi ne, %rem3A_21, %ne3A_22 : i32
    %lt3A = arith.constant 0 : i32
    %lt3A_24 = arith.cmpi slt, %rem3A_21, %lt3A : i32
    %lt3A_25 = arith.constant 0 : i32
    %lt3A_26 = arith.cmpi slt, %select_n3A_20, %lt3A_25 : i32
    %ne3A_27 = arith.xori %lt3A_24, %lt3A_26 : i1
    %and3A_28 = arith.andi %ne3A_27, %ne3A_23 : i1
    %add3A_29 = arith.addi %rem3A_21, %select_n3A_20 : i32
    %select_n3A_30 = arith.select %and3A_28, %add3A_29, %rem3A_21 : i32
    %mul3A_31 = arith.constant 8192 : i32
    %mul3A_32 = arith.muli %select_n3A_30, %mul3A_31 : i32
    %mul3A_33 = arith.constant 8 : i32
    %mul3A_34 = arith.muli %select_n3A, %mul3A_33 : i32
    "tpu.region"() ({
      %run_scoped3A = tpu.sem_alloc : memref<!tpu.dma_semaphore, #tpu.memory_space<semaphore_mem>>
      %dma_start3A_1379 = arith.constant 0 : i32
      %dma_start3A_1380 = tpu.memref_slice %arg5[%mul3A_34, %dma_start3A_1379] : memref<16x256xf32, #tpu.memory_space<hbm>> -> memref<8x256xf32, #tpu.memory_space<hbm>>
      %dma_start3A_1381 = arith.constant 0 : i32
      %dma_start3A_1382 = tpu.memref_slice %arg5[%mul3A_34, %dma_start3A_1381] : memref<16x256xf32, #tpu.memory_space<hbm>> -> memref<8x256xf32, #tpu.memory_space<hbm>>
      tpu.enqueue_dma source(%dma_start3A_1382 : memref<8x256xf32, #tpu.memory_space<hbm>>) target(%arg21 : memref<8x256xf32, #tpu.memory_space<vmem>>) target_semaphore(%run_scoped3A : memref<!tpu.dma_semaphore, #tpu.memory_space<semaphore_mem>>)
      %dma_wait3A_1383 = arith.constant 0 : i32
      %dma_wait3A_1384 = tpu.memref_slice %arg5[%mul3A_34, %dma_wait3A_1383] : memref<16x256xf32, #tpu.memory_space<hbm>> -> memref<8x256xf32, #tpu.memory_space<hbm>>
      %dma_wait3A_1385 = arith.constant 0 : i32
      %dma_wait3A_1386 = tpu.memref_slice %arg5[%mul3A_34, %dma_wait3A_1385] : memref<16x256xf32, #tpu.memory_space<hbm>> -> memref<8x256xf32, #tpu.memory_space<hbm>>
      tpu.wait_dma2 semaphore(%run_scoped3A : memref<!tpu.dma_semaphore, #tpu.memory_space<semaphore_mem>>) src(%dma_wait3A_1386 : memref<8x256xf32, #tpu.memory_space<hbm>>) dst(%arg21 : memref<8x256xf32, #tpu.memory_space<vmem>>)
      tpu.yield
    }) : () -> ()
    %mul3A_35 = arith.constant 8 : i32
    %mul3A_36 = arith.muli %select_n3A, %mul3A_35 : i32
    "tpu.region"() ({
      %run_scoped3A = tpu.sem_alloc : memref<!tpu.dma_semaphore, #tpu.memory_space<semaphore_mem>>
      %dma_start3A_1379 = arith.constant 0 : i32
      %dma_start3A_1380 = tpu.memref_slice %arg6[%mul3A_36, %dma_start3A_1379] : memref<16x640xf32, #tpu.memory_space<hbm>> -> memref<8x640xf32, #tpu.memory_space<hbm>>
      %dma_start3A_1381 = arith.constant 0 : i32
      %dma_start3A_1382 = tpu.memref_slice %arg6[%mul3A_36, %dma_start3A_1381] : memref<16x640xf32, #tpu.memory_space<hbm>> -> memref<8x640xf32, #tpu.memory_space<hbm>>
      tpu.enqueue_dma source(%dma_start3A_1382 : memref<8x640xf32, #tpu.memory_space<hbm>>) target(%arg22 : memref<8x640xf32, #tpu.memory_space<vmem>>) target_semaphore(%run_scoped3A : memref<!tpu.dma_semaphore, #tpu.memory_space<semaphore_mem>>)
      %dma_wait3A_1383 = arith.constant 0 : i32
      %dma_wait3A_1384 = tpu.memref_slice %arg6[%mul3A_36, %dma_wait3A_1383] : memref<16x640xf32, #tpu.memory_space<hbm>> -> memref<8x640xf32, #tpu.memory_space<hbm>>
      %dma_wait3A_1385 = arith.constant 0 : i32
      %dma_wait3A_1386 = tpu.memref_slice %arg6[%mul3A_36, %dma_wait3A_1385] : memref<16x640xf32, #tpu.memory_space<hbm>> -> memref<8x640xf32, #tpu.memory_space<hbm>>
      tpu.wait_dma2 semaphore(%run_scoped3A : memref<!tpu.dma_semaphore, #tpu.memory_space<semaphore_mem>>) src(%dma_wait3A_1386 : memref<8x640xf32, #tpu.memory_space<hbm>>) dst(%arg22 : memref<8x640xf32, #tpu.memory_space<vmem>>)
      tpu.yield
    }) : () -> ()
    %mul3A_37 = arith.constant 8 : i32
    %mul3A_38 = arith.muli %select_n3A, %mul3A_37 : i32
    "tpu.region"() ({
      %run_scoped3A = tpu.sem_alloc : memref<!tpu.dma_semaphore, #tpu.memory_space<semaphore_mem>>
      %dma_start3A_1379 = arith.constant 0 : i32
      %dma_start3A_1380 = tpu.memref_slice %arg7[%mul3A_38, %dma_start3A_1379] : memref<16x128xf32, #tpu.memory_space<hbm>> -> memref<8x128xf32, #tpu.memory_space<hbm>>
      %dma_start3A_1381 = arith.constant 0 : i32
      %dma_start3A_1382 = tpu.memref_slice %arg7[%mul3A_38, %dma_start3A_1381] : memref<16x128xf32, #tpu.memory_space<hbm>> -> memref<8x128xf32, #tpu.memory_space<hbm>>
      tpu.enqueue_dma source(%dma_start3A_1382 : memref<8x128xf32, #tpu.memory_space<hbm>>) target(%arg23 : memref<8x128xf32, #tpu.memory_space<vmem>>) target_semaphore(%run_scoped3A : memref<!tpu.dma_semaphore, #tpu.memory_space<semaphore_mem>>)
      %dma_wait3A_1383 = arith.constant 0 : i32
      %dma_wait3A_1384 = tpu.memref_slice %arg7[%mul3A_38, %dma_wait3A_1383] : memref<16x128xf32, #tpu.memory_space<hbm>> -> memref<8x128xf32, #tpu.memory_space<hbm>>
      %dma_wait3A_1385 = arith.constant 0 : i32
      %dma_wait3A_1386 = tpu.memref_slice %arg7[%mul3A_38, %dma_wait3A_1385] : memref<16x128xf32, #tpu.memory_space<hbm>> -> memref<8x128xf32, #tpu.memory_space<hbm>>
      tpu.wait_dma2 semaphore(%run_scoped3A : memref<!tpu.dma_semaphore, #tpu.memory_space<semaphore_mem>>) src(%dma_wait3A_1386 : memref<8x128xf32, #tpu.memory_space<hbm>>) dst(%arg23 : memref<8x128xf32, #tpu.memory_space<vmem>>)
      tpu.yield
    }) : () -> ()
    %iota3A = tpu.iota {dimensions = array<i32: 0>} : vector<16xi32>
    %mul3A_39 = arith.constant 0 : i32
    %mul3A_40 = vector.broadcast %mul3A_39 : i32 to vector<16xi32>
    %mul3A_41 = arith.muli %iota3A, %mul3A_40 : vector<16xi32>
    %add3A_42 = arith.constant 0 : i32
    %add3A_43 = vector.broadcast %add3A_42 : i32 to vector<16xi32>
    %add3A_44 = arith.addi %iota3A, %add3A_43 : vector<16xi32>
    %add3A_45 = arith.constant 2048 : i32
    %add3A_46 = vector.broadcast %add3A_45 : i32 to vector<16xi32>
    %add3A_47 = arith.addi %iota3A, %add3A_46 : vector<16xi32>
    %add3A_48 = arith.constant 4096 : i32
    %add3A_49 = vector.broadcast %add3A_48 : i32 to vector<16xi32>
    %add3A_50 = arith.addi %iota3A, %add3A_49 : vector<16xi32>
    %add3A_51 = arith.constant 6144 : i32
    %add3A_52 = vector.broadcast %add3A_51 : i32 to vector<16xi32>
    %add3A_53 = arith.addi %iota3A, %add3A_52 : vector<16xi32>
    %add3A_54 = arith.constant 0 : i32
    %add3A_55 = vector.broadcast %add3A_54 : i32 to vector<16xi32>
    %add3A_56 = arith.addi %iota3A, %add3A_55 : vector<16xi32>
    %add3A_57 = arith.constant 2048 : i32
    %add3A_58 = vector.broadcast %add3A_57 : i32 to vector<16xi32>
    %add3A_59 = arith.addi %iota3A, %add3A_58 : vector<16xi32>
    %add3A_60 = arith.constant 4096 : i32
    %add3A_61 = vector.broadcast %add3A_60 : i32 to vector<16xi32>
    %add3A_62 = arith.addi %iota3A, %add3A_61 : vector<16xi32>
    %add3A_63 = arith.constant 6144 : i32
    %add3A_64 = vector.broadcast %add3A_63 : i32 to vector<16xi32>
    %add3A_65 = arith.addi %iota3A, %add3A_64 : vector<16xi32>
    %add3A_66 = arith.constant 8192 : i32
    %add3A_67 = vector.broadcast %add3A_66 : i32 to vector<16xi32>
    %add3A_68 = arith.addi %iota3A, %add3A_67 : vector<16xi32>
    %add3A_69 = arith.constant 10240 : i32
    %add3A_70 = vector.broadcast %add3A_69 : i32 to vector<16xi32>
    %add3A_71 = arith.addi %iota3A, %add3A_70 : vector<16xi32>
    %add3A_72 = arith.constant 12288 : i32
    %add3A_73 = vector.broadcast %add3A_72 : i32 to vector<16xi32>
    %add3A_74 = arith.addi %iota3A, %add3A_73 : vector<16xi32>
    %add3A_75 = arith.constant 14336 : i32
    %add3A_76 = vector.broadcast %add3A_75 : i32 to vector<16xi32>
    %add3A_77 = arith.addi %iota3A, %add3A_76 : vector<16xi32>
    %add3A_78 = arith.constant 16384 : i32
    %add3A_79 = vector.broadcast %add3A_78 : i32 to vector<16xi32>
    %add3A_80 = arith.addi %iota3A, %add3A_79 : vector<16xi32>
    %add3A_81 = arith.constant 18432 : i32
    %add3A_82 = vector.broadcast %add3A_81 : i32 to vector<16xi32>
    %add3A_83 = arith.addi %iota3A, %add3A_82 : vector<16xi32>
    %add3A_84 = arith.constant 0 : i32
    %add3A_85 = vector.broadcast %add3A_84 : i32 to vector<16xi32>
    %add3A_86 = arith.addi %mul3A_41, %add3A_85 : vector<16xi32>
    %add3A_87 = arith.constant 64 : i32
    %add3A_88 = vector.broadcast %add3A_87 : i32 to vector<16xi32>
    %add3A_89 = arith.addi %mul3A_41, %add3A_88 : vector<16xi32>
    %add3A_90 = arith.constant 128 : i32
    %add3A_91 = vector.broadcast %add3A_90 : i32 to vector<16xi32>
    %add3A_92 = arith.addi %mul3A_41, %add3A_91 : vector<16xi32>
    %add3A_93 = arith.constant 192 : i32
    %add3A_94 = vector.broadcast %add3A_93 : i32 to vector<16xi32>
    %add3A_95 = arith.addi %mul3A_41, %add3A_94 : vector<16xi32>
    %add3A_96 = arith.constant 0 : i32
    %add3A_97 = vector.broadcast %add3A_96 : i32 to vector<16xi32>
    %add3A_98 = arith.addi %mul3A_41, %add3A_97 : vector<16xi32>
    %add3A_99 = arith.constant 64 : i32
    %add3A_100 = vector.broadcast %add3A_99 : i32 to vector<16xi32>
    %add3A_101 = arith.addi %mul3A_41, %add3A_100 : vector<16xi32>
    %add3A_102 = arith.constant 128 : i32
    %add3A_103 = vector.broadcast %add3A_102 : i32 to vector<16xi32>
    %add3A_104 = arith.addi %mul3A_41, %add3A_103 : vector<16xi32>
    %add3A_105 = arith.constant 192 : i32
    %add3A_106 = vector.broadcast %add3A_105 : i32 to vector<16xi32>
    %add3A_107 = arith.addi %mul3A_41, %add3A_106 : vector<16xi32>
    %add3A_108 = arith.constant 256 : i32
    %add3A_109 = vector.broadcast %add3A_108 : i32 to vector<16xi32>
    %add3A_110 = arith.addi %mul3A_41, %add3A_109 : vector<16xi32>
    %add3A_111 = arith.constant 320 : i32
    %add3A_112 = vector.broadcast %add3A_111 : i32 to vector<16xi32>
    %add3A_113 = arith.addi %mul3A_41, %add3A_112 : vector<16xi32>
    %add3A_114 = arith.constant 384 : i32
    %add3A_115 = vector.broadcast %add3A_114 : i32 to vector<16xi32>
    %add3A_116 = arith.addi %mul3A_41, %add3A_115 : vector<16xi32>
    %add3A_117 = arith.constant 448 : i32
    %add3A_118 = vector.broadcast %add3A_117 : i32 to vector<16xi32>
    %add3A_119 = arith.addi %mul3A_41, %add3A_118 : vector<16xi32>
    %add3A_120 = arith.constant 512 : i32
    %add3A_121 = vector.broadcast %add3A_120 : i32 to vector<16xi32>
    %add3A_122 = arith.addi %mul3A_41, %add3A_121 : vector<16xi32>
    %add3A_123 = arith.constant 576 : i32
    %add3A_124 = vector.broadcast %add3A_123 : i32 to vector<16xi32>
    %add3A_125 = arith.addi %mul3A_41, %add3A_124 : vector<16xi32>
    %add3A_126 = arith.constant 0 : i32
    %add3A_127 = vector.broadcast %add3A_126 : i32 to vector<16xi32>
    %add3A_128 = arith.addi %mul3A_41, %add3A_127 : vector<16xi32>
    %add3A_129 = arith.constant 64 : i32
    %add3A_130 = vector.broadcast %add3A_129 : i32 to vector<16xi32>
    %add3A_131 = arith.addi %mul3A_41, %add3A_130 : vector<16xi32>
    %add3A_132 = arith.constant 0 : i32
    %add3A_133 = vector.broadcast %add3A_132 : i32 to vector<16xi32>
    %add3A_134 = arith.addi %iota3A, %add3A_133 : vector<16xi32>
    %add3A_135 = arith.constant 128 : i32
    %add3A_136 = vector.broadcast %add3A_135 : i32 to vector<16xi32>
    %add3A_137 = arith.addi %iota3A, %add3A_136 : vector<16xi32>
    %broadcast_in_dim3A = arith.constant 0.000000e+00 : f32
    %broadcast_in_dim3A_138 = vector.broadcast %broadcast_in_dim3A : f32 to vector<16xf32>
    %add3A_139 = arith.constant 0 : i32
    %add3A_140 = arith.addi %mul3A_32, %add3A_139 : i32
    %jit3A_141 = arith.constant 1024 : i32
    %div3A_142 = arith.divsi %add3A_140, %jit3A_141 : i32
    %sign3A_143 = arith.constant 0 : i32
    %sign3A_144 = arith.cmpi sgt, %add3A_140, %sign3A_143 : i32
    %sign3A_145 = arith.extui %sign3A_144 : i1 to i32
    %sign3A_146 = arith.constant 0 : i32
    %sign3A_147 = arith.cmpi slt, %add3A_140, %sign3A_146 : i32
    %sign3A_148 = arith.extui %sign3A_147 : i1 to i32
    %sign3A_149 = arith.subi %sign3A_145, %sign3A_148 : i32
    %sign3A_150 = arith.constant 0 : i32
    %sign3A_151 = arith.cmpi sgt, %jit3A_141, %sign3A_150 : i32
    %sign3A_152 = arith.extui %sign3A_151 : i1 to i32
    %sign3A_153 = arith.constant 0 : i32
    %sign3A_154 = arith.cmpi slt, %jit3A_141, %sign3A_153 : i32
    %sign3A_155 = arith.extui %sign3A_154 : i1 to i32
    %sign3A_156 = arith.subi %sign3A_152, %sign3A_155 : i32
    %ne3A_157 = arith.cmpi ne, %sign3A_149, %sign3A_156 : i32
    %rem3A_158 = arith.remsi %add3A_140, %jit3A_141 : i32
    %ne3A_159 = arith.constant 0 : i32
    %ne3A_160 = arith.cmpi ne, %rem3A_158, %ne3A_159 : i32
    %and3A_161 = arith.andi %ne3A_157, %ne3A_160 : i1
    %sub3A_162 = arith.constant 1 : i32
    %sub3A_163 = arith.subi %div3A_142, %sub3A_162 : i32
    %select_n3A_164 = arith.select %and3A_161, %sub3A_163, %div3A_142 : i32
    %mul3A_165 = arith.constant 256 : i32
    %mul3A_166 = arith.muli %select_n3A_164, %mul3A_165 : i32
    %dma_start3A = arith.constant 0 : i32
    %dma_start3A_167 = arith.constant 0 : i32
    %dma_start3A_168 = tpu.memref_slice %arg11[%dma_start3A_167] : memref<8192xf32, #tpu.memory_space<vmem>> -> memref<2048xf32, #tpu.memory_space<vmem>>
    %dma_start3A_169 = tpu.memref_slice %arg2[%dma_start3A, %select_n3A, %add3A_140] : memref<5x2x131072xf32, #tpu.memory_space<hbm>> -> memref<1x1x2048xf32, #tpu.memory_space<hbm>>
    %dma_start3A_170 = tpu.memref_squeeze %dma_start3A_169 : memref<1x1x2048xf32, #tpu.memory_space<hbm>> -> memref<2048xf32, #tpu.memory_space<hbm>>
    %dma_start3A_171 = arith.constant 0 : i32
    %dma_start3A_172 = tpu.memref_slice %arg11[%dma_start3A_171] : memref<8192xf32, #tpu.memory_space<vmem>> -> memref<2048xf32, #tpu.memory_space<vmem>>
    %dma_start3A_173 = tpu.memref_slice %arg2[%dma_start3A, %select_n3A, %add3A_140] : memref<5x2x131072xf32, #tpu.memory_space<hbm>> -> memref<1x1x2048xf32, #tpu.memory_space<hbm>>
    %dma_start3A_174 = tpu.memref_squeeze %dma_start3A_173 : memref<1x1x2048xf32, #tpu.memory_space<hbm>> -> memref<2048xf32, #tpu.memory_space<hbm>>
    tpu.enqueue_dma source(%dma_start3A_174 : memref<2048xf32, #tpu.memory_space<hbm>>) target(%dma_start3A_172 : memref<2048xf32, #tpu.memory_space<vmem>>) target_semaphore(%arg25 : memref<!tpu.dma_semaphore, #tpu.memory_space<semaphore_mem>>)
    %dma_start3A_175 = arith.constant 1 : i32
    %dma_start3A_176 = arith.constant 2048 : i32
    %dma_start3A_177 = tpu.memref_slice %arg11[%dma_start3A_176] : memref<8192xf32, #tpu.memory_space<vmem>> -> memref<2048xf32, #tpu.memory_space<vmem>>
    %dma_start3A_178 = tpu.memref_slice %arg2[%dma_start3A_175, %select_n3A, %add3A_140] : memref<5x2x131072xf32, #tpu.memory_space<hbm>> -> memref<1x1x2048xf32, #tpu.memory_space<hbm>>
    %dma_start3A_179 = tpu.memref_squeeze %dma_start3A_178 : memref<1x1x2048xf32, #tpu.memory_space<hbm>> -> memref<2048xf32, #tpu.memory_space<hbm>>
    %dma_start3A_180 = arith.constant 2048 : i32
    %dma_start3A_181 = tpu.memref_slice %arg11[%dma_start3A_180] : memref<8192xf32, #tpu.memory_space<vmem>> -> memref<2048xf32, #tpu.memory_space<vmem>>
    %dma_start3A_182 = tpu.memref_slice %arg2[%dma_start3A_175, %select_n3A, %add3A_140] : memref<5x2x131072xf32, #tpu.memory_space<hbm>> -> memref<1x1x2048xf32, #tpu.memory_space<hbm>>
    %dma_start3A_183 = tpu.memref_squeeze %dma_start3A_182 : memref<1x1x2048xf32, #tpu.memory_space<hbm>> -> memref<2048xf32, #tpu.memory_space<hbm>>
    tpu.enqueue_dma source(%dma_start3A_183 : memref<2048xf32, #tpu.memory_space<hbm>>) target(%dma_start3A_181 : memref<2048xf32, #tpu.memory_space<vmem>>) target_semaphore(%arg25 : memref<!tpu.dma_semaphore, #tpu.memory_space<semaphore_mem>>)
    %dma_start3A_184 = arith.constant 2 : i32
    %dma_start3A_185 = arith.constant 4096 : i32
    %dma_start3A_186 = tpu.memref_slice %arg11[%dma_start3A_185] : memref<8192xf32, #tpu.memory_space<vmem>> -> memref<2048xf32, #tpu.memory_space<vmem>>
    %dma_start3A_187 = tpu.memref_slice %arg2[%dma_start3A_184, %select_n3A, %add3A_140] : memref<5x2x131072xf32, #tpu.memory_space<hbm>> -> memref<1x1x2048xf32, #tpu.memory_space<hbm>>
    %dma_start3A_188 = tpu.memref_squeeze %dma_start3A_187 : memref<1x1x2048xf32, #tpu.memory_space<hbm>> -> memref<2048xf32, #tpu.memory_space<hbm>>
    %dma_start3A_189 = arith.constant 4096 : i32
    %dma_start3A_190 = tpu.memref_slice %arg11[%dma_start3A_189] : memref<8192xf32, #tpu.memory_space<vmem>> -> memref<2048xf32, #tpu.memory_space<vmem>>
    %dma_start3A_191 = tpu.memref_slice %arg2[%dma_start3A_184, %select_n3A, %add3A_140] : memref<5x2x131072xf32, #tpu.memory_space<hbm>> -> memref<1x1x2048xf32, #tpu.memory_space<hbm>>
    %dma_start3A_192 = tpu.memref_squeeze %dma_start3A_191 : memref<1x1x2048xf32, #tpu.memory_space<hbm>> -> memref<2048xf32, #tpu.memory_space<hbm>>
    tpu.enqueue_dma source(%dma_start3A_192 : memref<2048xf32, #tpu.memory_space<hbm>>) target(%dma_start3A_190 : memref<2048xf32, #tpu.memory_space<vmem>>) target_semaphore(%arg25 : memref<!tpu.dma_semaphore, #tpu.memory_space<semaphore_mem>>)
    %dma_start3A_193 = arith.constant 3 : i32
    %dma_start3A_194 = arith.constant 6144 : i32
    %dma_start3A_195 = tpu.memref_slice %arg11[%dma_start3A_194] : memref<8192xf32, #tpu.memory_space<vmem>> -> memref<2048xf32, #tpu.memory_space<vmem>>
    %dma_start3A_196 = tpu.memref_slice %arg2[%dma_start3A_193, %select_n3A, %add3A_140] : memref<5x2x131072xf32, #tpu.memory_space<hbm>> -> memref<1x1x2048xf32, #tpu.memory_space<hbm>>
    %dma_start3A_197 = tpu.memref_squeeze %dma_start3A_196 : memref<1x1x2048xf32, #tpu.memory_space<hbm>> -> memref<2048xf32, #tpu.memory_space<hbm>>
    %dma_start3A_198 = arith.constant 6144 : i32
    %dma_start3A_199 = tpu.memref_slice %arg11[%dma_start3A_198] : memref<8192xf32, #tpu.memory_space<vmem>> -> memref<2048xf32, #tpu.memory_space<vmem>>
    %dma_start3A_200 = tpu.memref_slice %arg2[%dma_start3A_193, %select_n3A, %add3A_140] : memref<5x2x131072xf32, #tpu.memory_space<hbm>> -> memref<1x1x2048xf32, #tpu.memory_space<hbm>>
    %dma_start3A_201 = tpu.memref_squeeze %dma_start3A_200 : memref<1x1x2048xf32, #tpu.memory_space<hbm>> -> memref<2048xf32, #tpu.memory_space<hbm>>
    tpu.enqueue_dma source(%dma_start3A_201 : memref<2048xf32, #tpu.memory_space<hbm>>) target(%dma_start3A_199 : memref<2048xf32, #tpu.memory_space<vmem>>) target_semaphore(%arg25 : memref<!tpu.dma_semaphore, #tpu.memory_space<semaphore_mem>>)
    %dma_start3A_202 = arith.constant 0 : i32
    %dma_start3A_203 = arith.constant 0 : i32
    %dma_start3A_204 = tpu.memref_slice %arg13[%dma_start3A_203] : memref<20480xf32, #tpu.memory_space<vmem>> -> memref<2048xf32, #tpu.memory_space<vmem>>
    %dma_start3A_205 = tpu.memref_slice %arg3[%dma_start3A_202, %select_n3A, %add3A_140] : memref<10x2x131072xf32, #tpu.memory_space<hbm>> -> memref<1x1x2048xf32, #tpu.memory_space<hbm>>
    %dma_start3A_206 = tpu.memref_squeeze %dma_start3A_205 : memref<1x1x2048xf32, #tpu.memory_space<hbm>> -> memref<2048xf32, #tpu.memory_space<hbm>>
    %dma_start3A_207 = arith.constant 0 : i32
    %dma_start3A_208 = tpu.memref_slice %arg13[%dma_start3A_207] : memref<20480xf32, #tpu.memory_space<vmem>> -> memref<2048xf32, #tpu.memory_space<vmem>>
    %dma_start3A_209 = tpu.memref_slice %arg3[%dma_start3A_202, %select_n3A, %add3A_140] : memref<10x2x131072xf32, #tpu.memory_space<hbm>> -> memref<1x1x2048xf32, #tpu.memory_space<hbm>>
    %dma_start3A_210 = tpu.memref_squeeze %dma_start3A_209 : memref<1x1x2048xf32, #tpu.memory_space<hbm>> -> memref<2048xf32, #tpu.memory_space<hbm>>
    tpu.enqueue_dma source(%dma_start3A_210 : memref<2048xf32, #tpu.memory_space<hbm>>) target(%dma_start3A_208 : memref<2048xf32, #tpu.memory_space<vmem>>) target_semaphore(%arg25 : memref<!tpu.dma_semaphore, #tpu.memory_space<semaphore_mem>>)
    %dma_start3A_211 = arith.constant 1 : i32
    %dma_start3A_212 = arith.constant 2048 : i32
    %dma_start3A_213 = tpu.memref_slice %arg13[%dma_start3A_212] : memref<20480xf32, #tpu.memory_space<vmem>> -> memref<2048xf32, #tpu.memory_space<vmem>>
    %dma_start3A_214 = tpu.memref_slice %arg3[%dma_start3A_211, %select_n3A, %add3A_140] : memref<10x2x131072xf32, #tpu.memory_space<hbm>> -> memref<1x1x2048xf32, #tpu.memory_space<hbm>>
    %dma_start3A_215 = tpu.memref_squeeze %dma_start3A_214 : memref<1x1x2048xf32, #tpu.memory_space<hbm>> -> memref<2048xf32, #tpu.memory_space<hbm>>
    %dma_start3A_216 = arith.constant 2048 : i32
    %dma_start3A_217 = tpu.memref_slice %arg13[%dma_start3A_216] : memref<20480xf32, #tpu.memory_space<vmem>> -> memref<2048xf32, #tpu.memory_space<vmem>>
    %dma_start3A_218 = tpu.memref_slice %arg3[%dma_start3A_211, %select_n3A, %add3A_140] : memref<10x2x131072xf32, #tpu.memory_space<hbm>> -> memref<1x1x2048xf32, #tpu.memory_space<hbm>>
    %dma_start3A_219 = tpu.memref_squeeze %dma_start3A_218 : memref<1x1x2048xf32, #tpu.memory_space<hbm>> -> memref<2048xf32, #tpu.memory_space<hbm>>
    tpu.enqueue_dma source(%dma_start3A_219 : memref<2048xf32, #tpu.memory_space<hbm>>) target(%dma_start3A_217 : memref<2048xf32, #tpu.memory_space<vmem>>) target_semaphore(%arg25 : memref<!tpu.dma_semaphore, #tpu.memory_space<semaphore_mem>>)
    %dma_start3A_220 = arith.constant 2 : i32
    %dma_start3A_221 = arith.constant 4096 : i32
    %dma_start3A_222 = tpu.memref_slice %arg13[%dma_start3A_221] : memref<20480xf32, #tpu.memory_space<vmem>> -> memref<2048xf32, #tpu.memory_space<vmem>>
    %dma_start3A_223 = tpu.memref_slice %arg3[%dma_start3A_220, %select_n3A, %add3A_140] : memref<10x2x131072xf32, #tpu.memory_space<hbm>> -> memref<1x1x2048xf32, #tpu.memory_space<hbm>>
    %dma_start3A_224 = tpu.memref_squeeze %dma_start3A_223 : memref<1x1x2048xf32, #tpu.memory_space<hbm>> -> memref<2048xf32, #tpu.memory_space<hbm>>
    %dma_start3A_225 = arith.constant 4096 : i32
    %dma_start3A_226 = tpu.memref_slice %arg13[%dma_start3A_225] : memref<20480xf32, #tpu.memory_space<vmem>> -> memref<2048xf32, #tpu.memory_space<vmem>>
    %dma_start3A_227 = tpu.memref_slice %arg3[%dma_start3A_220, %select_n3A, %add3A_140] : memref<10x2x131072xf32, #tpu.memory_space<hbm>> -> memref<1x1x2048xf32, #tpu.memory_space<hbm>>
    %dma_start3A_228 = tpu.memref_squeeze %dma_start3A_227 : memref<1x1x2048xf32, #tpu.memory_space<hbm>> -> memref<2048xf32, #tpu.memory_space<hbm>>
    tpu.enqueue_dma source(%dma_start3A_228 : memref<2048xf32, #tpu.memory_space<hbm>>) target(%dma_start3A_226 : memref<2048xf32, #tpu.memory_space<vmem>>) target_semaphore(%arg25 : memref<!tpu.dma_semaphore, #tpu.memory_space<semaphore_mem>>)
    %dma_start3A_229 = arith.constant 3 : i32
    %dma_start3A_230 = arith.constant 6144 : i32
    %dma_start3A_231 = tpu.memref_slice %arg13[%dma_start3A_230] : memref<20480xf32, #tpu.memory_space<vmem>> -> memref<2048xf32, #tpu.memory_space<vmem>>
    %dma_start3A_232 = tpu.memref_slice %arg3[%dma_start3A_229, %select_n3A, %add3A_140] : memref<10x2x131072xf32, #tpu.memory_space<hbm>> -> memref<1x1x2048xf32, #tpu.memory_space<hbm>>
    %dma_start3A_233 = tpu.memref_squeeze %dma_start3A_232 : memref<1x1x2048xf32, #tpu.memory_space<hbm>> -> memref<2048xf32, #tpu.memory_space<hbm>>
    %dma_start3A_234 = arith.constant 6144 : i32
    %dma_start3A_235 = tpu.memref_slice %arg13[%dma_start3A_234] : memref<20480xf32, #tpu.memory_space<vmem>> -> memref<2048xf32, #tpu.memory_space<vmem>>
    %dma_start3A_236 = tpu.memref_slice %arg3[%dma_start3A_229, %select_n3A, %add3A_140] : memref<10x2x131072xf32, #tpu.memory_space<hbm>> -> memref<1x1x2048xf32, #tpu.memory_space<hbm>>
    %dma_start3A_237 = tpu.memref_squeeze %dma_start3A_236 : memref<1x1x2048xf32, #tpu.memory_space<hbm>> -> memref<2048xf32, #tpu.memory_space<hbm>>
    tpu.enqueue_dma source(%dma_start3A_237 : memref<2048xf32, #tpu.memory_space<hbm>>) target(%dma_start3A_235 : memref<2048xf32, #tpu.memory_space<vmem>>) target_semaphore(%arg25 : memref<!tpu.dma_semaphore, #tpu.memory_space<semaphore_mem>>)
    %dma_start3A_238 = arith.constant 4 : i32
    %dma_start3A_239 = arith.constant 8192 : i32
    %dma_start3A_240 = tpu.memref_slice %arg13[%dma_start3A_239] : memref<20480xf32, #tpu.memory_space<vmem>> -> memref<2048xf32, #tpu.memory_space<vmem>>
    %dma_start3A_241 = tpu.memref_slice %arg3[%dma_start3A_238, %select_n3A, %add3A_140] : memref<10x2x131072xf32, #tpu.memory_space<hbm>> -> memref<1x1x2048xf32, #tpu.memory_space<hbm>>
    %dma_start3A_242 = tpu.memref_squeeze %dma_start3A_241 : memref<1x1x2048xf32, #tpu.memory_space<hbm>> -> memref<2048xf32, #tpu.memory_space<hbm>>
    %dma_start3A_243 = arith.constant 8192 : i32
    %dma_start3A_244 = tpu.memref_slice %arg13[%dma_start3A_243] : memref<20480xf32, #tpu.memory_space<vmem>> -> memref<2048xf32, #tpu.memory_space<vmem>>
    %dma_start3A_245 = tpu.memref_slice %arg3[%dma_start3A_238, %select_n3A, %add3A_140] : memref<10x2x131072xf32, #tpu.memory_space<hbm>> -> memref<1x1x2048xf32, #tpu.memory_space<hbm>>
    %dma_start3A_246 = tpu.memref_squeeze %dma_start3A_245 : memref<1x1x2048xf32, #tpu.memory_space<hbm>> -> memref<2048xf32, #tpu.memory_space<hbm>>
    tpu.enqueue_dma source(%dma_start3A_246 : memref<2048xf32, #tpu.memory_space<hbm>>) target(%dma_start3A_244 : memref<2048xf32, #tpu.memory_space<vmem>>) target_semaphore(%arg25 : memref<!tpu.dma_semaphore, #tpu.memory_space<semaphore_mem>>)
    %dma_start3A_247 = arith.constant 5 : i32
    %dma_start3A_248 = arith.constant 10240 : i32
    %dma_start3A_249 = tpu.memref_slice %arg13[%dma_start3A_248] : memref<20480xf32, #tpu.memory_space<vmem>> -> memref<2048xf32, #tpu.memory_space<vmem>>
    %dma_start3A_250 = tpu.memref_slice %arg3[%dma_start3A_247, %select_n3A, %add3A_140] : memref<10x2x131072xf32, #tpu.memory_space<hbm>> -> memref<1x1x2048xf32, #tpu.memory_space<hbm>>
    %dma_start3A_251 = tpu.memref_squeeze %dma_start3A_250 : memref<1x1x2048xf32, #tpu.memory_space<hbm>> -> memref<2048xf32, #tpu.memory_space<hbm>>
    %dma_start3A_252 = arith.constant 10240 : i32
    %dma_start3A_253 = tpu.memref_slice %arg13[%dma_start3A_252] : memref<20480xf32, #tpu.memory_space<vmem>> -> memref<2048xf32, #tpu.memory_space<vmem>>
    %dma_start3A_254 = tpu.memref_slice %arg3[%dma_start3A_247, %select_n3A, %add3A_140] : memref<10x2x131072xf32, #tpu.memory_space<hbm>> -> memref<1x1x2048xf32, #tpu.memory_space<hbm>>
    %dma_start3A_255 = tpu.memref_squeeze %dma_start3A_254 : memref<1x1x2048xf32, #tpu.memory_space<hbm>> -> memref<2048xf32, #tpu.memory_space<hbm>>
    tpu.enqueue_dma source(%dma_start3A_255 : memref<2048xf32, #tpu.memory_space<hbm>>) target(%dma_start3A_253 : memref<2048xf32, #tpu.memory_space<vmem>>) target_semaphore(%arg25 : memref<!tpu.dma_semaphore, #tpu.memory_space<semaphore_mem>>)
    %dma_start3A_256 = arith.constant 6 : i32
    %dma_start3A_257 = arith.constant 12288 : i32
    %dma_start3A_258 = tpu.memref_slice %arg13[%dma_start3A_257] : memref<20480xf32, #tpu.memory_space<vmem>> -> memref<2048xf32, #tpu.memory_space<vmem>>
    %dma_start3A_259 = tpu.memref_slice %arg3[%dma_start3A_256, %select_n3A, %add3A_140] : memref<10x2x131072xf32, #tpu.memory_space<hbm>> -> memref<1x1x2048xf32, #tpu.memory_space<hbm>>
    %dma_start3A_260 = tpu.memref_squeeze %dma_start3A_259 : memref<1x1x2048xf32, #tpu.memory_space<hbm>> -> memref<2048xf32, #tpu.memory_space<hbm>>
    %dma_start3A_261 = arith.constant 12288 : i32
    %dma_start3A_262 = tpu.memref_slice %arg13[%dma_start3A_261] : memref<20480xf32, #tpu.memory_space<vmem>> -> memref<2048xf32, #tpu.memory_space<vmem>>
    %dma_start3A_263 = tpu.memref_slice %arg3[%dma_start3A_256, %select_n3A, %add3A_140] : memref<10x2x131072xf32, #tpu.memory_space<hbm>> -> memref<1x1x2048xf32, #tpu.memory_space<hbm>>
    %dma_start3A_264 = tpu.memref_squeeze %dma_start3A_263 : memref<1x1x2048xf32, #tpu.memory_space<hbm>> -> memref<2048xf32, #tpu.memory_space<hbm>>
    tpu.enqueue_dma source(%dma_start3A_264 : memref<2048xf32, #tpu.memory_space<hbm>>) target(%dma_start3A_262 : memref<2048xf32, #tpu.memory_space<vmem>>) target_semaphore(%arg25 : memref<!tpu.dma_semaphore, #tpu.memory_space<semaphore_mem>>)
    %dma_start3A_265 = arith.constant 7 : i32
    %dma_start3A_266 = arith.constant 14336 : i32
    %dma_start3A_267 = tpu.memref_slice %arg13[%dma_start3A_266] : memref<20480xf32, #tpu.memory_space<vmem>> -> memref<2048xf32, #tpu.memory_space<vmem>>
    %dma_start3A_268 = tpu.memref_slice %arg3[%dma_start3A_265, %select_n3A, %add3A_140] : memref<10x2x131072xf32, #tpu.memory_space<hbm>> -> memref<1x1x2048xf32, #tpu.memory_space<hbm>>
    %dma_start3A_269 = tpu.memref_squeeze %dma_start3A_268 : memref<1x1x2048xf32, #tpu.memory_space<hbm>> -> memref<2048xf32, #tpu.memory_space<hbm>>
    %dma_start3A_270 = arith.constant 14336 : i32
    %dma_start3A_271 = tpu.memref_slice %arg13[%dma_start3A_270] : memref<20480xf32, #tpu.memory_space<vmem>> -> memref<2048xf32, #tpu.memory_space<vmem>>
    %dma_start3A_272 = tpu.memref_slice %arg3[%dma_start3A_265, %select_n3A, %add3A_140] : memref<10x2x131072xf32, #tpu.memory_space<hbm>> -> memref<1x1x2048xf32, #tpu.memory_space<hbm>>
    %dma_start3A_273 = tpu.memref_squeeze %dma_start3A_272 : memref<1x1x2048xf32, #tpu.memory_space<hbm>> -> memref<2048xf32, #tpu.memory_space<hbm>>
    tpu.enqueue_dma source(%dma_start3A_273 : memref<2048xf32, #tpu.memory_space<hbm>>) target(%dma_start3A_271 : memref<2048xf32, #tpu.memory_space<vmem>>) target_semaphore(%arg25 : memref<!tpu.dma_semaphore, #tpu.memory_space<semaphore_mem>>)
    %dma_start3A_274 = arith.constant 8 : i32
    %dma_start3A_275 = arith.constant 16384 : i32
    %dma_start3A_276 = tpu.memref_slice %arg13[%dma_start3A_275] : memref<20480xf32, #tpu.memory_space<vmem>> -> memref<2048xf32, #tpu.memory_space<vmem>>
    %dma_start3A_277 = tpu.memref_slice %arg3[%dma_start3A_274, %select_n3A, %add3A_140] : memref<10x2x131072xf32, #tpu.memory_space<hbm>> -> memref<1x1x2048xf32, #tpu.memory_space<hbm>>
    %dma_start3A_278 = tpu.memref_squeeze %dma_start3A_277 : memref<1x1x2048xf32, #tpu.memory_space<hbm>> -> memref<2048xf32, #tpu.memory_space<hbm>>
    %dma_start3A_279 = arith.constant 16384 : i32
    %dma_start3A_280 = tpu.memref_slice %arg13[%dma_start3A_279] : memref<20480xf32, #tpu.memory_space<vmem>> -> memref<2048xf32, #tpu.memory_space<vmem>>
    %dma_start3A_281 = tpu.memref_slice %arg3[%dma_start3A_274, %select_n3A, %add3A_140] : memref<10x2x131072xf32, #tpu.memory_space<hbm>> -> memref<1x1x2048xf32, #tpu.memory_space<hbm>>
    %dma_start3A_282 = tpu.memref_squeeze %dma_start3A_281 : memref<1x1x2048xf32, #tpu.memory_space<hbm>> -> memref<2048xf32, #tpu.memory_space<hbm>>
    tpu.enqueue_dma source(%dma_start3A_282 : memref<2048xf32, #tpu.memory_space<hbm>>) target(%dma_start3A_280 : memref<2048xf32, #tpu.memory_space<vmem>>) target_semaphore(%arg25 : memref<!tpu.dma_semaphore, #tpu.memory_space<semaphore_mem>>)
    %dma_start3A_283 = arith.constant 9 : i32
    %dma_start3A_284 = arith.constant 18432 : i32
    %dma_start3A_285 = tpu.memref_slice %arg13[%dma_start3A_284] : memref<20480xf32, #tpu.memory_space<vmem>> -> memref<2048xf32, #tpu.memory_space<vmem>>
    %dma_start3A_286 = tpu.memref_slice %arg3[%dma_start3A_283, %select_n3A, %add3A_140] : memref<10x2x131072xf32, #tpu.memory_space<hbm>> -> memref<1x1x2048xf32, #tpu.memory_space<hbm>>
    %dma_start3A_287 = tpu.memref_squeeze %dma_start3A_286 : memref<1x1x2048xf32, #tpu.memory_space<hbm>> -> memref<2048xf32, #tpu.memory_space<hbm>>
    %dma_start3A_288 = arith.constant 18432 : i32
    %dma_start3A_289 = tpu.memref_slice %arg13[%dma_start3A_288] : memref<20480xf32, #tpu.memory_space<vmem>> -> memref<2048xf32, #tpu.memory_space<vmem>>
    %dma_start3A_290 = tpu.memref_slice %arg3[%dma_start3A_283, %select_n3A, %add3A_140] : memref<10x2x131072xf32, #tpu.memory_space<hbm>> -> memref<1x1x2048xf32, #tpu.memory_space<hbm>>
    %dma_start3A_291 = tpu.memref_squeeze %dma_start3A_290 : memref<1x1x2048xf32, #tpu.memory_space<hbm>> -> memref<2048xf32, #tpu.memory_space<hbm>>
    tpu.enqueue_dma source(%dma_start3A_291 : memref<2048xf32, #tpu.memory_space<hbm>>) target(%dma_start3A_289 : memref<2048xf32, #tpu.memory_space<vmem>>) target_semaphore(%arg25 : memref<!tpu.dma_semaphore, #tpu.memory_space<semaphore_mem>>)
    %mul3A_292 = arith.constant 8 : i32
    %mul3A_293 = arith.muli %select_n3A, %mul3A_292 : i32
    %dma_start3A_294 = tpu.memref_slice %arg4[%mul3A_293, %mul3A_166] : memref<16x32768xf32, #tpu.memory_space<hbm>> -> memref<8x512xf32, #tpu.memory_space<hbm>>
    %dma_start3A_295 = tpu.memref_slice %arg4[%mul3A_293, %mul3A_166] : memref<16x32768xf32, #tpu.memory_space<hbm>> -> memref<8x512xf32, #tpu.memory_space<hbm>>
    tpu.enqueue_dma source(%dma_start3A_295 : memref<8x512xf32, #tpu.memory_space<hbm>>) target(%arg15 : memref<8x512xf32, #tpu.memory_space<vmem>>) target_semaphore(%arg25 : memref<!tpu.dma_semaphore, #tpu.memory_space<semaphore_mem>>)
    %dma_start3A_296 = tpu.memref_slice %arg8[%select_n3A, %add3A_140] : memref<2x131072xi32, #tpu.memory_space<hbm>> -> memref<1x2048xi32, #tpu.memory_space<hbm>>
    %dma_start3A_297 = tpu.memref_squeeze %dma_start3A_296 : memref<1x2048xi32, #tpu.memory_space<hbm>> -> memref<2048xi32, #tpu.memory_space<hbm>>
    %dma_start3A_298 = tpu.memref_slice %arg8[%select_n3A, %add3A_140] : memref<2x131072xi32, #tpu.memory_space<hbm>> -> memref<1x2048xi32, #tpu.memory_space<hbm>>
    %dma_start3A_299 = tpu.memref_squeeze %dma_start3A_298 : memref<1x2048xi32, #tpu.memory_space<hbm>> -> memref<2048xi32, #tpu.memory_space<hbm>>
    tpu.enqueue_dma source(%dma_start3A_299 : memref<2048xi32, #tpu.memory_space<hbm>>) target(%arg17 : memref<2048xi32, #tpu.memory_space<vmem>>) target_semaphore(%arg25 : memref<!tpu.dma_semaphore, #tpu.memory_space<semaphore_mem>>)
    %dma_start3A_300 = tpu.memref_slice %arg9[%select_n3A, %add3A_140] : memref<2x131072xf32, #tpu.memory_space<hbm>> -> memref<1x2048xf32, #tpu.memory_space<hbm>>
    %dma_start3A_301 = tpu.memref_squeeze %dma_start3A_300 : memref<1x2048xf32, #tpu.memory_space<hbm>> -> memref<2048xf32, #tpu.memory_space<hbm>>
    %dma_start3A_302 = tpu.memref_slice %arg9[%select_n3A, %add3A_140] : memref<2x131072xf32, #tpu.memory_space<hbm>> -> memref<1x2048xf32, #tpu.memory_space<hbm>>
    %dma_start3A_303 = tpu.memref_squeeze %dma_start3A_302 : memref<1x2048xf32, #tpu.memory_space<hbm>> -> memref<2048xf32, #tpu.memory_space<hbm>>
    tpu.enqueue_dma source(%dma_start3A_303 : memref<2048xf32, #tpu.memory_space<hbm>>) target(%arg19 : memref<2048xf32, #tpu.memory_space<vmem>>) target_semaphore(%arg25 : memref<!tpu.dma_semaphore, #tpu.memory_space<semaphore_mem>>)
    %dma_wait3A = arith.constant 0 : i32
    %dma_wait3A_304 = arith.constant 0 : i32
    %dma_wait3A_305 = tpu.memref_slice %arg11[%dma_wait3A_304] : memref<8192xf32, #tpu.memory_space<vmem>> -> memref<2048xf32, #tpu.memory_space<vmem>>
    %dma_wait3A_306 = tpu.memref_slice %arg2[%dma_wait3A, %select_n3A, %add3A_140] : memref<5x2x131072xf32, #tpu.memory_space<hbm>> -> memref<1x1x2048xf32, #tpu.memory_space<hbm>>
    %dma_wait3A_307 = tpu.memref_squeeze %dma_wait3A_306 : memref<1x1x2048xf32, #tpu.memory_space<hbm>> -> memref<2048xf32, #tpu.memory_space<hbm>>
    %dma_wait3A_308 = arith.constant 0 : i32
    %dma_wait3A_309 = tpu.memref_slice %arg11[%dma_wait3A_308] : memref<8192xf32, #tpu.memory_space<vmem>> -> memref<2048xf32, #tpu.memory_space<vmem>>
    %dma_wait3A_310 = tpu.memref_slice %arg2[%dma_wait3A, %select_n3A, %add3A_140] : memref<5x2x131072xf32, #tpu.memory_space<hbm>> -> memref<1x1x2048xf32, #tpu.memory_space<hbm>>
    %dma_wait3A_311 = tpu.memref_squeeze %dma_wait3A_310 : memref<1x1x2048xf32, #tpu.memory_space<hbm>> -> memref<2048xf32, #tpu.memory_space<hbm>>
    tpu.wait_dma2 semaphore(%arg25 : memref<!tpu.dma_semaphore, #tpu.memory_space<semaphore_mem>>) src(%dma_wait3A_311 : memref<2048xf32, #tpu.memory_space<hbm>>) dst(%dma_wait3A_309 : memref<2048xf32, #tpu.memory_space<vmem>>)
    %dma_wait3A_312 = arith.constant 1 : i32
    %dma_wait3A_313 = arith.constant 2048 : i32
    %dma_wait3A_314 = tpu.memref_slice %arg11[%dma_wait3A_313] : memref<8192xf32, #tpu.memory_space<vmem>> -> memref<2048xf32, #tpu.memory_space<vmem>>
    %dma_wait3A_315 = tpu.memref_slice %arg2[%dma_wait3A_312, %select_n3A, %add3A_140] : memref<5x2x131072xf32, #tpu.memory_space<hbm>> -> memref<1x1x2048xf32, #tpu.memory_space<hbm>>
    %dma_wait3A_316 = tpu.memref_squeeze %dma_wait3A_315 : memref<1x1x2048xf32, #tpu.memory_space<hbm>> -> memref<2048xf32, #tpu.memory_space<hbm>>
    %dma_wait3A_317 = arith.constant 2048 : i32
    %dma_wait3A_318 = tpu.memref_slice %arg11[%dma_wait3A_317] : memref<8192xf32, #tpu.memory_space<vmem>> -> memref<2048xf32, #tpu.memory_space<vmem>>
    %dma_wait3A_319 = tpu.memref_slice %arg2[%dma_wait3A_312, %select_n3A, %add3A_140] : memref<5x2x131072xf32, #tpu.memory_space<hbm>> -> memref<1x1x2048xf32, #tpu.memory_space<hbm>>
    %dma_wait3A_320 = tpu.memref_squeeze %dma_wait3A_319 : memref<1x1x2048xf32, #tpu.memory_space<hbm>> -> memref<2048xf32, #tpu.memory_space<hbm>>
    tpu.wait_dma2 semaphore(%arg25 : memref<!tpu.dma_semaphore, #tpu.memory_space<semaphore_mem>>) src(%dma_wait3A_320 : memref<2048xf32, #tpu.memory_space<hbm>>) dst(%dma_wait3A_318 : memref<2048xf32, #tpu.memory_space<vmem>>)
    %dma_wait3A_321 = arith.constant 2 : i32
    %dma_wait3A_322 = arith.constant 4096 : i32
    %dma_wait3A_323 = tpu.memref_slice %arg11[%dma_wait3A_322] : memref<8192xf32, #tpu.memory_space<vmem>> -> memref<2048xf32, #tpu.memory_space<vmem>>
    %dma_wait3A_324 = tpu.memref_slice %arg2[%dma_wait3A_321, %select_n3A, %add3A_140] : memref<5x2x131072xf32, #tpu.memory_space<hbm>> -> memref<1x1x2048xf32, #tpu.memory_space<hbm>>
    %dma_wait3A_325 = tpu.memref_squeeze %dma_wait3A_324 : memref<1x1x2048xf32, #tpu.memory_space<hbm>> -> memref<2048xf32, #tpu.memory_space<hbm>>
    %dma_wait3A_326 = arith.constant 4096 : i32
    %dma_wait3A_327 = tpu.memref_slice %arg11[%dma_wait3A_326] : memref<8192xf32, #tpu.memory_space<vmem>> -> memref<2048xf32, #tpu.memory_space<vmem>>
    %dma_wait3A_328 = tpu.memref_slice %arg2[%dma_wait3A_321, %select_n3A, %add3A_140] : memref<5x2x131072xf32, #tpu.memory_space<hbm>> -> memref<1x1x2048xf32, #tpu.memory_space<hbm>>
    %dma_wait3A_329 = tpu.memref_squeeze %dma_wait3A_328 : memref<1x1x2048xf32, #tpu.memory_space<hbm>> -> memref<2048xf32, #tpu.memory_space<hbm>>
    tpu.wait_dma2 semaphore(%arg25 : memref<!tpu.dma_semaphore, #tpu.memory_space<semaphore_mem>>) src(%dma_wait3A_329 : memref<2048xf32, #tpu.memory_space<hbm>>) dst(%dma_wait3A_327 : memref<2048xf32, #tpu.memory_space<vmem>>)
    %dma_wait3A_330 = arith.constant 3 : i32
    %dma_wait3A_331 = arith.constant 6144 : i32
    %dma_wait3A_332 = tpu.memref_slice %arg11[%dma_wait3A_331] : memref<8192xf32, #tpu.memory_space<vmem>> -> memref<2048xf32, #tpu.memory_space<vmem>>
    %dma_wait3A_333 = tpu.memref_slice %arg2[%dma_wait3A_330, %select_n3A, %add3A_140] : memref<5x2x131072xf32, #tpu.memory_space<hbm>> -> memref<1x1x2048xf32, #tpu.memory_space<hbm>>
    %dma_wait3A_334 = tpu.memref_squeeze %dma_wait3A_333 : memref<1x1x2048xf32, #tpu.memory_space<hbm>> -> memref<2048xf32, #tpu.memory_space<hbm>>
    %dma_wait3A_335 = arith.constant 6144 : i32
    %dma_wait3A_336 = tpu.memref_slice %arg11[%dma_wait3A_335] : memref<8192xf32, #tpu.memory_space<vmem>> -> memref<2048xf32, #tpu.memory_space<vmem>>
    %dma_wait3A_337 = tpu.memref_slice %arg2[%dma_wait3A_330, %select_n3A, %add3A_140] : memref<5x2x131072xf32, #tpu.memory_space<hbm>> -> memref<1x1x2048xf32, #tpu.memory_space<hbm>>
    %dma_wait3A_338 = tpu.memref_squeeze %dma_wait3A_337 : memref<1x1x2048xf32, #tpu.memory_space<hbm>> -> memref<2048xf32, #tpu.memory_space<hbm>>
    tpu.wait_dma2 semaphore(%arg25 : memref<!tpu.dma_semaphore, #tpu.memory_space<semaphore_mem>>) src(%dma_wait3A_338 : memref<2048xf32, #tpu.memory_space<hbm>>) dst(%dma_wait3A_336 : memref<2048xf32, #tpu.memory_space<vmem>>)
    %dma_wait3A_339 = arith.constant 0 : i32
    %dma_wait3A_340 = arith.constant 0 : i32
    %dma_wait3A_341 = tpu.memref_slice %arg13[%dma_wait3A_340] : memref<20480xf32, #tpu.memory_space<vmem>> -> memref<2048xf32, #tpu.memory_space<vmem>>
    %dma_wait3A_342 = tpu.memref_slice %arg3[%dma_wait3A_339, %select_n3A, %add3A_140] : memref<10x2x131072xf32, #tpu.memory_space<hbm>> -> memref<1x1x2048xf32, #tpu.memory_space<hbm>>
    %dma_wait3A_343 = tpu.memref_squeeze %dma_wait3A_342 : memref<1x1x2048xf32, #tpu.memory_space<hbm>> -> memref<2048xf32, #tpu.memory_space<hbm>>
    %dma_wait3A_344 = arith.constant 0 : i32
    %dma_wait3A_345 = tpu.memref_slice %arg13[%dma_wait3A_344] : memref<20480xf32, #tpu.memory_space<vmem>> -> memref<2048xf32, #tpu.memory_space<vmem>>
    %dma_wait3A_346 = tpu.memref_slice %arg3[%dma_wait3A_339, %select_n3A, %add3A_140] : memref<10x2x131072xf32, #tpu.memory_space<hbm>> -> memref<1x1x2048xf32, #tpu.memory_space<hbm>>
    %dma_wait3A_347 = tpu.memref_squeeze %dma_wait3A_346 : memref<1x1x2048xf32, #tpu.memory_space<hbm>> -> memref<2048xf32, #tpu.memory_space<hbm>>
    tpu.wait_dma2 semaphore(%arg25 : memref<!tpu.dma_semaphore, #tpu.memory_space<semaphore_mem>>) src(%dma_wait3A_347 : memref<2048xf32, #tpu.memory_space<hbm>>) dst(%dma_wait3A_345 : memref<2048xf32, #tpu.memory_space<vmem>>)
    %dma_wait3A_348 = arith.constant 1 : i32
    %dma_wait3A_349 = arith.constant 2048 : i32
    %dma_wait3A_350 = tpu.memref_slice %arg13[%dma_wait3A_349] : memref<20480xf32, #tpu.memory_space<vmem>> -> memref<2048xf32, #tpu.memory_space<vmem>>
    %dma_wait3A_351 = tpu.memref_slice %arg3[%dma_wait3A_348, %select_n3A, %add3A_140] : memref<10x2x131072xf32, #tpu.memory_space<hbm>> -> memref<1x1x2048xf32, #tpu.memory_space<hbm>>
    %dma_wait3A_352 = tpu.memref_squeeze %dma_wait3A_351 : memref<1x1x2048xf32, #tpu.memory_space<hbm>> -> memref<2048xf32, #tpu.memory_space<hbm>>
    %dma_wait3A_353 = arith.constant 2048 : i32
    %dma_wait3A_354 = tpu.memref_slice %arg13[%dma_wait3A_353] : memref<20480xf32, #tpu.memory_space<vmem>> -> memref<2048xf32, #tpu.memory_space<vmem>>
    %dma_wait3A_355 = tpu.memref_slice %arg3[%dma_wait3A_348, %select_n3A, %add3A_140] : memref<10x2x131072xf32, #tpu.memory_space<hbm>> -> memref<1x1x2048xf32, #tpu.memory_space<hbm>>
    %dma_wait3A_356 = tpu.memref_squeeze %dma_wait3A_355 : memref<1x1x2048xf32, #tpu.memory_space<hbm>> -> memref<2048xf32, #tpu.memory_space<hbm>>
    tpu.wait_dma2 semaphore(%arg25 : memref<!tpu.dma_semaphore, #tpu.memory_space<semaphore_mem>>) src(%dma_wait3A_356 : memref<2048xf32, #tpu.memory_space<hbm>>) dst(%dma_wait3A_354 : memref<2048xf32, #tpu.memory_space<vmem>>)
    %dma_wait3A_357 = arith.constant 2 : i32
    %dma_wait3A_358 = arith.constant 4096 : i32
    %dma_wait3A_359 = tpu.memref_slice %arg13[%dma_wait3A_358] : memref<20480xf32, #tpu.memory_space<vmem>> -> memref<2048xf32, #tpu.memory_space<vmem>>
    %dma_wait3A_360 = tpu.memref_slice %arg3[%dma_wait3A_357, %select_n3A, %add3A_140] : memref<10x2x131072xf32, #tpu.memory_space<hbm>> -> memref<1x1x2048xf32, #tpu.memory_space<hbm>>
    %dma_wait3A_361 = tpu.memref_squeeze %dma_wait3A_360 : memref<1x1x2048xf32, #tpu.memory_space<hbm>> -> memref<2048xf32, #tpu.memory_space<hbm>>
    %dma_wait3A_362 = arith.constant 4096 : i32
    %dma_wait3A_363 = tpu.memref_slice %arg13[%dma_wait3A_362] : memref<20480xf32, #tpu.memory_space<vmem>> -> memref<2048xf32, #tpu.memory_space<vmem>>
    %dma_wait3A_364 = tpu.memref_slice %arg3[%dma_wait3A_357, %select_n3A, %add3A_140] : memref<10x2x131072xf32, #tpu.memory_space<hbm>> -> memref<1x1x2048xf32, #tpu.memory_space<hbm>>
    %dma_wait3A_365 = tpu.memref_squeeze %dma_wait3A_364 : memref<1x1x2048xf32, #tpu.memory_space<hbm>> -> memref<2048xf32, #tpu.memory_space<hbm>>
    tpu.wait_dma2 semaphore(%arg25 : memref<!tpu.dma_semaphore, #tpu.memory_space<semaphore_mem>>) src(%dma_wait3A_365 : memref<2048xf32, #tpu.memory_space<hbm>>) dst(%dma_wait3A_363 : memref<2048xf32, #tpu.memory_space<vmem>>)
    %dma_wait3A_366 = arith.constant 3 : i32
    %dma_wait3A_367 = arith.constant 6144 : i32
    %dma_wait3A_368 = tpu.memref_slice %arg13[%dma_wait3A_367] : memref<20480xf32, #tpu.memory_space<vmem>> -> memref<2048xf32, #tpu.memory_space<vmem>>
    %dma_wait3A_369 = tpu.memref_slice %arg3[%dma_wait3A_366, %select_n3A, %add3A_140] : memref<10x2x131072xf32, #tpu.memory_space<hbm>> -> memref<1x1x2048xf32, #tpu.memory_space<hbm>>
    %dma_wait3A_370 = tpu.memref_squeeze %dma_wait3A_369 : memref<1x1x2048xf32, #tpu.memory_space<hbm>> -> memref<2048xf32, #tpu.memory_space<hbm>>
    %dma_wait3A_371 = arith.constant 6144 : i32
    %dma_wait3A_372 = tpu.memref_slice %arg13[%dma_wait3A_371] : memref<20480xf32, #tpu.memory_space<vmem>> -> memref<2048xf32, #tpu.memory_space<vmem>>
    %dma_wait3A_373 = tpu.memref_slice %arg3[%dma_wait3A_366, %select_n3A, %add3A_140] : memref<10x2x131072xf32, #tpu.memory_space<hbm>> -> memref<1x1x2048xf32, #tpu.memory_space<hbm>>
    %dma_wait3A_374 = tpu.memref_squeeze %dma_wait3A_373 : memref<1x1x2048xf32, #tpu.memory_space<hbm>> -> memref<2048xf32, #tpu.memory_space<hbm>>
    tpu.wait_dma2 semaphore(%arg25 : memref<!tpu.dma_semaphore, #tpu.memory_space<semaphore_mem>>) src(%dma_wait3A_374 : memref<2048xf32, #tpu.memory_space<hbm>>) dst(%dma_wait3A_372 : memref<2048xf32, #tpu.memory_space<vmem>>)
    %dma_wait3A_375 = arith.constant 4 : i32
    %dma_wait3A_376 = arith.constant 8192 : i32
    %dma_wait3A_377 = tpu.memref_slice %arg13[%dma_wait3A_376] : memref<20480xf32, #tpu.memory_space<vmem>> -> memref<2048xf32, #tpu.memory_space<vmem>>
    %dma_wait3A_378 = tpu.memref_slice %arg3[%dma_wait3A_375, %select_n3A, %add3A_140] : memref<10x2x131072xf32, #tpu.memory_space<hbm>> -> memref<1x1x2048xf32, #tpu.memory_space<hbm>>
    %dma_wait3A_379 = tpu.memref_squeeze %dma_wait3A_378 : memref<1x1x2048xf32, #tpu.memory_space<hbm>> -> memref<2048xf32, #tpu.memory_space<hbm>>
    %dma_wait3A_380 = arith.constant 8192 : i32
    %dma_wait3A_381 = tpu.memref_slice %arg13[%dma_wait3A_380] : memref<20480xf32, #tpu.memory_space<vmem>> -> memref<2048xf32, #tpu.memory_space<vmem>>
    %dma_wait3A_382 = tpu.memref_slice %arg3[%dma_wait3A_375, %select_n3A, %add3A_140] : memref<10x2x131072xf32, #tpu.memory_space<hbm>> -> memref<1x1x2048xf32, #tpu.memory_space<hbm>>
    %dma_wait3A_383 = tpu.memref_squeeze %dma_wait3A_382 : memref<1x1x2048xf32, #tpu.memory_space<hbm>> -> memref<2048xf32, #tpu.memory_space<hbm>>
    tpu.wait_dma2 semaphore(%arg25 : memref<!tpu.dma_semaphore, #tpu.memory_space<semaphore_mem>>) src(%dma_wait3A_383 : memref<2048xf32, #tpu.memory_space<hbm>>) dst(%dma_wait3A_381 : memref<2048xf32, #tpu.memory_space<vmem>>)
    %dma_wait3A_384 = arith.constant 5 : i32
    %dma_wait3A_385 = arith.constant 10240 : i32
    %dma_wait3A_386 = tpu.memref_slice %arg13[%dma_wait3A_385] : memref<20480xf32, #tpu.memory_space<vmem>> -> memref<2048xf32, #tpu.memory_space<vmem>>
    %dma_wait3A_387 = tpu.memref_slice %arg3[%dma_wait3A_384, %select_n3A, %add3A_140] : memref<10x2x131072xf32, #tpu.memory_space<hbm>> -> memref<1x1x2048xf32, #tpu.memory_space<hbm>>
    %dma_wait3A_388 = tpu.memref_squeeze %dma_wait3A_387 : memref<1x1x2048xf32, #tpu.memory_space<hbm>> -> memref<2048xf32, #tpu.memory_space<hbm>>
    %dma_wait3A_389 = arith.constant 10240 : i32
    %dma_wait3A_390 = tpu.memref_slice %arg13[%dma_wait3A_389] : memref<20480xf32, #tpu.memory_space<vmem>> -> memref<2048xf32, #tpu.memory_space<vmem>>
    %dma_wait3A_391 = tpu.memref_slice %arg3[%dma_wait3A_384, %select_n3A, %add3A_140] : memref<10x2x131072xf32, #tpu.memory_space<hbm>> -> memref<1x1x2048xf32, #tpu.memory_space<hbm>>
    %dma_wait3A_392 = tpu.memref_squeeze %dma_wait3A_391 : memref<1x1x2048xf32, #tpu.memory_space<hbm>> -> memref<2048xf32, #tpu.memory_space<hbm>>
    tpu.wait_dma2 semaphore(%arg25 : memref<!tpu.dma_semaphore, #tpu.memory_space<semaphore_mem>>) src(%dma_wait3A_392 : memref<2048xf32, #tpu.memory_space<hbm>>) dst(%dma_wait3A_390 : memref<2048xf32, #tpu.memory_space<vmem>>)
    %dma_wait3A_393 = arith.constant 6 : i32
    %dma_wait3A_394 = arith.constant 12288 : i32
    %dma_wait3A_395 = tpu.memref_slice %arg13[%dma_wait3A_394] : memref<20480xf32, #tpu.memory_space<vmem>> -> memref<2048xf32, #tpu.memory_space<vmem>>
    %dma_wait3A_396 = tpu.memref_slice %arg3[%dma_wait3A_393, %select_n3A, %add3A_140] : memref<10x2x131072xf32, #tpu.memory_space<hbm>> -> memref<1x1x2048xf32, #tpu.memory_space<hbm>>
    %dma_wait3A_397 = tpu.memref_squeeze %dma_wait3A_396 : memref<1x1x2048xf32, #tpu.memory_space<hbm>> -> memref<2048xf32, #tpu.memory_space<hbm>>
    %dma_wait3A_398 = arith.constant 12288 : i32
    %dma_wait3A_399 = tpu.memref_slice %arg13[%dma_wait3A_398] : memref<20480xf32, #tpu.memory_space<vmem>> -> memref<2048xf32, #tpu.memory_space<vmem>>
    %dma_wait3A_400 = tpu.memref_slice %arg3[%dma_wait3A_393, %select_n3A, %add3A_140] : memref<10x2x131072xf32, #tpu.memory_space<hbm>> -> memref<1x1x2048xf32, #tpu.memory_space<hbm>>
    %dma_wait3A_401 = tpu.memref_squeeze %dma_wait3A_400 : memref<1x1x2048xf32, #tpu.memory_space<hbm>> -> memref<2048xf32, #tpu.memory_space<hbm>>
    tpu.wait_dma2 semaphore(%arg25 : memref<!tpu.dma_semaphore, #tpu.memory_space<semaphore_mem>>) src(%dma_wait3A_401 : memref<2048xf32, #tpu.memory_space<hbm>>) dst(%dma_wait3A_399 : memref<2048xf32, #tpu.memory_space<vmem>>)
    %dma_wait3A_402 = arith.constant 7 : i32
    %dma_wait3A_403 = arith.constant 14336 : i32
    %dma_wait3A_404 = tpu.memref_slice %arg13[%dma_wait3A_403] : memref<20480xf32, #tpu.memory_space<vmem>> -> memref<2048xf32, #tpu.memory_space<vmem>>
    %dma_wait3A_405 = tpu.memref_slice %arg3[%dma_wait3A_402, %select_n3A, %add3A_140] : memref<10x2x131072xf32, #tpu.memory_space<hbm>> -> memref<1x1x2048xf32, #tpu.memory_space<hbm>>
    %dma_wait3A_406 = tpu.memref_squeeze %dma_wait3A_405 : memref<1x1x2048xf32, #tpu.memory_space<hbm>> -> memref<2048xf32, #tpu.memory_space<hbm>>
    %dma_wait3A_407 = arith.constant 14336 : i32
    %dma_wait3A_408 = tpu.memref_slice %arg13[%dma_wait3A_407] : memref<20480xf32, #tpu.memory_space<vmem>> -> memref<2048xf32, #tpu.memory_space<vmem>>
    %dma_wait3A_409 = tpu.memref_slice %arg3[%dma_wait3A_402, %select_n3A, %add3A_140] : memref<10x2x131072xf32, #tpu.memory_space<hbm>> -> memref<1x1x2048xf32, #tpu.memory_space<hbm>>
    %dma_wait3A_410 = tpu.memref_squeeze %dma_wait3A_409 : memref<1x1x2048xf32, #tpu.memory_space<hbm>> -> memref<2048xf32, #tpu.memory_space<hbm>>
    tpu.wait_dma2 semaphore(%arg25 : memref<!tpu.dma_semaphore, #tpu.memory_space<semaphore_mem>>) src(%dma_wait3A_410 : memref<2048xf32, #tpu.memory_space<hbm>>) dst(%dma_wait3A_408 : memref<2048xf32, #tpu.memory_space<vmem>>)
    %dma_wait3A_411 = arith.constant 8 : i32
    %dma_wait3A_412 = arith.constant 16384 : i32
    %dma_wait3A_413 = tpu.memref_slice %arg13[%dma_wait3A_412] : memref<20480xf32, #tpu.memory_space<vmem>> -> memref<2048xf32, #tpu.memory_space<vmem>>
    %dma_wait3A_414 = tpu.memref_slice %arg3[%dma_wait3A_411, %select_n3A, %add3A_140] : memref<10x2x131072xf32, #tpu.memory_space<hbm>> -> memref<1x1x2048xf32, #tpu.memory_space<hbm>>
    %dma_wait3A_415 = tpu.memref_squeeze %dma_wait3A_414 : memref<1x1x2048xf32, #tpu.memory_space<hbm>> -> memref<2048xf32, #tpu.memory_space<hbm>>
    %dma_wait3A_416 = arith.constant 16384 : i32
    %dma_wait3A_417 = tpu.memref_slice %arg13[%dma_wait3A_416] : memref<20480xf32, #tpu.memory_space<vmem>> -> memref<2048xf32, #tpu.memory_space<vmem>>
    %dma_wait3A_418 = tpu.memref_slice %arg3[%dma_wait3A_411, %select_n3A, %add3A_140] : memref<10x2x131072xf32, #tpu.memory_space<hbm>> -> memref<1x1x2048xf32, #tpu.memory_space<hbm>>
    %dma_wait3A_419 = tpu.memref_squeeze %dma_wait3A_418 : memref<1x1x2048xf32, #tpu.memory_space<hbm>> -> memref<2048xf32, #tpu.memory_space<hbm>>
    tpu.wait_dma2 semaphore(%arg25 : memref<!tpu.dma_semaphore, #tpu.memory_space<semaphore_mem>>) src(%dma_wait3A_419 : memref<2048xf32, #tpu.memory_space<hbm>>) dst(%dma_wait3A_417 : memref<2048xf32, #tpu.memory_space<vmem>>)
    %dma_wait3A_420 = arith.constant 9 : i32
    %dma_wait3A_421 = arith.constant 18432 : i32
    %dma_wait3A_422 = tpu.memref_slice %arg13[%dma_wait3A_421] : memref<20480xf32, #tpu.memory_space<vmem>> -> memref<2048xf32, #tpu.memory_space<vmem>>
    %dma_wait3A_423 = tpu.memref_slice %arg3[%dma_wait3A_420, %select_n3A, %add3A_140] : memref<10x2x131072xf32, #tpu.memory_space<hbm>> -> memref<1x1x2048xf32, #tpu.memory_space<hbm>>
    %dma_wait3A_424 = tpu.memref_squeeze %dma_wait3A_423 : memref<1x1x2048xf32, #tpu.memory_space<hbm>> -> memref<2048xf32, #tpu.memory_space<hbm>>
    %dma_wait3A_425 = arith.constant 18432 : i32
    %dma_wait3A_426 = tpu.memref_slice %arg13[%dma_wait3A_425] : memref<20480xf32, #tpu.memory_space<vmem>> -> memref<2048xf32, #tpu.memory_space<vmem>>
    %dma_wait3A_427 = tpu.memref_slice %arg3[%dma_wait3A_420, %select_n3A, %add3A_140] : memref<10x2x131072xf32, #tpu.memory_space<hbm>> -> memref<1x1x2048xf32, #tpu.memory_space<hbm>>
    %dma_wait3A_428 = tpu.memref_squeeze %dma_wait3A_427 : memref<1x1x2048xf32, #tpu.memory_space<hbm>> -> memref<2048xf32, #tpu.memory_space<hbm>>
    tpu.wait_dma2 semaphore(%arg25 : memref<!tpu.dma_semaphore, #tpu.memory_space<semaphore_mem>>) src(%dma_wait3A_428 : memref<2048xf32, #tpu.memory_space<hbm>>) dst(%dma_wait3A_426 : memref<2048xf32, #tpu.memory_space<vmem>>)
    %dma_wait3A_429 = tpu.memref_slice %arg4[%mul3A_293, %mul3A_166] : memref<16x32768xf32, #tpu.memory_space<hbm>> -> memref<8x512xf32, #tpu.memory_space<hbm>>
    %dma_wait3A_430 = tpu.memref_slice %arg4[%mul3A_293, %mul3A_166] : memref<16x32768xf32, #tpu.memory_space<hbm>> -> memref<8x512xf32, #tpu.memory_space<hbm>>
    tpu.wait_dma2 semaphore(%arg25 : memref<!tpu.dma_semaphore, #tpu.memory_space<semaphore_mem>>) src(%dma_wait3A_430 : memref<8x512xf32, #tpu.memory_space<hbm>>) dst(%arg15 : memref<8x512xf32, #tpu.memory_space<vmem>>)
    %dma_wait3A_431 = tpu.memref_slice %arg8[%select_n3A, %add3A_140] : memref<2x131072xi32, #tpu.memory_space<hbm>> -> memref<1x2048xi32, #tpu.memory_space<hbm>>
    %dma_wait3A_432 = tpu.memref_squeeze %dma_wait3A_431 : memref<1x2048xi32, #tpu.memory_space<hbm>> -> memref<2048xi32, #tpu.memory_space<hbm>>
    %dma_wait3A_433 = tpu.memref_slice %arg8[%select_n3A, %add3A_140] : memref<2x131072xi32, #tpu.memory_space<hbm>> -> memref<1x2048xi32, #tpu.memory_space<hbm>>
    %dma_wait3A_434 = tpu.memref_squeeze %dma_wait3A_433 : memref<1x2048xi32, #tpu.memory_space<hbm>> -> memref<2048xi32, #tpu.memory_space<hbm>>
    tpu.wait_dma2 semaphore(%arg25 : memref<!tpu.dma_semaphore, #tpu.memory_space<semaphore_mem>>) src(%dma_wait3A_434 : memref<2048xi32, #tpu.memory_space<hbm>>) dst(%arg17 : memref<2048xi32, #tpu.memory_space<vmem>>)
    %dma_wait3A_435 = tpu.memref_slice %arg9[%select_n3A, %add3A_140] : memref<2x131072xf32, #tpu.memory_space<hbm>> -> memref<1x2048xf32, #tpu.memory_space<hbm>>
    %dma_wait3A_436 = tpu.memref_squeeze %dma_wait3A_435 : memref<1x2048xf32, #tpu.memory_space<hbm>> -> memref<2048xf32, #tpu.memory_space<hbm>>
    %dma_wait3A_437 = tpu.memref_slice %arg9[%select_n3A, %add3A_140] : memref<2x131072xf32, #tpu.memory_space<hbm>> -> memref<1x2048xf32, #tpu.memory_space<hbm>>
    %dma_wait3A_438 = tpu.memref_squeeze %dma_wait3A_437 : memref<1x2048xf32, #tpu.memory_space<hbm>> -> memref<2048xf32, #tpu.memory_space<hbm>>
    tpu.wait_dma2 semaphore(%arg25 : memref<!tpu.dma_semaphore, #tpu.memory_space<semaphore_mem>>) src(%dma_wait3A_438 : memref<2048xf32, #tpu.memory_space<hbm>>) dst(%arg19 : memref<2048xf32, #tpu.memory_space<vmem>>)
    %add3A_439 = arith.constant 2048 : i32
    %add3A_440 = arith.addi %mul3A_32, %add3A_439 : i32
    %jit3A_441 = arith.constant 1024 : i32
    %div3A_442 = arith.divsi %add3A_440, %jit3A_441 : i32
    %sign3A_443 = arith.constant 0 : i32
    %sign3A_444 = arith.cmpi sgt, %add3A_440, %sign3A_443 : i32
    %sign3A_445 = arith.extui %sign3A_444 : i1 to i32
    %sign3A_446 = arith.constant 0 : i32
    %sign3A_447 = arith.cmpi slt, %add3A_440, %sign3A_446 : i32
    %sign3A_448 = arith.extui %sign3A_447 : i1 to i32
    %sign3A_449 = arith.subi %sign3A_445, %sign3A_448 : i32
    %sign3A_450 = arith.constant 0 : i32
    %sign3A_451 = arith.cmpi sgt, %jit3A_441, %sign3A_450 : i32
    %sign3A_452 = arith.extui %sign3A_451 : i1 to i32
    %sign3A_453 = arith.constant 0 : i32
    %sign3A_454 = arith.cmpi slt, %jit3A_441, %sign3A_453 : i32
    %sign3A_455 = arith.extui %sign3A_454 : i1 to i32
    %sign3A_456 = arith.subi %sign3A_452, %sign3A_455 : i32
    %ne3A_457 = arith.cmpi ne, %sign3A_449, %sign3A_456 : i32
    %rem3A_458 = arith.remsi %add3A_440, %jit3A_441 : i32
    %ne3A_459 = arith.constant 0 : i32
    %ne3A_460 = arith.cmpi ne, %rem3A_458, %ne3A_459 : i32
    %and3A_461 = arith.andi %ne3A_457, %ne3A_460 : i1
    %sub3A_462 = arith.constant 1 : i32
    %sub3A_463 = arith.subi %div3A_442, %sub3A_462 : i32
    %select_n3A_464 = arith.select %and3A_461, %sub3A_463, %div3A_442 : i32
    %mul3A_465 = arith.constant 256 : i32
    %mul3A_466 = arith.muli %select_n3A_464, %mul3A_465 : i32
    %dma_start3A_467 = arith.constant 0 : i32
    %dma_start3A_468 = arith.constant 0 : i32
    %dma_start3A_469 = tpu.memref_slice %arg12[%dma_start3A_468] : memref<8192xf32, #tpu.memory_space<vmem>> -> memref<2048xf32, #tpu.memory_space<vmem>>
    %dma_start3A_470 = tpu.memref_slice %arg2[%dma_start3A_467, %select_n3A, %add3A_440] : memref<5x2x131072xf32, #tpu.memory_space<hbm>> -> memref<1x1x2048xf32, #tpu.memory_space<hbm>>
    %dma_start3A_471 = tpu.memref_squeeze %dma_start3A_470 : memref<1x1x2048xf32, #tpu.memory_space<hbm>> -> memref<2048xf32, #tpu.memory_space<hbm>>
    %dma_start3A_472 = arith.constant 0 : i32
    %dma_start3A_473 = tpu.memref_slice %arg12[%dma_start3A_472] : memref<8192xf32, #tpu.memory_space<vmem>> -> memref<2048xf32, #tpu.memory_space<vmem>>
    %dma_start3A_474 = tpu.memref_slice %arg2[%dma_start3A_467, %select_n3A, %add3A_440] : memref<5x2x131072xf32, #tpu.memory_space<hbm>> -> memref<1x1x2048xf32, #tpu.memory_space<hbm>>
    %dma_start3A_475 = tpu.memref_squeeze %dma_start3A_474 : memref<1x1x2048xf32, #tpu.memory_space<hbm>> -> memref<2048xf32, #tpu.memory_space<hbm>>
    tpu.enqueue_dma source(%dma_start3A_475 : memref<2048xf32, #tpu.memory_space<hbm>>) target(%dma_start3A_473 : memref<2048xf32, #tpu.memory_space<vmem>>) target_semaphore(%arg26 : memref<!tpu.dma_semaphore, #tpu.memory_space<semaphore_mem>>)
    %dma_start3A_476 = arith.constant 1 : i32
    %dma_start3A_477 = arith.constant 2048 : i32
    %dma_start3A_478 = tpu.memref_slice %arg12[%dma_start3A_477] : memref<8192xf32, #tpu.memory_space<vmem>> -> memref<2048xf32, #tpu.memory_space<vmem>>
    %dma_start3A_479 = tpu.memref_slice %arg2[%dma_start3A_476, %select_n3A, %add3A_440] : memref<5x2x131072xf32, #tpu.memory_space<hbm>> -> memref<1x1x2048xf32, #tpu.memory_space<hbm>>
    %dma_start3A_480 = tpu.memref_squeeze %dma_start3A_479 : memref<1x1x2048xf32, #tpu.memory_space<hbm>> -> memref<2048xf32, #tpu.memory_space<hbm>>
    %dma_start3A_481 = arith.constant 2048 : i32
    %dma_start3A_482 = tpu.memref_slice %arg12[%dma_start3A_481] : memref<8192xf32, #tpu.memory_space<vmem>> -> memref<2048xf32, #tpu.memory_space<vmem>>
    %dma_start3A_483 = tpu.memref_slice %arg2[%dma_start3A_476, %select_n3A, %add3A_440] : memref<5x2x131072xf32, #tpu.memory_space<hbm>> -> memref<1x1x2048xf32, #tpu.memory_space<hbm>>
    %dma_start3A_484 = tpu.memref_squeeze %dma_start3A_483 : memref<1x1x2048xf32, #tpu.memory_space<hbm>> -> memref<2048xf32, #tpu.memory_space<hbm>>
    tpu.enqueue_dma source(%dma_start3A_484 : memref<2048xf32, #tpu.memory_space<hbm>>) target(%dma_start3A_482 : memref<2048xf32, #tpu.memory_space<vmem>>) target_semaphore(%arg26 : memref<!tpu.dma_semaphore, #tpu.memory_space<semaphore_mem>>)
    %dma_start3A_485 = arith.constant 2 : i32
    %dma_start3A_486 = arith.constant 4096 : i32
    %dma_start3A_487 = tpu.memref_slice %arg12[%dma_start3A_486] : memref<8192xf32, #tpu.memory_space<vmem>> -> memref<2048xf32, #tpu.memory_space<vmem>>
    %dma_start3A_488 = tpu.memref_slice %arg2[%dma_start3A_485, %select_n3A, %add3A_440] : memref<5x2x131072xf32, #tpu.memory_space<hbm>> -> memref<1x1x2048xf32, #tpu.memory_space<hbm>>
    %dma_start3A_489 = tpu.memref_squeeze %dma_start3A_488 : memref<1x1x2048xf32, #tpu.memory_space<hbm>> -> memref<2048xf32, #tpu.memory_space<hbm>>
    %dma_start3A_490 = arith.constant 4096 : i32
    %dma_start3A_491 = tpu.memref_slice %arg12[%dma_start3A_490] : memref<8192xf32, #tpu.memory_space<vmem>> -> memref<2048xf32, #tpu.memory_space<vmem>>
    %dma_start3A_492 = tpu.memref_slice %arg2[%dma_start3A_485, %select_n3A, %add3A_440] : memref<5x2x131072xf32, #tpu.memory_space<hbm>> -> memref<1x1x2048xf32, #tpu.memory_space<hbm>>
    %dma_start3A_493 = tpu.memref_squeeze %dma_start3A_492 : memref<1x1x2048xf32, #tpu.memory_space<hbm>> -> memref<2048xf32, #tpu.memory_space<hbm>>
    tpu.enqueue_dma source(%dma_start3A_493 : memref<2048xf32, #tpu.memory_space<hbm>>) target(%dma_start3A_491 : memref<2048xf32, #tpu.memory_space<vmem>>) target_semaphore(%arg26 : memref<!tpu.dma_semaphore, #tpu.memory_space<semaphore_mem>>)
    %dma_start3A_494 = arith.constant 3 : i32
    %dma_start3A_495 = arith.constant 6144 : i32
    %dma_start3A_496 = tpu.memref_slice %arg12[%dma_start3A_495] : memref<8192xf32, #tpu.memory_space<vmem>> -> memref<2048xf32, #tpu.memory_space<vmem>>
    %dma_start3A_497 = tpu.memref_slice %arg2[%dma_start3A_494, %select_n3A, %add3A_440] : memref<5x2x131072xf32, #tpu.memory_space<hbm>> -> memref<1x1x2048xf32, #tpu.memory_space<hbm>>
    %dma_start3A_498 = tpu.memref_squeeze %dma_start3A_497 : memref<1x1x2048xf32, #tpu.memory_space<hbm>> -> memref<2048xf32, #tpu.memory_space<hbm>>
    %dma_start3A_499 = arith.constant 6144 : i32
    %dma_start3A_500 = tpu.memref_slice %arg12[%dma_start3A_499] : memref<8192xf32, #tpu.memory_space<vmem>> -> memref<2048xf32, #tpu.memory_space<vmem>>
    %dma_start3A_501 = tpu.memref_slice %arg2[%dma_start3A_494, %select_n3A, %add3A_440] : memref<5x2x131072xf32, #tpu.memory_space<hbm>> -> memref<1x1x2048xf32, #tpu.memory_space<hbm>>
    %dma_start3A_502 = tpu.memref_squeeze %dma_start3A_501 : memref<1x1x2048xf32, #tpu.memory_space<hbm>> -> memref<2048xf32, #tpu.memory_space<hbm>>
    tpu.enqueue_dma source(%dma_start3A_502 : memref<2048xf32, #tpu.memory_space<hbm>>) target(%dma_start3A_500 : memref<2048xf32, #tpu.memory_space<vmem>>) target_semaphore(%arg26 : memref<!tpu.dma_semaphore, #tpu.memory_space<semaphore_mem>>)
    %dma_start3A_503 = arith.constant 0 : i32
    %dma_start3A_504 = arith.constant 0 : i32
    %dma_start3A_505 = tpu.memref_slice %arg14[%dma_start3A_504] : memref<20480xf32, #tpu.memory_space<vmem>> -> memref<2048xf32, #tpu.memory_space<vmem>>
    %dma_start3A_506 = tpu.memref_slice %arg3[%dma_start3A_503, %select_n3A, %add3A_440] : memref<10x2x131072xf32, #tpu.memory_space<hbm>> -> memref<1x1x2048xf32, #tpu.memory_space<hbm>>
    %dma_start3A_507 = tpu.memref_squeeze %dma_start3A_506 : memref<1x1x2048xf32, #tpu.memory_space<hbm>> -> memref<2048xf32, #tpu.memory_space<hbm>>
    %dma_start3A_508 = arith.constant 0 : i32
    %dma_start3A_509 = tpu.memref_slice %arg14[%dma_start3A_508] : memref<20480xf32, #tpu.memory_space<vmem>> -> memref<2048xf32, #tpu.memory_space<vmem>>
    %dma_start3A_510 = tpu.memref_slice %arg3[%dma_start3A_503, %select_n3A, %add3A_440] : memref<10x2x131072xf32, #tpu.memory_space<hbm>> -> memref<1x1x2048xf32, #tpu.memory_space<hbm>>
    %dma_start3A_511 = tpu.memref_squeeze %dma_start3A_510 : memref<1x1x2048xf32, #tpu.memory_space<hbm>> -> memref<2048xf32, #tpu.memory_space<hbm>>
    tpu.enqueue_dma source(%dma_start3A_511 : memref<2048xf32, #tpu.memory_space<hbm>>) target(%dma_start3A_509 : memref<2048xf32, #tpu.memory_space<vmem>>) target_semaphore(%arg26 : memref<!tpu.dma_semaphore, #tpu.memory_space<semaphore_mem>>)
    %dma_start3A_512 = arith.constant 1 : i32
    %dma_start3A_513 = arith.constant 2048 : i32
    %dma_start3A_514 = tpu.memref_slice %arg14[%dma_start3A_513] : memref<20480xf32, #tpu.memory_space<vmem>> -> memref<2048xf32, #tpu.memory_space<vmem>>
    %dma_start3A_515 = tpu.memref_slice %arg3[%dma_start3A_512, %select_n3A, %add3A_440] : memref<10x2x131072xf32, #tpu.memory_space<hbm>> -> memref<1x1x2048xf32, #tpu.memory_space<hbm>>
    %dma_start3A_516 = tpu.memref_squeeze %dma_start3A_515 : memref<1x1x2048xf32, #tpu.memory_space<hbm>> -> memref<2048xf32, #tpu.memory_space<hbm>>
    %dma_start3A_517 = arith.constant 2048 : i32
    %dma_start3A_518 = tpu.memref_slice %arg14[%dma_start3A_517] : memref<20480xf32, #tpu.memory_space<vmem>> -> memref<2048xf32, #tpu.memory_space<vmem>>
    %dma_start3A_519 = tpu.memref_slice %arg3[%dma_start3A_512, %select_n3A, %add3A_440] : memref<10x2x131072xf32, #tpu.memory_space<hbm>> -> memref<1x1x2048xf32, #tpu.memory_space<hbm>>
    %dma_start3A_520 = tpu.memref_squeeze %dma_start3A_519 : memref<1x1x2048xf32, #tpu.memory_space<hbm>> -> memref<2048xf32, #tpu.memory_space<hbm>>
    tpu.enqueue_dma source(%dma_start3A_520 : memref<2048xf32, #tpu.memory_space<hbm>>) target(%dma_start3A_518 : memref<2048xf32, #tpu.memory_space<vmem>>) target_semaphore(%arg26 : memref<!tpu.dma_semaphore, #tpu.memory_space<semaphore_mem>>)
    %dma_start3A_521 = arith.constant 2 : i32
    %dma_start3A_522 = arith.constant 4096 : i32
    %dma_start3A_523 = tpu.memref_slice %arg14[%dma_start3A_522] : memref<20480xf32, #tpu.memory_space<vmem>> -> memref<2048xf32, #tpu.memory_space<vmem>>
    %dma_start3A_524 = tpu.memref_slice %arg3[%dma_start3A_521, %select_n3A, %add3A_440] : memref<10x2x131072xf32, #tpu.memory_space<hbm>> -> memref<1x1x2048xf32, #tpu.memory_space<hbm>>
    %dma_start3A_525 = tpu.memref_squeeze %dma_start3A_524 : memref<1x1x2048xf32, #tpu.memory_space<hbm>> -> memref<2048xf32, #tpu.memory_space<hbm>>
    %dma_start3A_526 = arith.constant 4096 : i32
    %dma_start3A_527 = tpu.memref_slice %arg14[%dma_start3A_526] : memref<20480xf32, #tpu.memory_space<vmem>> -> memref<2048xf32, #tpu.memory_space<vmem>>
    %dma_start3A_528 = tpu.memref_slice %arg3[%dma_start3A_521, %select_n3A, %add3A_440] : memref<10x2x131072xf32, #tpu.memory_space<hbm>> -> memref<1x1x2048xf32, #tpu.memory_space<hbm>>
    %dma_start3A_529 = tpu.memref_squeeze %dma_start3A_528 : memref<1x1x2048xf32, #tpu.memory_space<hbm>> -> memref<2048xf32, #tpu.memory_space<hbm>>
    tpu.enqueue_dma source(%dma_start3A_529 : memref<2048xf32, #tpu.memory_space<hbm>>) target(%dma_start3A_527 : memref<2048xf32, #tpu.memory_space<vmem>>) target_semaphore(%arg26 : memref<!tpu.dma_semaphore, #tpu.memory_space<semaphore_mem>>)
    %dma_start3A_530 = arith.constant 3 : i32
    %dma_start3A_531 = arith.constant 6144 : i32
    %dma_start3A_532 = tpu.memref_slice %arg14[%dma_start3A_531] : memref<20480xf32, #tpu.memory_space<vmem>> -> memref<2048xf32, #tpu.memory_space<vmem>>
    %dma_start3A_533 = tpu.memref_slice %arg3[%dma_start3A_530, %select_n3A, %add3A_440] : memref<10x2x131072xf32, #tpu.memory_space<hbm>> -> memref<1x1x2048xf32, #tpu.memory_space<hbm>>
    %dma_start3A_534 = tpu.memref_squeeze %dma_start3A_533 : memref<1x1x2048xf32, #tpu.memory_space<hbm>> -> memref<2048xf32, #tpu.memory_space<hbm>>
    %dma_start3A_535 = arith.constant 6144 : i32
    %dma_start3A_536 = tpu.memref_slice %arg14[%dma_start3A_535] : memref<20480xf32, #tpu.memory_space<vmem>> -> memref<2048xf32, #tpu.memory_space<vmem>>
    %dma_start3A_537 = tpu.memref_slice %arg3[%dma_start3A_530, %select_n3A, %add3A_440] : memref<10x2x131072xf32, #tpu.memory_space<hbm>> -> memref<1x1x2048xf32, #tpu.memory_space<hbm>>
    %dma_start3A_538 = tpu.memref_squeeze %dma_start3A_537 : memref<1x1x2048xf32, #tpu.memory_space<hbm>> -> memref<2048xf32, #tpu.memory_space<hbm>>
    tpu.enqueue_dma source(%dma_start3A_538 : memref<2048xf32, #tpu.memory_space<hbm>>) target(%dma_start3A_536 : memref<2048xf32, #tpu.memory_space<vmem>>) target_semaphore(%arg26 : memref<!tpu.dma_semaphore, #tpu.memory_space<semaphore_mem>>)
    %dma_start3A_539 = arith.constant 4 : i32
    %dma_start3A_540 = arith.constant 8192 : i32
    %dma_start3A_541 = tpu.memref_slice %arg14[%dma_start3A_540] : memref<20480xf32, #tpu.memory_space<vmem>> -> memref<2048xf32, #tpu.memory_space<vmem>>
    %dma_start3A_542 = tpu.memref_slice %arg3[%dma_start3A_539, %select_n3A, %add3A_440] : memref<10x2x131072xf32, #tpu.memory_space<hbm>> -> memref<1x1x2048xf32, #tpu.memory_space<hbm>>
    %dma_start3A_543 = tpu.memref_squeeze %dma_start3A_542 : memref<1x1x2048xf32, #tpu.memory_space<hbm>> -> memref<2048xf32, #tpu.memory_space<hbm>>
    %dma_start3A_544 = arith.constant 8192 : i32
    %dma_start3A_545 = tpu.memref_slice %arg14[%dma_start3A_544] : memref<20480xf32, #tpu.memory_space<vmem>> -> memref<2048xf32, #tpu.memory_space<vmem>>
    %dma_start3A_546 = tpu.memref_slice %arg3[%dma_start3A_539, %select_n3A, %add3A_440] : memref<10x2x131072xf32, #tpu.memory_space<hbm>> -> memref<1x1x2048xf32, #tpu.memory_space<hbm>>
    %dma_start3A_547 = tpu.memref_squeeze %dma_start3A_546 : memref<1x1x2048xf32, #tpu.memory_space<hbm>> -> memref<2048xf32, #tpu.memory_space<hbm>>
    tpu.enqueue_dma source(%dma_start3A_547 : memref<2048xf32, #tpu.memory_space<hbm>>) target(%dma_start3A_545 : memref<2048xf32, #tpu.memory_space<vmem>>) target_semaphore(%arg26 : memref<!tpu.dma_semaphore, #tpu.memory_space<semaphore_mem>>)
    %dma_start3A_548 = arith.constant 5 : i32
    %dma_start3A_549 = arith.constant 10240 : i32
    %dma_start3A_550 = tpu.memref_slice %arg14[%dma_start3A_549] : memref<20480xf32, #tpu.memory_space<vmem>> -> memref<2048xf32, #tpu.memory_space<vmem>>
    %dma_start3A_551 = tpu.memref_slice %arg3[%dma_start3A_548, %select_n3A, %add3A_440] : memref<10x2x131072xf32, #tpu.memory_space<hbm>> -> memref<1x1x2048xf32, #tpu.memory_space<hbm>>
    %dma_start3A_552 = tpu.memref_squeeze %dma_start3A_551 : memref<1x1x2048xf32, #tpu.memory_space<hbm>> -> memref<2048xf32, #tpu.memory_space<hbm>>
    %dma_start3A_553 = arith.constant 10240 : i32
    %dma_start3A_554 = tpu.memref_slice %arg14[%dma_start3A_553] : memref<20480xf32, #tpu.memory_space<vmem>> -> memref<2048xf32, #tpu.memory_space<vmem>>
    %dma_start3A_555 = tpu.memref_slice %arg3[%dma_start3A_548, %select_n3A, %add3A_440] : memref<10x2x131072xf32, #tpu.memory_space<hbm>> -> memref<1x1x2048xf32, #tpu.memory_space<hbm>>
    %dma_start3A_556 = tpu.memref_squeeze %dma_start3A_555 : memref<1x1x2048xf32, #tpu.memory_space<hbm>> -> memref<2048xf32, #tpu.memory_space<hbm>>
    tpu.enqueue_dma source(%dma_start3A_556 : memref<2048xf32, #tpu.memory_space<hbm>>) target(%dma_start3A_554 : memref<2048xf32, #tpu.memory_space<vmem>>) target_semaphore(%arg26 : memref<!tpu.dma_semaphore, #tpu.memory_space<semaphore_mem>>)
    %dma_start3A_557 = arith.constant 6 : i32
    %dma_start3A_558 = arith.constant 12288 : i32
    %dma_start3A_559 = tpu.memref_slice %arg14[%dma_start3A_558] : memref<20480xf32, #tpu.memory_space<vmem>> -> memref<2048xf32, #tpu.memory_space<vmem>>
    %dma_start3A_560 = tpu.memref_slice %arg3[%dma_start3A_557, %select_n3A, %add3A_440] : memref<10x2x131072xf32, #tpu.memory_space<hbm>> -> memref<1x1x2048xf32, #tpu.memory_space<hbm>>
    %dma_start3A_561 = tpu.memref_squeeze %dma_start3A_560 : memref<1x1x2048xf32, #tpu.memory_space<hbm>> -> memref<2048xf32, #tpu.memory_space<hbm>>
    %dma_start3A_562 = arith.constant 12288 : i32
    %dma_start3A_563 = tpu.memref_slice %arg14[%dma_start3A_562] : memref<20480xf32, #tpu.memory_space<vmem>> -> memref<2048xf32, #tpu.memory_space<vmem>>
    %dma_start3A_564 = tpu.memref_slice %arg3[%dma_start3A_557, %select_n3A, %add3A_440] : memref<10x2x131072xf32, #tpu.memory_space<hbm>> -> memref<1x1x2048xf32, #tpu.memory_space<hbm>>
    %dma_start3A_565 = tpu.memref_squeeze %dma_start3A_564 : memref<1x1x2048xf32, #tpu.memory_space<hbm>> -> memref<2048xf32, #tpu.memory_space<hbm>>
    tpu.enqueue_dma source(%dma_start3A_565 : memref<2048xf32, #tpu.memory_space<hbm>>) target(%dma_start3A_563 : memref<2048xf32, #tpu.memory_space<vmem>>) target_semaphore(%arg26 : memref<!tpu.dma_semaphore, #tpu.memory_space<semaphore_mem>>)
    %dma_start3A_566 = arith.constant 7 : i32
    %dma_start3A_567 = arith.constant 14336 : i32
    %dma_start3A_568 = tpu.memref_slice %arg14[%dma_start3A_567] : memref<20480xf32, #tpu.memory_space<vmem>> -> memref<2048xf32, #tpu.memory_space<vmem>>
    %dma_start3A_569 = tpu.memref_slice %arg3[%dma_start3A_566, %select_n3A, %add3A_440] : memref<10x2x131072xf32, #tpu.memory_space<hbm>> -> memref<1x1x2048xf32, #tpu.memory_space<hbm>>
    %dma_start3A_570 = tpu.memref_squeeze %dma_start3A_569 : memref<1x1x2048xf32, #tpu.memory_space<hbm>> -> memref<2048xf32, #tpu.memory_space<hbm>>
    %dma_start3A_571 = arith.constant 14336 : i32
    %dma_start3A_572 = tpu.memref_slice %arg14[%dma_start3A_571] : memref<20480xf32, #tpu.memory_space<vmem>> -> memref<2048xf32, #tpu.memory_space<vmem>>
    %dma_start3A_573 = tpu.memref_slice %arg3[%dma_start3A_566, %select_n3A, %add3A_440] : memref<10x2x131072xf32, #tpu.memory_space<hbm>> -> memref<1x1x2048xf32, #tpu.memory_space<hbm>>
    %dma_start3A_574 = tpu.memref_squeeze %dma_start3A_573 : memref<1x1x2048xf32, #tpu.memory_space<hbm>> -> memref<2048xf32, #tpu.memory_space<hbm>>
    tpu.enqueue_dma source(%dma_start3A_574 : memref<2048xf32, #tpu.memory_space<hbm>>) target(%dma_start3A_572 : memref<2048xf32, #tpu.memory_space<vmem>>) target_semaphore(%arg26 : memref<!tpu.dma_semaphore, #tpu.memory_space<semaphore_mem>>)
    %dma_start3A_575 = arith.constant 8 : i32
    %dma_start3A_576 = arith.constant 16384 : i32
    %dma_start3A_577 = tpu.memref_slice %arg14[%dma_start3A_576] : memref<20480xf32, #tpu.memory_space<vmem>> -> memref<2048xf32, #tpu.memory_space<vmem>>
    %dma_start3A_578 = tpu.memref_slice %arg3[%dma_start3A_575, %select_n3A, %add3A_440] : memref<10x2x131072xf32, #tpu.memory_space<hbm>> -> memref<1x1x2048xf32, #tpu.memory_space<hbm>>
    %dma_start3A_579 = tpu.memref_squeeze %dma_start3A_578 : memref<1x1x2048xf32, #tpu.memory_space<hbm>> -> memref<2048xf32, #tpu.memory_space<hbm>>
    %dma_start3A_580 = arith.constant 16384 : i32
    %dma_start3A_581 = tpu.memref_slice %arg14[%dma_start3A_580] : memref<20480xf32, #tpu.memory_space<vmem>> -> memref<2048xf32, #tpu.memory_space<vmem>>
    %dma_start3A_582 = tpu.memref_slice %arg3[%dma_start3A_575, %select_n3A, %add3A_440] : memref<10x2x131072xf32, #tpu.memory_space<hbm>> -> memref<1x1x2048xf32, #tpu.memory_space<hbm>>
    %dma_start3A_583 = tpu.memref_squeeze %dma_start3A_582 : memref<1x1x2048xf32, #tpu.memory_space<hbm>> -> memref<2048xf32, #tpu.memory_space<hbm>>
    tpu.enqueue_dma source(%dma_start3A_583 : memref<2048xf32, #tpu.memory_space<hbm>>) target(%dma_start3A_581 : memref<2048xf32, #tpu.memory_space<vmem>>) target_semaphore(%arg26 : memref<!tpu.dma_semaphore, #tpu.memory_space<semaphore_mem>>)
    %dma_start3A_584 = arith.constant 9 : i32
    %dma_start3A_585 = arith.constant 18432 : i32
    %dma_start3A_586 = tpu.memref_slice %arg14[%dma_start3A_585] : memref<20480xf32, #tpu.memory_space<vmem>> -> memref<2048xf32, #tpu.memory_space<vmem>>
    %dma_start3A_587 = tpu.memref_slice %arg3[%dma_start3A_584, %select_n3A, %add3A_440] : memref<10x2x131072xf32, #tpu.memory_space<hbm>> -> memref<1x1x2048xf32, #tpu.memory_space<hbm>>
    %dma_start3A_588 = tpu.memref_squeeze %dma_start3A_587 : memref<1x1x2048xf32, #tpu.memory_space<hbm>> -> memref<2048xf32, #tpu.memory_space<hbm>>
    %dma_start3A_589 = arith.constant 18432 : i32
    %dma_start3A_590 = tpu.memref_slice %arg14[%dma_start3A_589] : memref<20480xf32, #tpu.memory_space<vmem>> -> memref<2048xf32, #tpu.memory_space<vmem>>
    %dma_start3A_591 = tpu.memref_slice %arg3[%dma_start3A_584, %select_n3A, %add3A_440] : memref<10x2x131072xf32, #tpu.memory_space<hbm>> -> memref<1x1x2048xf32, #tpu.memory_space<hbm>>
    %dma_start3A_592 = tpu.memref_squeeze %dma_start3A_591 : memref<1x1x2048xf32, #tpu.memory_space<hbm>> -> memref<2048xf32, #tpu.memory_space<hbm>>
    tpu.enqueue_dma source(%dma_start3A_592 : memref<2048xf32, #tpu.memory_space<hbm>>) target(%dma_start3A_590 : memref<2048xf32, #tpu.memory_space<vmem>>) target_semaphore(%arg26 : memref<!tpu.dma_semaphore, #tpu.memory_space<semaphore_mem>>)
    %mul3A_593 = arith.constant 8 : i32
    %mul3A_594 = arith.muli %select_n3A, %mul3A_593 : i32
    %dma_start3A_595 = tpu.memref_slice %arg4[%mul3A_594, %mul3A_466] : memref<16x32768xf32, #tpu.memory_space<hbm>> -> memref<8x512xf32, #tpu.memory_space<hbm>>
    %dma_start3A_596 = tpu.memref_slice %arg4[%mul3A_594, %mul3A_466] : memref<16x32768xf32, #tpu.memory_space<hbm>> -> memref<8x512xf32, #tpu.memory_space<hbm>>
    tpu.enqueue_dma source(%dma_start3A_596 : memref<8x512xf32, #tpu.memory_space<hbm>>) target(%arg16 : memref<8x512xf32, #tpu.memory_space<vmem>>) target_semaphore(%arg26 : memref<!tpu.dma_semaphore, #tpu.memory_space<semaphore_mem>>)
    %dma_start3A_597 = tpu.memref_slice %arg8[%select_n3A, %add3A_440] : memref<2x131072xi32, #tpu.memory_space<hbm>> -> memref<1x2048xi32, #tpu.memory_space<hbm>>
    %dma_start3A_598 = tpu.memref_squeeze %dma_start3A_597 : memref<1x2048xi32, #tpu.memory_space<hbm>> -> memref<2048xi32, #tpu.memory_space<hbm>>
    %dma_start3A_599 = tpu.memref_slice %arg8[%select_n3A, %add3A_440] : memref<2x131072xi32, #tpu.memory_space<hbm>> -> memref<1x2048xi32, #tpu.memory_space<hbm>>
    %dma_start3A_600 = tpu.memref_squeeze %dma_start3A_599 : memref<1x2048xi32, #tpu.memory_space<hbm>> -> memref<2048xi32, #tpu.memory_space<hbm>>
    tpu.enqueue_dma source(%dma_start3A_600 : memref<2048xi32, #tpu.memory_space<hbm>>) target(%arg18 : memref<2048xi32, #tpu.memory_space<vmem>>) target_semaphore(%arg26 : memref<!tpu.dma_semaphore, #tpu.memory_space<semaphore_mem>>)
    %dma_start3A_601 = tpu.memref_slice %arg9[%select_n3A, %add3A_440] : memref<2x131072xf32, #tpu.memory_space<hbm>> -> memref<1x2048xf32, #tpu.memory_space<hbm>>
    %dma_start3A_602 = tpu.memref_squeeze %dma_start3A_601 : memref<1x2048xf32, #tpu.memory_space<hbm>> -> memref<2048xf32, #tpu.memory_space<hbm>>
    %dma_start3A_603 = tpu.memref_slice %arg9[%select_n3A, %add3A_440] : memref<2x131072xf32, #tpu.memory_space<hbm>> -> memref<1x2048xf32, #tpu.memory_space<hbm>>
    %dma_start3A_604 = tpu.memref_squeeze %dma_start3A_603 : memref<1x2048xf32, #tpu.memory_space<hbm>> -> memref<2048xf32, #tpu.memory_space<hbm>>
    tpu.enqueue_dma source(%dma_start3A_604 : memref<2048xf32, #tpu.memory_space<hbm>>) target(%arg20 : memref<2048xf32, #tpu.memory_space<vmem>>) target_semaphore(%arg26 : memref<!tpu.dma_semaphore, #tpu.memory_space<semaphore_mem>>)
    %scan3A = arith.constant 0 : i32
    %scan3A_605 = arith.constant 128 : i32
    %scan3A_606 = arith.addi %scan3A, %scan3A_605 : i32
    %scan3A_607 = arith.constant 1 : i32
    %scan3A_608:3 = scf.for %scan3A_1379 = %scan3A to %scan3A_606 step %scan3A_607 iter_args(%scan3A_1380 = %broadcast_in_dim3A_138, %scan3A_1381 = %broadcast_in_dim3A_138, %scan3A_1382 = %broadcast_in_dim3A_138) -> (vector<16xf32>, vector<16xf32>, vector<16xf32>)  : i32 {
      %mul3A_1383 = arith.constant 16 : i32
      %mul3A_1384 = arith.muli %scan3A_1379, %mul3A_1383 : i32
      %jit3A_1385 = arith.constant 8 : i32
      %div3A_1386 = arith.divsi %scan3A_1379, %jit3A_1385 : i32
      %sign3A_1387 = arith.constant 0 : i32
      %sign3A_1388 = arith.cmpi sgt, %scan3A_1379, %sign3A_1387 : i32
      %sign3A_1389 = arith.extui %sign3A_1388 : i1 to i32
      %sign3A_1390 = arith.constant 0 : i32
      %sign3A_1391 = arith.cmpi slt, %scan3A_1379, %sign3A_1390 : i32
      %sign3A_1392 = arith.extui %sign3A_1391 : i1 to i32
      %sign3A_1393 = arith.subi %sign3A_1389, %sign3A_1392 : i32
      %sign3A_1394 = arith.constant 0 : i32
      %sign3A_1395 = arith.cmpi sgt, %jit3A_1385, %sign3A_1394 : i32
      %sign3A_1396 = arith.extui %sign3A_1395 : i1 to i32
      %sign3A_1397 = arith.constant 0 : i32
      %sign3A_1398 = arith.cmpi slt, %jit3A_1385, %sign3A_1397 : i32
      %sign3A_1399 = arith.extui %sign3A_1398 : i1 to i32
      %sign3A_1400 = arith.subi %sign3A_1396, %sign3A_1399 : i32
      %ne3A_1401 = arith.cmpi ne, %sign3A_1393, %sign3A_1400 : i32
      %rem3A_1402 = arith.remsi %scan3A_1379, %jit3A_1385 : i32
      %ne3A_1403 = arith.constant 0 : i32
      %ne3A_1404 = arith.cmpi ne, %rem3A_1402, %ne3A_1403 : i32
      %and3A_1405 = arith.andi %ne3A_1401, %ne3A_1404 : i1
      %sub3A_1406 = arith.constant 1 : i32
      %sub3A_1407 = arith.subi %div3A_1386, %sub3A_1406 : i32
      %select_n3A_1408 = arith.select %and3A_1405, %sub3A_1407, %div3A_1386 : i32
      %jit3A_1409 = arith.constant 8 : i32
      %eq3A_1410 = arith.constant 0 : i32
      %eq3A_1411 = arith.cmpi eq, %jit3A_1409, %eq3A_1410 : i32
      %jit3A_1412 = arith.constant 1 : i32
      %select_n3A_1413 = arith.select %eq3A_1411, %jit3A_1412, %jit3A_1409 : i32
      %rem3A_1414 = arith.remsi %select_n3A_1408, %select_n3A_1413 : i32
      %ne3A_1415 = arith.constant 0 : i32
      %ne3A_1416 = arith.cmpi ne, %rem3A_1414, %ne3A_1415 : i32
      %lt3A_1417 = arith.constant 0 : i32
      %lt3A_1418 = arith.cmpi slt, %rem3A_1414, %lt3A_1417 : i32
      %lt3A_1419 = arith.constant 0 : i32
      %lt3A_1420 = arith.cmpi slt, %select_n3A_1413, %lt3A_1419 : i32
      %ne3A_1421 = arith.xori %lt3A_1418, %lt3A_1420 : i1
      %and3A_1422 = arith.andi %ne3A_1421, %ne3A_1416 : i1
      %add3A_1423 = arith.addi %rem3A_1414, %select_n3A_1413 : i32
      %select_n3A_1424 = arith.select %and3A_1422, %add3A_1423, %rem3A_1414 : i32
      %gather3A = tpu.memref_slice %arg17[%mul3A_1384] : memref<2048xi32, #tpu.memory_space<vmem>> -> memref<16xi32, #tpu.memory_space<vmem>>
      %gather3A_1425 = tpu.vector_load_idx %gather3A[%iota3A] : memref<16xi32, #tpu.memory_space<vmem>>[vector<16xi32>], vector<16xi32>,
      %gather3A_1426 = tpu.memref_slice %arg19[%mul3A_1384] : memref<2048xf32, #tpu.memory_space<vmem>> -> memref<16xf32, #tpu.memory_space<vmem>>
      %gather3A_1427 = tpu.vector_load_idx %gather3A_1426[%iota3A] : memref<16xf32, #tpu.memory_space<vmem>>[vector<16xi32>], vector<16xf32>,
      %gt3A = arith.constant 0.000000e+00 : f32
      %gt3A_1428 = vector.broadcast %gt3A : f32 to vector<16xf32>
      %gt3A_1429 = arith.cmpf ogt, %gather3A_1427, %gt3A_1428 : vector<16xf32>
      %jit3A_1430 = arith.constant 1.000000e+00 : f32
      %jit3A_1431 = arith.constant 0.000000e+00 : f32
      %broadcast_in_dim3A_1432 = vector.broadcast %jit3A_1430 : f32 to vector<16xf32>
      %broadcast_in_dim3A_1433 = vector.broadcast %jit3A_1431 : f32 to vector<16xf32>
      %select_n3A_1434 = arith.select %gt3A_1429, %broadcast_in_dim3A_1432, %broadcast_in_dim3A_1433 : vector<16xi1>, vector<16xf32>
      %broadcast_in_dim3A_1435 = arith.constant 0.000000e+00 : f32
      %broadcast_in_dim3A_1436 = vector.broadcast %broadcast_in_dim3A_1435 : f32 to vector<16xf32>
      %broadcast_in_dim3A_1437 = arith.constant 0.000000e+00 : f32
      %broadcast_in_dim3A_1438 = vector.broadcast %broadcast_in_dim3A_1437 : f32 to vector<16xf32>
      %gather3A_1439 = tpu.memref_slice %arg11[%mul3A_1384] : memref<8192xf32, #tpu.memory_space<vmem>> -> memref<16xf32, #tpu.memory_space<vmem>>
      %gather3A_1440 = tpu.vector_load_idx %gather3A_1439[%add3A_44] : memref<16xf32, #tpu.memory_space<vmem>>[vector<16xi32>], vector<16xf32>,
      %add3A_1441 = arith.addi %gather3A_1425, %add3A_86 : vector<16xi32>
      %gather3A_1442 = arith.constant 0 : i32
      %gather3A_1443 = tpu.memref_slice %arg21[%select_n3A_1424, %gather3A_1442] : memref<8x256xf32, #tpu.memory_space<vmem>> -> memref<1x256xf32, #tpu.memory_space<vmem>>
      %gather3A_1444 = tpu.memref_squeeze %gather3A_1443 : memref<1x256xf32, #tpu.memory_space<vmem>> -> memref<256xf32, #tpu.memory_space<vmem>>
      %gather3A_1445 = tpu.vector_load_idx %gather3A_1444[%add3A_1441] : memref<256xf32, #tpu.memory_space<vmem>>[vector<16xi32>], vector<16xf32>,
      %sub3A_1446 = arith.subf %gather3A_1440, %gather3A_1445 : vector<16xf32>
      %abs3A = math.absf %sub3A_1446 : vector<16xf32>
      %min3A = arith.constant 1.000000e+00 : f32
      %min3A_1447 = vector.broadcast %min3A : f32 to vector<16xf32>
      %min3A_1448 = arith.minimumf %abs3A, %min3A_1447 : vector<16xf32>
      %mul3A_1449 = arith.mulf %min3A_1448, %min3A_1448 : vector<16xf32>
      %add3A_1450 = arith.addf %broadcast_in_dim3A_1436, %mul3A_1449 : vector<16xf32>
      %max3A = arith.constant 1.000000e+00 : f32
      %max3A_1451 = vector.broadcast %max3A : f32 to vector<16xf32>
      %max3A_1452 = arith.maximumf %abs3A, %max3A_1451 : vector<16xf32>
      %add3A_1453 = arith.addf %broadcast_in_dim3A_1438, %max3A_1452 : vector<16xf32>
      %gather3A_1454 = tpu.memref_slice %arg11[%mul3A_1384] : memref<8192xf32, #tpu.memory_space<vmem>> -> memref<16xf32, #tpu.memory_space<vmem>>
      %gather3A_1455 = tpu.vector_load_idx %gather3A_1454[%add3A_47] : memref<16xf32, #tpu.memory_space<vmem>>[vector<16xi32>], vector<16xf32>,
      %add3A_1456 = arith.addi %gather3A_1425, %add3A_89 : vector<16xi32>
      %gather3A_1457 = arith.constant 0 : i32
      %gather3A_1458 = tpu.memref_slice %arg21[%select_n3A_1424, %gather3A_1457] : memref<8x256xf32, #tpu.memory_space<vmem>> -> memref<1x256xf32, #tpu.memory_space<vmem>>
      %gather3A_1459 = tpu.memref_squeeze %gather3A_1458 : memref<1x256xf32, #tpu.memory_space<vmem>> -> memref<256xf32, #tpu.memory_space<vmem>>
      %gather3A_1460 = tpu.vector_load_idx %gather3A_1459[%add3A_1456] : memref<256xf32, #tpu.memory_space<vmem>>[vector<16xi32>], vector<16xf32>,
      %sub3A_1461 = arith.subf %gather3A_1455, %gather3A_1460 : vector<16xf32>
      %abs3A_1462 = math.absf %sub3A_1461 : vector<16xf32>
      %min3A_1463 = arith.constant 1.000000e+00 : f32
      %min3A_1464 = vector.broadcast %min3A_1463 : f32 to vector<16xf32>
      %min3A_1465 = arith.minimumf %abs3A_1462, %min3A_1464 : vector<16xf32>
      %mul3A_1466 = arith.mulf %min3A_1465, %min3A_1465 : vector<16xf32>
      %add3A_1467 = arith.addf %add3A_1450, %mul3A_1466 : vector<16xf32>
      %max3A_1468 = arith.constant 1.000000e+00 : f32
      %max3A_1469 = vector.broadcast %max3A_1468 : f32 to vector<16xf32>
      %max3A_1470 = arith.maximumf %abs3A_1462, %max3A_1469 : vector<16xf32>
      %add3A_1471 = arith.addf %add3A_1453, %max3A_1470 : vector<16xf32>
      %gather3A_1472 = tpu.memref_slice %arg11[%mul3A_1384] : memref<8192xf32, #tpu.memory_space<vmem>> -> memref<16xf32, #tpu.memory_space<vmem>>
      %gather3A_1473 = tpu.vector_load_idx %gather3A_1472[%add3A_50] : memref<16xf32, #tpu.memory_space<vmem>>[vector<16xi32>], vector<16xf32>,
      %add3A_1474 = arith.addi %gather3A_1425, %add3A_92 : vector<16xi32>
      %gather3A_1475 = arith.constant 0 : i32
      %gather3A_1476 = tpu.memref_slice %arg21[%select_n3A_1424, %gather3A_1475] : memref<8x256xf32, #tpu.memory_space<vmem>> -> memref<1x256xf32, #tpu.memory_space<vmem>>
      %gather3A_1477 = tpu.memref_squeeze %gather3A_1476 : memref<1x256xf32, #tpu.memory_space<vmem>> -> memref<256xf32, #tpu.memory_space<vmem>>
      %gather3A_1478 = tpu.vector_load_idx %gather3A_1477[%add3A_1474] : memref<256xf32, #tpu.memory_space<vmem>>[vector<16xi32>], vector<16xf32>,
      %sub3A_1479 = arith.subf %gather3A_1473, %gather3A_1478 : vector<16xf32>
      %abs3A_1480 = math.absf %sub3A_1479 : vector<16xf32>
      %min3A_1481 = arith.constant 1.000000e+00 : f32
      %min3A_1482 = vector.broadcast %min3A_1481 : f32 to vector<16xf32>
      %min3A_1483 = arith.minimumf %abs3A_1480, %min3A_1482 : vector<16xf32>
      %mul3A_1484 = arith.mulf %min3A_1483, %min3A_1483 : vector<16xf32>
      %add3A_1485 = arith.addf %add3A_1467, %mul3A_1484 : vector<16xf32>
      %max3A_1486 = arith.constant 1.000000e+00 : f32
      %max3A_1487 = vector.broadcast %max3A_1486 : f32 to vector<16xf32>
      %max3A_1488 = arith.maximumf %abs3A_1480, %max3A_1487 : vector<16xf32>
      %add3A_1489 = arith.addf %add3A_1471, %max3A_1488 : vector<16xf32>
      %gather3A_1490 = tpu.memref_slice %arg11[%mul3A_1384] : memref<8192xf32, #tpu.memory_space<vmem>> -> memref<16xf32, #tpu.memory_space<vmem>>
      %gather3A_1491 = tpu.vector_load_idx %gather3A_1490[%add3A_53] : memref<16xf32, #tpu.memory_space<vmem>>[vector<16xi32>], vector<16xf32>,
      %add3A_1492 = arith.addi %gather3A_1425, %add3A_95 : vector<16xi32>
      %gather3A_1493 = arith.constant 0 : i32
      %gather3A_1494 = tpu.memref_slice %arg21[%select_n3A_1424, %gather3A_1493] : memref<8x256xf32, #tpu.memory_space<vmem>> -> memref<1x256xf32, #tpu.memory_space<vmem>>
      %gather3A_1495 = tpu.memref_squeeze %gather3A_1494 : memref<1x256xf32, #tpu.memory_space<vmem>> -> memref<256xf32, #tpu.memory_space<vmem>>
      %gather3A_1496 = tpu.vector_load_idx %gather3A_1495[%add3A_1492] : memref<256xf32, #tpu.memory_space<vmem>>[vector<16xi32>], vector<16xf32>,
      %sub3A_1497 = arith.subf %gather3A_1491, %gather3A_1496 : vector<16xf32>
      %abs3A_1498 = math.absf %sub3A_1497 : vector<16xf32>
      %min3A_1499 = arith.constant 1.000000e+00 : f32
      %min3A_1500 = vector.broadcast %min3A_1499 : f32 to vector<16xf32>
      %min3A_1501 = arith.minimumf %abs3A_1498, %min3A_1500 : vector<16xf32>
      %mul3A_1502 = arith.mulf %min3A_1501, %min3A_1501 : vector<16xf32>
      %add3A_1503 = arith.addf %add3A_1485, %mul3A_1502 : vector<16xf32>
      %max3A_1504 = arith.constant 1.000000e+00 : f32
      %max3A_1505 = vector.broadcast %max3A_1504 : f32 to vector<16xf32>
      %max3A_1506 = arith.maximumf %abs3A_1498, %max3A_1505 : vector<16xf32>
      %add3A_1507 = arith.addf %add3A_1489, %max3A_1506 : vector<16xf32>
      %mul3A_1508 = arith.constant 5.000000e-01 : f32
      %mul3A_1509 = vector.broadcast %mul3A_1508 : f32 to vector<16xf32>
      %mul3A_1510 = arith.mulf %mul3A_1509, %add3A_1503 : vector<16xf32>
      %add3A_1511 = arith.addf %mul3A_1510, %add3A_1507 : vector<16xf32>
      %sub3A_1512 = arith.constant 4.000000e+00 : f32
      %sub3A_1513 = vector.broadcast %sub3A_1512 : f32 to vector<16xf32>
      %sub3A_1514 = arith.subf %add3A_1511, %sub3A_1513 : vector<16xf32>
      %mul3A_1515 = arith.mulf %sub3A_1514, %select_n3A_1434 : vector<16xf32>
      %add3A_1516 = arith.addf %scan3A_1380, %mul3A_1515 : vector<16xf32>
      %broadcast_in_dim3A_1517 = arith.constant 0.000000e+00 : f32
      %broadcast_in_dim3A_1518 = vector.broadcast %broadcast_in_dim3A_1517 : f32 to vector<16xf32>
      %broadcast_in_dim3A_1519 = arith.constant 0.000000e+00 : f32
      %broadcast_in_dim3A_1520 = vector.broadcast %broadcast_in_dim3A_1519 : f32 to vector<16xf32>
      %gather3A_1521 = tpu.memref_slice %arg13[%mul3A_1384] : memref<20480xf32, #tpu.memory_space<vmem>> -> memref<16xf32, #tpu.memory_space<vmem>>
      %gather3A_1522 = tpu.vector_load_idx %gather3A_1521[%add3A_56] : memref<16xf32, #tpu.memory_space<vmem>>[vector<16xi32>], vector<16xf32>,
      %add3A_1523 = arith.addi %gather3A_1425, %add3A_98 : vector<16xi32>
      %gather3A_1524 = arith.constant 0 : i32
      %gather3A_1525 = tpu.memref_slice %arg22[%select_n3A_1424, %gather3A_1524] : memref<8x640xf32, #tpu.memory_space<vmem>> -> memref<1x640xf32, #tpu.memory_space<vmem>>
      %gather3A_1526 = tpu.memref_squeeze %gather3A_1525 : memref<1x640xf32, #tpu.memory_space<vmem>> -> memref<640xf32, #tpu.memory_space<vmem>>
      %gather3A_1527 = tpu.vector_load_idx %gather3A_1526[%add3A_1523] : memref<640xf32, #tpu.memory_space<vmem>>[vector<16xi32>], vector<16xf32>,
      %sub3A_1528 = arith.subf %gather3A_1522, %gather3A_1527 : vector<16xf32>
      %abs3A_1529 = math.absf %sub3A_1528 : vector<16xf32>
      %min3A_1530 = arith.constant 1.000000e+00 : f32
      %min3A_1531 = vector.broadcast %min3A_1530 : f32 to vector<16xf32>
      %min3A_1532 = arith.minimumf %abs3A_1529, %min3A_1531 : vector<16xf32>
      %mul3A_1533 = arith.mulf %min3A_1532, %min3A_1532 : vector<16xf32>
      %add3A_1534 = arith.addf %broadcast_in_dim3A_1518, %mul3A_1533 : vector<16xf32>
      %max3A_1535 = arith.constant 1.000000e+00 : f32
      %max3A_1536 = vector.broadcast %max3A_1535 : f32 to vector<16xf32>
      %max3A_1537 = arith.maximumf %abs3A_1529, %max3A_1536 : vector<16xf32>
      %add3A_1538 = arith.addf %broadcast_in_dim3A_1520, %max3A_1537 : vector<16xf32>
      %gather3A_1539 = tpu.memref_slice %arg13[%mul3A_1384] : memref<20480xf32, #tpu.memory_space<vmem>> -> memref<16xf32, #tpu.memory_space<vmem>>
      %gather3A_1540 = tpu.vector_load_idx %gather3A_1539[%add3A_59] : memref<16xf32, #tpu.memory_space<vmem>>[vector<16xi32>], vector<16xf32>,
      %add3A_1541 = arith.addi %gather3A_1425, %add3A_101 : vector<16xi32>
      %gather3A_1542 = arith.constant 0 : i32
      %gather3A_1543 = tpu.memref_slice %arg22[%select_n3A_1424, %gather3A_1542] : memref<8x640xf32, #tpu.memory_space<vmem>> -> memref<1x640xf32, #tpu.memory_space<vmem>>
      %gather3A_1544 = tpu.memref_squeeze %gather3A_1543 : memref<1x640xf32, #tpu.memory_space<vmem>> -> memref<640xf32, #tpu.memory_space<vmem>>
      %gather3A_1545 = tpu.vector_load_idx %gather3A_1544[%add3A_1541] : memref<640xf32, #tpu.memory_space<vmem>>[vector<16xi32>], vector<16xf32>,
      %sub3A_1546 = arith.subf %gather3A_1540, %gather3A_1545 : vector<16xf32>
      %abs3A_1547 = math.absf %sub3A_1546 : vector<16xf32>
      %min3A_1548 = arith.constant 1.000000e+00 : f32
      %min3A_1549 = vector.broadcast %min3A_1548 : f32 to vector<16xf32>
      %min3A_1550 = arith.minimumf %abs3A_1547, %min3A_1549 : vector<16xf32>
      %mul3A_1551 = arith.mulf %min3A_1550, %min3A_1550 : vector<16xf32>
      %add3A_1552 = arith.addf %add3A_1534, %mul3A_1551 : vector<16xf32>
      %max3A_1553 = arith.constant 1.000000e+00 : f32
      %max3A_1554 = vector.broadcast %max3A_1553 : f32 to vector<16xf32>
      %max3A_1555 = arith.maximumf %abs3A_1547, %max3A_1554 : vector<16xf32>
      %add3A_1556 = arith.addf %add3A_1538, %max3A_1555 : vector<16xf32>
      %gather3A_1557 = tpu.memref_slice %arg13[%mul3A_1384] : memref<20480xf32, #tpu.memory_space<vmem>> -> memref<16xf32, #tpu.memory_space<vmem>>
      %gather3A_1558 = tpu.vector_load_idx %gather3A_1557[%add3A_62] : memref<16xf32, #tpu.memory_space<vmem>>[vector<16xi32>], vector<16xf32>,
      %add3A_1559 = arith.addi %gather3A_1425, %add3A_104 : vector<16xi32>
      %gather3A_1560 = arith.constant 0 : i32
      %gather3A_1561 = tpu.memref_slice %arg22[%select_n3A_1424, %gather3A_1560] : memref<8x640xf32, #tpu.memory_space<vmem>> -> memref<1x640xf32, #tpu.memory_space<vmem>>
      %gather3A_1562 = tpu.memref_squeeze %gather3A_1561 : memref<1x640xf32, #tpu.memory_space<vmem>> -> memref<640xf32, #tpu.memory_space<vmem>>
      %gather3A_1563 = tpu.vector_load_idx %gather3A_1562[%add3A_1559] : memref<640xf32, #tpu.memory_space<vmem>>[vector<16xi32>], vector<16xf32>,
      %sub3A_1564 = arith.subf %gather3A_1558, %gather3A_1563 : vector<16xf32>
      %abs3A_1565 = math.absf %sub3A_1564 : vector<16xf32>
      %min3A_1566 = arith.constant 1.000000e+00 : f32
      %min3A_1567 = vector.broadcast %min3A_1566 : f32 to vector<16xf32>
      %min3A_1568 = arith.minimumf %abs3A_1565, %min3A_1567 : vector<16xf32>
      %mul3A_1569 = arith.mulf %min3A_1568, %min3A_1568 : vector<16xf32>
      %add3A_1570 = arith.addf %add3A_1552, %mul3A_1569 : vector<16xf32>
      %max3A_1571 = arith.constant 1.000000e+00 : f32
      %max3A_1572 = vector.broadcast %max3A_1571 : f32 to vector<16xf32>
      %max3A_1573 = arith.maximumf %abs3A_1565, %max3A_1572 : vector<16xf32>
      %add3A_1574 = arith.addf %add3A_1556, %max3A_1573 : vector<16xf32>
      %gather3A_1575 = tpu.memref_slice %arg13[%mul3A_1384] : memref<20480xf32, #tpu.memory_space<vmem>> -> memref<16xf32, #tpu.memory_space<vmem>>
      %gather3A_1576 = tpu.vector_load_idx %gather3A_1575[%add3A_65] : memref<16xf32, #tpu.memory_space<vmem>>[vector<16xi32>], vector<16xf32>,
      %add3A_1577 = arith.addi %gather3A_1425, %add3A_107 : vector<16xi32>
      %gather3A_1578 = arith.constant 0 : i32
      %gather3A_1579 = tpu.memref_slice %arg22[%select_n3A_1424, %gather3A_1578] : memref<8x640xf32, #tpu.memory_space<vmem>> -> memref<1x640xf32, #tpu.memory_space<vmem>>
      %gather3A_1580 = tpu.memref_squeeze %gather3A_1579 : memref<1x640xf32, #tpu.memory_space<vmem>> -> memref<640xf32, #tpu.memory_space<vmem>>
      %gather3A_1581 = tpu.vector_load_idx %gather3A_1580[%add3A_1577] : memref<640xf32, #tpu.memory_space<vmem>>[vector<16xi32>], vector<16xf32>,
      %sub3A_1582 = arith.subf %gather3A_1576, %gather3A_1581 : vector<16xf32>
      %abs3A_1583 = math.absf %sub3A_1582 : vector<16xf32>
      %min3A_1584 = arith.constant 1.000000e+00 : f32
      %min3A_1585 = vector.broadcast %min3A_1584 : f32 to vector<16xf32>
      %min3A_1586 = arith.minimumf %abs3A_1583, %min3A_1585 : vector<16xf32>
      %mul3A_1587 = arith.mulf %min3A_1586, %min3A_1586 : vector<16xf32>
      %add3A_1588 = arith.addf %add3A_1570, %mul3A_1587 : vector<16xf32>
      %max3A_1589 = arith.constant 1.000000e+00 : f32
      %max3A_1590 = vector.broadcast %max3A_1589 : f32 to vector<16xf32>
      %max3A_1591 = arith.maximumf %abs3A_1583, %max3A_1590 : vector<16xf32>
      %add3A_1592 = arith.addf %add3A_1574, %max3A_1591 : vector<16xf32>
      %gather3A_1593 = tpu.memref_slice %arg13[%mul3A_1384] : memref<20480xf32, #tpu.memory_space<vmem>> -> memref<16xf32, #tpu.memory_space<vmem>>
      %gather3A_1594 = tpu.vector_load_idx %gather3A_1593[%add3A_68] : memref<16xf32, #tpu.memory_space<vmem>>[vector<16xi32>], vector<16xf32>,
      %add3A_1595 = arith.addi %gather3A_1425, %add3A_110 : vector<16xi32>
      %gather3A_1596 = arith.constant 0 : i32
      %gather3A_1597 = tpu.memref_slice %arg22[%select_n3A_1424, %gather3A_1596] : memref<8x640xf32, #tpu.memory_space<vmem>> -> memref<1x640xf32, #tpu.memory_space<vmem>>
      %gather3A_1598 = tpu.memref_squeeze %gather3A_1597 : memref<1x640xf32, #tpu.memory_space<vmem>> -> memref<640xf32, #tpu.memory_space<vmem>>
      %gather3A_1599 = tpu.vector_load_idx %gather3A_1598[%add3A_1595] : memref<640xf32, #tpu.memory_space<vmem>>[vector<16xi32>], vector<16xf32>,
      %sub3A_1600 = arith.subf %gather3A_1594, %gather3A_1599 : vector<16xf32>
      %abs3A_1601 = math.absf %sub3A_1600 : vector<16xf32>
      %min3A_1602 = arith.constant 1.000000e+00 : f32
      %min3A_1603 = vector.broadcast %min3A_1602 : f32 to vector<16xf32>
      %min3A_1604 = arith.minimumf %abs3A_1601, %min3A_1603 : vector<16xf32>
      %mul3A_1605 = arith.mulf %min3A_1604, %min3A_1604 : vector<16xf32>
      %add3A_1606 = arith.addf %add3A_1588, %mul3A_1605 : vector<16xf32>
      %max3A_1607 = arith.constant 1.000000e+00 : f32
      %max3A_1608 = vector.broadcast %max3A_1607 : f32 to vector<16xf32>
      %max3A_1609 = arith.maximumf %abs3A_1601, %max3A_1608 : vector<16xf32>
      %add3A_1610 = arith.addf %add3A_1592, %max3A_1609 : vector<16xf32>
      %gather3A_1611 = tpu.memref_slice %arg13[%mul3A_1384] : memref<20480xf32, #tpu.memory_space<vmem>> -> memref<16xf32, #tpu.memory_space<vmem>>
      %gather3A_1612 = tpu.vector_load_idx %gather3A_1611[%add3A_71] : memref<16xf32, #tpu.memory_space<vmem>>[vector<16xi32>], vector<16xf32>,
      %add3A_1613 = arith.addi %gather3A_1425, %add3A_113 : vector<16xi32>
      %gather3A_1614 = arith.constant 0 : i32
      %gather3A_1615 = tpu.memref_slice %arg22[%select_n3A_1424, %gather3A_1614] : memref<8x640xf32, #tpu.memory_space<vmem>> -> memref<1x640xf32, #tpu.memory_space<vmem>>
      %gather3A_1616 = tpu.memref_squeeze %gather3A_1615 : memref<1x640xf32, #tpu.memory_space<vmem>> -> memref<640xf32, #tpu.memory_space<vmem>>
      %gather3A_1617 = tpu.vector_load_idx %gather3A_1616[%add3A_1613] : memref<640xf32, #tpu.memory_space<vmem>>[vector<16xi32>], vector<16xf32>,
      %sub3A_1618 = arith.subf %gather3A_1612, %gather3A_1617 : vector<16xf32>
      %abs3A_1619 = math.absf %sub3A_1618 : vector<16xf32>
      %min3A_1620 = arith.constant 1.000000e+00 : f32
      %min3A_1621 = vector.broadcast %min3A_1620 : f32 to vector<16xf32>
      %min3A_1622 = arith.minimumf %abs3A_1619, %min3A_1621 : vector<16xf32>
      %mul3A_1623 = arith.mulf %min3A_1622, %min3A_1622 : vector<16xf32>
      %add3A_1624 = arith.addf %add3A_1606, %mul3A_1623 : vector<16xf32>
      %max3A_1625 = arith.constant 1.000000e+00 : f32
      %max3A_1626 = vector.broadcast %max3A_1625 : f32 to vector<16xf32>
      %max3A_1627 = arith.maximumf %abs3A_1619, %max3A_1626 : vector<16xf32>
      %add3A_1628 = arith.addf %add3A_1610, %max3A_1627 : vector<16xf32>
      %gather3A_1629 = tpu.memref_slice %arg13[%mul3A_1384] : memref<20480xf32, #tpu.memory_space<vmem>> -> memref<16xf32, #tpu.memory_space<vmem>>
      %gather3A_1630 = tpu.vector_load_idx %gather3A_1629[%add3A_74] : memref<16xf32, #tpu.memory_space<vmem>>[vector<16xi32>], vector<16xf32>,
      %add3A_1631 = arith.addi %gather3A_1425, %add3A_116 : vector<16xi32>
      %gather3A_1632 = arith.constant 0 : i32
      %gather3A_1633 = tpu.memref_slice %arg22[%select_n3A_1424, %gather3A_1632] : memref<8x640xf32, #tpu.memory_space<vmem>> -> memref<1x640xf32, #tpu.memory_space<vmem>>
      %gather3A_1634 = tpu.memref_squeeze %gather3A_1633 : memref<1x640xf32, #tpu.memory_space<vmem>> -> memref<640xf32, #tpu.memory_space<vmem>>
      %gather3A_1635 = tpu.vector_load_idx %gather3A_1634[%add3A_1631] : memref<640xf32, #tpu.memory_space<vmem>>[vector<16xi32>], vector<16xf32>,
      %sub3A_1636 = arith.subf %gather3A_1630, %gather3A_1635 : vector<16xf32>
      %abs3A_1637 = math.absf %sub3A_1636 : vector<16xf32>
      %min3A_1638 = arith.constant 1.000000e+00 : f32
      %min3A_1639 = vector.broadcast %min3A_1638 : f32 to vector<16xf32>
      %min3A_1640 = arith.minimumf %abs3A_1637, %min3A_1639 : vector<16xf32>
      %mul3A_1641 = arith.mulf %min3A_1640, %min3A_1640 : vector<16xf32>
      %add3A_1642 = arith.addf %add3A_1624, %mul3A_1641 : vector<16xf32>
      %max3A_1643 = arith.constant 1.000000e+00 : f32
      %max3A_1644 = vector.broadcast %max3A_1643 : f32 to vector<16xf32>
      %max3A_1645 = arith.maximumf %abs3A_1637, %max3A_1644 : vector<16xf32>
      %add3A_1646 = arith.addf %add3A_1628, %max3A_1645 : vector<16xf32>
      %gather3A_1647 = tpu.memref_slice %arg13[%mul3A_1384] : memref<20480xf32, #tpu.memory_space<vmem>> -> memref<16xf32, #tpu.memory_space<vmem>>
      %gather3A_1648 = tpu.vector_load_idx %gather3A_1647[%add3A_77] : memref<16xf32, #tpu.memory_space<vmem>>[vector<16xi32>], vector<16xf32>,
      %add3A_1649 = arith.addi %gather3A_1425, %add3A_119 : vector<16xi32>
      %gather3A_1650 = arith.constant 0 : i32
      %gather3A_1651 = tpu.memref_slice %arg22[%select_n3A_1424, %gather3A_1650] : memref<8x640xf32, #tpu.memory_space<vmem>> -> memref<1x640xf32, #tpu.memory_space<vmem>>
      %gather3A_1652 = tpu.memref_squeeze %gather3A_1651 : memref<1x640xf32, #tpu.memory_space<vmem>> -> memref<640xf32, #tpu.memory_space<vmem>>
      %gather3A_1653 = tpu.vector_load_idx %gather3A_1652[%add3A_1649] : memref<640xf32, #tpu.memory_space<vmem>>[vector<16xi32>], vector<16xf32>,
      %sub3A_1654 = arith.subf %gather3A_1648, %gather3A_1653 : vector<16xf32>
      %abs3A_1655 = math.absf %sub3A_1654 : vector<16xf32>
      %min3A_1656 = arith.constant 1.000000e+00 : f32
      %min3A_1657 = vector.broadcast %min3A_1656 : f32 to vector<16xf32>
      %min3A_1658 = arith.minimumf %abs3A_1655, %min3A_1657 : vector<16xf32>
      %mul3A_1659 = arith.mulf %min3A_1658, %min3A_1658 : vector<16xf32>
      %add3A_1660 = arith.addf %add3A_1642, %mul3A_1659 : vector<16xf32>
      %max3A_1661 = arith.constant 1.000000e+00 : f32
      %max3A_1662 = vector.broadcast %max3A_1661 : f32 to vector<16xf32>
      %max3A_1663 = arith.maximumf %abs3A_1655, %max3A_1662 : vector<16xf32>
      %add3A_1664 = arith.addf %add3A_1646, %max3A_1663 : vector<16xf32>
      %gather3A_1665 = tpu.memref_slice %arg13[%mul3A_1384] : memref<20480xf32, #tpu.memory_space<vmem>> -> memref<16xf32, #tpu.memory_space<vmem>>
      %gather3A_1666 = tpu.vector_load_idx %gather3A_1665[%add3A_80] : memref<16xf32, #tpu.memory_space<vmem>>[vector<16xi32>], vector<16xf32>,
      %add3A_1667 = arith.addi %gather3A_1425, %add3A_122 : vector<16xi32>
      %gather3A_1668 = arith.constant 0 : i32
      %gather3A_1669 = tpu.memref_slice %arg22[%select_n3A_1424, %gather3A_1668] : memref<8x640xf32, #tpu.memory_space<vmem>> -> memref<1x640xf32, #tpu.memory_space<vmem>>
      %gather3A_1670 = tpu.memref_squeeze %gather3A_1669 : memref<1x640xf32, #tpu.memory_space<vmem>> -> memref<640xf32, #tpu.memory_space<vmem>>
      %gather3A_1671 = tpu.vector_load_idx %gather3A_1670[%add3A_1667] : memref<640xf32, #tpu.memory_space<vmem>>[vector<16xi32>], vector<16xf32>,
      %sub3A_1672 = arith.subf %gather3A_1666, %gather3A_1671 : vector<16xf32>
      %abs3A_1673 = math.absf %sub3A_1672 : vector<16xf32>
      %min3A_1674 = arith.constant 1.000000e+00 : f32
      %min3A_1675 = vector.broadcast %min3A_1674 : f32 to vector<16xf32>
      %min3A_1676 = arith.minimumf %abs3A_1673, %min3A_1675 : vector<16xf32>
      %mul3A_1677 = arith.mulf %min3A_1676, %min3A_1676 : vector<16xf32>
      %add3A_1678 = arith.addf %add3A_1660, %mul3A_1677 : vector<16xf32>
      %max3A_1679 = arith.constant 1.000000e+00 : f32
      %max3A_1680 = vector.broadcast %max3A_1679 : f32 to vector<16xf32>
      %max3A_1681 = arith.maximumf %abs3A_1673, %max3A_1680 : vector<16xf32>
      %add3A_1682 = arith.addf %add3A_1664, %max3A_1681 : vector<16xf32>
      %gather3A_1683 = tpu.memref_slice %arg13[%mul3A_1384] : memref<20480xf32, #tpu.memory_space<vmem>> -> memref<16xf32, #tpu.memory_space<vmem>>
      %gather3A_1684 = tpu.vector_load_idx %gather3A_1683[%add3A_83] : memref<16xf32, #tpu.memory_space<vmem>>[vector<16xi32>], vector<16xf32>,
      %add3A_1685 = arith.addi %gather3A_1425, %add3A_125 : vector<16xi32>
      %gather3A_1686 = arith.constant 0 : i32
      %gather3A_1687 = tpu.memref_slice %arg22[%select_n3A_1424, %gather3A_1686] : memref<8x640xf32, #tpu.memory_space<vmem>> -> memref<1x640xf32, #tpu.memory_space<vmem>>
      %gather3A_1688 = tpu.memref_squeeze %gather3A_1687 : memref<1x640xf32, #tpu.memory_space<vmem>> -> memref<640xf32, #tpu.memory_space<vmem>>
      %gather3A_1689 = tpu.vector_load_idx %gather3A_1688[%add3A_1685] : memref<640xf32, #tpu.memory_space<vmem>>[vector<16xi32>], vector<16xf32>,
      %sub3A_1690 = arith.subf %gather3A_1684, %gather3A_1689 : vector<16xf32>
      %abs3A_1691 = math.absf %sub3A_1690 : vector<16xf32>
      %min3A_1692 = arith.constant 1.000000e+00 : f32
      %min3A_1693 = vector.broadcast %min3A_1692 : f32 to vector<16xf32>
      %min3A_1694 = arith.minimumf %abs3A_1691, %min3A_1693 : vector<16xf32>
      %mul3A_1695 = arith.mulf %min3A_1694, %min3A_1694 : vector<16xf32>
      %add3A_1696 = arith.addf %add3A_1678, %mul3A_1695 : vector<16xf32>
      %max3A_1697 = arith.constant 1.000000e+00 : f32
      %max3A_1698 = vector.broadcast %max3A_1697 : f32 to vector<16xf32>
      %max3A_1699 = arith.maximumf %abs3A_1691, %max3A_1698 : vector<16xf32>
      %add3A_1700 = arith.addf %add3A_1682, %max3A_1699 : vector<16xf32>
      %mul3A_1701 = arith.constant 5.000000e-01 : f32
      %mul3A_1702 = vector.broadcast %mul3A_1701 : f32 to vector<16xf32>
      %mul3A_1703 = arith.mulf %mul3A_1702, %add3A_1696 : vector<16xf32>
      %add3A_1704 = arith.addf %mul3A_1703, %add3A_1700 : vector<16xf32>
      %sub3A_1705 = arith.constant 1.000000e+01 : f32
      %sub3A_1706 = vector.broadcast %sub3A_1705 : f32 to vector<16xf32>
      %sub3A_1707 = arith.subf %add3A_1704, %sub3A_1706 : vector<16xf32>
      %mul3A_1708 = arith.mulf %sub3A_1707, %select_n3A_1434 : vector<16xf32>
      %add3A_1709 = arith.addf %scan3A_1381, %mul3A_1708 : vector<16xf32>
      %jit3A_1710 = arith.constant 64 : i32
      %div3A_1711 = arith.divsi %scan3A_1379, %jit3A_1710 : i32
      %sign3A_1712 = arith.constant 0 : i32
      %sign3A_1713 = arith.cmpi sgt, %scan3A_1379, %sign3A_1712 : i32
      %sign3A_1714 = arith.extui %sign3A_1713 : i1 to i32
      %sign3A_1715 = arith.constant 0 : i32
      %sign3A_1716 = arith.cmpi slt, %scan3A_1379, %sign3A_1715 : i32
      %sign3A_1717 = arith.extui %sign3A_1716 : i1 to i32
      %sign3A_1718 = arith.subi %sign3A_1714, %sign3A_1717 : i32
      %sign3A_1719 = arith.constant 0 : i32
      %sign3A_1720 = arith.cmpi sgt, %jit3A_1710, %sign3A_1719 : i32
      %sign3A_1721 = arith.extui %sign3A_1720 : i1 to i32
      %sign3A_1722 = arith.constant 0 : i32
      %sign3A_1723 = arith.cmpi slt, %jit3A_1710, %sign3A_1722 : i32
      %sign3A_1724 = arith.extui %sign3A_1723 : i1 to i32
      %sign3A_1725 = arith.subi %sign3A_1721, %sign3A_1724 : i32
      %ne3A_1726 = arith.cmpi ne, %sign3A_1718, %sign3A_1725 : i32
      %rem3A_1727 = arith.remsi %scan3A_1379, %jit3A_1710 : i32
      %ne3A_1728 = arith.constant 0 : i32
      %ne3A_1729 = arith.cmpi ne, %rem3A_1727, %ne3A_1728 : i32
      %and3A_1730 = arith.andi %ne3A_1726, %ne3A_1729 : i1
      %sub3A_1731 = arith.constant 1 : i32
      %sub3A_1732 = arith.subi %div3A_1711, %sub3A_1731 : i32
      %select_n3A_1733 = arith.select %and3A_1730, %sub3A_1732, %div3A_1711 : i32
      %mul3A_1734 = arith.constant 256 : i32
      %mul3A_1735 = arith.muli %select_n3A_1733, %mul3A_1734 : i32
      %jit3A_1736 = arith.constant 8 : i32
      %eq3A_1737 = arith.constant 0 : i32
      %eq3A_1738 = arith.cmpi eq, %jit3A_1736, %eq3A_1737 : i32
      %jit3A_1739 = arith.constant 1 : i32
      %select_n3A_1740 = arith.select %eq3A_1738, %jit3A_1739, %jit3A_1736 : i32
      %rem3A_1741 = arith.remsi %scan3A_1379, %select_n3A_1740 : i32
      %ne3A_1742 = arith.constant 0 : i32
      %ne3A_1743 = arith.cmpi ne, %rem3A_1741, %ne3A_1742 : i32
      %lt3A_1744 = arith.constant 0 : i32
      %lt3A_1745 = arith.cmpi slt, %rem3A_1741, %lt3A_1744 : i32
      %lt3A_1746 = arith.constant 0 : i32
      %lt3A_1747 = arith.cmpi slt, %select_n3A_1740, %lt3A_1746 : i32
      %ne3A_1748 = arith.xori %lt3A_1745, %lt3A_1747 : i1
      %and3A_1749 = arith.andi %ne3A_1748, %ne3A_1743 : i1
      %add3A_1750 = arith.addi %rem3A_1741, %select_n3A_1740 : i32
      %select_n3A_1751 = arith.select %and3A_1749, %add3A_1750, %rem3A_1741 : i32
      %mul3A_1752 = arith.constant 16 : i32
      %mul3A_1753 = arith.muli %select_n3A_1751, %mul3A_1752 : i32
      %add3A_1754 = arith.addi %mul3A_1735, %mul3A_1753 : i32
      %broadcast_in_dim3A_1755 = arith.constant 0.000000e+00 : f32
      %broadcast_in_dim3A_1756 = vector.broadcast %broadcast_in_dim3A_1755 : f32 to vector<16xf32>
      %broadcast_in_dim3A_1757 = arith.constant 0.000000e+00 : f32
      %broadcast_in_dim3A_1758 = vector.broadcast %broadcast_in_dim3A_1757 : f32 to vector<16xf32>
      %gather3A_1759 = tpu.memref_slice %arg15[%select_n3A_1424, %add3A_1754] : memref<8x512xf32, #tpu.memory_space<vmem>> -> memref<1x16xf32, #tpu.memory_space<vmem>>
      %gather3A_1760 = tpu.memref_squeeze %gather3A_1759 : memref<1x16xf32, #tpu.memory_space<vmem>> -> memref<16xf32, #tpu.memory_space<vmem>>
      %gather3A_1761 = tpu.vector_load_idx %gather3A_1760[%add3A_134] : memref<16xf32, #tpu.memory_space<vmem>>[vector<16xi32>], vector<16xf32>,
      %add3A_1762 = arith.addi %gather3A_1425, %add3A_128 : vector<16xi32>
      %gather3A_1763 = arith.constant 0 : i32
      %gather3A_1764 = tpu.memref_slice %arg23[%select_n3A_1424, %gather3A_1763] : memref<8x128xf32, #tpu.memory_space<vmem>> -> memref<1x128xf32, #tpu.memory_space<vmem>>
      %gather3A_1765 = tpu.memref_squeeze %gather3A_1764 : memref<1x128xf32, #tpu.memory_space<vmem>> -> memref<128xf32, #tpu.memory_space<vmem>>
      %gather3A_1766 = tpu.vector_load_idx %gather3A_1765[%add3A_1762] : memref<128xf32, #tpu.memory_space<vmem>>[vector<16xi32>], vector<16xf32>,
      %sub3A_1767 = arith.subf %gather3A_1761, %gather3A_1766 : vector<16xf32>
      %abs3A_1768 = math.absf %sub3A_1767 : vector<16xf32>
      %min3A_1769 = arith.constant 1.000000e+00 : f32
      %min3A_1770 = vector.broadcast %min3A_1769 : f32 to vector<16xf32>
      %min3A_1771 = arith.minimumf %abs3A_1768, %min3A_1770 : vector<16xf32>
      %mul3A_1772 = arith.mulf %min3A_1771, %min3A_1771 : vector<16xf32>
      %add3A_1773 = arith.addf %broadcast_in_dim3A_1756, %mul3A_1772 : vector<16xf32>
      %max3A_1774 = arith.constant 1.000000e+00 : f32
      %max3A_1775 = vector.broadcast %max3A_1774 : f32 to vector<16xf32>
      %max3A_1776 = arith.maximumf %abs3A_1768, %max3A_1775 : vector<16xf32>
      %add3A_1777 = arith.addf %broadcast_in_dim3A_1758, %max3A_1776 : vector<16xf32>
      %gather3A_1778 = tpu.memref_slice %arg15[%select_n3A_1424, %add3A_1754] : memref<8x512xf32, #tpu.memory_space<vmem>> -> memref<1x16xf32, #tpu.memory_space<vmem>>
      %gather3A_1779 = tpu.memref_squeeze %gather3A_1778 : memref<1x16xf32, #tpu.memory_space<vmem>> -> memref<16xf32, #tpu.memory_space<vmem>>
      %gather3A_1780 = tpu.vector_load_idx %gather3A_1779[%add3A_137] : memref<16xf32, #tpu.memory_space<vmem>>[vector<16xi32>], vector<16xf32>,
      %add3A_1781 = arith.addi %gather3A_1425, %add3A_131 : vector<16xi32>
      %gather3A_1782 = arith.constant 0 : i32
      %gather3A_1783 = tpu.memref_slice %arg23[%select_n3A_1424, %gather3A_1782] : memref<8x128xf32, #tpu.memory_space<vmem>> -> memref<1x128xf32, #tpu.memory_space<vmem>>
      %gather3A_1784 = tpu.memref_squeeze %gather3A_1783 : memref<1x128xf32, #tpu.memory_space<vmem>> -> memref<128xf32, #tpu.memory_space<vmem>>
      %gather3A_1785 = tpu.vector_load_idx %gather3A_1784[%add3A_1781] : memref<128xf32, #tpu.memory_space<vmem>>[vector<16xi32>], vector<16xf32>,
      %sub3A_1786 = arith.subf %gather3A_1780, %gather3A_1785 : vector<16xf32>
      %abs3A_1787 = math.absf %sub3A_1786 : vector<16xf32>
      %min3A_1788 = arith.constant 1.000000e+00 : f32
      %min3A_1789 = vector.broadcast %min3A_1788 : f32 to vector<16xf32>
      %min3A_1790 = arith.minimumf %abs3A_1787, %min3A_1789 : vector<16xf32>
      %mul3A_1791 = arith.mulf %min3A_1790, %min3A_1790 : vector<16xf32>
      %add3A_1792 = arith.addf %add3A_1773, %mul3A_1791 : vector<16xf32>
      %max3A_1793 = arith.constant 1.000000e+00 : f32
      %max3A_1794 = vector.broadcast %max3A_1793 : f32 to vector<16xf32>
      %max3A_1795 = arith.maximumf %abs3A_1787, %max3A_1794 : vector<16xf32>
      %add3A_1796 = arith.addf %add3A_1777, %max3A_1795 : vector<16xf32>
      %mul3A_1797 = arith.constant 5.000000e-01 : f32
      %mul3A_1798 = vector.broadcast %mul3A_1797 : f32 to vector<16xf32>
      %mul3A_1799 = arith.mulf %mul3A_1798, %add3A_1792 : vector<16xf32>
      %add3A_1800 = arith.addf %mul3A_1799, %add3A_1796 : vector<16xf32>
      %sub3A_1801 = arith.constant 2.000000e+00 : f32
      %sub3A_1802 = vector.broadcast %sub3A_1801 : f32 to vector<16xf32>
      %sub3A_1803 = arith.subf %add3A_1800, %sub3A_1802 : vector<16xf32>
      %mul3A_1804 = arith.mulf %sub3A_1803, %select_n3A_1434 : vector<16xf32>
      %add3A_1805 = arith.addf %scan3A_1382, %mul3A_1804 : vector<16xf32>
      scf.yield %add3A_1516, %add3A_1709, %add3A_1805 : vector<16xf32>, vector<16xf32>, vector<16xf32>
    }
    %scan3A_609 = arith.constant 128 : i32
    %dma_wait3A_610 = arith.constant 0 : i32
    %dma_wait3A_611 = arith.constant 0 : i32
    %dma_wait3A_612 = tpu.memref_slice %arg12[%dma_wait3A_611] : memref<8192xf32, #tpu.memory_space<vmem>> -> memref<2048xf32, #tpu.memory_space<vmem>>
    %dma_wait3A_613 = tpu.memref_slice %arg2[%dma_wait3A_610, %select_n3A, %add3A_440] : memref<5x2x131072xf32, #tpu.memory_space<hbm>> -> memref<1x1x2048xf32, #tpu.memory_space<hbm>>
    %dma_wait3A_614 = tpu.memref_squeeze %dma_wait3A_613 : memref<1x1x2048xf32, #tpu.memory_space<hbm>> -> memref<2048xf32, #tpu.memory_space<hbm>>
    %dma_wait3A_615 = arith.constant 0 : i32
    %dma_wait3A_616 = tpu.memref_slice %arg12[%dma_wait3A_615] : memref<8192xf32, #tpu.memory_space<vmem>> -> memref<2048xf32, #tpu.memory_space<vmem>>
    %dma_wait3A_617 = tpu.memref_slice %arg2[%dma_wait3A_610, %select_n3A, %add3A_440] : memref<5x2x131072xf32, #tpu.memory_space<hbm>> -> memref<1x1x2048xf32, #tpu.memory_space<hbm>>
    %dma_wait3A_618 = tpu.memref_squeeze %dma_wait3A_617 : memref<1x1x2048xf32, #tpu.memory_space<hbm>> -> memref<2048xf32, #tpu.memory_space<hbm>>
    tpu.wait_dma2 semaphore(%arg26 : memref<!tpu.dma_semaphore, #tpu.memory_space<semaphore_mem>>) src(%dma_wait3A_618 : memref<2048xf32, #tpu.memory_space<hbm>>) dst(%dma_wait3A_616 : memref<2048xf32, #tpu.memory_space<vmem>>)
    %dma_wait3A_619 = arith.constant 1 : i32
    %dma_wait3A_620 = arith.constant 2048 : i32
    %dma_wait3A_621 = tpu.memref_slice %arg12[%dma_wait3A_620] : memref<8192xf32, #tpu.memory_space<vmem>> -> memref<2048xf32, #tpu.memory_space<vmem>>
    %dma_wait3A_622 = tpu.memref_slice %arg2[%dma_wait3A_619, %select_n3A, %add3A_440] : memref<5x2x131072xf32, #tpu.memory_space<hbm>> -> memref<1x1x2048xf32, #tpu.memory_space<hbm>>
    %dma_wait3A_623 = tpu.memref_squeeze %dma_wait3A_622 : memref<1x1x2048xf32, #tpu.memory_space<hbm>> -> memref<2048xf32, #tpu.memory_space<hbm>>
    %dma_wait3A_624 = arith.constant 2048 : i32
    %dma_wait3A_625 = tpu.memref_slice %arg12[%dma_wait3A_624] : memref<8192xf32, #tpu.memory_space<vmem>> -> memref<2048xf32, #tpu.memory_space<vmem>>
    %dma_wait3A_626 = tpu.memref_slice %arg2[%dma_wait3A_619, %select_n3A, %add3A_440] : memref<5x2x131072xf32, #tpu.memory_space<hbm>> -> memref<1x1x2048xf32, #tpu.memory_space<hbm>>
    %dma_wait3A_627 = tpu.memref_squeeze %dma_wait3A_626 : memref<1x1x2048xf32, #tpu.memory_space<hbm>> -> memref<2048xf32, #tpu.memory_space<hbm>>
    tpu.wait_dma2 semaphore(%arg26 : memref<!tpu.dma_semaphore, #tpu.memory_space<semaphore_mem>>) src(%dma_wait3A_627 : memref<2048xf32, #tpu.memory_space<hbm>>) dst(%dma_wait3A_625 : memref<2048xf32, #tpu.memory_space<vmem>>)
    %dma_wait3A_628 = arith.constant 2 : i32
    %dma_wait3A_629 = arith.constant 4096 : i32
    %dma_wait3A_630 = tpu.memref_slice %arg12[%dma_wait3A_629] : memref<8192xf32, #tpu.memory_space<vmem>> -> memref<2048xf32, #tpu.memory_space<vmem>>
    %dma_wait3A_631 = tpu.memref_slice %arg2[%dma_wait3A_628, %select_n3A, %add3A_440] : memref<5x2x131072xf32, #tpu.memory_space<hbm>> -> memref<1x1x2048xf32, #tpu.memory_space<hbm>>
    %dma_wait3A_632 = tpu.memref_squeeze %dma_wait3A_631 : memref<1x1x2048xf32, #tpu.memory_space<hbm>> -> memref<2048xf32, #tpu.memory_space<hbm>>
    %dma_wait3A_633 = arith.constant 4096 : i32
    %dma_wait3A_634 = tpu.memref_slice %arg12[%dma_wait3A_633] : memref<8192xf32, #tpu.memory_space<vmem>> -> memref<2048xf32, #tpu.memory_space<vmem>>
    %dma_wait3A_635 = tpu.memref_slice %arg2[%dma_wait3A_628, %select_n3A, %add3A_440] : memref<5x2x131072xf32, #tpu.memory_space<hbm>> -> memref<1x1x2048xf32, #tpu.memory_space<hbm>>
    %dma_wait3A_636 = tpu.memref_squeeze %dma_wait3A_635 : memref<1x1x2048xf32, #tpu.memory_space<hbm>> -> memref<2048xf32, #tpu.memory_space<hbm>>
    tpu.wait_dma2 semaphore(%arg26 : memref<!tpu.dma_semaphore, #tpu.memory_space<semaphore_mem>>) src(%dma_wait3A_636 : memref<2048xf32, #tpu.memory_space<hbm>>) dst(%dma_wait3A_634 : memref<2048xf32, #tpu.memory_space<vmem>>)
    %dma_wait3A_637 = arith.constant 3 : i32
    %dma_wait3A_638 = arith.constant 6144 : i32
    %dma_wait3A_639 = tpu.memref_slice %arg12[%dma_wait3A_638] : memref<8192xf32, #tpu.memory_space<vmem>> -> memref<2048xf32, #tpu.memory_space<vmem>>
    %dma_wait3A_640 = tpu.memref_slice %arg2[%dma_wait3A_637, %select_n3A, %add3A_440] : memref<5x2x131072xf32, #tpu.memory_space<hbm>> -> memref<1x1x2048xf32, #tpu.memory_space<hbm>>
    %dma_wait3A_641 = tpu.memref_squeeze %dma_wait3A_640 : memref<1x1x2048xf32, #tpu.memory_space<hbm>> -> memref<2048xf32, #tpu.memory_space<hbm>>
    %dma_wait3A_642 = arith.constant 6144 : i32
    %dma_wait3A_643 = tpu.memref_slice %arg12[%dma_wait3A_642] : memref<8192xf32, #tpu.memory_space<vmem>> -> memref<2048xf32, #tpu.memory_space<vmem>>
    %dma_wait3A_644 = tpu.memref_slice %arg2[%dma_wait3A_637, %select_n3A, %add3A_440] : memref<5x2x131072xf32, #tpu.memory_space<hbm>> -> memref<1x1x2048xf32, #tpu.memory_space<hbm>>
    %dma_wait3A_645 = tpu.memref_squeeze %dma_wait3A_644 : memref<1x1x2048xf32, #tpu.memory_space<hbm>> -> memref<2048xf32, #tpu.memory_space<hbm>>
    tpu.wait_dma2 semaphore(%arg26 : memref<!tpu.dma_semaphore, #tpu.memory_space<semaphore_mem>>) src(%dma_wait3A_645 : memref<2048xf32, #tpu.memory_space<hbm>>) dst(%dma_wait3A_643 : memref<2048xf32, #tpu.memory_space<vmem>>)
    %dma_wait3A_646 = arith.constant 0 : i32
    %dma_wait3A_647 = arith.constant 0 : i32
    %dma_wait3A_648 = tpu.memref_slice %arg14[%dma_wait3A_647] : memref<20480xf32, #tpu.memory_space<vmem>> -> memref<2048xf32, #tpu.memory_space<vmem>>
    %dma_wait3A_649 = tpu.memref_slice %arg3[%dma_wait3A_646, %select_n3A, %add3A_440] : memref<10x2x131072xf32, #tpu.memory_space<hbm>> -> memref<1x1x2048xf32, #tpu.memory_space<hbm>>
    %dma_wait3A_650 = tpu.memref_squeeze %dma_wait3A_649 : memref<1x1x2048xf32, #tpu.memory_space<hbm>> -> memref<2048xf32, #tpu.memory_space<hbm>>
    %dma_wait3A_651 = arith.constant 0 : i32
    %dma_wait3A_652 = tpu.memref_slice %arg14[%dma_wait3A_651] : memref<20480xf32, #tpu.memory_space<vmem>> -> memref<2048xf32, #tpu.memory_space<vmem>>
    %dma_wait3A_653 = tpu.memref_slice %arg3[%dma_wait3A_646, %select_n3A, %add3A_440] : memref<10x2x131072xf32, #tpu.memory_space<hbm>> -> memref<1x1x2048xf32, #tpu.memory_space<hbm>>
    %dma_wait3A_654 = tpu.memref_squeeze %dma_wait3A_653 : memref<1x1x2048xf32, #tpu.memory_space<hbm>> -> memref<2048xf32, #tpu.memory_space<hbm>>
    tpu.wait_dma2 semaphore(%arg26 : memref<!tpu.dma_semaphore, #tpu.memory_space<semaphore_mem>>) src(%dma_wait3A_654 : memref<2048xf32, #tpu.memory_space<hbm>>) dst(%dma_wait3A_652 : memref<2048xf32, #tpu.memory_space<vmem>>)
    %dma_wait3A_655 = arith.constant 1 : i32
    %dma_wait3A_656 = arith.constant 2048 : i32
    %dma_wait3A_657 = tpu.memref_slice %arg14[%dma_wait3A_656] : memref<20480xf32, #tpu.memory_space<vmem>> -> memref<2048xf32, #tpu.memory_space<vmem>>
    %dma_wait3A_658 = tpu.memref_slice %arg3[%dma_wait3A_655, %select_n3A, %add3A_440] : memref<10x2x131072xf32, #tpu.memory_space<hbm>> -> memref<1x1x2048xf32, #tpu.memory_space<hbm>>
    %dma_wait3A_659 = tpu.memref_squeeze %dma_wait3A_658 : memref<1x1x2048xf32, #tpu.memory_space<hbm>> -> memref<2048xf32, #tpu.memory_space<hbm>>
    %dma_wait3A_660 = arith.constant 2048 : i32
    %dma_wait3A_661 = tpu.memref_slice %arg14[%dma_wait3A_660] : memref<20480xf32, #tpu.memory_space<vmem>> -> memref<2048xf32, #tpu.memory_space<vmem>>
    %dma_wait3A_662 = tpu.memref_slice %arg3[%dma_wait3A_655, %select_n3A, %add3A_440] : memref<10x2x131072xf32, #tpu.memory_space<hbm>> -> memref<1x1x2048xf32, #tpu.memory_space<hbm>>
    %dma_wait3A_663 = tpu.memref_squeeze %dma_wait3A_662 : memref<1x1x2048xf32, #tpu.memory_space<hbm>> -> memref<2048xf32, #tpu.memory_space<hbm>>
    tpu.wait_dma2 semaphore(%arg26 : memref<!tpu.dma_semaphore, #tpu.memory_space<semaphore_mem>>) src(%dma_wait3A_663 : memref<2048xf32, #tpu.memory_space<hbm>>) dst(%dma_wait3A_661 : memref<2048xf32, #tpu.memory_space<vmem>>)
    %dma_wait3A_664 = arith.constant 2 : i32
    %dma_wait3A_665 = arith.constant 4096 : i32
    %dma_wait3A_666 = tpu.memref_slice %arg14[%dma_wait3A_665] : memref<20480xf32, #tpu.memory_space<vmem>> -> memref<2048xf32, #tpu.memory_space<vmem>>
    %dma_wait3A_667 = tpu.memref_slice %arg3[%dma_wait3A_664, %select_n3A, %add3A_440] : memref<10x2x131072xf32, #tpu.memory_space<hbm>> -> memref<1x1x2048xf32, #tpu.memory_space<hbm>>
    %dma_wait3A_668 = tpu.memref_squeeze %dma_wait3A_667 : memref<1x1x2048xf32, #tpu.memory_space<hbm>> -> memref<2048xf32, #tpu.memory_space<hbm>>
    %dma_wait3A_669 = arith.constant 4096 : i32
    %dma_wait3A_670 = tpu.memref_slice %arg14[%dma_wait3A_669] : memref<20480xf32, #tpu.memory_space<vmem>> -> memref<2048xf32, #tpu.memory_space<vmem>>
    %dma_wait3A_671 = tpu.memref_slice %arg3[%dma_wait3A_664, %select_n3A, %add3A_440] : memref<10x2x131072xf32, #tpu.memory_space<hbm>> -> memref<1x1x2048xf32, #tpu.memory_space<hbm>>
    %dma_wait3A_672 = tpu.memref_squeeze %dma_wait3A_671 : memref<1x1x2048xf32, #tpu.memory_space<hbm>> -> memref<2048xf32, #tpu.memory_space<hbm>>
    tpu.wait_dma2 semaphore(%arg26 : memref<!tpu.dma_semaphore, #tpu.memory_space<semaphore_mem>>) src(%dma_wait3A_672 : memref<2048xf32, #tpu.memory_space<hbm>>) dst(%dma_wait3A_670 : memref<2048xf32, #tpu.memory_space<vmem>>)
    %dma_wait3A_673 = arith.constant 3 : i32
    %dma_wait3A_674 = arith.constant 6144 : i32
    %dma_wait3A_675 = tpu.memref_slice %arg14[%dma_wait3A_674] : memref<20480xf32, #tpu.memory_space<vmem>> -> memref<2048xf32, #tpu.memory_space<vmem>>
    %dma_wait3A_676 = tpu.memref_slice %arg3[%dma_wait3A_673, %select_n3A, %add3A_440] : memref<10x2x131072xf32, #tpu.memory_space<hbm>> -> memref<1x1x2048xf32, #tpu.memory_space<hbm>>
    %dma_wait3A_677 = tpu.memref_squeeze %dma_wait3A_676 : memref<1x1x2048xf32, #tpu.memory_space<hbm>> -> memref<2048xf32, #tpu.memory_space<hbm>>
    %dma_wait3A_678 = arith.constant 6144 : i32
    %dma_wait3A_679 = tpu.memref_slice %arg14[%dma_wait3A_678] : memref<20480xf32, #tpu.memory_space<vmem>> -> memref<2048xf32, #tpu.memory_space<vmem>>
    %dma_wait3A_680 = tpu.memref_slice %arg3[%dma_wait3A_673, %select_n3A, %add3A_440] : memref<10x2x131072xf32, #tpu.memory_space<hbm>> -> memref<1x1x2048xf32, #tpu.memory_space<hbm>>
    %dma_wait3A_681 = tpu.memref_squeeze %dma_wait3A_680 : memref<1x1x2048xf32, #tpu.memory_space<hbm>> -> memref<2048xf32, #tpu.memory_space<hbm>>
    tpu.wait_dma2 semaphore(%arg26 : memref<!tpu.dma_semaphore, #tpu.memory_space<semaphore_mem>>) src(%dma_wait3A_681 : memref<2048xf32, #tpu.memory_space<hbm>>) dst(%dma_wait3A_679 : memref<2048xf32, #tpu.memory_space<vmem>>)
    %dma_wait3A_682 = arith.constant 4 : i32
    %dma_wait3A_683 = arith.constant 8192 : i32
    %dma_wait3A_684 = tpu.memref_slice %arg14[%dma_wait3A_683] : memref<20480xf32, #tpu.memory_space<vmem>> -> memref<2048xf32, #tpu.memory_space<vmem>>
    %dma_wait3A_685 = tpu.memref_slice %arg3[%dma_wait3A_682, %select_n3A, %add3A_440] : memref<10x2x131072xf32, #tpu.memory_space<hbm>> -> memref<1x1x2048xf32, #tpu.memory_space<hbm>>
    %dma_wait3A_686 = tpu.memref_squeeze %dma_wait3A_685 : memref<1x1x2048xf32, #tpu.memory_space<hbm>> -> memref<2048xf32, #tpu.memory_space<hbm>>
    %dma_wait3A_687 = arith.constant 8192 : i32
    %dma_wait3A_688 = tpu.memref_slice %arg14[%dma_wait3A_687] : memref<20480xf32, #tpu.memory_space<vmem>> -> memref<2048xf32, #tpu.memory_space<vmem>>
    %dma_wait3A_689 = tpu.memref_slice %arg3[%dma_wait3A_682, %select_n3A, %add3A_440] : memref<10x2x131072xf32, #tpu.memory_space<hbm>> -> memref<1x1x2048xf32, #tpu.memory_space<hbm>>
    %dma_wait3A_690 = tpu.memref_squeeze %dma_wait3A_689 : memref<1x1x2048xf32, #tpu.memory_space<hbm>> -> memref<2048xf32, #tpu.memory_space<hbm>>
    tpu.wait_dma2 semaphore(%arg26 : memref<!tpu.dma_semaphore, #tpu.memory_space<semaphore_mem>>) src(%dma_wait3A_690 : memref<2048xf32, #tpu.memory_space<hbm>>) dst(%dma_wait3A_688 : memref<2048xf32, #tpu.memory_space<vmem>>)
    %dma_wait3A_691 = arith.constant 5 : i32
    %dma_wait3A_692 = arith.constant 10240 : i32
    %dma_wait3A_693 = tpu.memref_slice %arg14[%dma_wait3A_692] : memref<20480xf32, #tpu.memory_space<vmem>> -> memref<2048xf32, #tpu.memory_space<vmem>>
    %dma_wait3A_694 = tpu.memref_slice %arg3[%dma_wait3A_691, %select_n3A, %add3A_440] : memref<10x2x131072xf32, #tpu.memory_space<hbm>> -> memref<1x1x2048xf32, #tpu.memory_space<hbm>>
    %dma_wait3A_695 = tpu.memref_squeeze %dma_wait3A_694 : memref<1x1x2048xf32, #tpu.memory_space<hbm>> -> memref<2048xf32, #tpu.memory_space<hbm>>
    %dma_wait3A_696 = arith.constant 10240 : i32
    %dma_wait3A_697 = tpu.memref_slice %arg14[%dma_wait3A_696] : memref<20480xf32, #tpu.memory_space<vmem>> -> memref<2048xf32, #tpu.memory_space<vmem>>
    %dma_wait3A_698 = tpu.memref_slice %arg3[%dma_wait3A_691, %select_n3A, %add3A_440] : memref<10x2x131072xf32, #tpu.memory_space<hbm>> -> memref<1x1x2048xf32, #tpu.memory_space<hbm>>
    %dma_wait3A_699 = tpu.memref_squeeze %dma_wait3A_698 : memref<1x1x2048xf32, #tpu.memory_space<hbm>> -> memref<2048xf32, #tpu.memory_space<hbm>>
    tpu.wait_dma2 semaphore(%arg26 : memref<!tpu.dma_semaphore, #tpu.memory_space<semaphore_mem>>) src(%dma_wait3A_699 : memref<2048xf32, #tpu.memory_space<hbm>>) dst(%dma_wait3A_697 : memref<2048xf32, #tpu.memory_space<vmem>>)
    %dma_wait3A_700 = arith.constant 6 : i32
    %dma_wait3A_701 = arith.constant 12288 : i32
    %dma_wait3A_702 = tpu.memref_slice %arg14[%dma_wait3A_701] : memref<20480xf32, #tpu.memory_space<vmem>> -> memref<2048xf32, #tpu.memory_space<vmem>>
    %dma_wait3A_703 = tpu.memref_slice %arg3[%dma_wait3A_700, %select_n3A, %add3A_440] : memref<10x2x131072xf32, #tpu.memory_space<hbm>> -> memref<1x1x2048xf32, #tpu.memory_space<hbm>>
    %dma_wait3A_704 = tpu.memref_squeeze %dma_wait3A_703 : memref<1x1x2048xf32, #tpu.memory_space<hbm>> -> memref<2048xf32, #tpu.memory_space<hbm>>
    %dma_wait3A_705 = arith.constant 12288 : i32
    %dma_wait3A_706 = tpu.memref_slice %arg14[%dma_wait3A_705] : memref<20480xf32, #tpu.memory_space<vmem>> -> memref<2048xf32, #tpu.memory_space<vmem>>
    %dma_wait3A_707 = tpu.memref_slice %arg3[%dma_wait3A_700, %select_n3A, %add3A_440] : memref<10x2x131072xf32, #tpu.memory_space<hbm>> -> memref<1x1x2048xf32, #tpu.memory_space<hbm>>
    %dma_wait3A_708 = tpu.memref_squeeze %dma_wait3A_707 : memref<1x1x2048xf32, #tpu.memory_space<hbm>> -> memref<2048xf32, #tpu.memory_space<hbm>>
    tpu.wait_dma2 semaphore(%arg26 : memref<!tpu.dma_semaphore, #tpu.memory_space<semaphore_mem>>) src(%dma_wait3A_708 : memref<2048xf32, #tpu.memory_space<hbm>>) dst(%dma_wait3A_706 : memref<2048xf32, #tpu.memory_space<vmem>>)
    %dma_wait3A_709 = arith.constant 7 : i32
    %dma_wait3A_710 = arith.constant 14336 : i32
    %dma_wait3A_711 = tpu.memref_slice %arg14[%dma_wait3A_710] : memref<20480xf32, #tpu.memory_space<vmem>> -> memref<2048xf32, #tpu.memory_space<vmem>>
    %dma_wait3A_712 = tpu.memref_slice %arg3[%dma_wait3A_709, %select_n3A, %add3A_440] : memref<10x2x131072xf32, #tpu.memory_space<hbm>> -> memref<1x1x2048xf32, #tpu.memory_space<hbm>>
    %dma_wait3A_713 = tpu.memref_squeeze %dma_wait3A_712 : memref<1x1x2048xf32, #tpu.memory_space<hbm>> -> memref<2048xf32, #tpu.memory_space<hbm>>
    %dma_wait3A_714 = arith.constant 14336 : i32
    %dma_wait3A_715 = tpu.memref_slice %arg14[%dma_wait3A_714] : memref<20480xf32, #tpu.memory_space<vmem>> -> memref<2048xf32, #tpu.memory_space<vmem>>
    %dma_wait3A_716 = tpu.memref_slice %arg3[%dma_wait3A_709, %select_n3A, %add3A_440] : memref<10x2x131072xf32, #tpu.memory_space<hbm>> -> memref<1x1x2048xf32, #tpu.memory_space<hbm>>
    %dma_wait3A_717 = tpu.memref_squeeze %dma_wait3A_716 : memref<1x1x2048xf32, #tpu.memory_space<hbm>> -> memref<2048xf32, #tpu.memory_space<hbm>>
    tpu.wait_dma2 semaphore(%arg26 : memref<!tpu.dma_semaphore, #tpu.memory_space<semaphore_mem>>) src(%dma_wait3A_717 : memref<2048xf32, #tpu.memory_space<hbm>>) dst(%dma_wait3A_715 : memref<2048xf32, #tpu.memory_space<vmem>>)
    %dma_wait3A_718 = arith.constant 8 : i32
    %dma_wait3A_719 = arith.constant 16384 : i32
    %dma_wait3A_720 = tpu.memref_slice %arg14[%dma_wait3A_719] : memref<20480xf32, #tpu.memory_space<vmem>> -> memref<2048xf32, #tpu.memory_space<vmem>>
    %dma_wait3A_721 = tpu.memref_slice %arg3[%dma_wait3A_718, %select_n3A, %add3A_440] : memref<10x2x131072xf32, #tpu.memory_space<hbm>> -> memref<1x1x2048xf32, #tpu.memory_space<hbm>>
    %dma_wait3A_722 = tpu.memref_squeeze %dma_wait3A_721 : memref<1x1x2048xf32, #tpu.memory_space<hbm>> -> memref<2048xf32, #tpu.memory_space<hbm>>
    %dma_wait3A_723 = arith.constant 16384 : i32
    %dma_wait3A_724 = tpu.memref_slice %arg14[%dma_wait3A_723] : memref<20480xf32, #tpu.memory_space<vmem>> -> memref<2048xf32, #tpu.memory_space<vmem>>
    %dma_wait3A_725 = tpu.memref_slice %arg3[%dma_wait3A_718, %select_n3A, %add3A_440] : memref<10x2x131072xf32, #tpu.memory_space<hbm>> -> memref<1x1x2048xf32, #tpu.memory_space<hbm>>
    %dma_wait3A_726 = tpu.memref_squeeze %dma_wait3A_725 : memref<1x1x2048xf32, #tpu.memory_space<hbm>> -> memref<2048xf32, #tpu.memory_space<hbm>>
    tpu.wait_dma2 semaphore(%arg26 : memref<!tpu.dma_semaphore, #tpu.memory_space<semaphore_mem>>) src(%dma_wait3A_726 : memref<2048xf32, #tpu.memory_space<hbm>>) dst(%dma_wait3A_724 : memref<2048xf32, #tpu.memory_space<vmem>>)
    %dma_wait3A_727 = arith.constant 9 : i32
    %dma_wait3A_728 = arith.constant 18432 : i32
    %dma_wait3A_729 = tpu.memref_slice %arg14[%dma_wait3A_728] : memref<20480xf32, #tpu.memory_space<vmem>> -> memref<2048xf32, #tpu.memory_space<vmem>>
    %dma_wait3A_730 = tpu.memref_slice %arg3[%dma_wait3A_727, %select_n3A, %add3A_440] : memref<10x2x131072xf32, #tpu.memory_space<hbm>> -> memref<1x1x2048xf32, #tpu.memory_space<hbm>>
    %dma_wait3A_731 = tpu.memref_squeeze %dma_wait3A_730 : memref<1x1x2048xf32, #tpu.memory_space<hbm>> -> memref<2048xf32, #tpu.memory_space<hbm>>
    %dma_wait3A_732 = arith.constant 18432 : i32
    %dma_wait3A_733 = tpu.memref_slice %arg14[%dma_wait3A_732] : memref<20480xf32, #tpu.memory_space<vmem>> -> memref<2048xf32, #tpu.memory_space<vmem>>
    %dma_wait3A_734 = tpu.memref_slice %arg3[%dma_wait3A_727, %select_n3A, %add3A_440] : memref<10x2x131072xf32, #tpu.memory_space<hbm>> -> memref<1x1x2048xf32, #tpu.memory_space<hbm>>
    %dma_wait3A_735 = tpu.memref_squeeze %dma_wait3A_734 : memref<1x1x2048xf32, #tpu.memory_space<hbm>> -> memref<2048xf32, #tpu.memory_space<hbm>>
    tpu.wait_dma2 semaphore(%arg26 : memref<!tpu.dma_semaphore, #tpu.memory_space<semaphore_mem>>) src(%dma_wait3A_735 : memref<2048xf32, #tpu.memory_space<hbm>>) dst(%dma_wait3A_733 : memref<2048xf32, #tpu.memory_space<vmem>>)
    %dma_wait3A_736 = tpu.memref_slice %arg4[%mul3A_594, %mul3A_466] : memref<16x32768xf32, #tpu.memory_space<hbm>> -> memref<8x512xf32, #tpu.memory_space<hbm>>
    %dma_wait3A_737 = tpu.memref_slice %arg4[%mul3A_594, %mul3A_466] : memref<16x32768xf32, #tpu.memory_space<hbm>> -> memref<8x512xf32, #tpu.memory_space<hbm>>
    tpu.wait_dma2 semaphore(%arg26 : memref<!tpu.dma_semaphore, #tpu.memory_space<semaphore_mem>>) src(%dma_wait3A_737 : memref<8x512xf32, #tpu.memory_space<hbm>>) dst(%arg16 : memref<8x512xf32, #tpu.memory_space<vmem>>)
    %dma_wait3A_738 = tpu.memref_slice %arg8[%select_n3A, %add3A_440] : memref<2x131072xi32, #tpu.memory_space<hbm>> -> memref<1x2048xi32, #tpu.memory_space<hbm>>
    %dma_wait3A_739 = tpu.memref_squeeze %dma_wait3A_738 : memref<1x2048xi32, #tpu.memory_space<hbm>> -> memref<2048xi32, #tpu.memory_space<hbm>>
    %dma_wait3A_740 = tpu.memref_slice %arg8[%select_n3A, %add3A_440] : memref<2x131072xi32, #tpu.memory_space<hbm>> -> memref<1x2048xi32, #tpu.memory_space<hbm>>
    %dma_wait3A_741 = tpu.memref_squeeze %dma_wait3A_740 : memref<1x2048xi32, #tpu.memory_space<hbm>> -> memref<2048xi32, #tpu.memory_space<hbm>>
    tpu.wait_dma2 semaphore(%arg26 : memref<!tpu.dma_semaphore, #tpu.memory_space<semaphore_mem>>) src(%dma_wait3A_741 : memref<2048xi32, #tpu.memory_space<hbm>>) dst(%arg18 : memref<2048xi32, #tpu.memory_space<vmem>>)
    %dma_wait3A_742 = tpu.memref_slice %arg9[%select_n3A, %add3A_440] : memref<2x131072xf32, #tpu.memory_space<hbm>> -> memref<1x2048xf32, #tpu.memory_space<hbm>>
    %dma_wait3A_743 = tpu.memref_squeeze %dma_wait3A_742 : memref<1x2048xf32, #tpu.memory_space<hbm>> -> memref<2048xf32, #tpu.memory_space<hbm>>
    %dma_wait3A_744 = tpu.memref_slice %arg9[%select_n3A, %add3A_440] : memref<2x131072xf32, #tpu.memory_space<hbm>> -> memref<1x2048xf32, #tpu.memory_space<hbm>>
    %dma_wait3A_745 = tpu.memref_squeeze %dma_wait3A_744 : memref<1x2048xf32, #tpu.memory_space<hbm>> -> memref<2048xf32, #tpu.memory_space<hbm>>
    tpu.wait_dma2 semaphore(%arg26 : memref<!tpu.dma_semaphore, #tpu.memory_space<semaphore_mem>>) src(%dma_wait3A_745 : memref<2048xf32, #tpu.memory_space<hbm>>) dst(%arg20 : memref<2048xf32, #tpu.memory_space<vmem>>)
    %add3A_746 = arith.constant 4096 : i32
    %add3A_747 = arith.addi %mul3A_32, %add3A_746 : i32
    %jit3A_748 = arith.constant 1024 : i32
    %div3A_749 = arith.divsi %add3A_747, %jit3A_748 : i32
    %sign3A_750 = arith.constant 0 : i32
    %sign3A_751 = arith.cmpi sgt, %add3A_747, %sign3A_750 : i32
    %sign3A_752 = arith.extui %sign3A_751 : i1 to i32
    %sign3A_753 = arith.constant 0 : i32
    %sign3A_754 = arith.cmpi slt, %add3A_747, %sign3A_753 : i32
    %sign3A_755 = arith.extui %sign3A_754 : i1 to i32
    %sign3A_756 = arith.subi %sign3A_752, %sign3A_755 : i32
    %sign3A_757 = arith.constant 0 : i32
    %sign3A_758 = arith.cmpi sgt, %jit3A_748, %sign3A_757 : i32
    %sign3A_759 = arith.extui %sign3A_758 : i1 to i32
    %sign3A_760 = arith.constant 0 : i32
    %sign3A_761 = arith.cmpi slt, %jit3A_748, %sign3A_760 : i32
    %sign3A_762 = arith.extui %sign3A_761 : i1 to i32
    %sign3A_763 = arith.subi %sign3A_759, %sign3A_762 : i32
    %ne3A_764 = arith.cmpi ne, %sign3A_756, %sign3A_763 : i32
    %rem3A_765 = arith.remsi %add3A_747, %jit3A_748 : i32
    %ne3A_766 = arith.constant 0 : i32
    %ne3A_767 = arith.cmpi ne, %rem3A_765, %ne3A_766 : i32
    %and3A_768 = arith.andi %ne3A_764, %ne3A_767 : i1
    %sub3A_769 = arith.constant 1 : i32
    %sub3A_770 = arith.subi %div3A_749, %sub3A_769 : i32
    %select_n3A_771 = arith.select %and3A_768, %sub3A_770, %div3A_749 : i32
    %mul3A_772 = arith.constant 256 : i32
    %mul3A_773 = arith.muli %select_n3A_771, %mul3A_772 : i32
    %dma_start3A_774 = arith.constant 0 : i32
    %dma_start3A_775 = arith.constant 0 : i32
    %dma_start3A_776 = tpu.memref_slice %arg11[%dma_start3A_775] : memref<8192xf32, #tpu.memory_space<vmem>> -> memref<2048xf32, #tpu.memory_space<vmem>>
    %dma_start3A_777 = tpu.memref_slice %arg2[%dma_start3A_774, %select_n3A, %add3A_747] : memref<5x2x131072xf32, #tpu.memory_space<hbm>> -> memref<1x1x2048xf32, #tpu.memory_space<hbm>>
    %dma_start3A_778 = tpu.memref_squeeze %dma_start3A_777 : memref<1x1x2048xf32, #tpu.memory_space<hbm>> -> memref<2048xf32, #tpu.memory_space<hbm>>
    %dma_start3A_779 = arith.constant 0 : i32
    %dma_start3A_780 = tpu.memref_slice %arg11[%dma_start3A_779] : memref<8192xf32, #tpu.memory_space<vmem>> -> memref<2048xf32, #tpu.memory_space<vmem>>
    %dma_start3A_781 = tpu.memref_slice %arg2[%dma_start3A_774, %select_n3A, %add3A_747] : memref<5x2x131072xf32, #tpu.memory_space<hbm>> -> memref<1x1x2048xf32, #tpu.memory_space<hbm>>
    %dma_start3A_782 = tpu.memref_squeeze %dma_start3A_781 : memref<1x1x2048xf32, #tpu.memory_space<hbm>> -> memref<2048xf32, #tpu.memory_space<hbm>>
    tpu.enqueue_dma source(%dma_start3A_782 : memref<2048xf32, #tpu.memory_space<hbm>>) target(%dma_start3A_780 : memref<2048xf32, #tpu.memory_space<vmem>>) target_semaphore(%arg25 : memref<!tpu.dma_semaphore, #tpu.memory_space<semaphore_mem>>)
    %dma_start3A_783 = arith.constant 1 : i32
    %dma_start3A_784 = arith.constant 2048 : i32
    %dma_start3A_785 = tpu.memref_slice %arg11[%dma_start3A_784] : memref<8192xf32, #tpu.memory_space<vmem>> -> memref<2048xf32, #tpu.memory_space<vmem>>
    %dma_start3A_786 = tpu.memref_slice %arg2[%dma_start3A_783, %select_n3A, %add3A_747] : memref<5x2x131072xf32, #tpu.memory_space<hbm>> -> memref<1x1x2048xf32, #tpu.memory_space<hbm>>
    %dma_start3A_787 = tpu.memref_squeeze %dma_start3A_786 : memref<1x1x2048xf32, #tpu.memory_space<hbm>> -> memref<2048xf32, #tpu.memory_space<hbm>>
    %dma_start3A_788 = arith.constant 2048 : i32
    %dma_start3A_789 = tpu.memref_slice %arg11[%dma_start3A_788] : memref<8192xf32, #tpu.memory_space<vmem>> -> memref<2048xf32, #tpu.memory_space<vmem>>
    %dma_start3A_790 = tpu.memref_slice %arg2[%dma_start3A_783, %select_n3A, %add3A_747] : memref<5x2x131072xf32, #tpu.memory_space<hbm>> -> memref<1x1x2048xf32, #tpu.memory_space<hbm>>
    %dma_start3A_791 = tpu.memref_squeeze %dma_start3A_790 : memref<1x1x2048xf32, #tpu.memory_space<hbm>> -> memref<2048xf32, #tpu.memory_space<hbm>>
    tpu.enqueue_dma source(%dma_start3A_791 : memref<2048xf32, #tpu.memory_space<hbm>>) target(%dma_start3A_789 : memref<2048xf32, #tpu.memory_space<vmem>>) target_semaphore(%arg25 : memref<!tpu.dma_semaphore, #tpu.memory_space<semaphore_mem>>)
    %dma_start3A_792 = arith.constant 2 : i32
    %dma_start3A_793 = arith.constant 4096 : i32
    %dma_start3A_794 = tpu.memref_slice %arg11[%dma_start3A_793] : memref<8192xf32, #tpu.memory_space<vmem>> -> memref<2048xf32, #tpu.memory_space<vmem>>
    %dma_start3A_795 = tpu.memref_slice %arg2[%dma_start3A_792, %select_n3A, %add3A_747] : memref<5x2x131072xf32, #tpu.memory_space<hbm>> -> memref<1x1x2048xf32, #tpu.memory_space<hbm>>
    %dma_start3A_796 = tpu.memref_squeeze %dma_start3A_795 : memref<1x1x2048xf32, #tpu.memory_space<hbm>> -> memref<2048xf32, #tpu.memory_space<hbm>>
    %dma_start3A_797 = arith.constant 4096 : i32
    %dma_start3A_798 = tpu.memref_slice %arg11[%dma_start3A_797] : memref<8192xf32, #tpu.memory_space<vmem>> -> memref<2048xf32, #tpu.memory_space<vmem>>
    %dma_start3A_799 = tpu.memref_slice %arg2[%dma_start3A_792, %select_n3A, %add3A_747] : memref<5x2x131072xf32, #tpu.memory_space<hbm>> -> memref<1x1x2048xf32, #tpu.memory_space<hbm>>
    %dma_start3A_800 = tpu.memref_squeeze %dma_start3A_799 : memref<1x1x2048xf32, #tpu.memory_space<hbm>> -> memref<2048xf32, #tpu.memory_space<hbm>>
    tpu.enqueue_dma source(%dma_start3A_800 : memref<2048xf32, #tpu.memory_space<hbm>>) target(%dma_start3A_798 : memref<2048xf32, #tpu.memory_space<vmem>>) target_semaphore(%arg25 : memref<!tpu.dma_semaphore, #tpu.memory_space<semaphore_mem>>)
    %dma_start3A_801 = arith.constant 3 : i32
    %dma_start3A_802 = arith.constant 6144 : i32
    %dma_start3A_803 = tpu.memref_slice %arg11[%dma_start3A_802] : memref<8192xf32, #tpu.memory_space<vmem>> -> memref<2048xf32, #tpu.memory_space<vmem>>
    %dma_start3A_804 = tpu.memref_slice %arg2[%dma_start3A_801, %select_n3A, %add3A_747] : memref<5x2x131072xf32, #tpu.memory_space<hbm>> -> memref<1x1x2048xf32, #tpu.memory_space<hbm>>
    %dma_start3A_805 = tpu.memref_squeeze %dma_start3A_804 : memref<1x1x2048xf32, #tpu.memory_space<hbm>> -> memref<2048xf32, #tpu.memory_space<hbm>>
    %dma_start3A_806 = arith.constant 6144 : i32
    %dma_start3A_807 = tpu.memref_slice %arg11[%dma_start3A_806] : memref<8192xf32, #tpu.memory_space<vmem>> -> memref<2048xf32, #tpu.memory_space<vmem>>
    %dma_start3A_808 = tpu.memref_slice %arg2[%dma_start3A_801, %select_n3A, %add3A_747] : memref<5x2x131072xf32, #tpu.memory_space<hbm>> -> memref<1x1x2048xf32, #tpu.memory_space<hbm>>
    %dma_start3A_809 = tpu.memref_squeeze %dma_start3A_808 : memref<1x1x2048xf32, #tpu.memory_space<hbm>> -> memref<2048xf32, #tpu.memory_space<hbm>>
    tpu.enqueue_dma source(%dma_start3A_809 : memref<2048xf32, #tpu.memory_space<hbm>>) target(%dma_start3A_807 : memref<2048xf32, #tpu.memory_space<vmem>>) target_semaphore(%arg25 : memref<!tpu.dma_semaphore, #tpu.memory_space<semaphore_mem>>)
    %dma_start3A_810 = arith.constant 0 : i32
    %dma_start3A_811 = arith.constant 0 : i32
    %dma_start3A_812 = tpu.memref_slice %arg13[%dma_start3A_811] : memref<20480xf32, #tpu.memory_space<vmem>> -> memref<2048xf32, #tpu.memory_space<vmem>>
    %dma_start3A_813 = tpu.memref_slice %arg3[%dma_start3A_810, %select_n3A, %add3A_747] : memref<10x2x131072xf32, #tpu.memory_space<hbm>> -> memref<1x1x2048xf32, #tpu.memory_space<hbm>>
    %dma_start3A_814 = tpu.memref_squeeze %dma_start3A_813 : memref<1x1x2048xf32, #tpu.memory_space<hbm>> -> memref<2048xf32, #tpu.memory_space<hbm>>
    %dma_start3A_815 = arith.constant 0 : i32
    %dma_start3A_816 = tpu.memref_slice %arg13[%dma_start3A_815] : memref<20480xf32, #tpu.memory_space<vmem>> -> memref<2048xf32, #tpu.memory_space<vmem>>
    %dma_start3A_817 = tpu.memref_slice %arg3[%dma_start3A_810, %select_n3A, %add3A_747] : memref<10x2x131072xf32, #tpu.memory_space<hbm>> -> memref<1x1x2048xf32, #tpu.memory_space<hbm>>
    %dma_start3A_818 = tpu.memref_squeeze %dma_start3A_817 : memref<1x1x2048xf32, #tpu.memory_space<hbm>> -> memref<2048xf32, #tpu.memory_space<hbm>>
    tpu.enqueue_dma source(%dma_start3A_818 : memref<2048xf32, #tpu.memory_space<hbm>>) target(%dma_start3A_816 : memref<2048xf32, #tpu.memory_space<vmem>>) target_semaphore(%arg25 : memref<!tpu.dma_semaphore, #tpu.memory_space<semaphore_mem>>)
    %dma_start3A_819 = arith.constant 1 : i32
    %dma_start3A_820 = arith.constant 2048 : i32
    %dma_start3A_821 = tpu.memref_slice %arg13[%dma_start3A_820] : memref<20480xf32, #tpu.memory_space<vmem>> -> memref<2048xf32, #tpu.memory_space<vmem>>
    %dma_start3A_822 = tpu.memref_slice %arg3[%dma_start3A_819, %select_n3A, %add3A_747] : memref<10x2x131072xf32, #tpu.memory_space<hbm>> -> memref<1x1x2048xf32, #tpu.memory_space<hbm>>
    %dma_start3A_823 = tpu.memref_squeeze %dma_start3A_822 : memref<1x1x2048xf32, #tpu.memory_space<hbm>> -> memref<2048xf32, #tpu.memory_space<hbm>>
    %dma_start3A_824 = arith.constant 2048 : i32
    %dma_start3A_825 = tpu.memref_slice %arg13[%dma_start3A_824] : memref<20480xf32, #tpu.memory_space<vmem>> -> memref<2048xf32, #tpu.memory_space<vmem>>
    %dma_start3A_826 = tpu.memref_slice %arg3[%dma_start3A_819, %select_n3A, %add3A_747] : memref<10x2x131072xf32, #tpu.memory_space<hbm>> -> memref<1x1x2048xf32, #tpu.memory_space<hbm>>
    %dma_start3A_827 = tpu.memref_squeeze %dma_start3A_826 : memref<1x1x2048xf32, #tpu.memory_space<hbm>> -> memref<2048xf32, #tpu.memory_space<hbm>>
    tpu.enqueue_dma source(%dma_start3A_827 : memref<2048xf32, #tpu.memory_space<hbm>>) target(%dma_start3A_825 : memref<2048xf32, #tpu.memory_space<vmem>>) target_semaphore(%arg25 : memref<!tpu.dma_semaphore, #tpu.memory_space<semaphore_mem>>)
    %dma_start3A_828 = arith.constant 2 : i32
    %dma_start3A_829 = arith.constant 4096 : i32
    %dma_start3A_830 = tpu.memref_slice %arg13[%dma_start3A_829] : memref<20480xf32, #tpu.memory_space<vmem>> -> memref<2048xf32, #tpu.memory_space<vmem>>
    %dma_start3A_831 = tpu.memref_slice %arg3[%dma_start3A_828, %select_n3A, %add3A_747] : memref<10x2x131072xf32, #tpu.memory_space<hbm>> -> memref<1x1x2048xf32, #tpu.memory_space<hbm>>
    %dma_start3A_832 = tpu.memref_squeeze %dma_start3A_831 : memref<1x1x2048xf32, #tpu.memory_space<hbm>> -> memref<2048xf32, #tpu.memory_space<hbm>>
    %dma_start3A_833 = arith.constant 4096 : i32
    %dma_start3A_834 = tpu.memref_slice %arg13[%dma_start3A_833] : memref<20480xf32, #tpu.memory_space<vmem>> -> memref<2048xf32, #tpu.memory_space<vmem>>
    %dma_start3A_835 = tpu.memref_slice %arg3[%dma_start3A_828, %select_n3A, %add3A_747] : memref<10x2x131072xf32, #tpu.memory_space<hbm>> -> memref<1x1x2048xf32, #tpu.memory_space<hbm>>
    %dma_start3A_836 = tpu.memref_squeeze %dma_start3A_835 : memref<1x1x2048xf32, #tpu.memory_space<hbm>> -> memref<2048xf32, #tpu.memory_space<hbm>>
    tpu.enqueue_dma source(%dma_start3A_836 : memref<2048xf32, #tpu.memory_space<hbm>>) target(%dma_start3A_834 : memref<2048xf32, #tpu.memory_space<vmem>>) target_semaphore(%arg25 : memref<!tpu.dma_semaphore, #tpu.memory_space<semaphore_mem>>)
    %dma_start3A_837 = arith.constant 3 : i32
    %dma_start3A_838 = arith.constant 6144 : i32
    %dma_start3A_839 = tpu.memref_slice %arg13[%dma_start3A_838] : memref<20480xf32, #tpu.memory_space<vmem>> -> memref<2048xf32, #tpu.memory_space<vmem>>
    %dma_start3A_840 = tpu.memref_slice %arg3[%dma_start3A_837, %select_n3A, %add3A_747] : memref<10x2x131072xf32, #tpu.memory_space<hbm>> -> memref<1x1x2048xf32, #tpu.memory_space<hbm>>
    %dma_start3A_841 = tpu.memref_squeeze %dma_start3A_840 : memref<1x1x2048xf32, #tpu.memory_space<hbm>> -> memref<2048xf32, #tpu.memory_space<hbm>>
    %dma_start3A_842 = arith.constant 6144 : i32
    %dma_start3A_843 = tpu.memref_slice %arg13[%dma_start3A_842] : memref<20480xf32, #tpu.memory_space<vmem>> -> memref<2048xf32, #tpu.memory_space<vmem>>
    %dma_start3A_844 = tpu.memref_slice %arg3[%dma_start3A_837, %select_n3A, %add3A_747] : memref<10x2x131072xf32, #tpu.memory_space<hbm>> -> memref<1x1x2048xf32, #tpu.memory_space<hbm>>
    %dma_start3A_845 = tpu.memref_squeeze %dma_start3A_844 : memref<1x1x2048xf32, #tpu.memory_space<hbm>> -> memref<2048xf32, #tpu.memory_space<hbm>>
    tpu.enqueue_dma source(%dma_start3A_845 : memref<2048xf32, #tpu.memory_space<hbm>>) target(%dma_start3A_843 : memref<2048xf32, #tpu.memory_space<vmem>>) target_semaphore(%arg25 : memref<!tpu.dma_semaphore, #tpu.memory_space<semaphore_mem>>)
    %dma_start3A_846 = arith.constant 4 : i32
    %dma_start3A_847 = arith.constant 8192 : i32
    %dma_start3A_848 = tpu.memref_slice %arg13[%dma_start3A_847] : memref<20480xf32, #tpu.memory_space<vmem>> -> memref<2048xf32, #tpu.memory_space<vmem>>
    %dma_start3A_849 = tpu.memref_slice %arg3[%dma_start3A_846, %select_n3A, %add3A_747] : memref<10x2x131072xf32, #tpu.memory_space<hbm>> -> memref<1x1x2048xf32, #tpu.memory_space<hbm>>
    %dma_start3A_850 = tpu.memref_squeeze %dma_start3A_849 : memref<1x1x2048xf32, #tpu.memory_space<hbm>> -> memref<2048xf32, #tpu.memory_space<hbm>>
    %dma_start3A_851 = arith.constant 8192 : i32
    %dma_start3A_852 = tpu.memref_slice %arg13[%dma_start3A_851] : memref<20480xf32, #tpu.memory_space<vmem>> -> memref<2048xf32, #tpu.memory_space<vmem>>
    %dma_start3A_853 = tpu.memref_slice %arg3[%dma_start3A_846, %select_n3A, %add3A_747] : memref<10x2x131072xf32, #tpu.memory_space<hbm>> -> memref<1x1x2048xf32, #tpu.memory_space<hbm>>
    %dma_start3A_854 = tpu.memref_squeeze %dma_start3A_853 : memref<1x1x2048xf32, #tpu.memory_space<hbm>> -> memref<2048xf32, #tpu.memory_space<hbm>>
    tpu.enqueue_dma source(%dma_start3A_854 : memref<2048xf32, #tpu.memory_space<hbm>>) target(%dma_start3A_852 : memref<2048xf32, #tpu.memory_space<vmem>>) target_semaphore(%arg25 : memref<!tpu.dma_semaphore, #tpu.memory_space<semaphore_mem>>)
    %dma_start3A_855 = arith.constant 5 : i32
    %dma_start3A_856 = arith.constant 10240 : i32
    %dma_start3A_857 = tpu.memref_slice %arg13[%dma_start3A_856] : memref<20480xf32, #tpu.memory_space<vmem>> -> memref<2048xf32, #tpu.memory_space<vmem>>
    %dma_start3A_858 = tpu.memref_slice %arg3[%dma_start3A_855, %select_n3A, %add3A_747] : memref<10x2x131072xf32, #tpu.memory_space<hbm>> -> memref<1x1x2048xf32, #tpu.memory_space<hbm>>
    %dma_start3A_859 = tpu.memref_squeeze %dma_start3A_858 : memref<1x1x2048xf32, #tpu.memory_space<hbm>> -> memref<2048xf32, #tpu.memory_space<hbm>>
    %dma_start3A_860 = arith.constant 10240 : i32
    %dma_start3A_861 = tpu.memref_slice %arg13[%dma_start3A_860] : memref<20480xf32, #tpu.memory_space<vmem>> -> memref<2048xf32, #tpu.memory_space<vmem>>
    %dma_start3A_862 = tpu.memref_slice %arg3[%dma_start3A_855, %select_n3A, %add3A_747] : memref<10x2x131072xf32, #tpu.memory_space<hbm>> -> memref<1x1x2048xf32, #tpu.memory_space<hbm>>
    %dma_start3A_863 = tpu.memref_squeeze %dma_start3A_862 : memref<1x1x2048xf32, #tpu.memory_space<hbm>> -> memref<2048xf32, #tpu.memory_space<hbm>>
    tpu.enqueue_dma source(%dma_start3A_863 : memref<2048xf32, #tpu.memory_space<hbm>>) target(%dma_start3A_861 : memref<2048xf32, #tpu.memory_space<vmem>>) target_semaphore(%arg25 : memref<!tpu.dma_semaphore, #tpu.memory_space<semaphore_mem>>)
    %dma_start3A_864 = arith.constant 6 : i32
    %dma_start3A_865 = arith.constant 12288 : i32
    %dma_start3A_866 = tpu.memref_slice %arg13[%dma_start3A_865] : memref<20480xf32, #tpu.memory_space<vmem>> -> memref<2048xf32, #tpu.memory_space<vmem>>
    %dma_start3A_867 = tpu.memref_slice %arg3[%dma_start3A_864, %select_n3A, %add3A_747] : memref<10x2x131072xf32, #tpu.memory_space<hbm>> -> memref<1x1x2048xf32, #tpu.memory_space<hbm>>
    %dma_start3A_868 = tpu.memref_squeeze %dma_start3A_867 : memref<1x1x2048xf32, #tpu.memory_space<hbm>> -> memref<2048xf32, #tpu.memory_space<hbm>>
    %dma_start3A_869 = arith.constant 12288 : i32
    %dma_start3A_870 = tpu.memref_slice %arg13[%dma_start3A_869] : memref<20480xf32, #tpu.memory_space<vmem>> -> memref<2048xf32, #tpu.memory_space<vmem>>
    %dma_start3A_871 = tpu.memref_slice %arg3[%dma_start3A_864, %select_n3A, %add3A_747] : memref<10x2x131072xf32, #tpu.memory_space<hbm>> -> memref<1x1x2048xf32, #tpu.memory_space<hbm>>
    %dma_start3A_872 = tpu.memref_squeeze %dma_start3A_871 : memref<1x1x2048xf32, #tpu.memory_space<hbm>> -> memref<2048xf32, #tpu.memory_space<hbm>>
    tpu.enqueue_dma source(%dma_start3A_872 : memref<2048xf32, #tpu.memory_space<hbm>>) target(%dma_start3A_870 : memref<2048xf32, #tpu.memory_space<vmem>>) target_semaphore(%arg25 : memref<!tpu.dma_semaphore, #tpu.memory_space<semaphore_mem>>)
    %dma_start3A_873 = arith.constant 7 : i32
    %dma_start3A_874 = arith.constant 14336 : i32
    %dma_start3A_875 = tpu.memref_slice %arg13[%dma_start3A_874] : memref<20480xf32, #tpu.memory_space<vmem>> -> memref<2048xf32, #tpu.memory_space<vmem>>
    %dma_start3A_876 = tpu.memref_slice %arg3[%dma_start3A_873, %select_n3A, %add3A_747] : memref<10x2x131072xf32, #tpu.memory_space<hbm>> -> memref<1x1x2048xf32, #tpu.memory_space<hbm>>
    %dma_start3A_877 = tpu.memref_squeeze %dma_start3A_876 : memref<1x1x2048xf32, #tpu.memory_space<hbm>> -> memref<2048xf32, #tpu.memory_space<hbm>>
    %dma_start3A_878 = arith.constant 14336 : i32
    %dma_start3A_879 = tpu.memref_slice %arg13[%dma_start3A_878] : memref<20480xf32, #tpu.memory_space<vmem>> -> memref<2048xf32, #tpu.memory_space<vmem>>
    %dma_start3A_880 = tpu.memref_slice %arg3[%dma_start3A_873, %select_n3A, %add3A_747] : memref<10x2x131072xf32, #tpu.memory_space<hbm>> -> memref<1x1x2048xf32, #tpu.memory_space<hbm>>
    %dma_start3A_881 = tpu.memref_squeeze %dma_start3A_880 : memref<1x1x2048xf32, #tpu.memory_space<hbm>> -> memref<2048xf32, #tpu.memory_space<hbm>>
    tpu.enqueue_dma source(%dma_start3A_881 : memref<2048xf32, #tpu.memory_space<hbm>>) target(%dma_start3A_879 : memref<2048xf32, #tpu.memory_space<vmem>>) target_semaphore(%arg25 : memref<!tpu.dma_semaphore, #tpu.memory_space<semaphore_mem>>)
    %dma_start3A_882 = arith.constant 8 : i32
    %dma_start3A_883 = arith.constant 16384 : i32
    %dma_start3A_884 = tpu.memref_slice %arg13[%dma_start3A_883] : memref<20480xf32, #tpu.memory_space<vmem>> -> memref<2048xf32, #tpu.memory_space<vmem>>
    %dma_start3A_885 = tpu.memref_slice %arg3[%dma_start3A_882, %select_n3A, %add3A_747] : memref<10x2x131072xf32, #tpu.memory_space<hbm>> -> memref<1x1x2048xf32, #tpu.memory_space<hbm>>
    %dma_start3A_886 = tpu.memref_squeeze %dma_start3A_885 : memref<1x1x2048xf32, #tpu.memory_space<hbm>> -> memref<2048xf32, #tpu.memory_space<hbm>>
    %dma_start3A_887 = arith.constant 16384 : i32
    %dma_start3A_888 = tpu.memref_slice %arg13[%dma_start3A_887] : memref<20480xf32, #tpu.memory_space<vmem>> -> memref<2048xf32, #tpu.memory_space<vmem>>
    %dma_start3A_889 = tpu.memref_slice %arg3[%dma_start3A_882, %select_n3A, %add3A_747] : memref<10x2x131072xf32, #tpu.memory_space<hbm>> -> memref<1x1x2048xf32, #tpu.memory_space<hbm>>
    %dma_start3A_890 = tpu.memref_squeeze %dma_start3A_889 : memref<1x1x2048xf32, #tpu.memory_space<hbm>> -> memref<2048xf32, #tpu.memory_space<hbm>>
    tpu.enqueue_dma source(%dma_start3A_890 : memref<2048xf32, #tpu.memory_space<hbm>>) target(%dma_start3A_888 : memref<2048xf32, #tpu.memory_space<vmem>>) target_semaphore(%arg25 : memref<!tpu.dma_semaphore, #tpu.memory_space<semaphore_mem>>)
    %dma_start3A_891 = arith.constant 9 : i32
    %dma_start3A_892 = arith.constant 18432 : i32
    %dma_start3A_893 = tpu.memref_slice %arg13[%dma_start3A_892] : memref<20480xf32, #tpu.memory_space<vmem>> -> memref<2048xf32, #tpu.memory_space<vmem>>
    %dma_start3A_894 = tpu.memref_slice %arg3[%dma_start3A_891, %select_n3A, %add3A_747] : memref<10x2x131072xf32, #tpu.memory_space<hbm>> -> memref<1x1x2048xf32, #tpu.memory_space<hbm>>
    %dma_start3A_895 = tpu.memref_squeeze %dma_start3A_894 : memref<1x1x2048xf32, #tpu.memory_space<hbm>> -> memref<2048xf32, #tpu.memory_space<hbm>>
    %dma_start3A_896 = arith.constant 18432 : i32
    %dma_start3A_897 = tpu.memref_slice %arg13[%dma_start3A_896] : memref<20480xf32, #tpu.memory_space<vmem>> -> memref<2048xf32, #tpu.memory_space<vmem>>
    %dma_start3A_898 = tpu.memref_slice %arg3[%dma_start3A_891, %select_n3A, %add3A_747] : memref<10x2x131072xf32, #tpu.memory_space<hbm>> -> memref<1x1x2048xf32, #tpu.memory_space<hbm>>
    %dma_start3A_899 = tpu.memref_squeeze %dma_start3A_898 : memref<1x1x2048xf32, #tpu.memory_space<hbm>> -> memref<2048xf32, #tpu.memory_space<hbm>>
    tpu.enqueue_dma source(%dma_start3A_899 : memref<2048xf32, #tpu.memory_space<hbm>>) target(%dma_start3A_897 : memref<2048xf32, #tpu.memory_space<vmem>>) target_semaphore(%arg25 : memref<!tpu.dma_semaphore, #tpu.memory_space<semaphore_mem>>)
    %mul3A_900 = arith.constant 8 : i32
    %mul3A_901 = arith.muli %select_n3A, %mul3A_900 : i32
    %dma_start3A_902 = tpu.memref_slice %arg4[%mul3A_901, %mul3A_773] : memref<16x32768xf32, #tpu.memory_space<hbm>> -> memref<8x512xf32, #tpu.memory_space<hbm>>
    %dma_start3A_903 = tpu.memref_slice %arg4[%mul3A_901, %mul3A_773] : memref<16x32768xf32, #tpu.memory_space<hbm>> -> memref<8x512xf32, #tpu.memory_space<hbm>>
    tpu.enqueue_dma source(%dma_start3A_903 : memref<8x512xf32, #tpu.memory_space<hbm>>) target(%arg15 : memref<8x512xf32, #tpu.memory_space<vmem>>) target_semaphore(%arg25 : memref<!tpu.dma_semaphore, #tpu.memory_space<semaphore_mem>>)
    %dma_start3A_904 = tpu.memref_slice %arg8[%select_n3A, %add3A_747] : memref<2x131072xi32, #tpu.memory_space<hbm>> -> memref<1x2048xi32, #tpu.memory_space<hbm>>
    %dma_start3A_905 = tpu.memref_squeeze %dma_start3A_904 : memref<1x2048xi32, #tpu.memory_space<hbm>> -> memref<2048xi32, #tpu.memory_space<hbm>>
    %dma_start3A_906 = tpu.memref_slice %arg8[%select_n3A, %add3A_747] : memref<2x131072xi32, #tpu.memory_space<hbm>> -> memref<1x2048xi32, #tpu.memory_space<hbm>>
    %dma_start3A_907 = tpu.memref_squeeze %dma_start3A_906 : memref<1x2048xi32, #tpu.memory_space<hbm>> -> memref<2048xi32, #tpu.memory_space<hbm>>
    tpu.enqueue_dma source(%dma_start3A_907 : memref<2048xi32, #tpu.memory_space<hbm>>) target(%arg17 : memref<2048xi32, #tpu.memory_space<vmem>>) target_semaphore(%arg25 : memref<!tpu.dma_semaphore, #tpu.memory_space<semaphore_mem>>)
    %dma_start3A_908 = tpu.memref_slice %arg9[%select_n3A, %add3A_747] : memref<2x131072xf32, #tpu.memory_space<hbm>> -> memref<1x2048xf32, #tpu.memory_space<hbm>>
    %dma_start3A_909 = tpu.memref_squeeze %dma_start3A_908 : memref<1x2048xf32, #tpu.memory_space<hbm>> -> memref<2048xf32, #tpu.memory_space<hbm>>
    %dma_start3A_910 = tpu.memref_slice %arg9[%select_n3A, %add3A_747] : memref<2x131072xf32, #tpu.memory_space<hbm>> -> memref<1x2048xf32, #tpu.memory_space<hbm>>
    %dma_start3A_911 = tpu.memref_squeeze %dma_start3A_910 : memref<1x2048xf32, #tpu.memory_space<hbm>> -> memref<2048xf32, #tpu.memory_space<hbm>>
    tpu.enqueue_dma source(%dma_start3A_911 : memref<2048xf32, #tpu.memory_space<hbm>>) target(%arg19 : memref<2048xf32, #tpu.memory_space<vmem>>) target_semaphore(%arg25 : memref<!tpu.dma_semaphore, #tpu.memory_space<semaphore_mem>>)
    %scan3A_912 = arith.constant 0 : i32
    %scan3A_913 = arith.constant 128 : i32
    %scan3A_914 = arith.addi %scan3A_912, %scan3A_913 : i32
    %scan3A_915 = arith.constant 1 : i32
    %scan3A_916:3 = scf.for %scan3A_1379 = %scan3A_912 to %scan3A_914 step %scan3A_915 iter_args(%scan3A_1380 = %scan3A_608#0, %scan3A_1381 = %scan3A_608#1, %scan3A_1382 = %scan3A_608#2) -> (vector<16xf32>, vector<16xf32>, vector<16xf32>)  : i32 {
      %mul3A_1383 = arith.constant 16 : i32
      %mul3A_1384 = arith.muli %scan3A_1379, %mul3A_1383 : i32
      %jit3A_1385 = arith.constant 8 : i32
      %div3A_1386 = arith.divsi %scan3A_1379, %jit3A_1385 : i32
      %sign3A_1387 = arith.constant 0 : i32
      %sign3A_1388 = arith.cmpi sgt, %scan3A_1379, %sign3A_1387 : i32
      %sign3A_1389 = arith.extui %sign3A_1388 : i1 to i32
      %sign3A_1390 = arith.constant 0 : i32
      %sign3A_1391 = arith.cmpi slt, %scan3A_1379, %sign3A_1390 : i32
      %sign3A_1392 = arith.extui %sign3A_1391 : i1 to i32
      %sign3A_1393 = arith.subi %sign3A_1389, %sign3A_1392 : i32
      %sign3A_1394 = arith.constant 0 : i32
      %sign3A_1395 = arith.cmpi sgt, %jit3A_1385, %sign3A_1394 : i32
      %sign3A_1396 = arith.extui %sign3A_1395 : i1 to i32
      %sign3A_1397 = arith.constant 0 : i32
      %sign3A_1398 = arith.cmpi slt, %jit3A_1385, %sign3A_1397 : i32
      %sign3A_1399 = arith.extui %sign3A_1398 : i1 to i32
      %sign3A_1400 = arith.subi %sign3A_1396, %sign3A_1399 : i32
      %ne3A_1401 = arith.cmpi ne, %sign3A_1393, %sign3A_1400 : i32
      %rem3A_1402 = arith.remsi %scan3A_1379, %jit3A_1385 : i32
      %ne3A_1403 = arith.constant 0 : i32
      %ne3A_1404 = arith.cmpi ne, %rem3A_1402, %ne3A_1403 : i32
      %and3A_1405 = arith.andi %ne3A_1401, %ne3A_1404 : i1
      %sub3A_1406 = arith.constant 1 : i32
      %sub3A_1407 = arith.subi %div3A_1386, %sub3A_1406 : i32
      %select_n3A_1408 = arith.select %and3A_1405, %sub3A_1407, %div3A_1386 : i32
      %jit3A_1409 = arith.constant 8 : i32
      %eq3A_1410 = arith.constant 0 : i32
      %eq3A_1411 = arith.cmpi eq, %jit3A_1409, %eq3A_1410 : i32
      %jit3A_1412 = arith.constant 1 : i32
      %select_n3A_1413 = arith.select %eq3A_1411, %jit3A_1412, %jit3A_1409 : i32
      %rem3A_1414 = arith.remsi %select_n3A_1408, %select_n3A_1413 : i32
      %ne3A_1415 = arith.constant 0 : i32
      %ne3A_1416 = arith.cmpi ne, %rem3A_1414, %ne3A_1415 : i32
      %lt3A_1417 = arith.constant 0 : i32
      %lt3A_1418 = arith.cmpi slt, %rem3A_1414, %lt3A_1417 : i32
      %lt3A_1419 = arith.constant 0 : i32
      %lt3A_1420 = arith.cmpi slt, %select_n3A_1413, %lt3A_1419 : i32
      %ne3A_1421 = arith.xori %lt3A_1418, %lt3A_1420 : i1
      %and3A_1422 = arith.andi %ne3A_1421, %ne3A_1416 : i1
      %add3A_1423 = arith.addi %rem3A_1414, %select_n3A_1413 : i32
      %select_n3A_1424 = arith.select %and3A_1422, %add3A_1423, %rem3A_1414 : i32
      %gather3A = tpu.memref_slice %arg18[%mul3A_1384] : memref<2048xi32, #tpu.memory_space<vmem>> -> memref<16xi32, #tpu.memory_space<vmem>>
      %gather3A_1425 = tpu.vector_load_idx %gather3A[%iota3A] : memref<16xi32, #tpu.memory_space<vmem>>[vector<16xi32>], vector<16xi32>,
      %gather3A_1426 = tpu.memref_slice %arg20[%mul3A_1384] : memref<2048xf32, #tpu.memory_space<vmem>> -> memref<16xf32, #tpu.memory_space<vmem>>
      %gather3A_1427 = tpu.vector_load_idx %gather3A_1426[%iota3A] : memref<16xf32, #tpu.memory_space<vmem>>[vector<16xi32>], vector<16xf32>,
      %gt3A = arith.constant 0.000000e+00 : f32
      %gt3A_1428 = vector.broadcast %gt3A : f32 to vector<16xf32>
      %gt3A_1429 = arith.cmpf ogt, %gather3A_1427, %gt3A_1428 : vector<16xf32>
      %jit3A_1430 = arith.constant 1.000000e+00 : f32
      %jit3A_1431 = arith.constant 0.000000e+00 : f32
      %broadcast_in_dim3A_1432 = vector.broadcast %jit3A_1430 : f32 to vector<16xf32>
      %broadcast_in_dim3A_1433 = vector.broadcast %jit3A_1431 : f32 to vector<16xf32>
      %select_n3A_1434 = arith.select %gt3A_1429, %broadcast_in_dim3A_1432, %broadcast_in_dim3A_1433 : vector<16xi1>, vector<16xf32>
      %broadcast_in_dim3A_1435 = arith.constant 0.000000e+00 : f32
      %broadcast_in_dim3A_1436 = vector.broadcast %broadcast_in_dim3A_1435 : f32 to vector<16xf32>
      %broadcast_in_dim3A_1437 = arith.constant 0.000000e+00 : f32
      %broadcast_in_dim3A_1438 = vector.broadcast %broadcast_in_dim3A_1437 : f32 to vector<16xf32>
      %gather3A_1439 = tpu.memref_slice %arg12[%mul3A_1384] : memref<8192xf32, #tpu.memory_space<vmem>> -> memref<16xf32, #tpu.memory_space<vmem>>
      %gather3A_1440 = tpu.vector_load_idx %gather3A_1439[%add3A_44] : memref<16xf32, #tpu.memory_space<vmem>>[vector<16xi32>], vector<16xf32>,
      %add3A_1441 = arith.addi %gather3A_1425, %add3A_86 : vector<16xi32>
      %gather3A_1442 = arith.constant 0 : i32
      %gather3A_1443 = tpu.memref_slice %arg21[%select_n3A_1424, %gather3A_1442] : memref<8x256xf32, #tpu.memory_space<vmem>> -> memref<1x256xf32, #tpu.memory_space<vmem>>
      %gather3A_1444 = tpu.memref_squeeze %gather3A_1443 : memref<1x256xf32, #tpu.memory_space<vmem>> -> memref<256xf32, #tpu.memory_space<vmem>>
      %gather3A_1445 = tpu.vector_load_idx %gather3A_1444[%add3A_1441] : memref<256xf32, #tpu.memory_space<vmem>>[vector<16xi32>], vector<16xf32>,
      %sub3A_1446 = arith.subf %gather3A_1440, %gather3A_1445 : vector<16xf32>
      %abs3A = math.absf %sub3A_1446 : vector<16xf32>
      %min3A = arith.constant 1.000000e+00 : f32
      %min3A_1447 = vector.broadcast %min3A : f32 to vector<16xf32>
      %min3A_1448 = arith.minimumf %abs3A, %min3A_1447 : vector<16xf32>
      %mul3A_1449 = arith.mulf %min3A_1448, %min3A_1448 : vector<16xf32>
      %add3A_1450 = arith.addf %broadcast_in_dim3A_1436, %mul3A_1449 : vector<16xf32>
      %max3A = arith.constant 1.000000e+00 : f32
      %max3A_1451 = vector.broadcast %max3A : f32 to vector<16xf32>
      %max3A_1452 = arith.maximumf %abs3A, %max3A_1451 : vector<16xf32>
      %add3A_1453 = arith.addf %broadcast_in_dim3A_1438, %max3A_1452 : vector<16xf32>
      %gather3A_1454 = tpu.memref_slice %arg12[%mul3A_1384] : memref<8192xf32, #tpu.memory_space<vmem>> -> memref<16xf32, #tpu.memory_space<vmem>>
      %gather3A_1455 = tpu.vector_load_idx %gather3A_1454[%add3A_47] : memref<16xf32, #tpu.memory_space<vmem>>[vector<16xi32>], vector<16xf32>,
      %add3A_1456 = arith.addi %gather3A_1425, %add3A_89 : vector<16xi32>
      %gather3A_1457 = arith.constant 0 : i32
      %gather3A_1458 = tpu.memref_slice %arg21[%select_n3A_1424, %gather3A_1457] : memref<8x256xf32, #tpu.memory_space<vmem>> -> memref<1x256xf32, #tpu.memory_space<vmem>>
      %gather3A_1459 = tpu.memref_squeeze %gather3A_1458 : memref<1x256xf32, #tpu.memory_space<vmem>> -> memref<256xf32, #tpu.memory_space<vmem>>
      %gather3A_1460 = tpu.vector_load_idx %gather3A_1459[%add3A_1456] : memref<256xf32, #tpu.memory_space<vmem>>[vector<16xi32>], vector<16xf32>,
      %sub3A_1461 = arith.subf %gather3A_1455, %gather3A_1460 : vector<16xf32>
      %abs3A_1462 = math.absf %sub3A_1461 : vector<16xf32>
      %min3A_1463 = arith.constant 1.000000e+00 : f32
      %min3A_1464 = vector.broadcast %min3A_1463 : f32 to vector<16xf32>
      %min3A_1465 = arith.minimumf %abs3A_1462, %min3A_1464 : vector<16xf32>
      %mul3A_1466 = arith.mulf %min3A_1465, %min3A_1465 : vector<16xf32>
      %add3A_1467 = arith.addf %add3A_1450, %mul3A_1466 : vector<16xf32>
      %max3A_1468 = arith.constant 1.000000e+00 : f32
      %max3A_1469 = vector.broadcast %max3A_1468 : f32 to vector<16xf32>
      %max3A_1470 = arith.maximumf %abs3A_1462, %max3A_1469 : vector<16xf32>
      %add3A_1471 = arith.addf %add3A_1453, %max3A_1470 : vector<16xf32>
      %gather3A_1472 = tpu.memref_slice %arg12[%mul3A_1384] : memref<8192xf32, #tpu.memory_space<vmem>> -> memref<16xf32, #tpu.memory_space<vmem>>
      %gather3A_1473 = tpu.vector_load_idx %gather3A_1472[%add3A_50] : memref<16xf32, #tpu.memory_space<vmem>>[vector<16xi32>], vector<16xf32>,
      %add3A_1474 = arith.addi %gather3A_1425, %add3A_92 : vector<16xi32>
      %gather3A_1475 = arith.constant 0 : i32
      %gather3A_1476 = tpu.memref_slice %arg21[%select_n3A_1424, %gather3A_1475] : memref<8x256xf32, #tpu.memory_space<vmem>> -> memref<1x256xf32, #tpu.memory_space<vmem>>
      %gather3A_1477 = tpu.memref_squeeze %gather3A_1476 : memref<1x256xf32, #tpu.memory_space<vmem>> -> memref<256xf32, #tpu.memory_space<vmem>>
      %gather3A_1478 = tpu.vector_load_idx %gather3A_1477[%add3A_1474] : memref<256xf32, #tpu.memory_space<vmem>>[vector<16xi32>], vector<16xf32>,
      %sub3A_1479 = arith.subf %gather3A_1473, %gather3A_1478 : vector<16xf32>
      %abs3A_1480 = math.absf %sub3A_1479 : vector<16xf32>
      %min3A_1481 = arith.constant 1.000000e+00 : f32
      %min3A_1482 = vector.broadcast %min3A_1481 : f32 to vector<16xf32>
      %min3A_1483 = arith.minimumf %abs3A_1480, %min3A_1482 : vector<16xf32>
      %mul3A_1484 = arith.mulf %min3A_1483, %min3A_1483 : vector<16xf32>
      %add3A_1485 = arith.addf %add3A_1467, %mul3A_1484 : vector<16xf32>
      %max3A_1486 = arith.constant 1.000000e+00 : f32
      %max3A_1487 = vector.broadcast %max3A_1486 : f32 to vector<16xf32>
      %max3A_1488 = arith.maximumf %abs3A_1480, %max3A_1487 : vector<16xf32>
      %add3A_1489 = arith.addf %add3A_1471, %max3A_1488 : vector<16xf32>
      %gather3A_1490 = tpu.memref_slice %arg12[%mul3A_1384] : memref<8192xf32, #tpu.memory_space<vmem>> -> memref<16xf32, #tpu.memory_space<vmem>>
      %gather3A_1491 = tpu.vector_load_idx %gather3A_1490[%add3A_53] : memref<16xf32, #tpu.memory_space<vmem>>[vector<16xi32>], vector<16xf32>,
      %add3A_1492 = arith.addi %gather3A_1425, %add3A_95 : vector<16xi32>
      %gather3A_1493 = arith.constant 0 : i32
      %gather3A_1494 = tpu.memref_slice %arg21[%select_n3A_1424, %gather3A_1493] : memref<8x256xf32, #tpu.memory_space<vmem>> -> memref<1x256xf32, #tpu.memory_space<vmem>>
      %gather3A_1495 = tpu.memref_squeeze %gather3A_1494 : memref<1x256xf32, #tpu.memory_space<vmem>> -> memref<256xf32, #tpu.memory_space<vmem>>
      %gather3A_1496 = tpu.vector_load_idx %gather3A_1495[%add3A_1492] : memref<256xf32, #tpu.memory_space<vmem>>[vector<16xi32>], vector<16xf32>,
      %sub3A_1497 = arith.subf %gather3A_1491, %gather3A_1496 : vector<16xf32>
      %abs3A_1498 = math.absf %sub3A_1497 : vector<16xf32>
      %min3A_1499 = arith.constant 1.000000e+00 : f32
      %min3A_1500 = vector.broadcast %min3A_1499 : f32 to vector<16xf32>
      %min3A_1501 = arith.minimumf %abs3A_1498, %min3A_1500 : vector<16xf32>
      %mul3A_1502 = arith.mulf %min3A_1501, %min3A_1501 : vector<16xf32>
      %add3A_1503 = arith.addf %add3A_1485, %mul3A_1502 : vector<16xf32>
      %max3A_1504 = arith.constant 1.000000e+00 : f32
      %max3A_1505 = vector.broadcast %max3A_1504 : f32 to vector<16xf32>
      %max3A_1506 = arith.maximumf %abs3A_1498, %max3A_1505 : vector<16xf32>
      %add3A_1507 = arith.addf %add3A_1489, %max3A_1506 : vector<16xf32>
      %mul3A_1508 = arith.constant 5.000000e-01 : f32
      %mul3A_1509 = vector.broadcast %mul3A_1508 : f32 to vector<16xf32>
      %mul3A_1510 = arith.mulf %mul3A_1509, %add3A_1503 : vector<16xf32>
      %add3A_1511 = arith.addf %mul3A_1510, %add3A_1507 : vector<16xf32>
      %sub3A_1512 = arith.constant 4.000000e+00 : f32
      %sub3A_1513 = vector.broadcast %sub3A_1512 : f32 to vector<16xf32>
      %sub3A_1514 = arith.subf %add3A_1511, %sub3A_1513 : vector<16xf32>
      %mul3A_1515 = arith.mulf %sub3A_1514, %select_n3A_1434 : vector<16xf32>
      %add3A_1516 = arith.addf %scan3A_1380, %mul3A_1515 : vector<16xf32>
      %broadcast_in_dim3A_1517 = arith.constant 0.000000e+00 : f32
      %broadcast_in_dim3A_1518 = vector.broadcast %broadcast_in_dim3A_1517 : f32 to vector<16xf32>
      %broadcast_in_dim3A_1519 = arith.constant 0.000000e+00 : f32
      %broadcast_in_dim3A_1520 = vector.broadcast %broadcast_in_dim3A_1519 : f32 to vector<16xf32>
      %gather3A_1521 = tpu.memref_slice %arg14[%mul3A_1384] : memref<20480xf32, #tpu.memory_space<vmem>> -> memref<16xf32, #tpu.memory_space<vmem>>
      %gather3A_1522 = tpu.vector_load_idx %gather3A_1521[%add3A_56] : memref<16xf32, #tpu.memory_space<vmem>>[vector<16xi32>], vector<16xf32>,
      %add3A_1523 = arith.addi %gather3A_1425, %add3A_98 : vector<16xi32>
      %gather3A_1524 = arith.constant 0 : i32
      %gather3A_1525 = tpu.memref_slice %arg22[%select_n3A_1424, %gather3A_1524] : memref<8x640xf32, #tpu.memory_space<vmem>> -> memref<1x640xf32, #tpu.memory_space<vmem>>
      %gather3A_1526 = tpu.memref_squeeze %gather3A_1525 : memref<1x640xf32, #tpu.memory_space<vmem>> -> memref<640xf32, #tpu.memory_space<vmem>>
      %gather3A_1527 = tpu.vector_load_idx %gather3A_1526[%add3A_1523] : memref<640xf32, #tpu.memory_space<vmem>>[vector<16xi32>], vector<16xf32>,
      %sub3A_1528 = arith.subf %gather3A_1522, %gather3A_1527 : vector<16xf32>
      %abs3A_1529 = math.absf %sub3A_1528 : vector<16xf32>
      %min3A_1530 = arith.constant 1.000000e+00 : f32
      %min3A_1531 = vector.broadcast %min3A_1530 : f32 to vector<16xf32>
      %min3A_1532 = arith.minimumf %abs3A_1529, %min3A_1531 : vector<16xf32>
      %mul3A_1533 = arith.mulf %min3A_1532, %min3A_1532 : vector<16xf32>
      %add3A_1534 = arith.addf %broadcast_in_dim3A_1518, %mul3A_1533 : vector<16xf32>
      %max3A_1535 = arith.constant 1.000000e+00 : f32
      %max3A_1536 = vector.broadcast %max3A_1535 : f32 to vector<16xf32>
      %max3A_1537 = arith.maximumf %abs3A_1529, %max3A_1536 : vector<16xf32>
      %add3A_1538 = arith.addf %broadcast_in_dim3A_1520, %max3A_1537 : vector<16xf32>
      %gather3A_1539 = tpu.memref_slice %arg14[%mul3A_1384] : memref<20480xf32, #tpu.memory_space<vmem>> -> memref<16xf32, #tpu.memory_space<vmem>>
      %gather3A_1540 = tpu.vector_load_idx %gather3A_1539[%add3A_59] : memref<16xf32, #tpu.memory_space<vmem>>[vector<16xi32>], vector<16xf32>,
      %add3A_1541 = arith.addi %gather3A_1425, %add3A_101 : vector<16xi32>
      %gather3A_1542 = arith.constant 0 : i32
      %gather3A_1543 = tpu.memref_slice %arg22[%select_n3A_1424, %gather3A_1542] : memref<8x640xf32, #tpu.memory_space<vmem>> -> memref<1x640xf32, #tpu.memory_space<vmem>>
      %gather3A_1544 = tpu.memref_squeeze %gather3A_1543 : memref<1x640xf32, #tpu.memory_space<vmem>> -> memref<640xf32, #tpu.memory_space<vmem>>
      %gather3A_1545 = tpu.vector_load_idx %gather3A_1544[%add3A_1541] : memref<640xf32, #tpu.memory_space<vmem>>[vector<16xi32>], vector<16xf32>,
      %sub3A_1546 = arith.subf %gather3A_1540, %gather3A_1545 : vector<16xf32>
      %abs3A_1547 = math.absf %sub3A_1546 : vector<16xf32>
      %min3A_1548 = arith.constant 1.000000e+00 : f32
      %min3A_1549 = vector.broadcast %min3A_1548 : f32 to vector<16xf32>
      %min3A_1550 = arith.minimumf %abs3A_1547, %min3A_1549 : vector<16xf32>
      %mul3A_1551 = arith.mulf %min3A_1550, %min3A_1550 : vector<16xf32>
      %add3A_1552 = arith.addf %add3A_1534, %mul3A_1551 : vector<16xf32>
      %max3A_1553 = arith.constant 1.000000e+00 : f32
      %max3A_1554 = vector.broadcast %max3A_1553 : f32 to vector<16xf32>
      %max3A_1555 = arith.maximumf %abs3A_1547, %max3A_1554 : vector<16xf32>
      %add3A_1556 = arith.addf %add3A_1538, %max3A_1555 : vector<16xf32>
      %gather3A_1557 = tpu.memref_slice %arg14[%mul3A_1384] : memref<20480xf32, #tpu.memory_space<vmem>> -> memref<16xf32, #tpu.memory_space<vmem>>
      %gather3A_1558 = tpu.vector_load_idx %gather3A_1557[%add3A_62] : memref<16xf32, #tpu.memory_space<vmem>>[vector<16xi32>], vector<16xf32>,
      %add3A_1559 = arith.addi %gather3A_1425, %add3A_104 : vector<16xi32>
      %gather3A_1560 = arith.constant 0 : i32
      %gather3A_1561 = tpu.memref_slice %arg22[%select_n3A_1424, %gather3A_1560] : memref<8x640xf32, #tpu.memory_space<vmem>> -> memref<1x640xf32, #tpu.memory_space<vmem>>
      %gather3A_1562 = tpu.memref_squeeze %gather3A_1561 : memref<1x640xf32, #tpu.memory_space<vmem>> -> memref<640xf32, #tpu.memory_space<vmem>>
      %gather3A_1563 = tpu.vector_load_idx %gather3A_1562[%add3A_1559] : memref<640xf32, #tpu.memory_space<vmem>>[vector<16xi32>], vector<16xf32>,
      %sub3A_1564 = arith.subf %gather3A_1558, %gather3A_1563 : vector<16xf32>
      %abs3A_1565 = math.absf %sub3A_1564 : vector<16xf32>
      %min3A_1566 = arith.constant 1.000000e+00 : f32
      %min3A_1567 = vector.broadcast %min3A_1566 : f32 to vector<16xf32>
      %min3A_1568 = arith.minimumf %abs3A_1565, %min3A_1567 : vector<16xf32>
      %mul3A_1569 = arith.mulf %min3A_1568, %min3A_1568 : vector<16xf32>
      %add3A_1570 = arith.addf %add3A_1552, %mul3A_1569 : vector<16xf32>
      %max3A_1571 = arith.constant 1.000000e+00 : f32
      %max3A_1572 = vector.broadcast %max3A_1571 : f32 to vector<16xf32>
      %max3A_1573 = arith.maximumf %abs3A_1565, %max3A_1572 : vector<16xf32>
      %add3A_1574 = arith.addf %add3A_1556, %max3A_1573 : vector<16xf32>
      %gather3A_1575 = tpu.memref_slice %arg14[%mul3A_1384] : memref<20480xf32, #tpu.memory_space<vmem>> -> memref<16xf32, #tpu.memory_space<vmem>>
      %gather3A_1576 = tpu.vector_load_idx %gather3A_1575[%add3A_65] : memref<16xf32, #tpu.memory_space<vmem>>[vector<16xi32>], vector<16xf32>,
      %add3A_1577 = arith.addi %gather3A_1425, %add3A_107 : vector<16xi32>
      %gather3A_1578 = arith.constant 0 : i32
      %gather3A_1579 = tpu.memref_slice %arg22[%select_n3A_1424, %gather3A_1578] : memref<8x640xf32, #tpu.memory_space<vmem>> -> memref<1x640xf32, #tpu.memory_space<vmem>>
      %gather3A_1580 = tpu.memref_squeeze %gather3A_1579 : memref<1x640xf32, #tpu.memory_space<vmem>> -> memref<640xf32, #tpu.memory_space<vmem>>
      %gather3A_1581 = tpu.vector_load_idx %gather3A_1580[%add3A_1577] : memref<640xf32, #tpu.memory_space<vmem>>[vector<16xi32>], vector<16xf32>,
      %sub3A_1582 = arith.subf %gather3A_1576, %gather3A_1581 : vector<16xf32>
      %abs3A_1583 = math.absf %sub3A_1582 : vector<16xf32>
      %min3A_1584 = arith.constant 1.000000e+00 : f32
      %min3A_1585 = vector.broadcast %min3A_1584 : f32 to vector<16xf32>
      %min3A_1586 = arith.minimumf %abs3A_1583, %min3A_1585 : vector<16xf32>
      %mul3A_1587 = arith.mulf %min3A_1586, %min3A_1586 : vector<16xf32>
      %add3A_1588 = arith.addf %add3A_1570, %mul3A_1587 : vector<16xf32>
      %max3A_1589 = arith.constant 1.000000e+00 : f32
      %max3A_1590 = vector.broadcast %max3A_1589 : f32 to vector<16xf32>
      %max3A_1591 = arith.maximumf %abs3A_1583, %max3A_1590 : vector<16xf32>
      %add3A_1592 = arith.addf %add3A_1574, %max3A_1591 : vector<16xf32>
      %gather3A_1593 = tpu.memref_slice %arg14[%mul3A_1384] : memref<20480xf32, #tpu.memory_space<vmem>> -> memref<16xf32, #tpu.memory_space<vmem>>
      %gather3A_1594 = tpu.vector_load_idx %gather3A_1593[%add3A_68] : memref<16xf32, #tpu.memory_space<vmem>>[vector<16xi32>], vector<16xf32>,
      %add3A_1595 = arith.addi %gather3A_1425, %add3A_110 : vector<16xi32>
      %gather3A_1596 = arith.constant 0 : i32
      %gather3A_1597 = tpu.memref_slice %arg22[%select_n3A_1424, %gather3A_1596] : memref<8x640xf32, #tpu.memory_space<vmem>> -> memref<1x640xf32, #tpu.memory_space<vmem>>
      %gather3A_1598 = tpu.memref_squeeze %gather3A_1597 : memref<1x640xf32, #tpu.memory_space<vmem>> -> memref<640xf32, #tpu.memory_space<vmem>>
      %gather3A_1599 = tpu.vector_load_idx %gather3A_1598[%add3A_1595] : memref<640xf32, #tpu.memory_space<vmem>>[vector<16xi32>], vector<16xf32>,
      %sub3A_1600 = arith.subf %gather3A_1594, %gather3A_1599 : vector<16xf32>
      %abs3A_1601 = math.absf %sub3A_1600 : vector<16xf32>
      %min3A_1602 = arith.constant 1.000000e+00 : f32
      %min3A_1603 = vector.broadcast %min3A_1602 : f32 to vector<16xf32>
      %min3A_1604 = arith.minimumf %abs3A_1601, %min3A_1603 : vector<16xf32>
      %mul3A_1605 = arith.mulf %min3A_1604, %min3A_1604 : vector<16xf32>
      %add3A_1606 = arith.addf %add3A_1588, %mul3A_1605 : vector<16xf32>
      %max3A_1607 = arith.constant 1.000000e+00 : f32
      %max3A_1608 = vector.broadcast %max3A_1607 : f32 to vector<16xf32>
      %max3A_1609 = arith.maximumf %abs3A_1601, %max3A_1608 : vector<16xf32>
      %add3A_1610 = arith.addf %add3A_1592, %max3A_1609 : vector<16xf32>
      %gather3A_1611 = tpu.memref_slice %arg14[%mul3A_1384] : memref<20480xf32, #tpu.memory_space<vmem>> -> memref<16xf32, #tpu.memory_space<vmem>>
      %gather3A_1612 = tpu.vector_load_idx %gather3A_1611[%add3A_71] : memref<16xf32, #tpu.memory_space<vmem>>[vector<16xi32>], vector<16xf32>,
      %add3A_1613 = arith.addi %gather3A_1425, %add3A_113 : vector<16xi32>
      %gather3A_1614 = arith.constant 0 : i32
      %gather3A_1615 = tpu.memref_slice %arg22[%select_n3A_1424, %gather3A_1614] : memref<8x640xf32, #tpu.memory_space<vmem>> -> memref<1x640xf32, #tpu.memory_space<vmem>>
      %gather3A_1616 = tpu.memref_squeeze %gather3A_1615 : memref<1x640xf32, #tpu.memory_space<vmem>> -> memref<640xf32, #tpu.memory_space<vmem>>
      %gather3A_1617 = tpu.vector_load_idx %gather3A_1616[%add3A_1613] : memref<640xf32, #tpu.memory_space<vmem>>[vector<16xi32>], vector<16xf32>,
      %sub3A_1618 = arith.subf %gather3A_1612, %gather3A_1617 : vector<16xf32>
      %abs3A_1619 = math.absf %sub3A_1618 : vector<16xf32>
      %min3A_1620 = arith.constant 1.000000e+00 : f32
      %min3A_1621 = vector.broadcast %min3A_1620 : f32 to vector<16xf32>
      %min3A_1622 = arith.minimumf %abs3A_1619, %min3A_1621 : vector<16xf32>
      %mul3A_1623 = arith.mulf %min3A_1622, %min3A_1622 : vector<16xf32>
      %add3A_1624 = arith.addf %add3A_1606, %mul3A_1623 : vector<16xf32>
      %max3A_1625 = arith.constant 1.000000e+00 : f32
      %max3A_1626 = vector.broadcast %max3A_1625 : f32 to vector<16xf32>
      %max3A_1627 = arith.maximumf %abs3A_1619, %max3A_1626 : vector<16xf32>
      %add3A_1628 = arith.addf %add3A_1610, %max3A_1627 : vector<16xf32>
      %gather3A_1629 = tpu.memref_slice %arg14[%mul3A_1384] : memref<20480xf32, #tpu.memory_space<vmem>> -> memref<16xf32, #tpu.memory_space<vmem>>
      %gather3A_1630 = tpu.vector_load_idx %gather3A_1629[%add3A_74] : memref<16xf32, #tpu.memory_space<vmem>>[vector<16xi32>], vector<16xf32>,
      %add3A_1631 = arith.addi %gather3A_1425, %add3A_116 : vector<16xi32>
      %gather3A_1632 = arith.constant 0 : i32
      %gather3A_1633 = tpu.memref_slice %arg22[%select_n3A_1424, %gather3A_1632] : memref<8x640xf32, #tpu.memory_space<vmem>> -> memref<1x640xf32, #tpu.memory_space<vmem>>
      %gather3A_1634 = tpu.memref_squeeze %gather3A_1633 : memref<1x640xf32, #tpu.memory_space<vmem>> -> memref<640xf32, #tpu.memory_space<vmem>>
      %gather3A_1635 = tpu.vector_load_idx %gather3A_1634[%add3A_1631] : memref<640xf32, #tpu.memory_space<vmem>>[vector<16xi32>], vector<16xf32>,
      %sub3A_1636 = arith.subf %gather3A_1630, %gather3A_1635 : vector<16xf32>
      %abs3A_1637 = math.absf %sub3A_1636 : vector<16xf32>
      %min3A_1638 = arith.constant 1.000000e+00 : f32
      %min3A_1639 = vector.broadcast %min3A_1638 : f32 to vector<16xf32>
      %min3A_1640 = arith.minimumf %abs3A_1637, %min3A_1639 : vector<16xf32>
      %mul3A_1641 = arith.mulf %min3A_1640, %min3A_1640 : vector<16xf32>
      %add3A_1642 = arith.addf %add3A_1624, %mul3A_1641 : vector<16xf32>
      %max3A_1643 = arith.constant 1.000000e+00 : f32
      %max3A_1644 = vector.broadcast %max3A_1643 : f32 to vector<16xf32>
      %max3A_1645 = arith.maximumf %abs3A_1637, %max3A_1644 : vector<16xf32>
      %add3A_1646 = arith.addf %add3A_1628, %max3A_1645 : vector<16xf32>
      %gather3A_1647 = tpu.memref_slice %arg14[%mul3A_1384] : memref<20480xf32, #tpu.memory_space<vmem>> -> memref<16xf32, #tpu.memory_space<vmem>>
      %gather3A_1648 = tpu.vector_load_idx %gather3A_1647[%add3A_77] : memref<16xf32, #tpu.memory_space<vmem>>[vector<16xi32>], vector<16xf32>,
      %add3A_1649 = arith.addi %gather3A_1425, %add3A_119 : vector<16xi32>
      %gather3A_1650 = arith.constant 0 : i32
      %gather3A_1651 = tpu.memref_slice %arg22[%select_n3A_1424, %gather3A_1650] : memref<8x640xf32, #tpu.memory_space<vmem>> -> memref<1x640xf32, #tpu.memory_space<vmem>>
      %gather3A_1652 = tpu.memref_squeeze %gather3A_1651 : memref<1x640xf32, #tpu.memory_space<vmem>> -> memref<640xf32, #tpu.memory_space<vmem>>
      %gather3A_1653 = tpu.vector_load_idx %gather3A_1652[%add3A_1649] : memref<640xf32, #tpu.memory_space<vmem>>[vector<16xi32>], vector<16xf32>,
      %sub3A_1654 = arith.subf %gather3A_1648, %gather3A_1653 : vector<16xf32>
      %abs3A_1655 = math.absf %sub3A_1654 : vector<16xf32>
      %min3A_1656 = arith.constant 1.000000e+00 : f32
      %min3A_1657 = vector.broadcast %min3A_1656 : f32 to vector<16xf32>
      %min3A_1658 = arith.minimumf %abs3A_1655, %min3A_1657 : vector<16xf32>
      %mul3A_1659 = arith.mulf %min3A_1658, %min3A_1658 : vector<16xf32>
      %add3A_1660 = arith.addf %add3A_1642, %mul3A_1659 : vector<16xf32>
      %max3A_1661 = arith.constant 1.000000e+00 : f32
      %max3A_1662 = vector.broadcast %max3A_1661 : f32 to vector<16xf32>
      %max3A_1663 = arith.maximumf %abs3A_1655, %max3A_1662 : vector<16xf32>
      %add3A_1664 = arith.addf %add3A_1646, %max3A_1663 : vector<16xf32>
      %gather3A_1665 = tpu.memref_slice %arg14[%mul3A_1384] : memref<20480xf32, #tpu.memory_space<vmem>> -> memref<16xf32, #tpu.memory_space<vmem>>
      %gather3A_1666 = tpu.vector_load_idx %gather3A_1665[%add3A_80] : memref<16xf32, #tpu.memory_space<vmem>>[vector<16xi32>], vector<16xf32>,
      %add3A_1667 = arith.addi %gather3A_1425, %add3A_122 : vector<16xi32>
      %gather3A_1668 = arith.constant 0 : i32
      %gather3A_1669 = tpu.memref_slice %arg22[%select_n3A_1424, %gather3A_1668] : memref<8x640xf32, #tpu.memory_space<vmem>> -> memref<1x640xf32, #tpu.memory_space<vmem>>
      %gather3A_1670 = tpu.memref_squeeze %gather3A_1669 : memref<1x640xf32, #tpu.memory_space<vmem>> -> memref<640xf32, #tpu.memory_space<vmem>>
      %gather3A_1671 = tpu.vector_load_idx %gather3A_1670[%add3A_1667] : memref<640xf32, #tpu.memory_space<vmem>>[vector<16xi32>], vector<16xf32>,
      %sub3A_1672 = arith.subf %gather3A_1666, %gather3A_1671 : vector<16xf32>
      %abs3A_1673 = math.absf %sub3A_1672 : vector<16xf32>
      %min3A_1674 = arith.constant 1.000000e+00 : f32
      %min3A_1675 = vector.broadcast %min3A_1674 : f32 to vector<16xf32>
      %min3A_1676 = arith.minimumf %abs3A_1673, %min3A_1675 : vector<16xf32>
      %mul3A_1677 = arith.mulf %min3A_1676, %min3A_1676 : vector<16xf32>
      %add3A_1678 = arith.addf %add3A_1660, %mul3A_1677 : vector<16xf32>
      %max3A_1679 = arith.constant 1.000000e+00 : f32
      %max3A_1680 = vector.broadcast %max3A_1679 : f32 to vector<16xf32>
      %max3A_1681 = arith.maximumf %abs3A_1673, %max3A_1680 : vector<16xf32>
      %add3A_1682 = arith.addf %add3A_1664, %max3A_1681 : vector<16xf32>
      %gather3A_1683 = tpu.memref_slice %arg14[%mul3A_1384] : memref<20480xf32, #tpu.memory_space<vmem>> -> memref<16xf32, #tpu.memory_space<vmem>>
      %gather3A_1684 = tpu.vector_load_idx %gather3A_1683[%add3A_83] : memref<16xf32, #tpu.memory_space<vmem>>[vector<16xi32>], vector<16xf32>,
      %add3A_1685 = arith.addi %gather3A_1425, %add3A_125 : vector<16xi32>
      %gather3A_1686 = arith.constant 0 : i32
      %gather3A_1687 = tpu.memref_slice %arg22[%select_n3A_1424, %gather3A_1686] : memref<8x640xf32, #tpu.memory_space<vmem>> -> memref<1x640xf32, #tpu.memory_space<vmem>>
      %gather3A_1688 = tpu.memref_squeeze %gather3A_1687 : memref<1x640xf32, #tpu.memory_space<vmem>> -> memref<640xf32, #tpu.memory_space<vmem>>
      %gather3A_1689 = tpu.vector_load_idx %gather3A_1688[%add3A_1685] : memref<640xf32, #tpu.memory_space<vmem>>[vector<16xi32>], vector<16xf32>,
      %sub3A_1690 = arith.subf %gather3A_1684, %gather3A_1689 : vector<16xf32>
      %abs3A_1691 = math.absf %sub3A_1690 : vector<16xf32>
      %min3A_1692 = arith.constant 1.000000e+00 : f32
      %min3A_1693 = vector.broadcast %min3A_1692 : f32 to vector<16xf32>
      %min3A_1694 = arith.minimumf %abs3A_1691, %min3A_1693 : vector<16xf32>
      %mul3A_1695 = arith.mulf %min3A_1694, %min3A_1694 : vector<16xf32>
      %add3A_1696 = arith.addf %add3A_1678, %mul3A_1695 : vector<16xf32>
      %max3A_1697 = arith.constant 1.000000e+00 : f32
      %max3A_1698 = vector.broadcast %max3A_1697 : f32 to vector<16xf32>
      %max3A_1699 = arith.maximumf %abs3A_1691, %max3A_1698 : vector<16xf32>
      %add3A_1700 = arith.addf %add3A_1682, %max3A_1699 : vector<16xf32>
      %mul3A_1701 = arith.constant 5.000000e-01 : f32
      %mul3A_1702 = vector.broadcast %mul3A_1701 : f32 to vector<16xf32>
      %mul3A_1703 = arith.mulf %mul3A_1702, %add3A_1696 : vector<16xf32>
      %add3A_1704 = arith.addf %mul3A_1703, %add3A_1700 : vector<16xf32>
      %sub3A_1705 = arith.constant 1.000000e+01 : f32
      %sub3A_1706 = vector.broadcast %sub3A_1705 : f32 to vector<16xf32>
      %sub3A_1707 = arith.subf %add3A_1704, %sub3A_1706 : vector<16xf32>
      %mul3A_1708 = arith.mulf %sub3A_1707, %select_n3A_1434 : vector<16xf32>
      %add3A_1709 = arith.addf %scan3A_1381, %mul3A_1708 : vector<16xf32>
      %jit3A_1710 = arith.constant 64 : i32
      %div3A_1711 = arith.divsi %scan3A_1379, %jit3A_1710 : i32
      %sign3A_1712 = arith.constant 0 : i32
      %sign3A_1713 = arith.cmpi sgt, %scan3A_1379, %sign3A_1712 : i32
      %sign3A_1714 = arith.extui %sign3A_1713 : i1 to i32
      %sign3A_1715 = arith.constant 0 : i32
      %sign3A_1716 = arith.cmpi slt, %scan3A_1379, %sign3A_1715 : i32
      %sign3A_1717 = arith.extui %sign3A_1716 : i1 to i32
      %sign3A_1718 = arith.subi %sign3A_1714, %sign3A_1717 : i32
      %sign3A_1719 = arith.constant 0 : i32
      %sign3A_1720 = arith.cmpi sgt, %jit3A_1710, %sign3A_1719 : i32
      %sign3A_1721 = arith.extui %sign3A_1720 : i1 to i32
      %sign3A_1722 = arith.constant 0 : i32
      %sign3A_1723 = arith.cmpi slt, %jit3A_1710, %sign3A_1722 : i32
      %sign3A_1724 = arith.extui %sign3A_1723 : i1 to i32
      %sign3A_1725 = arith.subi %sign3A_1721, %sign3A_1724 : i32
      %ne3A_1726 = arith.cmpi ne, %sign3A_1718, %sign3A_1725 : i32
      %rem3A_1727 = arith.remsi %scan3A_1379, %jit3A_1710 : i32
      %ne3A_1728 = arith.constant 0 : i32
      %ne3A_1729 = arith.cmpi ne, %rem3A_1727, %ne3A_1728 : i32
      %and3A_1730 = arith.andi %ne3A_1726, %ne3A_1729 : i1
      %sub3A_1731 = arith.constant 1 : i32
      %sub3A_1732 = arith.subi %div3A_1711, %sub3A_1731 : i32
      %select_n3A_1733 = arith.select %and3A_1730, %sub3A_1732, %div3A_1711 : i32
      %mul3A_1734 = arith.constant 256 : i32
      %mul3A_1735 = arith.muli %select_n3A_1733, %mul3A_1734 : i32
      %jit3A_1736 = arith.constant 8 : i32
      %eq3A_1737 = arith.constant 0 : i32
      %eq3A_1738 = arith.cmpi eq, %jit3A_1736, %eq3A_1737 : i32
      %jit3A_1739 = arith.constant 1 : i32
      %select_n3A_1740 = arith.select %eq3A_1738, %jit3A_1739, %jit3A_1736 : i32
      %rem3A_1741 = arith.remsi %scan3A_1379, %select_n3A_1740 : i32
      %ne3A_1742 = arith.constant 0 : i32
      %ne3A_1743 = arith.cmpi ne, %rem3A_1741, %ne3A_1742 : i32
      %lt3A_1744 = arith.constant 0 : i32
      %lt3A_1745 = arith.cmpi slt, %rem3A_1741, %lt3A_1744 : i32
      %lt3A_1746 = arith.constant 0 : i32
      %lt3A_1747 = arith.cmpi slt, %select_n3A_1740, %lt3A_1746 : i32
      %ne3A_1748 = arith.xori %lt3A_1745, %lt3A_1747 : i1
      %and3A_1749 = arith.andi %ne3A_1748, %ne3A_1743 : i1
      %add3A_1750 = arith.addi %rem3A_1741, %select_n3A_1740 : i32
      %select_n3A_1751 = arith.select %and3A_1749, %add3A_1750, %rem3A_1741 : i32
      %mul3A_1752 = arith.constant 16 : i32
      %mul3A_1753 = arith.muli %select_n3A_1751, %mul3A_1752 : i32
      %add3A_1754 = arith.addi %mul3A_1735, %mul3A_1753 : i32
      %broadcast_in_dim3A_1755 = arith.constant 0.000000e+00 : f32
      %broadcast_in_dim3A_1756 = vector.broadcast %broadcast_in_dim3A_1755 : f32 to vector<16xf32>
      %broadcast_in_dim3A_1757 = arith.constant 0.000000e+00 : f32
      %broadcast_in_dim3A_1758 = vector.broadcast %broadcast_in_dim3A_1757 : f32 to vector<16xf32>
      %gather3A_1759 = tpu.memref_slice %arg16[%select_n3A_1424, %add3A_1754] : memref<8x512xf32, #tpu.memory_space<vmem>> -> memref<1x16xf32, #tpu.memory_space<vmem>>
      %gather3A_1760 = tpu.memref_squeeze %gather3A_1759 : memref<1x16xf32, #tpu.memory_space<vmem>> -> memref<16xf32, #tpu.memory_space<vmem>>
      %gather3A_1761 = tpu.vector_load_idx %gather3A_1760[%add3A_134] : memref<16xf32, #tpu.memory_space<vmem>>[vector<16xi32>], vector<16xf32>,
      %add3A_1762 = arith.addi %gather3A_1425, %add3A_128 : vector<16xi32>
      %gather3A_1763 = arith.constant 0 : i32
      %gather3A_1764 = tpu.memref_slice %arg23[%select_n3A_1424, %gather3A_1763] : memref<8x128xf32, #tpu.memory_space<vmem>> -> memref<1x128xf32, #tpu.memory_space<vmem>>
      %gather3A_1765 = tpu.memref_squeeze %gather3A_1764 : memref<1x128xf32, #tpu.memory_space<vmem>> -> memref<128xf32, #tpu.memory_space<vmem>>
      %gather3A_1766 = tpu.vector_load_idx %gather3A_1765[%add3A_1762] : memref<128xf32, #tpu.memory_space<vmem>>[vector<16xi32>], vector<16xf32>,
      %sub3A_1767 = arith.subf %gather3A_1761, %gather3A_1766 : vector<16xf32>
      %abs3A_1768 = math.absf %sub3A_1767 : vector<16xf32>
      %min3A_1769 = arith.constant 1.000000e+00 : f32
      %min3A_1770 = vector.broadcast %min3A_1769 : f32 to vector<16xf32>
      %min3A_1771 = arith.minimumf %abs3A_1768, %min3A_1770 : vector<16xf32>
      %mul3A_1772 = arith.mulf %min3A_1771, %min3A_1771 : vector<16xf32>
      %add3A_1773 = arith.addf %broadcast_in_dim3A_1756, %mul3A_1772 : vector<16xf32>
      %max3A_1774 = arith.constant 1.000000e+00 : f32
      %max3A_1775 = vector.broadcast %max3A_1774 : f32 to vector<16xf32>
      %max3A_1776 = arith.maximumf %abs3A_1768, %max3A_1775 : vector<16xf32>
      %add3A_1777 = arith.addf %broadcast_in_dim3A_1758, %max3A_1776 : vector<16xf32>
      %gather3A_1778 = tpu.memref_slice %arg16[%select_n3A_1424, %add3A_1754] : memref<8x512xf32, #tpu.memory_space<vmem>> -> memref<1x16xf32, #tpu.memory_space<vmem>>
      %gather3A_1779 = tpu.memref_squeeze %gather3A_1778 : memref<1x16xf32, #tpu.memory_space<vmem>> -> memref<16xf32, #tpu.memory_space<vmem>>
      %gather3A_1780 = tpu.vector_load_idx %gather3A_1779[%add3A_137] : memref<16xf32, #tpu.memory_space<vmem>>[vector<16xi32>], vector<16xf32>,
      %add3A_1781 = arith.addi %gather3A_1425, %add3A_131 : vector<16xi32>
      %gather3A_1782 = arith.constant 0 : i32
      %gather3A_1783 = tpu.memref_slice %arg23[%select_n3A_1424, %gather3A_1782] : memref<8x128xf32, #tpu.memory_space<vmem>> -> memref<1x128xf32, #tpu.memory_space<vmem>>
      %gather3A_1784 = tpu.memref_squeeze %gather3A_1783 : memref<1x128xf32, #tpu.memory_space<vmem>> -> memref<128xf32, #tpu.memory_space<vmem>>
      %gather3A_1785 = tpu.vector_load_idx %gather3A_1784[%add3A_1781] : memref<128xf32, #tpu.memory_space<vmem>>[vector<16xi32>], vector<16xf32>,
      %sub3A_1786 = arith.subf %gather3A_1780, %gather3A_1785 : vector<16xf32>
      %abs3A_1787 = math.absf %sub3A_1786 : vector<16xf32>
      %min3A_1788 = arith.constant 1.000000e+00 : f32
      %min3A_1789 = vector.broadcast %min3A_1788 : f32 to vector<16xf32>
      %min3A_1790 = arith.minimumf %abs3A_1787, %min3A_1789 : vector<16xf32>
      %mul3A_1791 = arith.mulf %min3A_1790, %min3A_1790 : vector<16xf32>
      %add3A_1792 = arith.addf %add3A_1773, %mul3A_1791 : vector<16xf32>
      %max3A_1793 = arith.constant 1.000000e+00 : f32
      %max3A_1794 = vector.broadcast %max3A_1793 : f32 to vector<16xf32>
      %max3A_1795 = arith.maximumf %abs3A_1787, %max3A_1794 : vector<16xf32>
      %add3A_1796 = arith.addf %add3A_1777, %max3A_1795 : vector<16xf32>
      %mul3A_1797 = arith.constant 5.000000e-01 : f32
      %mul3A_1798 = vector.broadcast %mul3A_1797 : f32 to vector<16xf32>
      %mul3A_1799 = arith.mulf %mul3A_1798, %add3A_1792 : vector<16xf32>
      %add3A_1800 = arith.addf %mul3A_1799, %add3A_1796 : vector<16xf32>
      %sub3A_1801 = arith.constant 2.000000e+00 : f32
      %sub3A_1802 = vector.broadcast %sub3A_1801 : f32 to vector<16xf32>
      %sub3A_1803 = arith.subf %add3A_1800, %sub3A_1802 : vector<16xf32>
      %mul3A_1804 = arith.mulf %sub3A_1803, %select_n3A_1434 : vector<16xf32>
      %add3A_1805 = arith.addf %scan3A_1382, %mul3A_1804 : vector<16xf32>
      scf.yield %add3A_1516, %add3A_1709, %add3A_1805 : vector<16xf32>, vector<16xf32>, vector<16xf32>
    }
    %scan3A_917 = arith.constant 128 : i32
    %dma_wait3A_918 = arith.constant 0 : i32
    %dma_wait3A_919 = arith.constant 0 : i32
    %dma_wait3A_920 = tpu.memref_slice %arg11[%dma_wait3A_919] : memref<8192xf32, #tpu.memory_space<vmem>> -> memref<2048xf32, #tpu.memory_space<vmem>>
    %dma_wait3A_921 = tpu.memref_slice %arg2[%dma_wait3A_918, %select_n3A, %add3A_747] : memref<5x2x131072xf32, #tpu.memory_space<hbm>> -> memref<1x1x2048xf32, #tpu.memory_space<hbm>>
    %dma_wait3A_922 = tpu.memref_squeeze %dma_wait3A_921 : memref<1x1x2048xf32, #tpu.memory_space<hbm>> -> memref<2048xf32, #tpu.memory_space<hbm>>
    %dma_wait3A_923 = arith.constant 0 : i32
    %dma_wait3A_924 = tpu.memref_slice %arg11[%dma_wait3A_923] : memref<8192xf32, #tpu.memory_space<vmem>> -> memref<2048xf32, #tpu.memory_space<vmem>>
    %dma_wait3A_925 = tpu.memref_slice %arg2[%dma_wait3A_918, %select_n3A, %add3A_747] : memref<5x2x131072xf32, #tpu.memory_space<hbm>> -> memref<1x1x2048xf32, #tpu.memory_space<hbm>>
    %dma_wait3A_926 = tpu.memref_squeeze %dma_wait3A_925 : memref<1x1x2048xf32, #tpu.memory_space<hbm>> -> memref<2048xf32, #tpu.memory_space<hbm>>
    tpu.wait_dma2 semaphore(%arg25 : memref<!tpu.dma_semaphore, #tpu.memory_space<semaphore_mem>>) src(%dma_wait3A_926 : memref<2048xf32, #tpu.memory_space<hbm>>) dst(%dma_wait3A_924 : memref<2048xf32, #tpu.memory_space<vmem>>)
    %dma_wait3A_927 = arith.constant 1 : i32
    %dma_wait3A_928 = arith.constant 2048 : i32
    %dma_wait3A_929 = tpu.memref_slice %arg11[%dma_wait3A_928] : memref<8192xf32, #tpu.memory_space<vmem>> -> memref<2048xf32, #tpu.memory_space<vmem>>
    %dma_wait3A_930 = tpu.memref_slice %arg2[%dma_wait3A_927, %select_n3A, %add3A_747] : memref<5x2x131072xf32, #tpu.memory_space<hbm>> -> memref<1x1x2048xf32, #tpu.memory_space<hbm>>
    %dma_wait3A_931 = tpu.memref_squeeze %dma_wait3A_930 : memref<1x1x2048xf32, #tpu.memory_space<hbm>> -> memref<2048xf32, #tpu.memory_space<hbm>>
    %dma_wait3A_932 = arith.constant 2048 : i32
    %dma_wait3A_933 = tpu.memref_slice %arg11[%dma_wait3A_932] : memref<8192xf32, #tpu.memory_space<vmem>> -> memref<2048xf32, #tpu.memory_space<vmem>>
    %dma_wait3A_934 = tpu.memref_slice %arg2[%dma_wait3A_927, %select_n3A, %add3A_747] : memref<5x2x131072xf32, #tpu.memory_space<hbm>> -> memref<1x1x2048xf32, #tpu.memory_space<hbm>>
    %dma_wait3A_935 = tpu.memref_squeeze %dma_wait3A_934 : memref<1x1x2048xf32, #tpu.memory_space<hbm>> -> memref<2048xf32, #tpu.memory_space<hbm>>
    tpu.wait_dma2 semaphore(%arg25 : memref<!tpu.dma_semaphore, #tpu.memory_space<semaphore_mem>>) src(%dma_wait3A_935 : memref<2048xf32, #tpu.memory_space<hbm>>) dst(%dma_wait3A_933 : memref<2048xf32, #tpu.memory_space<vmem>>)
    %dma_wait3A_936 = arith.constant 2 : i32
    %dma_wait3A_937 = arith.constant 4096 : i32
    %dma_wait3A_938 = tpu.memref_slice %arg11[%dma_wait3A_937] : memref<8192xf32, #tpu.memory_space<vmem>> -> memref<2048xf32, #tpu.memory_space<vmem>>
    %dma_wait3A_939 = tpu.memref_slice %arg2[%dma_wait3A_936, %select_n3A, %add3A_747] : memref<5x2x131072xf32, #tpu.memory_space<hbm>> -> memref<1x1x2048xf32, #tpu.memory_space<hbm>>
    %dma_wait3A_940 = tpu.memref_squeeze %dma_wait3A_939 : memref<1x1x2048xf32, #tpu.memory_space<hbm>> -> memref<2048xf32, #tpu.memory_space<hbm>>
    %dma_wait3A_941 = arith.constant 4096 : i32
    %dma_wait3A_942 = tpu.memref_slice %arg11[%dma_wait3A_941] : memref<8192xf32, #tpu.memory_space<vmem>> -> memref<2048xf32, #tpu.memory_space<vmem>>
    %dma_wait3A_943 = tpu.memref_slice %arg2[%dma_wait3A_936, %select_n3A, %add3A_747] : memref<5x2x131072xf32, #tpu.memory_space<hbm>> -> memref<1x1x2048xf32, #tpu.memory_space<hbm>>
    %dma_wait3A_944 = tpu.memref_squeeze %dma_wait3A_943 : memref<1x1x2048xf32, #tpu.memory_space<hbm>> -> memref<2048xf32, #tpu.memory_space<hbm>>
    tpu.wait_dma2 semaphore(%arg25 : memref<!tpu.dma_semaphore, #tpu.memory_space<semaphore_mem>>) src(%dma_wait3A_944 : memref<2048xf32, #tpu.memory_space<hbm>>) dst(%dma_wait3A_942 : memref<2048xf32, #tpu.memory_space<vmem>>)
    %dma_wait3A_945 = arith.constant 3 : i32
    %dma_wait3A_946 = arith.constant 6144 : i32
    %dma_wait3A_947 = tpu.memref_slice %arg11[%dma_wait3A_946] : memref<8192xf32, #tpu.memory_space<vmem>> -> memref<2048xf32, #tpu.memory_space<vmem>>
    %dma_wait3A_948 = tpu.memref_slice %arg2[%dma_wait3A_945, %select_n3A, %add3A_747] : memref<5x2x131072xf32, #tpu.memory_space<hbm>> -> memref<1x1x2048xf32, #tpu.memory_space<hbm>>
    %dma_wait3A_949 = tpu.memref_squeeze %dma_wait3A_948 : memref<1x1x2048xf32, #tpu.memory_space<hbm>> -> memref<2048xf32, #tpu.memory_space<hbm>>
    %dma_wait3A_950 = arith.constant 6144 : i32
    %dma_wait3A_951 = tpu.memref_slice %arg11[%dma_wait3A_950] : memref<8192xf32, #tpu.memory_space<vmem>> -> memref<2048xf32, #tpu.memory_space<vmem>>
    %dma_wait3A_952 = tpu.memref_slice %arg2[%dma_wait3A_945, %select_n3A, %add3A_747] : memref<5x2x131072xf32, #tpu.memory_space<hbm>> -> memref<1x1x2048xf32, #tpu.memory_space<hbm>>
    %dma_wait3A_953 = tpu.memref_squeeze %dma_wait3A_952 : memref<1x1x2048xf32, #tpu.memory_space<hbm>> -> memref<2048xf32, #tpu.memory_space<hbm>>
    tpu.wait_dma2 semaphore(%arg25 : memref<!tpu.dma_semaphore, #tpu.memory_space<semaphore_mem>>) src(%dma_wait3A_953 : memref<2048xf32, #tpu.memory_space<hbm>>) dst(%dma_wait3A_951 : memref<2048xf32, #tpu.memory_space<vmem>>)
    %dma_wait3A_954 = arith.constant 0 : i32
    %dma_wait3A_955 = arith.constant 0 : i32
    %dma_wait3A_956 = tpu.memref_slice %arg13[%dma_wait3A_955] : memref<20480xf32, #tpu.memory_space<vmem>> -> memref<2048xf32, #tpu.memory_space<vmem>>
    %dma_wait3A_957 = tpu.memref_slice %arg3[%dma_wait3A_954, %select_n3A, %add3A_747] : memref<10x2x131072xf32, #tpu.memory_space<hbm>> -> memref<1x1x2048xf32, #tpu.memory_space<hbm>>
    %dma_wait3A_958 = tpu.memref_squeeze %dma_wait3A_957 : memref<1x1x2048xf32, #tpu.memory_space<hbm>> -> memref<2048xf32, #tpu.memory_space<hbm>>
    %dma_wait3A_959 = arith.constant 0 : i32
    %dma_wait3A_960 = tpu.memref_slice %arg13[%dma_wait3A_959] : memref<20480xf32, #tpu.memory_space<vmem>> -> memref<2048xf32, #tpu.memory_space<vmem>>
    %dma_wait3A_961 = tpu.memref_slice %arg3[%dma_wait3A_954, %select_n3A, %add3A_747] : memref<10x2x131072xf32, #tpu.memory_space<hbm>> -> memref<1x1x2048xf32, #tpu.memory_space<hbm>>
    %dma_wait3A_962 = tpu.memref_squeeze %dma_wait3A_961 : memref<1x1x2048xf32, #tpu.memory_space<hbm>> -> memref<2048xf32, #tpu.memory_space<hbm>>
    tpu.wait_dma2 semaphore(%arg25 : memref<!tpu.dma_semaphore, #tpu.memory_space<semaphore_mem>>) src(%dma_wait3A_962 : memref<2048xf32, #tpu.memory_space<hbm>>) dst(%dma_wait3A_960 : memref<2048xf32, #tpu.memory_space<vmem>>)
    %dma_wait3A_963 = arith.constant 1 : i32
    %dma_wait3A_964 = arith.constant 2048 : i32
    %dma_wait3A_965 = tpu.memref_slice %arg13[%dma_wait3A_964] : memref<20480xf32, #tpu.memory_space<vmem>> -> memref<2048xf32, #tpu.memory_space<vmem>>
    %dma_wait3A_966 = tpu.memref_slice %arg3[%dma_wait3A_963, %select_n3A, %add3A_747] : memref<10x2x131072xf32, #tpu.memory_space<hbm>> -> memref<1x1x2048xf32, #tpu.memory_space<hbm>>
    %dma_wait3A_967 = tpu.memref_squeeze %dma_wait3A_966 : memref<1x1x2048xf32, #tpu.memory_space<hbm>> -> memref<2048xf32, #tpu.memory_space<hbm>>
    %dma_wait3A_968 = arith.constant 2048 : i32
    %dma_wait3A_969 = tpu.memref_slice %arg13[%dma_wait3A_968] : memref<20480xf32, #tpu.memory_space<vmem>> -> memref<2048xf32, #tpu.memory_space<vmem>>
    %dma_wait3A_970 = tpu.memref_slice %arg3[%dma_wait3A_963, %select_n3A, %add3A_747] : memref<10x2x131072xf32, #tpu.memory_space<hbm>> -> memref<1x1x2048xf32, #tpu.memory_space<hbm>>
    %dma_wait3A_971 = tpu.memref_squeeze %dma_wait3A_970 : memref<1x1x2048xf32, #tpu.memory_space<hbm>> -> memref<2048xf32, #tpu.memory_space<hbm>>
    tpu.wait_dma2 semaphore(%arg25 : memref<!tpu.dma_semaphore, #tpu.memory_space<semaphore_mem>>) src(%dma_wait3A_971 : memref<2048xf32, #tpu.memory_space<hbm>>) dst(%dma_wait3A_969 : memref<2048xf32, #tpu.memory_space<vmem>>)
    %dma_wait3A_972 = arith.constant 2 : i32
    %dma_wait3A_973 = arith.constant 4096 : i32
    %dma_wait3A_974 = tpu.memref_slice %arg13[%dma_wait3A_973] : memref<20480xf32, #tpu.memory_space<vmem>> -> memref<2048xf32, #tpu.memory_space<vmem>>
    %dma_wait3A_975 = tpu.memref_slice %arg3[%dma_wait3A_972, %select_n3A, %add3A_747] : memref<10x2x131072xf32, #tpu.memory_space<hbm>> -> memref<1x1x2048xf32, #tpu.memory_space<hbm>>
    %dma_wait3A_976 = tpu.memref_squeeze %dma_wait3A_975 : memref<1x1x2048xf32, #tpu.memory_space<hbm>> -> memref<2048xf32, #tpu.memory_space<hbm>>
    %dma_wait3A_977 = arith.constant 4096 : i32
    %dma_wait3A_978 = tpu.memref_slice %arg13[%dma_wait3A_977] : memref<20480xf32, #tpu.memory_space<vmem>> -> memref<2048xf32, #tpu.memory_space<vmem>>
    %dma_wait3A_979 = tpu.memref_slice %arg3[%dma_wait3A_972, %select_n3A, %add3A_747] : memref<10x2x131072xf32, #tpu.memory_space<hbm>> -> memref<1x1x2048xf32, #tpu.memory_space<hbm>>
    %dma_wait3A_980 = tpu.memref_squeeze %dma_wait3A_979 : memref<1x1x2048xf32, #tpu.memory_space<hbm>> -> memref<2048xf32, #tpu.memory_space<hbm>>
    tpu.wait_dma2 semaphore(%arg25 : memref<!tpu.dma_semaphore, #tpu.memory_space<semaphore_mem>>) src(%dma_wait3A_980 : memref<2048xf32, #tpu.memory_space<hbm>>) dst(%dma_wait3A_978 : memref<2048xf32, #tpu.memory_space<vmem>>)
    %dma_wait3A_981 = arith.constant 3 : i32
    %dma_wait3A_982 = arith.constant 6144 : i32
    %dma_wait3A_983 = tpu.memref_slice %arg13[%dma_wait3A_982] : memref<20480xf32, #tpu.memory_space<vmem>> -> memref<2048xf32, #tpu.memory_space<vmem>>
    %dma_wait3A_984 = tpu.memref_slice %arg3[%dma_wait3A_981, %select_n3A, %add3A_747] : memref<10x2x131072xf32, #tpu.memory_space<hbm>> -> memref<1x1x2048xf32, #tpu.memory_space<hbm>>
    %dma_wait3A_985 = tpu.memref_squeeze %dma_wait3A_984 : memref<1x1x2048xf32, #tpu.memory_space<hbm>> -> memref<2048xf32, #tpu.memory_space<hbm>>
    %dma_wait3A_986 = arith.constant 6144 : i32
    %dma_wait3A_987 = tpu.memref_slice %arg13[%dma_wait3A_986] : memref<20480xf32, #tpu.memory_space<vmem>> -> memref<2048xf32, #tpu.memory_space<vmem>>
    %dma_wait3A_988 = tpu.memref_slice %arg3[%dma_wait3A_981, %select_n3A, %add3A_747] : memref<10x2x131072xf32, #tpu.memory_space<hbm>> -> memref<1x1x2048xf32, #tpu.memory_space<hbm>>
    %dma_wait3A_989 = tpu.memref_squeeze %dma_wait3A_988 : memref<1x1x2048xf32, #tpu.memory_space<hbm>> -> memref<2048xf32, #tpu.memory_space<hbm>>
    tpu.wait_dma2 semaphore(%arg25 : memref<!tpu.dma_semaphore, #tpu.memory_space<semaphore_mem>>) src(%dma_wait3A_989 : memref<2048xf32, #tpu.memory_space<hbm>>) dst(%dma_wait3A_987 : memref<2048xf32, #tpu.memory_space<vmem>>)
    %dma_wait3A_990 = arith.constant 4 : i32
    %dma_wait3A_991 = arith.constant 8192 : i32
    %dma_wait3A_992 = tpu.memref_slice %arg13[%dma_wait3A_991] : memref<20480xf32, #tpu.memory_space<vmem>> -> memref<2048xf32, #tpu.memory_space<vmem>>
    %dma_wait3A_993 = tpu.memref_slice %arg3[%dma_wait3A_990, %select_n3A, %add3A_747] : memref<10x2x131072xf32, #tpu.memory_space<hbm>> -> memref<1x1x2048xf32, #tpu.memory_space<hbm>>
    %dma_wait3A_994 = tpu.memref_squeeze %dma_wait3A_993 : memref<1x1x2048xf32, #tpu.memory_space<hbm>> -> memref<2048xf32, #tpu.memory_space<hbm>>
    %dma_wait3A_995 = arith.constant 8192 : i32
    %dma_wait3A_996 = tpu.memref_slice %arg13[%dma_wait3A_995] : memref<20480xf32, #tpu.memory_space<vmem>> -> memref<2048xf32, #tpu.memory_space<vmem>>
    %dma_wait3A_997 = tpu.memref_slice %arg3[%dma_wait3A_990, %select_n3A, %add3A_747] : memref<10x2x131072xf32, #tpu.memory_space<hbm>> -> memref<1x1x2048xf32, #tpu.memory_space<hbm>>
    %dma_wait3A_998 = tpu.memref_squeeze %dma_wait3A_997 : memref<1x1x2048xf32, #tpu.memory_space<hbm>> -> memref<2048xf32, #tpu.memory_space<hbm>>
    tpu.wait_dma2 semaphore(%arg25 : memref<!tpu.dma_semaphore, #tpu.memory_space<semaphore_mem>>) src(%dma_wait3A_998 : memref<2048xf32, #tpu.memory_space<hbm>>) dst(%dma_wait3A_996 : memref<2048xf32, #tpu.memory_space<vmem>>)
    %dma_wait3A_999 = arith.constant 5 : i32
    %dma_wait3A_1000 = arith.constant 10240 : i32
    %dma_wait3A_1001 = tpu.memref_slice %arg13[%dma_wait3A_1000] : memref<20480xf32, #tpu.memory_space<vmem>> -> memref<2048xf32, #tpu.memory_space<vmem>>
    %dma_wait3A_1002 = tpu.memref_slice %arg3[%dma_wait3A_999, %select_n3A, %add3A_747] : memref<10x2x131072xf32, #tpu.memory_space<hbm>> -> memref<1x1x2048xf32, #tpu.memory_space<hbm>>
    %dma_wait3A_1003 = tpu.memref_squeeze %dma_wait3A_1002 : memref<1x1x2048xf32, #tpu.memory_space<hbm>> -> memref<2048xf32, #tpu.memory_space<hbm>>
    %dma_wait3A_1004 = arith.constant 10240 : i32
    %dma_wait3A_1005 = tpu.memref_slice %arg13[%dma_wait3A_1004] : memref<20480xf32, #tpu.memory_space<vmem>> -> memref<2048xf32, #tpu.memory_space<vmem>>
    %dma_wait3A_1006 = tpu.memref_slice %arg3[%dma_wait3A_999, %select_n3A, %add3A_747] : memref<10x2x131072xf32, #tpu.memory_space<hbm>> -> memref<1x1x2048xf32, #tpu.memory_space<hbm>>
    %dma_wait3A_1007 = tpu.memref_squeeze %dma_wait3A_1006 : memref<1x1x2048xf32, #tpu.memory_space<hbm>> -> memref<2048xf32, #tpu.memory_space<hbm>>
    tpu.wait_dma2 semaphore(%arg25 : memref<!tpu.dma_semaphore, #tpu.memory_space<semaphore_mem>>) src(%dma_wait3A_1007 : memref<2048xf32, #tpu.memory_space<hbm>>) dst(%dma_wait3A_1005 : memref<2048xf32, #tpu.memory_space<vmem>>)
    %dma_wait3A_1008 = arith.constant 6 : i32
    %dma_wait3A_1009 = arith.constant 12288 : i32
    %dma_wait3A_1010 = tpu.memref_slice %arg13[%dma_wait3A_1009] : memref<20480xf32, #tpu.memory_space<vmem>> -> memref<2048xf32, #tpu.memory_space<vmem>>
    %dma_wait3A_1011 = tpu.memref_slice %arg3[%dma_wait3A_1008, %select_n3A, %add3A_747] : memref<10x2x131072xf32, #tpu.memory_space<hbm>> -> memref<1x1x2048xf32, #tpu.memory_space<hbm>>
    %dma_wait3A_1012 = tpu.memref_squeeze %dma_wait3A_1011 : memref<1x1x2048xf32, #tpu.memory_space<hbm>> -> memref<2048xf32, #tpu.memory_space<hbm>>
    %dma_wait3A_1013 = arith.constant 12288 : i32
    %dma_wait3A_1014 = tpu.memref_slice %arg13[%dma_wait3A_1013] : memref<20480xf32, #tpu.memory_space<vmem>> -> memref<2048xf32, #tpu.memory_space<vmem>>
    %dma_wait3A_1015 = tpu.memref_slice %arg3[%dma_wait3A_1008, %select_n3A, %add3A_747] : memref<10x2x131072xf32, #tpu.memory_space<hbm>> -> memref<1x1x2048xf32, #tpu.memory_space<hbm>>
    %dma_wait3A_1016 = tpu.memref_squeeze %dma_wait3A_1015 : memref<1x1x2048xf32, #tpu.memory_space<hbm>> -> memref<2048xf32, #tpu.memory_space<hbm>>
    tpu.wait_dma2 semaphore(%arg25 : memref<!tpu.dma_semaphore, #tpu.memory_space<semaphore_mem>>) src(%dma_wait3A_1016 : memref<2048xf32, #tpu.memory_space<hbm>>) dst(%dma_wait3A_1014 : memref<2048xf32, #tpu.memory_space<vmem>>)
    %dma_wait3A_1017 = arith.constant 7 : i32
    %dma_wait3A_1018 = arith.constant 14336 : i32
    %dma_wait3A_1019 = tpu.memref_slice %arg13[%dma_wait3A_1018] : memref<20480xf32, #tpu.memory_space<vmem>> -> memref<2048xf32, #tpu.memory_space<vmem>>
    %dma_wait3A_1020 = tpu.memref_slice %arg3[%dma_wait3A_1017, %select_n3A, %add3A_747] : memref<10x2x131072xf32, #tpu.memory_space<hbm>> -> memref<1x1x2048xf32, #tpu.memory_space<hbm>>
    %dma_wait3A_1021 = tpu.memref_squeeze %dma_wait3A_1020 : memref<1x1x2048xf32, #tpu.memory_space<hbm>> -> memref<2048xf32, #tpu.memory_space<hbm>>
    %dma_wait3A_1022 = arith.constant 14336 : i32
    %dma_wait3A_1023 = tpu.memref_slice %arg13[%dma_wait3A_1022] : memref<20480xf32, #tpu.memory_space<vmem>> -> memref<2048xf32, #tpu.memory_space<vmem>>
    %dma_wait3A_1024 = tpu.memref_slice %arg3[%dma_wait3A_1017, %select_n3A, %add3A_747] : memref<10x2x131072xf32, #tpu.memory_space<hbm>> -> memref<1x1x2048xf32, #tpu.memory_space<hbm>>
    %dma_wait3A_1025 = tpu.memref_squeeze %dma_wait3A_1024 : memref<1x1x2048xf32, #tpu.memory_space<hbm>> -> memref<2048xf32, #tpu.memory_space<hbm>>
    tpu.wait_dma2 semaphore(%arg25 : memref<!tpu.dma_semaphore, #tpu.memory_space<semaphore_mem>>) src(%dma_wait3A_1025 : memref<2048xf32, #tpu.memory_space<hbm>>) dst(%dma_wait3A_1023 : memref<2048xf32, #tpu.memory_space<vmem>>)
    %dma_wait3A_1026 = arith.constant 8 : i32
    %dma_wait3A_1027 = arith.constant 16384 : i32
    %dma_wait3A_1028 = tpu.memref_slice %arg13[%dma_wait3A_1027] : memref<20480xf32, #tpu.memory_space<vmem>> -> memref<2048xf32, #tpu.memory_space<vmem>>
    %dma_wait3A_1029 = tpu.memref_slice %arg3[%dma_wait3A_1026, %select_n3A, %add3A_747] : memref<10x2x131072xf32, #tpu.memory_space<hbm>> -> memref<1x1x2048xf32, #tpu.memory_space<hbm>>
    %dma_wait3A_1030 = tpu.memref_squeeze %dma_wait3A_1029 : memref<1x1x2048xf32, #tpu.memory_space<hbm>> -> memref<2048xf32, #tpu.memory_space<hbm>>
    %dma_wait3A_1031 = arith.constant 16384 : i32
    %dma_wait3A_1032 = tpu.memref_slice %arg13[%dma_wait3A_1031] : memref<20480xf32, #tpu.memory_space<vmem>> -> memref<2048xf32, #tpu.memory_space<vmem>>
    %dma_wait3A_1033 = tpu.memref_slice %arg3[%dma_wait3A_1026, %select_n3A, %add3A_747] : memref<10x2x131072xf32, #tpu.memory_space<hbm>> -> memref<1x1x2048xf32, #tpu.memory_space<hbm>>
    %dma_wait3A_1034 = tpu.memref_squeeze %dma_wait3A_1033 : memref<1x1x2048xf32, #tpu.memory_space<hbm>> -> memref<2048xf32, #tpu.memory_space<hbm>>
    tpu.wait_dma2 semaphore(%arg25 : memref<!tpu.dma_semaphore, #tpu.memory_space<semaphore_mem>>) src(%dma_wait3A_1034 : memref<2048xf32, #tpu.memory_space<hbm>>) dst(%dma_wait3A_1032 : memref<2048xf32, #tpu.memory_space<vmem>>)
    %dma_wait3A_1035 = arith.constant 9 : i32
    %dma_wait3A_1036 = arith.constant 18432 : i32
    %dma_wait3A_1037 = tpu.memref_slice %arg13[%dma_wait3A_1036] : memref<20480xf32, #tpu.memory_space<vmem>> -> memref<2048xf32, #tpu.memory_space<vmem>>
    %dma_wait3A_1038 = tpu.memref_slice %arg3[%dma_wait3A_1035, %select_n3A, %add3A_747] : memref<10x2x131072xf32, #tpu.memory_space<hbm>> -> memref<1x1x2048xf32, #tpu.memory_space<hbm>>
    %dma_wait3A_1039 = tpu.memref_squeeze %dma_wait3A_1038 : memref<1x1x2048xf32, #tpu.memory_space<hbm>> -> memref<2048xf32, #tpu.memory_space<hbm>>
    %dma_wait3A_1040 = arith.constant 18432 : i32
    %dma_wait3A_1041 = tpu.memref_slice %arg13[%dma_wait3A_1040] : memref<20480xf32, #tpu.memory_space<vmem>> -> memref<2048xf32, #tpu.memory_space<vmem>>
    %dma_wait3A_1042 = tpu.memref_slice %arg3[%dma_wait3A_1035, %select_n3A, %add3A_747] : memref<10x2x131072xf32, #tpu.memory_space<hbm>> -> memref<1x1x2048xf32, #tpu.memory_space<hbm>>
    %dma_wait3A_1043 = tpu.memref_squeeze %dma_wait3A_1042 : memref<1x1x2048xf32, #tpu.memory_space<hbm>> -> memref<2048xf32, #tpu.memory_space<hbm>>
    tpu.wait_dma2 semaphore(%arg25 : memref<!tpu.dma_semaphore, #tpu.memory_space<semaphore_mem>>) src(%dma_wait3A_1043 : memref<2048xf32, #tpu.memory_space<hbm>>) dst(%dma_wait3A_1041 : memref<2048xf32, #tpu.memory_space<vmem>>)
    %dma_wait3A_1044 = tpu.memref_slice %arg4[%mul3A_901, %mul3A_773] : memref<16x32768xf32, #tpu.memory_space<hbm>> -> memref<8x512xf32, #tpu.memory_space<hbm>>
    %dma_wait3A_1045 = tpu.memref_slice %arg4[%mul3A_901, %mul3A_773] : memref<16x32768xf32, #tpu.memory_space<hbm>> -> memref<8x512xf32, #tpu.memory_space<hbm>>
    tpu.wait_dma2 semaphore(%arg25 : memref<!tpu.dma_semaphore, #tpu.memory_space<semaphore_mem>>) src(%dma_wait3A_1045 : memref<8x512xf32, #tpu.memory_space<hbm>>) dst(%arg15 : memref<8x512xf32, #tpu.memory_space<vmem>>)
    %dma_wait3A_1046 = tpu.memref_slice %arg8[%select_n3A, %add3A_747] : memref<2x131072xi32, #tpu.memory_space<hbm>> -> memref<1x2048xi32, #tpu.memory_space<hbm>>
    %dma_wait3A_1047 = tpu.memref_squeeze %dma_wait3A_1046 : memref<1x2048xi32, #tpu.memory_space<hbm>> -> memref<2048xi32, #tpu.memory_space<hbm>>
    %dma_wait3A_1048 = tpu.memref_slice %arg8[%select_n3A, %add3A_747] : memref<2x131072xi32, #tpu.memory_space<hbm>> -> memref<1x2048xi32, #tpu.memory_space<hbm>>
    %dma_wait3A_1049 = tpu.memref_squeeze %dma_wait3A_1048 : memref<1x2048xi32, #tpu.memory_space<hbm>> -> memref<2048xi32, #tpu.memory_space<hbm>>
    tpu.wait_dma2 semaphore(%arg25 : memref<!tpu.dma_semaphore, #tpu.memory_space<semaphore_mem>>) src(%dma_wait3A_1049 : memref<2048xi32, #tpu.memory_space<hbm>>) dst(%arg17 : memref<2048xi32, #tpu.memory_space<vmem>>)
    %dma_wait3A_1050 = tpu.memref_slice %arg9[%select_n3A, %add3A_747] : memref<2x131072xf32, #tpu.memory_space<hbm>> -> memref<1x2048xf32, #tpu.memory_space<hbm>>
    %dma_wait3A_1051 = tpu.memref_squeeze %dma_wait3A_1050 : memref<1x2048xf32, #tpu.memory_space<hbm>> -> memref<2048xf32, #tpu.memory_space<hbm>>
    %dma_wait3A_1052 = tpu.memref_slice %arg9[%select_n3A, %add3A_747] : memref<2x131072xf32, #tpu.memory_space<hbm>> -> memref<1x2048xf32, #tpu.memory_space<hbm>>
    %dma_wait3A_1053 = tpu.memref_squeeze %dma_wait3A_1052 : memref<1x2048xf32, #tpu.memory_space<hbm>> -> memref<2048xf32, #tpu.memory_space<hbm>>
    tpu.wait_dma2 semaphore(%arg25 : memref<!tpu.dma_semaphore, #tpu.memory_space<semaphore_mem>>) src(%dma_wait3A_1053 : memref<2048xf32, #tpu.memory_space<hbm>>) dst(%arg19 : memref<2048xf32, #tpu.memory_space<vmem>>)
    %add3A_1054 = arith.constant 6144 : i32
    %add3A_1055 = arith.addi %mul3A_32, %add3A_1054 : i32
    %jit3A_1056 = arith.constant 1024 : i32
    %div3A_1057 = arith.divsi %add3A_1055, %jit3A_1056 : i32
    %sign3A_1058 = arith.constant 0 : i32
    %sign3A_1059 = arith.cmpi sgt, %add3A_1055, %sign3A_1058 : i32
    %sign3A_1060 = arith.extui %sign3A_1059 : i1 to i32
    %sign3A_1061 = arith.constant 0 : i32
    %sign3A_1062 = arith.cmpi slt, %add3A_1055, %sign3A_1061 : i32
    %sign3A_1063 = arith.extui %sign3A_1062 : i1 to i32
    %sign3A_1064 = arith.subi %sign3A_1060, %sign3A_1063 : i32
    %sign3A_1065 = arith.constant 0 : i32
    %sign3A_1066 = arith.cmpi sgt, %jit3A_1056, %sign3A_1065 : i32
    %sign3A_1067 = arith.extui %sign3A_1066 : i1 to i32
    %sign3A_1068 = arith.constant 0 : i32
    %sign3A_1069 = arith.cmpi slt, %jit3A_1056, %sign3A_1068 : i32
    %sign3A_1070 = arith.extui %sign3A_1069 : i1 to i32
    %sign3A_1071 = arith.subi %sign3A_1067, %sign3A_1070 : i32
    %ne3A_1072 = arith.cmpi ne, %sign3A_1064, %sign3A_1071 : i32
    %rem3A_1073 = arith.remsi %add3A_1055, %jit3A_1056 : i32
    %ne3A_1074 = arith.constant 0 : i32
    %ne3A_1075 = arith.cmpi ne, %rem3A_1073, %ne3A_1074 : i32
    %and3A_1076 = arith.andi %ne3A_1072, %ne3A_1075 : i1
    %sub3A_1077 = arith.constant 1 : i32
    %sub3A_1078 = arith.subi %div3A_1057, %sub3A_1077 : i32
    %select_n3A_1079 = arith.select %and3A_1076, %sub3A_1078, %div3A_1057 : i32
    %mul3A_1080 = arith.constant 256 : i32
    %mul3A_1081 = arith.muli %select_n3A_1079, %mul3A_1080 : i32
    %dma_start3A_1082 = arith.constant 0 : i32
    %dma_start3A_1083 = arith.constant 0 : i32
    %dma_start3A_1084 = tpu.memref_slice %arg12[%dma_start3A_1083] : memref<8192xf32, #tpu.memory_space<vmem>> -> memref<2048xf32, #tpu.memory_space<vmem>>
    %dma_start3A_1085 = tpu.memref_slice %arg2[%dma_start3A_1082, %select_n3A, %add3A_1055] : memref<5x2x131072xf32, #tpu.memory_space<hbm>> -> memref<1x1x2048xf32, #tpu.memory_space<hbm>>
    %dma_start3A_1086 = tpu.memref_squeeze %dma_start3A_1085 : memref<1x1x2048xf32, #tpu.memory_space<hbm>> -> memref<2048xf32, #tpu.memory_space<hbm>>
    %dma_start3A_1087 = arith.constant 0 : i32
    %dma_start3A_1088 = tpu.memref_slice %arg12[%dma_start3A_1087] : memref<8192xf32, #tpu.memory_space<vmem>> -> memref<2048xf32, #tpu.memory_space<vmem>>
    %dma_start3A_1089 = tpu.memref_slice %arg2[%dma_start3A_1082, %select_n3A, %add3A_1055] : memref<5x2x131072xf32, #tpu.memory_space<hbm>> -> memref<1x1x2048xf32, #tpu.memory_space<hbm>>
    %dma_start3A_1090 = tpu.memref_squeeze %dma_start3A_1089 : memref<1x1x2048xf32, #tpu.memory_space<hbm>> -> memref<2048xf32, #tpu.memory_space<hbm>>
    tpu.enqueue_dma source(%dma_start3A_1090 : memref<2048xf32, #tpu.memory_space<hbm>>) target(%dma_start3A_1088 : memref<2048xf32, #tpu.memory_space<vmem>>) target_semaphore(%arg26 : memref<!tpu.dma_semaphore, #tpu.memory_space<semaphore_mem>>)
    %dma_start3A_1091 = arith.constant 1 : i32
    %dma_start3A_1092 = arith.constant 2048 : i32
    %dma_start3A_1093 = tpu.memref_slice %arg12[%dma_start3A_1092] : memref<8192xf32, #tpu.memory_space<vmem>> -> memref<2048xf32, #tpu.memory_space<vmem>>
    %dma_start3A_1094 = tpu.memref_slice %arg2[%dma_start3A_1091, %select_n3A, %add3A_1055] : memref<5x2x131072xf32, #tpu.memory_space<hbm>> -> memref<1x1x2048xf32, #tpu.memory_space<hbm>>
    %dma_start3A_1095 = tpu.memref_squeeze %dma_start3A_1094 : memref<1x1x2048xf32, #tpu.memory_space<hbm>> -> memref<2048xf32, #tpu.memory_space<hbm>>
    %dma_start3A_1096 = arith.constant 2048 : i32
    %dma_start3A_1097 = tpu.memref_slice %arg12[%dma_start3A_1096] : memref<8192xf32, #tpu.memory_space<vmem>> -> memref<2048xf32, #tpu.memory_space<vmem>>
    %dma_start3A_1098 = tpu.memref_slice %arg2[%dma_start3A_1091, %select_n3A, %add3A_1055] : memref<5x2x131072xf32, #tpu.memory_space<hbm>> -> memref<1x1x2048xf32, #tpu.memory_space<hbm>>
    %dma_start3A_1099 = tpu.memref_squeeze %dma_start3A_1098 : memref<1x1x2048xf32, #tpu.memory_space<hbm>> -> memref<2048xf32, #tpu.memory_space<hbm>>
    tpu.enqueue_dma source(%dma_start3A_1099 : memref<2048xf32, #tpu.memory_space<hbm>>) target(%dma_start3A_1097 : memref<2048xf32, #tpu.memory_space<vmem>>) target_semaphore(%arg26 : memref<!tpu.dma_semaphore, #tpu.memory_space<semaphore_mem>>)
    %dma_start3A_1100 = arith.constant 2 : i32
    %dma_start3A_1101 = arith.constant 4096 : i32
    %dma_start3A_1102 = tpu.memref_slice %arg12[%dma_start3A_1101] : memref<8192xf32, #tpu.memory_space<vmem>> -> memref<2048xf32, #tpu.memory_space<vmem>>
    %dma_start3A_1103 = tpu.memref_slice %arg2[%dma_start3A_1100, %select_n3A, %add3A_1055] : memref<5x2x131072xf32, #tpu.memory_space<hbm>> -> memref<1x1x2048xf32, #tpu.memory_space<hbm>>
    %dma_start3A_1104 = tpu.memref_squeeze %dma_start3A_1103 : memref<1x1x2048xf32, #tpu.memory_space<hbm>> -> memref<2048xf32, #tpu.memory_space<hbm>>
    %dma_start3A_1105 = arith.constant 4096 : i32
    %dma_start3A_1106 = tpu.memref_slice %arg12[%dma_start3A_1105] : memref<8192xf32, #tpu.memory_space<vmem>> -> memref<2048xf32, #tpu.memory_space<vmem>>
    %dma_start3A_1107 = tpu.memref_slice %arg2[%dma_start3A_1100, %select_n3A, %add3A_1055] : memref<5x2x131072xf32, #tpu.memory_space<hbm>> -> memref<1x1x2048xf32, #tpu.memory_space<hbm>>
    %dma_start3A_1108 = tpu.memref_squeeze %dma_start3A_1107 : memref<1x1x2048xf32, #tpu.memory_space<hbm>> -> memref<2048xf32, #tpu.memory_space<hbm>>
    tpu.enqueue_dma source(%dma_start3A_1108 : memref<2048xf32, #tpu.memory_space<hbm>>) target(%dma_start3A_1106 : memref<2048xf32, #tpu.memory_space<vmem>>) target_semaphore(%arg26 : memref<!tpu.dma_semaphore, #tpu.memory_space<semaphore_mem>>)
    %dma_start3A_1109 = arith.constant 3 : i32
    %dma_start3A_1110 = arith.constant 6144 : i32
    %dma_start3A_1111 = tpu.memref_slice %arg12[%dma_start3A_1110] : memref<8192xf32, #tpu.memory_space<vmem>> -> memref<2048xf32, #tpu.memory_space<vmem>>
    %dma_start3A_1112 = tpu.memref_slice %arg2[%dma_start3A_1109, %select_n3A, %add3A_1055] : memref<5x2x131072xf32, #tpu.memory_space<hbm>> -> memref<1x1x2048xf32, #tpu.memory_space<hbm>>
    %dma_start3A_1113 = tpu.memref_squeeze %dma_start3A_1112 : memref<1x1x2048xf32, #tpu.memory_space<hbm>> -> memref<2048xf32, #tpu.memory_space<hbm>>
    %dma_start3A_1114 = arith.constant 6144 : i32
    %dma_start3A_1115 = tpu.memref_slice %arg12[%dma_start3A_1114] : memref<8192xf32, #tpu.memory_space<vmem>> -> memref<2048xf32, #tpu.memory_space<vmem>>
    %dma_start3A_1116 = tpu.memref_slice %arg2[%dma_start3A_1109, %select_n3A, %add3A_1055] : memref<5x2x131072xf32, #tpu.memory_space<hbm>> -> memref<1x1x2048xf32, #tpu.memory_space<hbm>>
    %dma_start3A_1117 = tpu.memref_squeeze %dma_start3A_1116 : memref<1x1x2048xf32, #tpu.memory_space<hbm>> -> memref<2048xf32, #tpu.memory_space<hbm>>
    tpu.enqueue_dma source(%dma_start3A_1117 : memref<2048xf32, #tpu.memory_space<hbm>>) target(%dma_start3A_1115 : memref<2048xf32, #tpu.memory_space<vmem>>) target_semaphore(%arg26 : memref<!tpu.dma_semaphore, #tpu.memory_space<semaphore_mem>>)
    %dma_start3A_1118 = arith.constant 0 : i32
    %dma_start3A_1119 = arith.constant 0 : i32
    %dma_start3A_1120 = tpu.memref_slice %arg14[%dma_start3A_1119] : memref<20480xf32, #tpu.memory_space<vmem>> -> memref<2048xf32, #tpu.memory_space<vmem>>
    %dma_start3A_1121 = tpu.memref_slice %arg3[%dma_start3A_1118, %select_n3A, %add3A_1055] : memref<10x2x131072xf32, #tpu.memory_space<hbm>> -> memref<1x1x2048xf32, #tpu.memory_space<hbm>>
    %dma_start3A_1122 = tpu.memref_squeeze %dma_start3A_1121 : memref<1x1x2048xf32, #tpu.memory_space<hbm>> -> memref<2048xf32, #tpu.memory_space<hbm>>
    %dma_start3A_1123 = arith.constant 0 : i32
    %dma_start3A_1124 = tpu.memref_slice %arg14[%dma_start3A_1123] : memref<20480xf32, #tpu.memory_space<vmem>> -> memref<2048xf32, #tpu.memory_space<vmem>>
    %dma_start3A_1125 = tpu.memref_slice %arg3[%dma_start3A_1118, %select_n3A, %add3A_1055] : memref<10x2x131072xf32, #tpu.memory_space<hbm>> -> memref<1x1x2048xf32, #tpu.memory_space<hbm>>
    %dma_start3A_1126 = tpu.memref_squeeze %dma_start3A_1125 : memref<1x1x2048xf32, #tpu.memory_space<hbm>> -> memref<2048xf32, #tpu.memory_space<hbm>>
    tpu.enqueue_dma source(%dma_start3A_1126 : memref<2048xf32, #tpu.memory_space<hbm>>) target(%dma_start3A_1124 : memref<2048xf32, #tpu.memory_space<vmem>>) target_semaphore(%arg26 : memref<!tpu.dma_semaphore, #tpu.memory_space<semaphore_mem>>)
    %dma_start3A_1127 = arith.constant 1 : i32
    %dma_start3A_1128 = arith.constant 2048 : i32
    %dma_start3A_1129 = tpu.memref_slice %arg14[%dma_start3A_1128] : memref<20480xf32, #tpu.memory_space<vmem>> -> memref<2048xf32, #tpu.memory_space<vmem>>
    %dma_start3A_1130 = tpu.memref_slice %arg3[%dma_start3A_1127, %select_n3A, %add3A_1055] : memref<10x2x131072xf32, #tpu.memory_space<hbm>> -> memref<1x1x2048xf32, #tpu.memory_space<hbm>>
    %dma_start3A_1131 = tpu.memref_squeeze %dma_start3A_1130 : memref<1x1x2048xf32, #tpu.memory_space<hbm>> -> memref<2048xf32, #tpu.memory_space<hbm>>
    %dma_start3A_1132 = arith.constant 2048 : i32
    %dma_start3A_1133 = tpu.memref_slice %arg14[%dma_start3A_1132] : memref<20480xf32, #tpu.memory_space<vmem>> -> memref<2048xf32, #tpu.memory_space<vmem>>
    %dma_start3A_1134 = tpu.memref_slice %arg3[%dma_start3A_1127, %select_n3A, %add3A_1055] : memref<10x2x131072xf32, #tpu.memory_space<hbm>> -> memref<1x1x2048xf32, #tpu.memory_space<hbm>>
    %dma_start3A_1135 = tpu.memref_squeeze %dma_start3A_1134 : memref<1x1x2048xf32, #tpu.memory_space<hbm>> -> memref<2048xf32, #tpu.memory_space<hbm>>
    tpu.enqueue_dma source(%dma_start3A_1135 : memref<2048xf32, #tpu.memory_space<hbm>>) target(%dma_start3A_1133 : memref<2048xf32, #tpu.memory_space<vmem>>) target_semaphore(%arg26 : memref<!tpu.dma_semaphore, #tpu.memory_space<semaphore_mem>>)
    %dma_start3A_1136 = arith.constant 2 : i32
    %dma_start3A_1137 = arith.constant 4096 : i32
    %dma_start3A_1138 = tpu.memref_slice %arg14[%dma_start3A_1137] : memref<20480xf32, #tpu.memory_space<vmem>> -> memref<2048xf32, #tpu.memory_space<vmem>>
    %dma_start3A_1139 = tpu.memref_slice %arg3[%dma_start3A_1136, %select_n3A, %add3A_1055] : memref<10x2x131072xf32, #tpu.memory_space<hbm>> -> memref<1x1x2048xf32, #tpu.memory_space<hbm>>
    %dma_start3A_1140 = tpu.memref_squeeze %dma_start3A_1139 : memref<1x1x2048xf32, #tpu.memory_space<hbm>> -> memref<2048xf32, #tpu.memory_space<hbm>>
    %dma_start3A_1141 = arith.constant 4096 : i32
    %dma_start3A_1142 = tpu.memref_slice %arg14[%dma_start3A_1141] : memref<20480xf32, #tpu.memory_space<vmem>> -> memref<2048xf32, #tpu.memory_space<vmem>>
    %dma_start3A_1143 = tpu.memref_slice %arg3[%dma_start3A_1136, %select_n3A, %add3A_1055] : memref<10x2x131072xf32, #tpu.memory_space<hbm>> -> memref<1x1x2048xf32, #tpu.memory_space<hbm>>
    %dma_start3A_1144 = tpu.memref_squeeze %dma_start3A_1143 : memref<1x1x2048xf32, #tpu.memory_space<hbm>> -> memref<2048xf32, #tpu.memory_space<hbm>>
    tpu.enqueue_dma source(%dma_start3A_1144 : memref<2048xf32, #tpu.memory_space<hbm>>) target(%dma_start3A_1142 : memref<2048xf32, #tpu.memory_space<vmem>>) target_semaphore(%arg26 : memref<!tpu.dma_semaphore, #tpu.memory_space<semaphore_mem>>)
    %dma_start3A_1145 = arith.constant 3 : i32
    %dma_start3A_1146 = arith.constant 6144 : i32
    %dma_start3A_1147 = tpu.memref_slice %arg14[%dma_start3A_1146] : memref<20480xf32, #tpu.memory_space<vmem>> -> memref<2048xf32, #tpu.memory_space<vmem>>
    %dma_start3A_1148 = tpu.memref_slice %arg3[%dma_start3A_1145, %select_n3A, %add3A_1055] : memref<10x2x131072xf32, #tpu.memory_space<hbm>> -> memref<1x1x2048xf32, #tpu.memory_space<hbm>>
    %dma_start3A_1149 = tpu.memref_squeeze %dma_start3A_1148 : memref<1x1x2048xf32, #tpu.memory_space<hbm>> -> memref<2048xf32, #tpu.memory_space<hbm>>
    %dma_start3A_1150 = arith.constant 6144 : i32
    %dma_start3A_1151 = tpu.memref_slice %arg14[%dma_start3A_1150] : memref<20480xf32, #tpu.memory_space<vmem>> -> memref<2048xf32, #tpu.memory_space<vmem>>
    %dma_start3A_1152 = tpu.memref_slice %arg3[%dma_start3A_1145, %select_n3A, %add3A_1055] : memref<10x2x131072xf32, #tpu.memory_space<hbm>> -> memref<1x1x2048xf32, #tpu.memory_space<hbm>>
    %dma_start3A_1153 = tpu.memref_squeeze %dma_start3A_1152 : memref<1x1x2048xf32, #tpu.memory_space<hbm>> -> memref<2048xf32, #tpu.memory_space<hbm>>
    tpu.enqueue_dma source(%dma_start3A_1153 : memref<2048xf32, #tpu.memory_space<hbm>>) target(%dma_start3A_1151 : memref<2048xf32, #tpu.memory_space<vmem>>) target_semaphore(%arg26 : memref<!tpu.dma_semaphore, #tpu.memory_space<semaphore_mem>>)
    %dma_start3A_1154 = arith.constant 4 : i32
    %dma_start3A_1155 = arith.constant 8192 : i32
    %dma_start3A_1156 = tpu.memref_slice %arg14[%dma_start3A_1155] : memref<20480xf32, #tpu.memory_space<vmem>> -> memref<2048xf32, #tpu.memory_space<vmem>>
    %dma_start3A_1157 = tpu.memref_slice %arg3[%dma_start3A_1154, %select_n3A, %add3A_1055] : memref<10x2x131072xf32, #tpu.memory_space<hbm>> -> memref<1x1x2048xf32, #tpu.memory_space<hbm>>
    %dma_start3A_1158 = tpu.memref_squeeze %dma_start3A_1157 : memref<1x1x2048xf32, #tpu.memory_space<hbm>> -> memref<2048xf32, #tpu.memory_space<hbm>>
    %dma_start3A_1159 = arith.constant 8192 : i32
    %dma_start3A_1160 = tpu.memref_slice %arg14[%dma_start3A_1159] : memref<20480xf32, #tpu.memory_space<vmem>> -> memref<2048xf32, #tpu.memory_space<vmem>>
    %dma_start3A_1161 = tpu.memref_slice %arg3[%dma_start3A_1154, %select_n3A, %add3A_1055] : memref<10x2x131072xf32, #tpu.memory_space<hbm>> -> memref<1x1x2048xf32, #tpu.memory_space<hbm>>
    %dma_start3A_1162 = tpu.memref_squeeze %dma_start3A_1161 : memref<1x1x2048xf32, #tpu.memory_space<hbm>> -> memref<2048xf32, #tpu.memory_space<hbm>>
    tpu.enqueue_dma source(%dma_start3A_1162 : memref<2048xf32, #tpu.memory_space<hbm>>) target(%dma_start3A_1160 : memref<2048xf32, #tpu.memory_space<vmem>>) target_semaphore(%arg26 : memref<!tpu.dma_semaphore, #tpu.memory_space<semaphore_mem>>)
    %dma_start3A_1163 = arith.constant 5 : i32
    %dma_start3A_1164 = arith.constant 10240 : i32
    %dma_start3A_1165 = tpu.memref_slice %arg14[%dma_start3A_1164] : memref<20480xf32, #tpu.memory_space<vmem>> -> memref<2048xf32, #tpu.memory_space<vmem>>
    %dma_start3A_1166 = tpu.memref_slice %arg3[%dma_start3A_1163, %select_n3A, %add3A_1055] : memref<10x2x131072xf32, #tpu.memory_space<hbm>> -> memref<1x1x2048xf32, #tpu.memory_space<hbm>>
    %dma_start3A_1167 = tpu.memref_squeeze %dma_start3A_1166 : memref<1x1x2048xf32, #tpu.memory_space<hbm>> -> memref<2048xf32, #tpu.memory_space<hbm>>
    %dma_start3A_1168 = arith.constant 10240 : i32
    %dma_start3A_1169 = tpu.memref_slice %arg14[%dma_start3A_1168] : memref<20480xf32, #tpu.memory_space<vmem>> -> memref<2048xf32, #tpu.memory_space<vmem>>
    %dma_start3A_1170 = tpu.memref_slice %arg3[%dma_start3A_1163, %select_n3A, %add3A_1055] : memref<10x2x131072xf32, #tpu.memory_space<hbm>> -> memref<1x1x2048xf32, #tpu.memory_space<hbm>>
    %dma_start3A_1171 = tpu.memref_squeeze %dma_start3A_1170 : memref<1x1x2048xf32, #tpu.memory_space<hbm>> -> memref<2048xf32, #tpu.memory_space<hbm>>
    tpu.enqueue_dma source(%dma_start3A_1171 : memref<2048xf32, #tpu.memory_space<hbm>>) target(%dma_start3A_1169 : memref<2048xf32, #tpu.memory_space<vmem>>) target_semaphore(%arg26 : memref<!tpu.dma_semaphore, #tpu.memory_space<semaphore_mem>>)
    %dma_start3A_1172 = arith.constant 6 : i32
    %dma_start3A_1173 = arith.constant 12288 : i32
    %dma_start3A_1174 = tpu.memref_slice %arg14[%dma_start3A_1173] : memref<20480xf32, #tpu.memory_space<vmem>> -> memref<2048xf32, #tpu.memory_space<vmem>>
    %dma_start3A_1175 = tpu.memref_slice %arg3[%dma_start3A_1172, %select_n3A, %add3A_1055] : memref<10x2x131072xf32, #tpu.memory_space<hbm>> -> memref<1x1x2048xf32, #tpu.memory_space<hbm>>
    %dma_start3A_1176 = tpu.memref_squeeze %dma_start3A_1175 : memref<1x1x2048xf32, #tpu.memory_space<hbm>> -> memref<2048xf32, #tpu.memory_space<hbm>>
    %dma_start3A_1177 = arith.constant 12288 : i32
    %dma_start3A_1178 = tpu.memref_slice %arg14[%dma_start3A_1177] : memref<20480xf32, #tpu.memory_space<vmem>> -> memref<2048xf32, #tpu.memory_space<vmem>>
    %dma_start3A_1179 = tpu.memref_slice %arg3[%dma_start3A_1172, %select_n3A, %add3A_1055] : memref<10x2x131072xf32, #tpu.memory_space<hbm>> -> memref<1x1x2048xf32, #tpu.memory_space<hbm>>
    %dma_start3A_1180 = tpu.memref_squeeze %dma_start3A_1179 : memref<1x1x2048xf32, #tpu.memory_space<hbm>> -> memref<2048xf32, #tpu.memory_space<hbm>>
    tpu.enqueue_dma source(%dma_start3A_1180 : memref<2048xf32, #tpu.memory_space<hbm>>) target(%dma_start3A_1178 : memref<2048xf32, #tpu.memory_space<vmem>>) target_semaphore(%arg26 : memref<!tpu.dma_semaphore, #tpu.memory_space<semaphore_mem>>)
    %dma_start3A_1181 = arith.constant 7 : i32
    %dma_start3A_1182 = arith.constant 14336 : i32
    %dma_start3A_1183 = tpu.memref_slice %arg14[%dma_start3A_1182] : memref<20480xf32, #tpu.memory_space<vmem>> -> memref<2048xf32, #tpu.memory_space<vmem>>
    %dma_start3A_1184 = tpu.memref_slice %arg3[%dma_start3A_1181, %select_n3A, %add3A_1055] : memref<10x2x131072xf32, #tpu.memory_space<hbm>> -> memref<1x1x2048xf32, #tpu.memory_space<hbm>>
    %dma_start3A_1185 = tpu.memref_squeeze %dma_start3A_1184 : memref<1x1x2048xf32, #tpu.memory_space<hbm>> -> memref<2048xf32, #tpu.memory_space<hbm>>
    %dma_start3A_1186 = arith.constant 14336 : i32
    %dma_start3A_1187 = tpu.memref_slice %arg14[%dma_start3A_1186] : memref<20480xf32, #tpu.memory_space<vmem>> -> memref<2048xf32, #tpu.memory_space<vmem>>
    %dma_start3A_1188 = tpu.memref_slice %arg3[%dma_start3A_1181, %select_n3A, %add3A_1055] : memref<10x2x131072xf32, #tpu.memory_space<hbm>> -> memref<1x1x2048xf32, #tpu.memory_space<hbm>>
    %dma_start3A_1189 = tpu.memref_squeeze %dma_start3A_1188 : memref<1x1x2048xf32, #tpu.memory_space<hbm>> -> memref<2048xf32, #tpu.memory_space<hbm>>
    tpu.enqueue_dma source(%dma_start3A_1189 : memref<2048xf32, #tpu.memory_space<hbm>>) target(%dma_start3A_1187 : memref<2048xf32, #tpu.memory_space<vmem>>) target_semaphore(%arg26 : memref<!tpu.dma_semaphore, #tpu.memory_space<semaphore_mem>>)
    %dma_start3A_1190 = arith.constant 8 : i32
    %dma_start3A_1191 = arith.constant 16384 : i32
    %dma_start3A_1192 = tpu.memref_slice %arg14[%dma_start3A_1191] : memref<20480xf32, #tpu.memory_space<vmem>> -> memref<2048xf32, #tpu.memory_space<vmem>>
    %dma_start3A_1193 = tpu.memref_slice %arg3[%dma_start3A_1190, %select_n3A, %add3A_1055] : memref<10x2x131072xf32, #tpu.memory_space<hbm>> -> memref<1x1x2048xf32, #tpu.memory_space<hbm>>
    %dma_start3A_1194 = tpu.memref_squeeze %dma_start3A_1193 : memref<1x1x2048xf32, #tpu.memory_space<hbm>> -> memref<2048xf32, #tpu.memory_space<hbm>>
    %dma_start3A_1195 = arith.constant 16384 : i32
    %dma_start3A_1196 = tpu.memref_slice %arg14[%dma_start3A_1195] : memref<20480xf32, #tpu.memory_space<vmem>> -> memref<2048xf32, #tpu.memory_space<vmem>>
    %dma_start3A_1197 = tpu.memref_slice %arg3[%dma_start3A_1190, %select_n3A, %add3A_1055] : memref<10x2x131072xf32, #tpu.memory_space<hbm>> -> memref<1x1x2048xf32, #tpu.memory_space<hbm>>
    %dma_start3A_1198 = tpu.memref_squeeze %dma_start3A_1197 : memref<1x1x2048xf32, #tpu.memory_space<hbm>> -> memref<2048xf32, #tpu.memory_space<hbm>>
    tpu.enqueue_dma source(%dma_start3A_1198 : memref<2048xf32, #tpu.memory_space<hbm>>) target(%dma_start3A_1196 : memref<2048xf32, #tpu.memory_space<vmem>>) target_semaphore(%arg26 : memref<!tpu.dma_semaphore, #tpu.memory_space<semaphore_mem>>)
    %dma_start3A_1199 = arith.constant 9 : i32
    %dma_start3A_1200 = arith.constant 18432 : i32
    %dma_start3A_1201 = tpu.memref_slice %arg14[%dma_start3A_1200] : memref<20480xf32, #tpu.memory_space<vmem>> -> memref<2048xf32, #tpu.memory_space<vmem>>
    %dma_start3A_1202 = tpu.memref_slice %arg3[%dma_start3A_1199, %select_n3A, %add3A_1055] : memref<10x2x131072xf32, #tpu.memory_space<hbm>> -> memref<1x1x2048xf32, #tpu.memory_space<hbm>>
    %dma_start3A_1203 = tpu.memref_squeeze %dma_start3A_1202 : memref<1x1x2048xf32, #tpu.memory_space<hbm>> -> memref<2048xf32, #tpu.memory_space<hbm>>
    %dma_start3A_1204 = arith.constant 18432 : i32
    %dma_start3A_1205 = tpu.memref_slice %arg14[%dma_start3A_1204] : memref<20480xf32, #tpu.memory_space<vmem>> -> memref<2048xf32, #tpu.memory_space<vmem>>
    %dma_start3A_1206 = tpu.memref_slice %arg3[%dma_start3A_1199, %select_n3A, %add3A_1055] : memref<10x2x131072xf32, #tpu.memory_space<hbm>> -> memref<1x1x2048xf32, #tpu.memory_space<hbm>>
    %dma_start3A_1207 = tpu.memref_squeeze %dma_start3A_1206 : memref<1x1x2048xf32, #tpu.memory_space<hbm>> -> memref<2048xf32, #tpu.memory_space<hbm>>
    tpu.enqueue_dma source(%dma_start3A_1207 : memref<2048xf32, #tpu.memory_space<hbm>>) target(%dma_start3A_1205 : memref<2048xf32, #tpu.memory_space<vmem>>) target_semaphore(%arg26 : memref<!tpu.dma_semaphore, #tpu.memory_space<semaphore_mem>>)
    %mul3A_1208 = arith.constant 8 : i32
    %mul3A_1209 = arith.muli %select_n3A, %mul3A_1208 : i32
    %dma_start3A_1210 = tpu.memref_slice %arg4[%mul3A_1209, %mul3A_1081] : memref<16x32768xf32, #tpu.memory_space<hbm>> -> memref<8x512xf32, #tpu.memory_space<hbm>>
    %dma_start3A_1211 = tpu.memref_slice %arg4[%mul3A_1209, %mul3A_1081] : memref<16x32768xf32, #tpu.memory_space<hbm>> -> memref<8x512xf32, #tpu.memory_space<hbm>>
    tpu.enqueue_dma source(%dma_start3A_1211 : memref<8x512xf32, #tpu.memory_space<hbm>>) target(%arg16 : memref<8x512xf32, #tpu.memory_space<vmem>>) target_semaphore(%arg26 : memref<!tpu.dma_semaphore, #tpu.memory_space<semaphore_mem>>)
    %dma_start3A_1212 = tpu.memref_slice %arg8[%select_n3A, %add3A_1055] : memref<2x131072xi32, #tpu.memory_space<hbm>> -> memref<1x2048xi32, #tpu.memory_space<hbm>>
    %dma_start3A_1213 = tpu.memref_squeeze %dma_start3A_1212 : memref<1x2048xi32, #tpu.memory_space<hbm>> -> memref<2048xi32, #tpu.memory_space<hbm>>
    %dma_start3A_1214 = tpu.memref_slice %arg8[%select_n3A, %add3A_1055] : memref<2x131072xi32, #tpu.memory_space<hbm>> -> memref<1x2048xi32, #tpu.memory_space<hbm>>
    %dma_start3A_1215 = tpu.memref_squeeze %dma_start3A_1214 : memref<1x2048xi32, #tpu.memory_space<hbm>> -> memref<2048xi32, #tpu.memory_space<hbm>>
    tpu.enqueue_dma source(%dma_start3A_1215 : memref<2048xi32, #tpu.memory_space<hbm>>) target(%arg18 : memref<2048xi32, #tpu.memory_space<vmem>>) target_semaphore(%arg26 : memref<!tpu.dma_semaphore, #tpu.memory_space<semaphore_mem>>)
    %dma_start3A_1216 = tpu.memref_slice %arg9[%select_n3A, %add3A_1055] : memref<2x131072xf32, #tpu.memory_space<hbm>> -> memref<1x2048xf32, #tpu.memory_space<hbm>>
    %dma_start3A_1217 = tpu.memref_squeeze %dma_start3A_1216 : memref<1x2048xf32, #tpu.memory_space<hbm>> -> memref<2048xf32, #tpu.memory_space<hbm>>
    %dma_start3A_1218 = tpu.memref_slice %arg9[%select_n3A, %add3A_1055] : memref<2x131072xf32, #tpu.memory_space<hbm>> -> memref<1x2048xf32, #tpu.memory_space<hbm>>
    %dma_start3A_1219 = tpu.memref_squeeze %dma_start3A_1218 : memref<1x2048xf32, #tpu.memory_space<hbm>> -> memref<2048xf32, #tpu.memory_space<hbm>>
    tpu.enqueue_dma source(%dma_start3A_1219 : memref<2048xf32, #tpu.memory_space<hbm>>) target(%arg20 : memref<2048xf32, #tpu.memory_space<vmem>>) target_semaphore(%arg26 : memref<!tpu.dma_semaphore, #tpu.memory_space<semaphore_mem>>)
    %scan3A_1220 = arith.constant 0 : i32
    %scan3A_1221 = arith.constant 128 : i32
    %scan3A_1222 = arith.addi %scan3A_1220, %scan3A_1221 : i32
    %scan3A_1223 = arith.constant 1 : i32
    %scan3A_1224:3 = scf.for %scan3A_1379 = %scan3A_1220 to %scan3A_1222 step %scan3A_1223 iter_args(%scan3A_1380 = %scan3A_916#0, %scan3A_1381 = %scan3A_916#1, %scan3A_1382 = %scan3A_916#2) -> (vector<16xf32>, vector<16xf32>, vector<16xf32>)  : i32 {
      %mul3A_1383 = arith.constant 16 : i32
      %mul3A_1384 = arith.muli %scan3A_1379, %mul3A_1383 : i32
      %jit3A_1385 = arith.constant 8 : i32
      %div3A_1386 = arith.divsi %scan3A_1379, %jit3A_1385 : i32
      %sign3A_1387 = arith.constant 0 : i32
      %sign3A_1388 = arith.cmpi sgt, %scan3A_1379, %sign3A_1387 : i32
      %sign3A_1389 = arith.extui %sign3A_1388 : i1 to i32
      %sign3A_1390 = arith.constant 0 : i32
      %sign3A_1391 = arith.cmpi slt, %scan3A_1379, %sign3A_1390 : i32
      %sign3A_1392 = arith.extui %sign3A_1391 : i1 to i32
      %sign3A_1393 = arith.subi %sign3A_1389, %sign3A_1392 : i32
      %sign3A_1394 = arith.constant 0 : i32
      %sign3A_1395 = arith.cmpi sgt, %jit3A_1385, %sign3A_1394 : i32
      %sign3A_1396 = arith.extui %sign3A_1395 : i1 to i32
      %sign3A_1397 = arith.constant 0 : i32
      %sign3A_1398 = arith.cmpi slt, %jit3A_1385, %sign3A_1397 : i32
      %sign3A_1399 = arith.extui %sign3A_1398 : i1 to i32
      %sign3A_1400 = arith.subi %sign3A_1396, %sign3A_1399 : i32
      %ne3A_1401 = arith.cmpi ne, %sign3A_1393, %sign3A_1400 : i32
      %rem3A_1402 = arith.remsi %scan3A_1379, %jit3A_1385 : i32
      %ne3A_1403 = arith.constant 0 : i32
      %ne3A_1404 = arith.cmpi ne, %rem3A_1402, %ne3A_1403 : i32
      %and3A_1405 = arith.andi %ne3A_1401, %ne3A_1404 : i1
      %sub3A_1406 = arith.constant 1 : i32
      %sub3A_1407 = arith.subi %div3A_1386, %sub3A_1406 : i32
      %select_n3A_1408 = arith.select %and3A_1405, %sub3A_1407, %div3A_1386 : i32
      %jit3A_1409 = arith.constant 8 : i32
      %eq3A_1410 = arith.constant 0 : i32
      %eq3A_1411 = arith.cmpi eq, %jit3A_1409, %eq3A_1410 : i32
      %jit3A_1412 = arith.constant 1 : i32
      %select_n3A_1413 = arith.select %eq3A_1411, %jit3A_1412, %jit3A_1409 : i32
      %rem3A_1414 = arith.remsi %select_n3A_1408, %select_n3A_1413 : i32
      %ne3A_1415 = arith.constant 0 : i32
      %ne3A_1416 = arith.cmpi ne, %rem3A_1414, %ne3A_1415 : i32
      %lt3A_1417 = arith.constant 0 : i32
      %lt3A_1418 = arith.cmpi slt, %rem3A_1414, %lt3A_1417 : i32
      %lt3A_1419 = arith.constant 0 : i32
      %lt3A_1420 = arith.cmpi slt, %select_n3A_1413, %lt3A_1419 : i32
      %ne3A_1421 = arith.xori %lt3A_1418, %lt3A_1420 : i1
      %and3A_1422 = arith.andi %ne3A_1421, %ne3A_1416 : i1
      %add3A_1423 = arith.addi %rem3A_1414, %select_n3A_1413 : i32
      %select_n3A_1424 = arith.select %and3A_1422, %add3A_1423, %rem3A_1414 : i32
      %gather3A = tpu.memref_slice %arg17[%mul3A_1384] : memref<2048xi32, #tpu.memory_space<vmem>> -> memref<16xi32, #tpu.memory_space<vmem>>
      %gather3A_1425 = tpu.vector_load_idx %gather3A[%iota3A] : memref<16xi32, #tpu.memory_space<vmem>>[vector<16xi32>], vector<16xi32>,
      %gather3A_1426 = tpu.memref_slice %arg19[%mul3A_1384] : memref<2048xf32, #tpu.memory_space<vmem>> -> memref<16xf32, #tpu.memory_space<vmem>>
      %gather3A_1427 = tpu.vector_load_idx %gather3A_1426[%iota3A] : memref<16xf32, #tpu.memory_space<vmem>>[vector<16xi32>], vector<16xf32>,
      %gt3A = arith.constant 0.000000e+00 : f32
      %gt3A_1428 = vector.broadcast %gt3A : f32 to vector<16xf32>
      %gt3A_1429 = arith.cmpf ogt, %gather3A_1427, %gt3A_1428 : vector<16xf32>
      %jit3A_1430 = arith.constant 1.000000e+00 : f32
      %jit3A_1431 = arith.constant 0.000000e+00 : f32
      %broadcast_in_dim3A_1432 = vector.broadcast %jit3A_1430 : f32 to vector<16xf32>
      %broadcast_in_dim3A_1433 = vector.broadcast %jit3A_1431 : f32 to vector<16xf32>
      %select_n3A_1434 = arith.select %gt3A_1429, %broadcast_in_dim3A_1432, %broadcast_in_dim3A_1433 : vector<16xi1>, vector<16xf32>
      %broadcast_in_dim3A_1435 = arith.constant 0.000000e+00 : f32
      %broadcast_in_dim3A_1436 = vector.broadcast %broadcast_in_dim3A_1435 : f32 to vector<16xf32>
      %broadcast_in_dim3A_1437 = arith.constant 0.000000e+00 : f32
      %broadcast_in_dim3A_1438 = vector.broadcast %broadcast_in_dim3A_1437 : f32 to vector<16xf32>
      %gather3A_1439 = tpu.memref_slice %arg11[%mul3A_1384] : memref<8192xf32, #tpu.memory_space<vmem>> -> memref<16xf32, #tpu.memory_space<vmem>>
      %gather3A_1440 = tpu.vector_load_idx %gather3A_1439[%add3A_44] : memref<16xf32, #tpu.memory_space<vmem>>[vector<16xi32>], vector<16xf32>,
      %add3A_1441 = arith.addi %gather3A_1425, %add3A_86 : vector<16xi32>
      %gather3A_1442 = arith.constant 0 : i32
      %gather3A_1443 = tpu.memref_slice %arg21[%select_n3A_1424, %gather3A_1442] : memref<8x256xf32, #tpu.memory_space<vmem>> -> memref<1x256xf32, #tpu.memory_space<vmem>>
      %gather3A_1444 = tpu.memref_squeeze %gather3A_1443 : memref<1x256xf32, #tpu.memory_space<vmem>> -> memref<256xf32, #tpu.memory_space<vmem>>
      %gather3A_1445 = tpu.vector_load_idx %gather3A_1444[%add3A_1441] : memref<256xf32, #tpu.memory_space<vmem>>[vector<16xi32>], vector<16xf32>,
      %sub3A_1446 = arith.subf %gather3A_1440, %gather3A_1445 : vector<16xf32>
      %abs3A = math.absf %sub3A_1446 : vector<16xf32>
      %min3A = arith.constant 1.000000e+00 : f32
      %min3A_1447 = vector.broadcast %min3A : f32 to vector<16xf32>
      %min3A_1448 = arith.minimumf %abs3A, %min3A_1447 : vector<16xf32>
      %mul3A_1449 = arith.mulf %min3A_1448, %min3A_1448 : vector<16xf32>
      %add3A_1450 = arith.addf %broadcast_in_dim3A_1436, %mul3A_1449 : vector<16xf32>
      %max3A = arith.constant 1.000000e+00 : f32
      %max3A_1451 = vector.broadcast %max3A : f32 to vector<16xf32>
      %max3A_1452 = arith.maximumf %abs3A, %max3A_1451 : vector<16xf32>
      %add3A_1453 = arith.addf %broadcast_in_dim3A_1438, %max3A_1452 : vector<16xf32>
      %gather3A_1454 = tpu.memref_slice %arg11[%mul3A_1384] : memref<8192xf32, #tpu.memory_space<vmem>> -> memref<16xf32, #tpu.memory_space<vmem>>
      %gather3A_1455 = tpu.vector_load_idx %gather3A_1454[%add3A_47] : memref<16xf32, #tpu.memory_space<vmem>>[vector<16xi32>], vector<16xf32>,
      %add3A_1456 = arith.addi %gather3A_1425, %add3A_89 : vector<16xi32>
      %gather3A_1457 = arith.constant 0 : i32
      %gather3A_1458 = tpu.memref_slice %arg21[%select_n3A_1424, %gather3A_1457] : memref<8x256xf32, #tpu.memory_space<vmem>> -> memref<1x256xf32, #tpu.memory_space<vmem>>
      %gather3A_1459 = tpu.memref_squeeze %gather3A_1458 : memref<1x256xf32, #tpu.memory_space<vmem>> -> memref<256xf32, #tpu.memory_space<vmem>>
      %gather3A_1460 = tpu.vector_load_idx %gather3A_1459[%add3A_1456] : memref<256xf32, #tpu.memory_space<vmem>>[vector<16xi32>], vector<16xf32>,
      %sub3A_1461 = arith.subf %gather3A_1455, %gather3A_1460 : vector<16xf32>
      %abs3A_1462 = math.absf %sub3A_1461 : vector<16xf32>
      %min3A_1463 = arith.constant 1.000000e+00 : f32
      %min3A_1464 = vector.broadcast %min3A_1463 : f32 to vector<16xf32>
      %min3A_1465 = arith.minimumf %abs3A_1462, %min3A_1464 : vector<16xf32>
      %mul3A_1466 = arith.mulf %min3A_1465, %min3A_1465 : vector<16xf32>
      %add3A_1467 = arith.addf %add3A_1450, %mul3A_1466 : vector<16xf32>
      %max3A_1468 = arith.constant 1.000000e+00 : f32
      %max3A_1469 = vector.broadcast %max3A_1468 : f32 to vector<16xf32>
      %max3A_1470 = arith.maximumf %abs3A_1462, %max3A_1469 : vector<16xf32>
      %add3A_1471 = arith.addf %add3A_1453, %max3A_1470 : vector<16xf32>
      %gather3A_1472 = tpu.memref_slice %arg11[%mul3A_1384] : memref<8192xf32, #tpu.memory_space<vmem>> -> memref<16xf32, #tpu.memory_space<vmem>>
      %gather3A_1473 = tpu.vector_load_idx %gather3A_1472[%add3A_50] : memref<16xf32, #tpu.memory_space<vmem>>[vector<16xi32>], vector<16xf32>,
      %add3A_1474 = arith.addi %gather3A_1425, %add3A_92 : vector<16xi32>
      %gather3A_1475 = arith.constant 0 : i32
      %gather3A_1476 = tpu.memref_slice %arg21[%select_n3A_1424, %gather3A_1475] : memref<8x256xf32, #tpu.memory_space<vmem>> -> memref<1x256xf32, #tpu.memory_space<vmem>>
      %gather3A_1477 = tpu.memref_squeeze %gather3A_1476 : memref<1x256xf32, #tpu.memory_space<vmem>> -> memref<256xf32, #tpu.memory_space<vmem>>
      %gather3A_1478 = tpu.vector_load_idx %gather3A_1477[%add3A_1474] : memref<256xf32, #tpu.memory_space<vmem>>[vector<16xi32>], vector<16xf32>,
      %sub3A_1479 = arith.subf %gather3A_1473, %gather3A_1478 : vector<16xf32>
      %abs3A_1480 = math.absf %sub3A_1479 : vector<16xf32>
      %min3A_1481 = arith.constant 1.000000e+00 : f32
      %min3A_1482 = vector.broadcast %min3A_1481 : f32 to vector<16xf32>
      %min3A_1483 = arith.minimumf %abs3A_1480, %min3A_1482 : vector<16xf32>
      %mul3A_1484 = arith.mulf %min3A_1483, %min3A_1483 : vector<16xf32>
      %add3A_1485 = arith.addf %add3A_1467, %mul3A_1484 : vector<16xf32>
      %max3A_1486 = arith.constant 1.000000e+00 : f32
      %max3A_1487 = vector.broadcast %max3A_1486 : f32 to vector<16xf32>
      %max3A_1488 = arith.maximumf %abs3A_1480, %max3A_1487 : vector<16xf32>
      %add3A_1489 = arith.addf %add3A_1471, %max3A_1488 : vector<16xf32>
      %gather3A_1490 = tpu.memref_slice %arg11[%mul3A_1384] : memref<8192xf32, #tpu.memory_space<vmem>> -> memref<16xf32, #tpu.memory_space<vmem>>
      %gather3A_1491 = tpu.vector_load_idx %gather3A_1490[%add3A_53] : memref<16xf32, #tpu.memory_space<vmem>>[vector<16xi32>], vector<16xf32>,
      %add3A_1492 = arith.addi %gather3A_1425, %add3A_95 : vector<16xi32>
      %gather3A_1493 = arith.constant 0 : i32
      %gather3A_1494 = tpu.memref_slice %arg21[%select_n3A_1424, %gather3A_1493] : memref<8x256xf32, #tpu.memory_space<vmem>> -> memref<1x256xf32, #tpu.memory_space<vmem>>
      %gather3A_1495 = tpu.memref_squeeze %gather3A_1494 : memref<1x256xf32, #tpu.memory_space<vmem>> -> memref<256xf32, #tpu.memory_space<vmem>>
      %gather3A_1496 = tpu.vector_load_idx %gather3A_1495[%add3A_1492] : memref<256xf32, #tpu.memory_space<vmem>>[vector<16xi32>], vector<16xf32>,
      %sub3A_1497 = arith.subf %gather3A_1491, %gather3A_1496 : vector<16xf32>
      %abs3A_1498 = math.absf %sub3A_1497 : vector<16xf32>
      %min3A_1499 = arith.constant 1.000000e+00 : f32
      %min3A_1500 = vector.broadcast %min3A_1499 : f32 to vector<16xf32>
      %min3A_1501 = arith.minimumf %abs3A_1498, %min3A_1500 : vector<16xf32>
      %mul3A_1502 = arith.mulf %min3A_1501, %min3A_1501 : vector<16xf32>
      %add3A_1503 = arith.addf %add3A_1485, %mul3A_1502 : vector<16xf32>
      %max3A_1504 = arith.constant 1.000000e+00 : f32
      %max3A_1505 = vector.broadcast %max3A_1504 : f32 to vector<16xf32>
      %max3A_1506 = arith.maximumf %abs3A_1498, %max3A_1505 : vector<16xf32>
      %add3A_1507 = arith.addf %add3A_1489, %max3A_1506 : vector<16xf32>
      %mul3A_1508 = arith.constant 5.000000e-01 : f32
      %mul3A_1509 = vector.broadcast %mul3A_1508 : f32 to vector<16xf32>
      %mul3A_1510 = arith.mulf %mul3A_1509, %add3A_1503 : vector<16xf32>
      %add3A_1511 = arith.addf %mul3A_1510, %add3A_1507 : vector<16xf32>
      %sub3A_1512 = arith.constant 4.000000e+00 : f32
      %sub3A_1513 = vector.broadcast %sub3A_1512 : f32 to vector<16xf32>
      %sub3A_1514 = arith.subf %add3A_1511, %sub3A_1513 : vector<16xf32>
      %mul3A_1515 = arith.mulf %sub3A_1514, %select_n3A_1434 : vector<16xf32>
      %add3A_1516 = arith.addf %scan3A_1380, %mul3A_1515 : vector<16xf32>
      %broadcast_in_dim3A_1517 = arith.constant 0.000000e+00 : f32
      %broadcast_in_dim3A_1518 = vector.broadcast %broadcast_in_dim3A_1517 : f32 to vector<16xf32>
      %broadcast_in_dim3A_1519 = arith.constant 0.000000e+00 : f32
      %broadcast_in_dim3A_1520 = vector.broadcast %broadcast_in_dim3A_1519 : f32 to vector<16xf32>
      %gather3A_1521 = tpu.memref_slice %arg13[%mul3A_1384] : memref<20480xf32, #tpu.memory_space<vmem>> -> memref<16xf32, #tpu.memory_space<vmem>>
      %gather3A_1522 = tpu.vector_load_idx %gather3A_1521[%add3A_56] : memref<16xf32, #tpu.memory_space<vmem>>[vector<16xi32>], vector<16xf32>,
      %add3A_1523 = arith.addi %gather3A_1425, %add3A_98 : vector<16xi32>
      %gather3A_1524 = arith.constant 0 : i32
      %gather3A_1525 = tpu.memref_slice %arg22[%select_n3A_1424, %gather3A_1524] : memref<8x640xf32, #tpu.memory_space<vmem>> -> memref<1x640xf32, #tpu.memory_space<vmem>>
      %gather3A_1526 = tpu.memref_squeeze %gather3A_1525 : memref<1x640xf32, #tpu.memory_space<vmem>> -> memref<640xf32, #tpu.memory_space<vmem>>
      %gather3A_1527 = tpu.vector_load_idx %gather3A_1526[%add3A_1523] : memref<640xf32, #tpu.memory_space<vmem>>[vector<16xi32>], vector<16xf32>,
      %sub3A_1528 = arith.subf %gather3A_1522, %gather3A_1527 : vector<16xf32>
      %abs3A_1529 = math.absf %sub3A_1528 : vector<16xf32>
      %min3A_1530 = arith.constant 1.000000e+00 : f32
      %min3A_1531 = vector.broadcast %min3A_1530 : f32 to vector<16xf32>
      %min3A_1532 = arith.minimumf %abs3A_1529, %min3A_1531 : vector<16xf32>
      %mul3A_1533 = arith.mulf %min3A_1532, %min3A_1532 : vector<16xf32>
      %add3A_1534 = arith.addf %broadcast_in_dim3A_1518, %mul3A_1533 : vector<16xf32>
      %max3A_1535 = arith.constant 1.000000e+00 : f32
      %max3A_1536 = vector.broadcast %max3A_1535 : f32 to vector<16xf32>
      %max3A_1537 = arith.maximumf %abs3A_1529, %max3A_1536 : vector<16xf32>
      %add3A_1538 = arith.addf %broadcast_in_dim3A_1520, %max3A_1537 : vector<16xf32>
      %gather3A_1539 = tpu.memref_slice %arg13[%mul3A_1384] : memref<20480xf32, #tpu.memory_space<vmem>> -> memref<16xf32, #tpu.memory_space<vmem>>
      %gather3A_1540 = tpu.vector_load_idx %gather3A_1539[%add3A_59] : memref<16xf32, #tpu.memory_space<vmem>>[vector<16xi32>], vector<16xf32>,
      %add3A_1541 = arith.addi %gather3A_1425, %add3A_101 : vector<16xi32>
      %gather3A_1542 = arith.constant 0 : i32
      %gather3A_1543 = tpu.memref_slice %arg22[%select_n3A_1424, %gather3A_1542] : memref<8x640xf32, #tpu.memory_space<vmem>> -> memref<1x640xf32, #tpu.memory_space<vmem>>
      %gather3A_1544 = tpu.memref_squeeze %gather3A_1543 : memref<1x640xf32, #tpu.memory_space<vmem>> -> memref<640xf32, #tpu.memory_space<vmem>>
      %gather3A_1545 = tpu.vector_load_idx %gather3A_1544[%add3A_1541] : memref<640xf32, #tpu.memory_space<vmem>>[vector<16xi32>], vector<16xf32>,
      %sub3A_1546 = arith.subf %gather3A_1540, %gather3A_1545 : vector<16xf32>
      %abs3A_1547 = math.absf %sub3A_1546 : vector<16xf32>
      %min3A_1548 = arith.constant 1.000000e+00 : f32
      %min3A_1549 = vector.broadcast %min3A_1548 : f32 to vector<16xf32>
      %min3A_1550 = arith.minimumf %abs3A_1547, %min3A_1549 : vector<16xf32>
      %mul3A_1551 = arith.mulf %min3A_1550, %min3A_1550 : vector<16xf32>
      %add3A_1552 = arith.addf %add3A_1534, %mul3A_1551 : vector<16xf32>
      %max3A_1553 = arith.constant 1.000000e+00 : f32
      %max3A_1554 = vector.broadcast %max3A_1553 : f32 to vector<16xf32>
      %max3A_1555 = arith.maximumf %abs3A_1547, %max3A_1554 : vector<16xf32>
      %add3A_1556 = arith.addf %add3A_1538, %max3A_1555 : vector<16xf32>
      %gather3A_1557 = tpu.memref_slice %arg13[%mul3A_1384] : memref<20480xf32, #tpu.memory_space<vmem>> -> memref<16xf32, #tpu.memory_space<vmem>>
      %gather3A_1558 = tpu.vector_load_idx %gather3A_1557[%add3A_62] : memref<16xf32, #tpu.memory_space<vmem>>[vector<16xi32>], vector<16xf32>,
      %add3A_1559 = arith.addi %gather3A_1425, %add3A_104 : vector<16xi32>
      %gather3A_1560 = arith.constant 0 : i32
      %gather3A_1561 = tpu.memref_slice %arg22[%select_n3A_1424, %gather3A_1560] : memref<8x640xf32, #tpu.memory_space<vmem>> -> memref<1x640xf32, #tpu.memory_space<vmem>>
      %gather3A_1562 = tpu.memref_squeeze %gather3A_1561 : memref<1x640xf32, #tpu.memory_space<vmem>> -> memref<640xf32, #tpu.memory_space<vmem>>
      %gather3A_1563 = tpu.vector_load_idx %gather3A_1562[%add3A_1559] : memref<640xf32, #tpu.memory_space<vmem>>[vector<16xi32>], vector<16xf32>,
      %sub3A_1564 = arith.subf %gather3A_1558, %gather3A_1563 : vector<16xf32>
      %abs3A_1565 = math.absf %sub3A_1564 : vector<16xf32>
      %min3A_1566 = arith.constant 1.000000e+00 : f32
      %min3A_1567 = vector.broadcast %min3A_1566 : f32 to vector<16xf32>
      %min3A_1568 = arith.minimumf %abs3A_1565, %min3A_1567 : vector<16xf32>
      %mul3A_1569 = arith.mulf %min3A_1568, %min3A_1568 : vector<16xf32>
      %add3A_1570 = arith.addf %add3A_1552, %mul3A_1569 : vector<16xf32>
      %max3A_1571 = arith.constant 1.000000e+00 : f32
      %max3A_1572 = vector.broadcast %max3A_1571 : f32 to vector<16xf32>
      %max3A_1573 = arith.maximumf %abs3A_1565, %max3A_1572 : vector<16xf32>
      %add3A_1574 = arith.addf %add3A_1556, %max3A_1573 : vector<16xf32>
      %gather3A_1575 = tpu.memref_slice %arg13[%mul3A_1384] : memref<20480xf32, #tpu.memory_space<vmem>> -> memref<16xf32, #tpu.memory_space<vmem>>
      %gather3A_1576 = tpu.vector_load_idx %gather3A_1575[%add3A_65] : memref<16xf32, #tpu.memory_space<vmem>>[vector<16xi32>], vector<16xf32>,
      %add3A_1577 = arith.addi %gather3A_1425, %add3A_107 : vector<16xi32>
      %gather3A_1578 = arith.constant 0 : i32
      %gather3A_1579 = tpu.memref_slice %arg22[%select_n3A_1424, %gather3A_1578] : memref<8x640xf32, #tpu.memory_space<vmem>> -> memref<1x640xf32, #tpu.memory_space<vmem>>
      %gather3A_1580 = tpu.memref_squeeze %gather3A_1579 : memref<1x640xf32, #tpu.memory_space<vmem>> -> memref<640xf32, #tpu.memory_space<vmem>>
      %gather3A_1581 = tpu.vector_load_idx %gather3A_1580[%add3A_1577] : memref<640xf32, #tpu.memory_space<vmem>>[vector<16xi32>], vector<16xf32>,
      %sub3A_1582 = arith.subf %gather3A_1576, %gather3A_1581 : vector<16xf32>
      %abs3A_1583 = math.absf %sub3A_1582 : vector<16xf32>
      %min3A_1584 = arith.constant 1.000000e+00 : f32
      %min3A_1585 = vector.broadcast %min3A_1584 : f32 to vector<16xf32>
      %min3A_1586 = arith.minimumf %abs3A_1583, %min3A_1585 : vector<16xf32>
      %mul3A_1587 = arith.mulf %min3A_1586, %min3A_1586 : vector<16xf32>
      %add3A_1588 = arith.addf %add3A_1570, %mul3A_1587 : vector<16xf32>
      %max3A_1589 = arith.constant 1.000000e+00 : f32
      %max3A_1590 = vector.broadcast %max3A_1589 : f32 to vector<16xf32>
      %max3A_1591 = arith.maximumf %abs3A_1583, %max3A_1590 : vector<16xf32>
      %add3A_1592 = arith.addf %add3A_1574, %max3A_1591 : vector<16xf32>
      %gather3A_1593 = tpu.memref_slice %arg13[%mul3A_1384] : memref<20480xf32, #tpu.memory_space<vmem>> -> memref<16xf32, #tpu.memory_space<vmem>>
      %gather3A_1594 = tpu.vector_load_idx %gather3A_1593[%add3A_68] : memref<16xf32, #tpu.memory_space<vmem>>[vector<16xi32>], vector<16xf32>,
      %add3A_1595 = arith.addi %gather3A_1425, %add3A_110 : vector<16xi32>
      %gather3A_1596 = arith.constant 0 : i32
      %gather3A_1597 = tpu.memref_slice %arg22[%select_n3A_1424, %gather3A_1596] : memref<8x640xf32, #tpu.memory_space<vmem>> -> memref<1x640xf32, #tpu.memory_space<vmem>>
      %gather3A_1598 = tpu.memref_squeeze %gather3A_1597 : memref<1x640xf32, #tpu.memory_space<vmem>> -> memref<640xf32, #tpu.memory_space<vmem>>
      %gather3A_1599 = tpu.vector_load_idx %gather3A_1598[%add3A_1595] : memref<640xf32, #tpu.memory_space<vmem>>[vector<16xi32>], vector<16xf32>,
      %sub3A_1600 = arith.subf %gather3A_1594, %gather3A_1599 : vector<16xf32>
      %abs3A_1601 = math.absf %sub3A_1600 : vector<16xf32>
      %min3A_1602 = arith.constant 1.000000e+00 : f32
      %min3A_1603 = vector.broadcast %min3A_1602 : f32 to vector<16xf32>
      %min3A_1604 = arith.minimumf %abs3A_1601, %min3A_1603 : vector<16xf32>
      %mul3A_1605 = arith.mulf %min3A_1604, %min3A_1604 : vector<16xf32>
      %add3A_1606 = arith.addf %add3A_1588, %mul3A_1605 : vector<16xf32>
      %max3A_1607 = arith.constant 1.000000e+00 : f32
      %max3A_1608 = vector.broadcast %max3A_1607 : f32 to vector<16xf32>
      %max3A_1609 = arith.maximumf %abs3A_1601, %max3A_1608 : vector<16xf32>
      %add3A_1610 = arith.addf %add3A_1592, %max3A_1609 : vector<16xf32>
      %gather3A_1611 = tpu.memref_slice %arg13[%mul3A_1384] : memref<20480xf32, #tpu.memory_space<vmem>> -> memref<16xf32, #tpu.memory_space<vmem>>
      %gather3A_1612 = tpu.vector_load_idx %gather3A_1611[%add3A_71] : memref<16xf32, #tpu.memory_space<vmem>>[vector<16xi32>], vector<16xf32>,
      %add3A_1613 = arith.addi %gather3A_1425, %add3A_113 : vector<16xi32>
      %gather3A_1614 = arith.constant 0 : i32
      %gather3A_1615 = tpu.memref_slice %arg22[%select_n3A_1424, %gather3A_1614] : memref<8x640xf32, #tpu.memory_space<vmem>> -> memref<1x640xf32, #tpu.memory_space<vmem>>
      %gather3A_1616 = tpu.memref_squeeze %gather3A_1615 : memref<1x640xf32, #tpu.memory_space<vmem>> -> memref<640xf32, #tpu.memory_space<vmem>>
      %gather3A_1617 = tpu.vector_load_idx %gather3A_1616[%add3A_1613] : memref<640xf32, #tpu.memory_space<vmem>>[vector<16xi32>], vector<16xf32>,
      %sub3A_1618 = arith.subf %gather3A_1612, %gather3A_1617 : vector<16xf32>
      %abs3A_1619 = math.absf %sub3A_1618 : vector<16xf32>
      %min3A_1620 = arith.constant 1.000000e+00 : f32
      %min3A_1621 = vector.broadcast %min3A_1620 : f32 to vector<16xf32>
      %min3A_1622 = arith.minimumf %abs3A_1619, %min3A_1621 : vector<16xf32>
      %mul3A_1623 = arith.mulf %min3A_1622, %min3A_1622 : vector<16xf32>
      %add3A_1624 = arith.addf %add3A_1606, %mul3A_1623 : vector<16xf32>
      %max3A_1625 = arith.constant 1.000000e+00 : f32
      %max3A_1626 = vector.broadcast %max3A_1625 : f32 to vector<16xf32>
      %max3A_1627 = arith.maximumf %abs3A_1619, %max3A_1626 : vector<16xf32>
      %add3A_1628 = arith.addf %add3A_1610, %max3A_1627 : vector<16xf32>
      %gather3A_1629 = tpu.memref_slice %arg13[%mul3A_1384] : memref<20480xf32, #tpu.memory_space<vmem>> -> memref<16xf32, #tpu.memory_space<vmem>>
      %gather3A_1630 = tpu.vector_load_idx %gather3A_1629[%add3A_74] : memref<16xf32, #tpu.memory_space<vmem>>[vector<16xi32>], vector<16xf32>,
      %add3A_1631 = arith.addi %gather3A_1425, %add3A_116 : vector<16xi32>
      %gather3A_1632 = arith.constant 0 : i32
      %gather3A_1633 = tpu.memref_slice %arg22[%select_n3A_1424, %gather3A_1632] : memref<8x640xf32, #tpu.memory_space<vmem>> -> memref<1x640xf32, #tpu.memory_space<vmem>>
      %gather3A_1634 = tpu.memref_squeeze %gather3A_1633 : memref<1x640xf32, #tpu.memory_space<vmem>> -> memref<640xf32, #tpu.memory_space<vmem>>
      %gather3A_1635 = tpu.vector_load_idx %gather3A_1634[%add3A_1631] : memref<640xf32, #tpu.memory_space<vmem>>[vector<16xi32>], vector<16xf32>,
      %sub3A_1636 = arith.subf %gather3A_1630, %gather3A_1635 : vector<16xf32>
      %abs3A_1637 = math.absf %sub3A_1636 : vector<16xf32>
      %min3A_1638 = arith.constant 1.000000e+00 : f32
      %min3A_1639 = vector.broadcast %min3A_1638 : f32 to vector<16xf32>
      %min3A_1640 = arith.minimumf %abs3A_1637, %min3A_1639 : vector<16xf32>
      %mul3A_1641 = arith.mulf %min3A_1640, %min3A_1640 : vector<16xf32>
      %add3A_1642 = arith.addf %add3A_1624, %mul3A_1641 : vector<16xf32>
      %max3A_1643 = arith.constant 1.000000e+00 : f32
      %max3A_1644 = vector.broadcast %max3A_1643 : f32 to vector<16xf32>
      %max3A_1645 = arith.maximumf %abs3A_1637, %max3A_1644 : vector<16xf32>
      %add3A_1646 = arith.addf %add3A_1628, %max3A_1645 : vector<16xf32>
      %gather3A_1647 = tpu.memref_slice %arg13[%mul3A_1384] : memref<20480xf32, #tpu.memory_space<vmem>> -> memref<16xf32, #tpu.memory_space<vmem>>
      %gather3A_1648 = tpu.vector_load_idx %gather3A_1647[%add3A_77] : memref<16xf32, #tpu.memory_space<vmem>>[vector<16xi32>], vector<16xf32>,
      %add3A_1649 = arith.addi %gather3A_1425, %add3A_119 : vector<16xi32>
      %gather3A_1650 = arith.constant 0 : i32
      %gather3A_1651 = tpu.memref_slice %arg22[%select_n3A_1424, %gather3A_1650] : memref<8x640xf32, #tpu.memory_space<vmem>> -> memref<1x640xf32, #tpu.memory_space<vmem>>
      %gather3A_1652 = tpu.memref_squeeze %gather3A_1651 : memref<1x640xf32, #tpu.memory_space<vmem>> -> memref<640xf32, #tpu.memory_space<vmem>>
      %gather3A_1653 = tpu.vector_load_idx %gather3A_1652[%add3A_1649] : memref<640xf32, #tpu.memory_space<vmem>>[vector<16xi32>], vector<16xf32>,
      %sub3A_1654 = arith.subf %gather3A_1648, %gather3A_1653 : vector<16xf32>
      %abs3A_1655 = math.absf %sub3A_1654 : vector<16xf32>
      %min3A_1656 = arith.constant 1.000000e+00 : f32
      %min3A_1657 = vector.broadcast %min3A_1656 : f32 to vector<16xf32>
      %min3A_1658 = arith.minimumf %abs3A_1655, %min3A_1657 : vector<16xf32>
      %mul3A_1659 = arith.mulf %min3A_1658, %min3A_1658 : vector<16xf32>
      %add3A_1660 = arith.addf %add3A_1642, %mul3A_1659 : vector<16xf32>
      %max3A_1661 = arith.constant 1.000000e+00 : f32
      %max3A_1662 = vector.broadcast %max3A_1661 : f32 to vector<16xf32>
      %max3A_1663 = arith.maximumf %abs3A_1655, %max3A_1662 : vector<16xf32>
      %add3A_1664 = arith.addf %add3A_1646, %max3A_1663 : vector<16xf32>
      %gather3A_1665 = tpu.memref_slice %arg13[%mul3A_1384] : memref<20480xf32, #tpu.memory_space<vmem>> -> memref<16xf32, #tpu.memory_space<vmem>>
      %gather3A_1666 = tpu.vector_load_idx %gather3A_1665[%add3A_80] : memref<16xf32, #tpu.memory_space<vmem>>[vector<16xi32>], vector<16xf32>,
      %add3A_1667 = arith.addi %gather3A_1425, %add3A_122 : vector<16xi32>
      %gather3A_1668 = arith.constant 0 : i32
      %gather3A_1669 = tpu.memref_slice %arg22[%select_n3A_1424, %gather3A_1668] : memref<8x640xf32, #tpu.memory_space<vmem>> -> memref<1x640xf32, #tpu.memory_space<vmem>>
      %gather3A_1670 = tpu.memref_squeeze %gather3A_1669 : memref<1x640xf32, #tpu.memory_space<vmem>> -> memref<640xf32, #tpu.memory_space<vmem>>
      %gather3A_1671 = tpu.vector_load_idx %gather3A_1670[%add3A_1667] : memref<640xf32, #tpu.memory_space<vmem>>[vector<16xi32>], vector<16xf32>,
      %sub3A_1672 = arith.subf %gather3A_1666, %gather3A_1671 : vector<16xf32>
      %abs3A_1673 = math.absf %sub3A_1672 : vector<16xf32>
      %min3A_1674 = arith.constant 1.000000e+00 : f32
      %min3A_1675 = vector.broadcast %min3A_1674 : f32 to vector<16xf32>
      %min3A_1676 = arith.minimumf %abs3A_1673, %min3A_1675 : vector<16xf32>
      %mul3A_1677 = arith.mulf %min3A_1676, %min3A_1676 : vector<16xf32>
      %add3A_1678 = arith.addf %add3A_1660, %mul3A_1677 : vector<16xf32>
      %max3A_1679 = arith.constant 1.000000e+00 : f32
      %max3A_1680 = vector.broadcast %max3A_1679 : f32 to vector<16xf32>
      %max3A_1681 = arith.maximumf %abs3A_1673, %max3A_1680 : vector<16xf32>
      %add3A_1682 = arith.addf %add3A_1664, %max3A_1681 : vector<16xf32>
      %gather3A_1683 = tpu.memref_slice %arg13[%mul3A_1384] : memref<20480xf32, #tpu.memory_space<vmem>> -> memref<16xf32, #tpu.memory_space<vmem>>
      %gather3A_1684 = tpu.vector_load_idx %gather3A_1683[%add3A_83] : memref<16xf32, #tpu.memory_space<vmem>>[vector<16xi32>], vector<16xf32>,
      %add3A_1685 = arith.addi %gather3A_1425, %add3A_125 : vector<16xi32>
      %gather3A_1686 = arith.constant 0 : i32
      %gather3A_1687 = tpu.memref_slice %arg22[%select_n3A_1424, %gather3A_1686] : memref<8x640xf32, #tpu.memory_space<vmem>> -> memref<1x640xf32, #tpu.memory_space<vmem>>
      %gather3A_1688 = tpu.memref_squeeze %gather3A_1687 : memref<1x640xf32, #tpu.memory_space<vmem>> -> memref<640xf32, #tpu.memory_space<vmem>>
      %gather3A_1689 = tpu.vector_load_idx %gather3A_1688[%add3A_1685] : memref<640xf32, #tpu.memory_space<vmem>>[vector<16xi32>], vector<16xf32>,
      %sub3A_1690 = arith.subf %gather3A_1684, %gather3A_1689 : vector<16xf32>
      %abs3A_1691 = math.absf %sub3A_1690 : vector<16xf32>
      %min3A_1692 = arith.constant 1.000000e+00 : f32
      %min3A_1693 = vector.broadcast %min3A_1692 : f32 to vector<16xf32>
      %min3A_1694 = arith.minimumf %abs3A_1691, %min3A_1693 : vector<16xf32>
      %mul3A_1695 = arith.mulf %min3A_1694, %min3A_1694 : vector<16xf32>
      %add3A_1696 = arith.addf %add3A_1678, %mul3A_1695 : vector<16xf32>
      %max3A_1697 = arith.constant 1.000000e+00 : f32
      %max3A_1698 = vector.broadcast %max3A_1697 : f32 to vector<16xf32>
      %max3A_1699 = arith.maximumf %abs3A_1691, %max3A_1698 : vector<16xf32>
      %add3A_1700 = arith.addf %add3A_1682, %max3A_1699 : vector<16xf32>
      %mul3A_1701 = arith.constant 5.000000e-01 : f32
      %mul3A_1702 = vector.broadcast %mul3A_1701 : f32 to vector<16xf32>
      %mul3A_1703 = arith.mulf %mul3A_1702, %add3A_1696 : vector<16xf32>
      %add3A_1704 = arith.addf %mul3A_1703, %add3A_1700 : vector<16xf32>
      %sub3A_1705 = arith.constant 1.000000e+01 : f32
      %sub3A_1706 = vector.broadcast %sub3A_1705 : f32 to vector<16xf32>
      %sub3A_1707 = arith.subf %add3A_1704, %sub3A_1706 : vector<16xf32>
      %mul3A_1708 = arith.mulf %sub3A_1707, %select_n3A_1434 : vector<16xf32>
      %add3A_1709 = arith.addf %scan3A_1381, %mul3A_1708 : vector<16xf32>
      %jit3A_1710 = arith.constant 64 : i32
      %div3A_1711 = arith.divsi %scan3A_1379, %jit3A_1710 : i32
      %sign3A_1712 = arith.constant 0 : i32
      %sign3A_1713 = arith.cmpi sgt, %scan3A_1379, %sign3A_1712 : i32
      %sign3A_1714 = arith.extui %sign3A_1713 : i1 to i32
      %sign3A_1715 = arith.constant 0 : i32
      %sign3A_1716 = arith.cmpi slt, %scan3A_1379, %sign3A_1715 : i32
      %sign3A_1717 = arith.extui %sign3A_1716 : i1 to i32
      %sign3A_1718 = arith.subi %sign3A_1714, %sign3A_1717 : i32
      %sign3A_1719 = arith.constant 0 : i32
      %sign3A_1720 = arith.cmpi sgt, %jit3A_1710, %sign3A_1719 : i32
      %sign3A_1721 = arith.extui %sign3A_1720 : i1 to i32
      %sign3A_1722 = arith.constant 0 : i32
      %sign3A_1723 = arith.cmpi slt, %jit3A_1710, %sign3A_1722 : i32
      %sign3A_1724 = arith.extui %sign3A_1723 : i1 to i32
      %sign3A_1725 = arith.subi %sign3A_1721, %sign3A_1724 : i32
      %ne3A_1726 = arith.cmpi ne, %sign3A_1718, %sign3A_1725 : i32
      %rem3A_1727 = arith.remsi %scan3A_1379, %jit3A_1710 : i32
      %ne3A_1728 = arith.constant 0 : i32
      %ne3A_1729 = arith.cmpi ne, %rem3A_1727, %ne3A_1728 : i32
      %and3A_1730 = arith.andi %ne3A_1726, %ne3A_1729 : i1
      %sub3A_1731 = arith.constant 1 : i32
      %sub3A_1732 = arith.subi %div3A_1711, %sub3A_1731 : i32
      %select_n3A_1733 = arith.select %and3A_1730, %sub3A_1732, %div3A_1711 : i32
      %mul3A_1734 = arith.constant 256 : i32
      %mul3A_1735 = arith.muli %select_n3A_1733, %mul3A_1734 : i32
      %jit3A_1736 = arith.constant 8 : i32
      %eq3A_1737 = arith.constant 0 : i32
      %eq3A_1738 = arith.cmpi eq, %jit3A_1736, %eq3A_1737 : i32
      %jit3A_1739 = arith.constant 1 : i32
      %select_n3A_1740 = arith.select %eq3A_1738, %jit3A_1739, %jit3A_1736 : i32
      %rem3A_1741 = arith.remsi %scan3A_1379, %select_n3A_1740 : i32
      %ne3A_1742 = arith.constant 0 : i32
      %ne3A_1743 = arith.cmpi ne, %rem3A_1741, %ne3A_1742 : i32
      %lt3A_1744 = arith.constant 0 : i32
      %lt3A_1745 = arith.cmpi slt, %rem3A_1741, %lt3A_1744 : i32
      %lt3A_1746 = arith.constant 0 : i32
      %lt3A_1747 = arith.cmpi slt, %select_n3A_1740, %lt3A_1746 : i32
      %ne3A_1748 = arith.xori %lt3A_1745, %lt3A_1747 : i1
      %and3A_1749 = arith.andi %ne3A_1748, %ne3A_1743 : i1
      %add3A_1750 = arith.addi %rem3A_1741, %select_n3A_1740 : i32
      %select_n3A_1751 = arith.select %and3A_1749, %add3A_1750, %rem3A_1741 : i32
      %mul3A_1752 = arith.constant 16 : i32
      %mul3A_1753 = arith.muli %select_n3A_1751, %mul3A_1752 : i32
      %add3A_1754 = arith.addi %mul3A_1735, %mul3A_1753 : i32
      %broadcast_in_dim3A_1755 = arith.constant 0.000000e+00 : f32
      %broadcast_in_dim3A_1756 = vector.broadcast %broadcast_in_dim3A_1755 : f32 to vector<16xf32>
      %broadcast_in_dim3A_1757 = arith.constant 0.000000e+00 : f32
      %broadcast_in_dim3A_1758 = vector.broadcast %broadcast_in_dim3A_1757 : f32 to vector<16xf32>
      %gather3A_1759 = tpu.memref_slice %arg15[%select_n3A_1424, %add3A_1754] : memref<8x512xf32, #tpu.memory_space<vmem>> -> memref<1x16xf32, #tpu.memory_space<vmem>>
      %gather3A_1760 = tpu.memref_squeeze %gather3A_1759 : memref<1x16xf32, #tpu.memory_space<vmem>> -> memref<16xf32, #tpu.memory_space<vmem>>
      %gather3A_1761 = tpu.vector_load_idx %gather3A_1760[%add3A_134] : memref<16xf32, #tpu.memory_space<vmem>>[vector<16xi32>], vector<16xf32>,
      %add3A_1762 = arith.addi %gather3A_1425, %add3A_128 : vector<16xi32>
      %gather3A_1763 = arith.constant 0 : i32
      %gather3A_1764 = tpu.memref_slice %arg23[%select_n3A_1424, %gather3A_1763] : memref<8x128xf32, #tpu.memory_space<vmem>> -> memref<1x128xf32, #tpu.memory_space<vmem>>
      %gather3A_1765 = tpu.memref_squeeze %gather3A_1764 : memref<1x128xf32, #tpu.memory_space<vmem>> -> memref<128xf32, #tpu.memory_space<vmem>>
      %gather3A_1766 = tpu.vector_load_idx %gather3A_1765[%add3A_1762] : memref<128xf32, #tpu.memory_space<vmem>>[vector<16xi32>], vector<16xf32>,
      %sub3A_1767 = arith.subf %gather3A_1761, %gather3A_1766 : vector<16xf32>
      %abs3A_1768 = math.absf %sub3A_1767 : vector<16xf32>
      %min3A_1769 = arith.constant 1.000000e+00 : f32
      %min3A_1770 = vector.broadcast %min3A_1769 : f32 to vector<16xf32>
      %min3A_1771 = arith.minimumf %abs3A_1768, %min3A_1770 : vector<16xf32>
      %mul3A_1772 = arith.mulf %min3A_1771, %min3A_1771 : vector<16xf32>
      %add3A_1773 = arith.addf %broadcast_in_dim3A_1756, %mul3A_1772 : vector<16xf32>
      %max3A_1774 = arith.constant 1.000000e+00 : f32
      %max3A_1775 = vector.broadcast %max3A_1774 : f32 to vector<16xf32>
      %max3A_1776 = arith.maximumf %abs3A_1768, %max3A_1775 : vector<16xf32>
      %add3A_1777 = arith.addf %broadcast_in_dim3A_1758, %max3A_1776 : vector<16xf32>
      %gather3A_1778 = tpu.memref_slice %arg15[%select_n3A_1424, %add3A_1754] : memref<8x512xf32, #tpu.memory_space<vmem>> -> memref<1x16xf32, #tpu.memory_space<vmem>>
      %gather3A_1779 = tpu.memref_squeeze %gather3A_1778 : memref<1x16xf32, #tpu.memory_space<vmem>> -> memref<16xf32, #tpu.memory_space<vmem>>
      %gather3A_1780 = tpu.vector_load_idx %gather3A_1779[%add3A_137] : memref<16xf32, #tpu.memory_space<vmem>>[vector<16xi32>], vector<16xf32>,
      %add3A_1781 = arith.addi %gather3A_1425, %add3A_131 : vector<16xi32>
      %gather3A_1782 = arith.constant 0 : i32
      %gather3A_1783 = tpu.memref_slice %arg23[%select_n3A_1424, %gather3A_1782] : memref<8x128xf32, #tpu.memory_space<vmem>> -> memref<1x128xf32, #tpu.memory_space<vmem>>
      %gather3A_1784 = tpu.memref_squeeze %gather3A_1783 : memref<1x128xf32, #tpu.memory_space<vmem>> -> memref<128xf32, #tpu.memory_space<vmem>>
      %gather3A_1785 = tpu.vector_load_idx %gather3A_1784[%add3A_1781] : memref<128xf32, #tpu.memory_space<vmem>>[vector<16xi32>], vector<16xf32>,
      %sub3A_1786 = arith.subf %gather3A_1780, %gather3A_1785 : vector<16xf32>
      %abs3A_1787 = math.absf %sub3A_1786 : vector<16xf32>
      %min3A_1788 = arith.constant 1.000000e+00 : f32
      %min3A_1789 = vector.broadcast %min3A_1788 : f32 to vector<16xf32>
      %min3A_1790 = arith.minimumf %abs3A_1787, %min3A_1789 : vector<16xf32>
      %mul3A_1791 = arith.mulf %min3A_1790, %min3A_1790 : vector<16xf32>
      %add3A_1792 = arith.addf %add3A_1773, %mul3A_1791 : vector<16xf32>
      %max3A_1793 = arith.constant 1.000000e+00 : f32
      %max3A_1794 = vector.broadcast %max3A_1793 : f32 to vector<16xf32>
      %max3A_1795 = arith.maximumf %abs3A_1787, %max3A_1794 : vector<16xf32>
      %add3A_1796 = arith.addf %add3A_1777, %max3A_1795 : vector<16xf32>
      %mul3A_1797 = arith.constant 5.000000e-01 : f32
      %mul3A_1798 = vector.broadcast %mul3A_1797 : f32 to vector<16xf32>
      %mul3A_1799 = arith.mulf %mul3A_1798, %add3A_1792 : vector<16xf32>
      %add3A_1800 = arith.addf %mul3A_1799, %add3A_1796 : vector<16xf32>
      %sub3A_1801 = arith.constant 2.000000e+00 : f32
      %sub3A_1802 = vector.broadcast %sub3A_1801 : f32 to vector<16xf32>
      %sub3A_1803 = arith.subf %add3A_1800, %sub3A_1802 : vector<16xf32>
      %mul3A_1804 = arith.mulf %sub3A_1803, %select_n3A_1434 : vector<16xf32>
      %add3A_1805 = arith.addf %scan3A_1382, %mul3A_1804 : vector<16xf32>
      scf.yield %add3A_1516, %add3A_1709, %add3A_1805 : vector<16xf32>, vector<16xf32>, vector<16xf32>
    }
    %scan3A_1225 = arith.constant 128 : i32
    %dma_wait3A_1226 = arith.constant 0 : i32
    %dma_wait3A_1227 = arith.constant 0 : i32
    %dma_wait3A_1228 = tpu.memref_slice %arg12[%dma_wait3A_1227] : memref<8192xf32, #tpu.memory_space<vmem>> -> memref<2048xf32, #tpu.memory_space<vmem>>
    %dma_wait3A_1229 = tpu.memref_slice %arg2[%dma_wait3A_1226, %select_n3A, %add3A_1055] : memref<5x2x131072xf32, #tpu.memory_space<hbm>> -> memref<1x1x2048xf32, #tpu.memory_space<hbm>>
    %dma_wait3A_1230 = tpu.memref_squeeze %dma_wait3A_1229 : memref<1x1x2048xf32, #tpu.memory_space<hbm>> -> memref<2048xf32, #tpu.memory_space<hbm>>
    %dma_wait3A_1231 = arith.constant 0 : i32
    %dma_wait3A_1232 = tpu.memref_slice %arg12[%dma_wait3A_1231] : memref<8192xf32, #tpu.memory_space<vmem>> -> memref<2048xf32, #tpu.memory_space<vmem>>
    %dma_wait3A_1233 = tpu.memref_slice %arg2[%dma_wait3A_1226, %select_n3A, %add3A_1055] : memref<5x2x131072xf32, #tpu.memory_space<hbm>> -> memref<1x1x2048xf32, #tpu.memory_space<hbm>>
    %dma_wait3A_1234 = tpu.memref_squeeze %dma_wait3A_1233 : memref<1x1x2048xf32, #tpu.memory_space<hbm>> -> memref<2048xf32, #tpu.memory_space<hbm>>
    tpu.wait_dma2 semaphore(%arg26 : memref<!tpu.dma_semaphore, #tpu.memory_space<semaphore_mem>>) src(%dma_wait3A_1234 : memref<2048xf32, #tpu.memory_space<hbm>>) dst(%dma_wait3A_1232 : memref<2048xf32, #tpu.memory_space<vmem>>)
    %dma_wait3A_1235 = arith.constant 1 : i32
    %dma_wait3A_1236 = arith.constant 2048 : i32
    %dma_wait3A_1237 = tpu.memref_slice %arg12[%dma_wait3A_1236] : memref<8192xf32, #tpu.memory_space<vmem>> -> memref<2048xf32, #tpu.memory_space<vmem>>
    %dma_wait3A_1238 = tpu.memref_slice %arg2[%dma_wait3A_1235, %select_n3A, %add3A_1055] : memref<5x2x131072xf32, #tpu.memory_space<hbm>> -> memref<1x1x2048xf32, #tpu.memory_space<hbm>>
    %dma_wait3A_1239 = tpu.memref_squeeze %dma_wait3A_1238 : memref<1x1x2048xf32, #tpu.memory_space<hbm>> -> memref<2048xf32, #tpu.memory_space<hbm>>
    %dma_wait3A_1240 = arith.constant 2048 : i32
    %dma_wait3A_1241 = tpu.memref_slice %arg12[%dma_wait3A_1240] : memref<8192xf32, #tpu.memory_space<vmem>> -> memref<2048xf32, #tpu.memory_space<vmem>>
    %dma_wait3A_1242 = tpu.memref_slice %arg2[%dma_wait3A_1235, %select_n3A, %add3A_1055] : memref<5x2x131072xf32, #tpu.memory_space<hbm>> -> memref<1x1x2048xf32, #tpu.memory_space<hbm>>
    %dma_wait3A_1243 = tpu.memref_squeeze %dma_wait3A_1242 : memref<1x1x2048xf32, #tpu.memory_space<hbm>> -> memref<2048xf32, #tpu.memory_space<hbm>>
    tpu.wait_dma2 semaphore(%arg26 : memref<!tpu.dma_semaphore, #tpu.memory_space<semaphore_mem>>) src(%dma_wait3A_1243 : memref<2048xf32, #tpu.memory_space<hbm>>) dst(%dma_wait3A_1241 : memref<2048xf32, #tpu.memory_space<vmem>>)
    %dma_wait3A_1244 = arith.constant 2 : i32
    %dma_wait3A_1245 = arith.constant 4096 : i32
    %dma_wait3A_1246 = tpu.memref_slice %arg12[%dma_wait3A_1245] : memref<8192xf32, #tpu.memory_space<vmem>> -> memref<2048xf32, #tpu.memory_space<vmem>>
    %dma_wait3A_1247 = tpu.memref_slice %arg2[%dma_wait3A_1244, %select_n3A, %add3A_1055] : memref<5x2x131072xf32, #tpu.memory_space<hbm>> -> memref<1x1x2048xf32, #tpu.memory_space<hbm>>
    %dma_wait3A_1248 = tpu.memref_squeeze %dma_wait3A_1247 : memref<1x1x2048xf32, #tpu.memory_space<hbm>> -> memref<2048xf32, #tpu.memory_space<hbm>>
    %dma_wait3A_1249 = arith.constant 4096 : i32
    %dma_wait3A_1250 = tpu.memref_slice %arg12[%dma_wait3A_1249] : memref<8192xf32, #tpu.memory_space<vmem>> -> memref<2048xf32, #tpu.memory_space<vmem>>
    %dma_wait3A_1251 = tpu.memref_slice %arg2[%dma_wait3A_1244, %select_n3A, %add3A_1055] : memref<5x2x131072xf32, #tpu.memory_space<hbm>> -> memref<1x1x2048xf32, #tpu.memory_space<hbm>>
    %dma_wait3A_1252 = tpu.memref_squeeze %dma_wait3A_1251 : memref<1x1x2048xf32, #tpu.memory_space<hbm>> -> memref<2048xf32, #tpu.memory_space<hbm>>
    tpu.wait_dma2 semaphore(%arg26 : memref<!tpu.dma_semaphore, #tpu.memory_space<semaphore_mem>>) src(%dma_wait3A_1252 : memref<2048xf32, #tpu.memory_space<hbm>>) dst(%dma_wait3A_1250 : memref<2048xf32, #tpu.memory_space<vmem>>)
    %dma_wait3A_1253 = arith.constant 3 : i32
    %dma_wait3A_1254 = arith.constant 6144 : i32
    %dma_wait3A_1255 = tpu.memref_slice %arg12[%dma_wait3A_1254] : memref<8192xf32, #tpu.memory_space<vmem>> -> memref<2048xf32, #tpu.memory_space<vmem>>
    %dma_wait3A_1256 = tpu.memref_slice %arg2[%dma_wait3A_1253, %select_n3A, %add3A_1055] : memref<5x2x131072xf32, #tpu.memory_space<hbm>> -> memref<1x1x2048xf32, #tpu.memory_space<hbm>>
    %dma_wait3A_1257 = tpu.memref_squeeze %dma_wait3A_1256 : memref<1x1x2048xf32, #tpu.memory_space<hbm>> -> memref<2048xf32, #tpu.memory_space<hbm>>
    %dma_wait3A_1258 = arith.constant 6144 : i32
    %dma_wait3A_1259 = tpu.memref_slice %arg12[%dma_wait3A_1258] : memref<8192xf32, #tpu.memory_space<vmem>> -> memref<2048xf32, #tpu.memory_space<vmem>>
    %dma_wait3A_1260 = tpu.memref_slice %arg2[%dma_wait3A_1253, %select_n3A, %add3A_1055] : memref<5x2x131072xf32, #tpu.memory_space<hbm>> -> memref<1x1x2048xf32, #tpu.memory_space<hbm>>
    %dma_wait3A_1261 = tpu.memref_squeeze %dma_wait3A_1260 : memref<1x1x2048xf32, #tpu.memory_space<hbm>> -> memref<2048xf32, #tpu.memory_space<hbm>>
    tpu.wait_dma2 semaphore(%arg26 : memref<!tpu.dma_semaphore, #tpu.memory_space<semaphore_mem>>) src(%dma_wait3A_1261 : memref<2048xf32, #tpu.memory_space<hbm>>) dst(%dma_wait3A_1259 : memref<2048xf32, #tpu.memory_space<vmem>>)
    %dma_wait3A_1262 = arith.constant 0 : i32
    %dma_wait3A_1263 = arith.constant 0 : i32
    %dma_wait3A_1264 = tpu.memref_slice %arg14[%dma_wait3A_1263] : memref<20480xf32, #tpu.memory_space<vmem>> -> memref<2048xf32, #tpu.memory_space<vmem>>
    %dma_wait3A_1265 = tpu.memref_slice %arg3[%dma_wait3A_1262, %select_n3A, %add3A_1055] : memref<10x2x131072xf32, #tpu.memory_space<hbm>> -> memref<1x1x2048xf32, #tpu.memory_space<hbm>>
    %dma_wait3A_1266 = tpu.memref_squeeze %dma_wait3A_1265 : memref<1x1x2048xf32, #tpu.memory_space<hbm>> -> memref<2048xf32, #tpu.memory_space<hbm>>
    %dma_wait3A_1267 = arith.constant 0 : i32
    %dma_wait3A_1268 = tpu.memref_slice %arg14[%dma_wait3A_1267] : memref<20480xf32, #tpu.memory_space<vmem>> -> memref<2048xf32, #tpu.memory_space<vmem>>
    %dma_wait3A_1269 = tpu.memref_slice %arg3[%dma_wait3A_1262, %select_n3A, %add3A_1055] : memref<10x2x131072xf32, #tpu.memory_space<hbm>> -> memref<1x1x2048xf32, #tpu.memory_space<hbm>>
    %dma_wait3A_1270 = tpu.memref_squeeze %dma_wait3A_1269 : memref<1x1x2048xf32, #tpu.memory_space<hbm>> -> memref<2048xf32, #tpu.memory_space<hbm>>
    tpu.wait_dma2 semaphore(%arg26 : memref<!tpu.dma_semaphore, #tpu.memory_space<semaphore_mem>>) src(%dma_wait3A_1270 : memref<2048xf32, #tpu.memory_space<hbm>>) dst(%dma_wait3A_1268 : memref<2048xf32, #tpu.memory_space<vmem>>)
    %dma_wait3A_1271 = arith.constant 1 : i32
    %dma_wait3A_1272 = arith.constant 2048 : i32
    %dma_wait3A_1273 = tpu.memref_slice %arg14[%dma_wait3A_1272] : memref<20480xf32, #tpu.memory_space<vmem>> -> memref<2048xf32, #tpu.memory_space<vmem>>
    %dma_wait3A_1274 = tpu.memref_slice %arg3[%dma_wait3A_1271, %select_n3A, %add3A_1055] : memref<10x2x131072xf32, #tpu.memory_space<hbm>> -> memref<1x1x2048xf32, #tpu.memory_space<hbm>>
    %dma_wait3A_1275 = tpu.memref_squeeze %dma_wait3A_1274 : memref<1x1x2048xf32, #tpu.memory_space<hbm>> -> memref<2048xf32, #tpu.memory_space<hbm>>
    %dma_wait3A_1276 = arith.constant 2048 : i32
    %dma_wait3A_1277 = tpu.memref_slice %arg14[%dma_wait3A_1276] : memref<20480xf32, #tpu.memory_space<vmem>> -> memref<2048xf32, #tpu.memory_space<vmem>>
    %dma_wait3A_1278 = tpu.memref_slice %arg3[%dma_wait3A_1271, %select_n3A, %add3A_1055] : memref<10x2x131072xf32, #tpu.memory_space<hbm>> -> memref<1x1x2048xf32, #tpu.memory_space<hbm>>
    %dma_wait3A_1279 = tpu.memref_squeeze %dma_wait3A_1278 : memref<1x1x2048xf32, #tpu.memory_space<hbm>> -> memref<2048xf32, #tpu.memory_space<hbm>>
    tpu.wait_dma2 semaphore(%arg26 : memref<!tpu.dma_semaphore, #tpu.memory_space<semaphore_mem>>) src(%dma_wait3A_1279 : memref<2048xf32, #tpu.memory_space<hbm>>) dst(%dma_wait3A_1277 : memref<2048xf32, #tpu.memory_space<vmem>>)
    %dma_wait3A_1280 = arith.constant 2 : i32
    %dma_wait3A_1281 = arith.constant 4096 : i32
    %dma_wait3A_1282 = tpu.memref_slice %arg14[%dma_wait3A_1281] : memref<20480xf32, #tpu.memory_space<vmem>> -> memref<2048xf32, #tpu.memory_space<vmem>>
    %dma_wait3A_1283 = tpu.memref_slice %arg3[%dma_wait3A_1280, %select_n3A, %add3A_1055] : memref<10x2x131072xf32, #tpu.memory_space<hbm>> -> memref<1x1x2048xf32, #tpu.memory_space<hbm>>
    %dma_wait3A_1284 = tpu.memref_squeeze %dma_wait3A_1283 : memref<1x1x2048xf32, #tpu.memory_space<hbm>> -> memref<2048xf32, #tpu.memory_space<hbm>>
    %dma_wait3A_1285 = arith.constant 4096 : i32
    %dma_wait3A_1286 = tpu.memref_slice %arg14[%dma_wait3A_1285] : memref<20480xf32, #tpu.memory_space<vmem>> -> memref<2048xf32, #tpu.memory_space<vmem>>
    %dma_wait3A_1287 = tpu.memref_slice %arg3[%dma_wait3A_1280, %select_n3A, %add3A_1055] : memref<10x2x131072xf32, #tpu.memory_space<hbm>> -> memref<1x1x2048xf32, #tpu.memory_space<hbm>>
    %dma_wait3A_1288 = tpu.memref_squeeze %dma_wait3A_1287 : memref<1x1x2048xf32, #tpu.memory_space<hbm>> -> memref<2048xf32, #tpu.memory_space<hbm>>
    tpu.wait_dma2 semaphore(%arg26 : memref<!tpu.dma_semaphore, #tpu.memory_space<semaphore_mem>>) src(%dma_wait3A_1288 : memref<2048xf32, #tpu.memory_space<hbm>>) dst(%dma_wait3A_1286 : memref<2048xf32, #tpu.memory_space<vmem>>)
    %dma_wait3A_1289 = arith.constant 3 : i32
    %dma_wait3A_1290 = arith.constant 6144 : i32
    %dma_wait3A_1291 = tpu.memref_slice %arg14[%dma_wait3A_1290] : memref<20480xf32, #tpu.memory_space<vmem>> -> memref<2048xf32, #tpu.memory_space<vmem>>
    %dma_wait3A_1292 = tpu.memref_slice %arg3[%dma_wait3A_1289, %select_n3A, %add3A_1055] : memref<10x2x131072xf32, #tpu.memory_space<hbm>> -> memref<1x1x2048xf32, #tpu.memory_space<hbm>>
    %dma_wait3A_1293 = tpu.memref_squeeze %dma_wait3A_1292 : memref<1x1x2048xf32, #tpu.memory_space<hbm>> -> memref<2048xf32, #tpu.memory_space<hbm>>
    %dma_wait3A_1294 = arith.constant 6144 : i32
    %dma_wait3A_1295 = tpu.memref_slice %arg14[%dma_wait3A_1294] : memref<20480xf32, #tpu.memory_space<vmem>> -> memref<2048xf32, #tpu.memory_space<vmem>>
    %dma_wait3A_1296 = tpu.memref_slice %arg3[%dma_wait3A_1289, %select_n3A, %add3A_1055] : memref<10x2x131072xf32, #tpu.memory_space<hbm>> -> memref<1x1x2048xf32, #tpu.memory_space<hbm>>
    %dma_wait3A_1297 = tpu.memref_squeeze %dma_wait3A_1296 : memref<1x1x2048xf32, #tpu.memory_space<hbm>> -> memref<2048xf32, #tpu.memory_space<hbm>>
    tpu.wait_dma2 semaphore(%arg26 : memref<!tpu.dma_semaphore, #tpu.memory_space<semaphore_mem>>) src(%dma_wait3A_1297 : memref<2048xf32, #tpu.memory_space<hbm>>) dst(%dma_wait3A_1295 : memref<2048xf32, #tpu.memory_space<vmem>>)
    %dma_wait3A_1298 = arith.constant 4 : i32
    %dma_wait3A_1299 = arith.constant 8192 : i32
    %dma_wait3A_1300 = tpu.memref_slice %arg14[%dma_wait3A_1299] : memref<20480xf32, #tpu.memory_space<vmem>> -> memref<2048xf32, #tpu.memory_space<vmem>>
    %dma_wait3A_1301 = tpu.memref_slice %arg3[%dma_wait3A_1298, %select_n3A, %add3A_1055] : memref<10x2x131072xf32, #tpu.memory_space<hbm>> -> memref<1x1x2048xf32, #tpu.memory_space<hbm>>
    %dma_wait3A_1302 = tpu.memref_squeeze %dma_wait3A_1301 : memref<1x1x2048xf32, #tpu.memory_space<hbm>> -> memref<2048xf32, #tpu.memory_space<hbm>>
    %dma_wait3A_1303 = arith.constant 8192 : i32
    %dma_wait3A_1304 = tpu.memref_slice %arg14[%dma_wait3A_1303] : memref<20480xf32, #tpu.memory_space<vmem>> -> memref<2048xf32, #tpu.memory_space<vmem>>
    %dma_wait3A_1305 = tpu.memref_slice %arg3[%dma_wait3A_1298, %select_n3A, %add3A_1055] : memref<10x2x131072xf32, #tpu.memory_space<hbm>> -> memref<1x1x2048xf32, #tpu.memory_space<hbm>>
    %dma_wait3A_1306 = tpu.memref_squeeze %dma_wait3A_1305 : memref<1x1x2048xf32, #tpu.memory_space<hbm>> -> memref<2048xf32, #tpu.memory_space<hbm>>
    tpu.wait_dma2 semaphore(%arg26 : memref<!tpu.dma_semaphore, #tpu.memory_space<semaphore_mem>>) src(%dma_wait3A_1306 : memref<2048xf32, #tpu.memory_space<hbm>>) dst(%dma_wait3A_1304 : memref<2048xf32, #tpu.memory_space<vmem>>)
    %dma_wait3A_1307 = arith.constant 5 : i32
    %dma_wait3A_1308 = arith.constant 10240 : i32
    %dma_wait3A_1309 = tpu.memref_slice %arg14[%dma_wait3A_1308] : memref<20480xf32, #tpu.memory_space<vmem>> -> memref<2048xf32, #tpu.memory_space<vmem>>
    %dma_wait3A_1310 = tpu.memref_slice %arg3[%dma_wait3A_1307, %select_n3A, %add3A_1055] : memref<10x2x131072xf32, #tpu.memory_space<hbm>> -> memref<1x1x2048xf32, #tpu.memory_space<hbm>>
    %dma_wait3A_1311 = tpu.memref_squeeze %dma_wait3A_1310 : memref<1x1x2048xf32, #tpu.memory_space<hbm>> -> memref<2048xf32, #tpu.memory_space<hbm>>
    %dma_wait3A_1312 = arith.constant 10240 : i32
    %dma_wait3A_1313 = tpu.memref_slice %arg14[%dma_wait3A_1312] : memref<20480xf32, #tpu.memory_space<vmem>> -> memref<2048xf32, #tpu.memory_space<vmem>>
    %dma_wait3A_1314 = tpu.memref_slice %arg3[%dma_wait3A_1307, %select_n3A, %add3A_1055] : memref<10x2x131072xf32, #tpu.memory_space<hbm>> -> memref<1x1x2048xf32, #tpu.memory_space<hbm>>
    %dma_wait3A_1315 = tpu.memref_squeeze %dma_wait3A_1314 : memref<1x1x2048xf32, #tpu.memory_space<hbm>> -> memref<2048xf32, #tpu.memory_space<hbm>>
    tpu.wait_dma2 semaphore(%arg26 : memref<!tpu.dma_semaphore, #tpu.memory_space<semaphore_mem>>) src(%dma_wait3A_1315 : memref<2048xf32, #tpu.memory_space<hbm>>) dst(%dma_wait3A_1313 : memref<2048xf32, #tpu.memory_space<vmem>>)
    %dma_wait3A_1316 = arith.constant 6 : i32
    %dma_wait3A_1317 = arith.constant 12288 : i32
    %dma_wait3A_1318 = tpu.memref_slice %arg14[%dma_wait3A_1317] : memref<20480xf32, #tpu.memory_space<vmem>> -> memref<2048xf32, #tpu.memory_space<vmem>>
    %dma_wait3A_1319 = tpu.memref_slice %arg3[%dma_wait3A_1316, %select_n3A, %add3A_1055] : memref<10x2x131072xf32, #tpu.memory_space<hbm>> -> memref<1x1x2048xf32, #tpu.memory_space<hbm>>
    %dma_wait3A_1320 = tpu.memref_squeeze %dma_wait3A_1319 : memref<1x1x2048xf32, #tpu.memory_space<hbm>> -> memref<2048xf32, #tpu.memory_space<hbm>>
    %dma_wait3A_1321 = arith.constant 12288 : i32
    %dma_wait3A_1322 = tpu.memref_slice %arg14[%dma_wait3A_1321] : memref<20480xf32, #tpu.memory_space<vmem>> -> memref<2048xf32, #tpu.memory_space<vmem>>
    %dma_wait3A_1323 = tpu.memref_slice %arg3[%dma_wait3A_1316, %select_n3A, %add3A_1055] : memref<10x2x131072xf32, #tpu.memory_space<hbm>> -> memref<1x1x2048xf32, #tpu.memory_space<hbm>>
    %dma_wait3A_1324 = tpu.memref_squeeze %dma_wait3A_1323 : memref<1x1x2048xf32, #tpu.memory_space<hbm>> -> memref<2048xf32, #tpu.memory_space<hbm>>
    tpu.wait_dma2 semaphore(%arg26 : memref<!tpu.dma_semaphore, #tpu.memory_space<semaphore_mem>>) src(%dma_wait3A_1324 : memref<2048xf32, #tpu.memory_space<hbm>>) dst(%dma_wait3A_1322 : memref<2048xf32, #tpu.memory_space<vmem>>)
    %dma_wait3A_1325 = arith.constant 7 : i32
    %dma_wait3A_1326 = arith.constant 14336 : i32
    %dma_wait3A_1327 = tpu.memref_slice %arg14[%dma_wait3A_1326] : memref<20480xf32, #tpu.memory_space<vmem>> -> memref<2048xf32, #tpu.memory_space<vmem>>
    %dma_wait3A_1328 = tpu.memref_slice %arg3[%dma_wait3A_1325, %select_n3A, %add3A_1055] : memref<10x2x131072xf32, #tpu.memory_space<hbm>> -> memref<1x1x2048xf32, #tpu.memory_space<hbm>>
    %dma_wait3A_1329 = tpu.memref_squeeze %dma_wait3A_1328 : memref<1x1x2048xf32, #tpu.memory_space<hbm>> -> memref<2048xf32, #tpu.memory_space<hbm>>
    %dma_wait3A_1330 = arith.constant 14336 : i32
    %dma_wait3A_1331 = tpu.memref_slice %arg14[%dma_wait3A_1330] : memref<20480xf32, #tpu.memory_space<vmem>> -> memref<2048xf32, #tpu.memory_space<vmem>>
    %dma_wait3A_1332 = tpu.memref_slice %arg3[%dma_wait3A_1325, %select_n3A, %add3A_1055] : memref<10x2x131072xf32, #tpu.memory_space<hbm>> -> memref<1x1x2048xf32, #tpu.memory_space<hbm>>
    %dma_wait3A_1333 = tpu.memref_squeeze %dma_wait3A_1332 : memref<1x1x2048xf32, #tpu.memory_space<hbm>> -> memref<2048xf32, #tpu.memory_space<hbm>>
    tpu.wait_dma2 semaphore(%arg26 : memref<!tpu.dma_semaphore, #tpu.memory_space<semaphore_mem>>) src(%dma_wait3A_1333 : memref<2048xf32, #tpu.memory_space<hbm>>) dst(%dma_wait3A_1331 : memref<2048xf32, #tpu.memory_space<vmem>>)
    %dma_wait3A_1334 = arith.constant 8 : i32
    %dma_wait3A_1335 = arith.constant 16384 : i32
    %dma_wait3A_1336 = tpu.memref_slice %arg14[%dma_wait3A_1335] : memref<20480xf32, #tpu.memory_space<vmem>> -> memref<2048xf32, #tpu.memory_space<vmem>>
    %dma_wait3A_1337 = tpu.memref_slice %arg3[%dma_wait3A_1334, %select_n3A, %add3A_1055] : memref<10x2x131072xf32, #tpu.memory_space<hbm>> -> memref<1x1x2048xf32, #tpu.memory_space<hbm>>
    %dma_wait3A_1338 = tpu.memref_squeeze %dma_wait3A_1337 : memref<1x1x2048xf32, #tpu.memory_space<hbm>> -> memref<2048xf32, #tpu.memory_space<hbm>>
    %dma_wait3A_1339 = arith.constant 16384 : i32
    %dma_wait3A_1340 = tpu.memref_slice %arg14[%dma_wait3A_1339] : memref<20480xf32, #tpu.memory_space<vmem>> -> memref<2048xf32, #tpu.memory_space<vmem>>
    %dma_wait3A_1341 = tpu.memref_slice %arg3[%dma_wait3A_1334, %select_n3A, %add3A_1055] : memref<10x2x131072xf32, #tpu.memory_space<hbm>> -> memref<1x1x2048xf32, #tpu.memory_space<hbm>>
    %dma_wait3A_1342 = tpu.memref_squeeze %dma_wait3A_1341 : memref<1x1x2048xf32, #tpu.memory_space<hbm>> -> memref<2048xf32, #tpu.memory_space<hbm>>
    tpu.wait_dma2 semaphore(%arg26 : memref<!tpu.dma_semaphore, #tpu.memory_space<semaphore_mem>>) src(%dma_wait3A_1342 : memref<2048xf32, #tpu.memory_space<hbm>>) dst(%dma_wait3A_1340 : memref<2048xf32, #tpu.memory_space<vmem>>)
    %dma_wait3A_1343 = arith.constant 9 : i32
    %dma_wait3A_1344 = arith.constant 18432 : i32
    %dma_wait3A_1345 = tpu.memref_slice %arg14[%dma_wait3A_1344] : memref<20480xf32, #tpu.memory_space<vmem>> -> memref<2048xf32, #tpu.memory_space<vmem>>
    %dma_wait3A_1346 = tpu.memref_slice %arg3[%dma_wait3A_1343, %select_n3A, %add3A_1055] : memref<10x2x131072xf32, #tpu.memory_space<hbm>> -> memref<1x1x2048xf32, #tpu.memory_space<hbm>>
    %dma_wait3A_1347 = tpu.memref_squeeze %dma_wait3A_1346 : memref<1x1x2048xf32, #tpu.memory_space<hbm>> -> memref<2048xf32, #tpu.memory_space<hbm>>
    %dma_wait3A_1348 = arith.constant 18432 : i32
    %dma_wait3A_1349 = tpu.memref_slice %arg14[%dma_wait3A_1348] : memref<20480xf32, #tpu.memory_space<vmem>> -> memref<2048xf32, #tpu.memory_space<vmem>>
    %dma_wait3A_1350 = tpu.memref_slice %arg3[%dma_wait3A_1343, %select_n3A, %add3A_1055] : memref<10x2x131072xf32, #tpu.memory_space<hbm>> -> memref<1x1x2048xf32, #tpu.memory_space<hbm>>
    %dma_wait3A_1351 = tpu.memref_squeeze %dma_wait3A_1350 : memref<1x1x2048xf32, #tpu.memory_space<hbm>> -> memref<2048xf32, #tpu.memory_space<hbm>>
    tpu.wait_dma2 semaphore(%arg26 : memref<!tpu.dma_semaphore, #tpu.memory_space<semaphore_mem>>) src(%dma_wait3A_1351 : memref<2048xf32, #tpu.memory_space<hbm>>) dst(%dma_wait3A_1349 : memref<2048xf32, #tpu.memory_space<vmem>>)
    %dma_wait3A_1352 = tpu.memref_slice %arg4[%mul3A_1209, %mul3A_1081] : memref<16x32768xf32, #tpu.memory_space<hbm>> -> memref<8x512xf32, #tpu.memory_space<hbm>>
    %dma_wait3A_1353 = tpu.memref_slice %arg4[%mul3A_1209, %mul3A_1081] : memref<16x32768xf32, #tpu.memory_space<hbm>> -> memref<8x512xf32, #tpu.memory_space<hbm>>
    tpu.wait_dma2 semaphore(%arg26 : memref<!tpu.dma_semaphore, #tpu.memory_space<semaphore_mem>>) src(%dma_wait3A_1353 : memref<8x512xf32, #tpu.memory_space<hbm>>) dst(%arg16 : memref<8x512xf32, #tpu.memory_space<vmem>>)
    %dma_wait3A_1354 = tpu.memref_slice %arg8[%select_n3A, %add3A_1055] : memref<2x131072xi32, #tpu.memory_space<hbm>> -> memref<1x2048xi32, #tpu.memory_space<hbm>>
    %dma_wait3A_1355 = tpu.memref_squeeze %dma_wait3A_1354 : memref<1x2048xi32, #tpu.memory_space<hbm>> -> memref<2048xi32, #tpu.memory_space<hbm>>
    %dma_wait3A_1356 = tpu.memref_slice %arg8[%select_n3A, %add3A_1055] : memref<2x131072xi32, #tpu.memory_space<hbm>> -> memref<1x2048xi32, #tpu.memory_space<hbm>>
    %dma_wait3A_1357 = tpu.memref_squeeze %dma_wait3A_1356 : memref<1x2048xi32, #tpu.memory_space<hbm>> -> memref<2048xi32, #tpu.memory_space<hbm>>
    tpu.wait_dma2 semaphore(%arg26 : memref<!tpu.dma_semaphore, #tpu.memory_space<semaphore_mem>>) src(%dma_wait3A_1357 : memref<2048xi32, #tpu.memory_space<hbm>>) dst(%arg18 : memref<2048xi32, #tpu.memory_space<vmem>>)
    %dma_wait3A_1358 = tpu.memref_slice %arg9[%select_n3A, %add3A_1055] : memref<2x131072xf32, #tpu.memory_space<hbm>> -> memref<1x2048xf32, #tpu.memory_space<hbm>>
    %dma_wait3A_1359 = tpu.memref_squeeze %dma_wait3A_1358 : memref<1x2048xf32, #tpu.memory_space<hbm>> -> memref<2048xf32, #tpu.memory_space<hbm>>
    %dma_wait3A_1360 = tpu.memref_slice %arg9[%select_n3A, %add3A_1055] : memref<2x131072xf32, #tpu.memory_space<hbm>> -> memref<1x2048xf32, #tpu.memory_space<hbm>>
    %dma_wait3A_1361 = tpu.memref_squeeze %dma_wait3A_1360 : memref<1x2048xf32, #tpu.memory_space<hbm>> -> memref<2048xf32, #tpu.memory_space<hbm>>
    tpu.wait_dma2 semaphore(%arg26 : memref<!tpu.dma_semaphore, #tpu.memory_space<semaphore_mem>>) src(%dma_wait3A_1361 : memref<2048xf32, #tpu.memory_space<hbm>>) dst(%arg20 : memref<2048xf32, #tpu.memory_space<vmem>>)
    %scan3A_1362 = arith.constant 0 : i32
    %scan3A_1363 = arith.constant 128 : i32
    %scan3A_1364 = arith.addi %scan3A_1362, %scan3A_1363 : i32
    %scan3A_1365 = arith.constant 1 : i32
    %scan3A_1366:3 = scf.for %scan3A_1379 = %scan3A_1362 to %scan3A_1364 step %scan3A_1365 iter_args(%scan3A_1380 = %scan3A_1224#0, %scan3A_1381 = %scan3A_1224#1, %scan3A_1382 = %scan3A_1224#2) -> (vector<16xf32>, vector<16xf32>, vector<16xf32>)  : i32 {
      %mul3A_1383 = arith.constant 16 : i32
      %mul3A_1384 = arith.muli %scan3A_1379, %mul3A_1383 : i32
      %jit3A_1385 = arith.constant 8 : i32
      %div3A_1386 = arith.divsi %scan3A_1379, %jit3A_1385 : i32
      %sign3A_1387 = arith.constant 0 : i32
      %sign3A_1388 = arith.cmpi sgt, %scan3A_1379, %sign3A_1387 : i32
      %sign3A_1389 = arith.extui %sign3A_1388 : i1 to i32
      %sign3A_1390 = arith.constant 0 : i32
      %sign3A_1391 = arith.cmpi slt, %scan3A_1379, %sign3A_1390 : i32
      %sign3A_1392 = arith.extui %sign3A_1391 : i1 to i32
      %sign3A_1393 = arith.subi %sign3A_1389, %sign3A_1392 : i32
      %sign3A_1394 = arith.constant 0 : i32
      %sign3A_1395 = arith.cmpi sgt, %jit3A_1385, %sign3A_1394 : i32
      %sign3A_1396 = arith.extui %sign3A_1395 : i1 to i32
      %sign3A_1397 = arith.constant 0 : i32
      %sign3A_1398 = arith.cmpi slt, %jit3A_1385, %sign3A_1397 : i32
      %sign3A_1399 = arith.extui %sign3A_1398 : i1 to i32
      %sign3A_1400 = arith.subi %sign3A_1396, %sign3A_1399 : i32
      %ne3A_1401 = arith.cmpi ne, %sign3A_1393, %sign3A_1400 : i32
      %rem3A_1402 = arith.remsi %scan3A_1379, %jit3A_1385 : i32
      %ne3A_1403 = arith.constant 0 : i32
      %ne3A_1404 = arith.cmpi ne, %rem3A_1402, %ne3A_1403 : i32
      %and3A_1405 = arith.andi %ne3A_1401, %ne3A_1404 : i1
      %sub3A_1406 = arith.constant 1 : i32
      %sub3A_1407 = arith.subi %div3A_1386, %sub3A_1406 : i32
      %select_n3A_1408 = arith.select %and3A_1405, %sub3A_1407, %div3A_1386 : i32
      %jit3A_1409 = arith.constant 8 : i32
      %eq3A_1410 = arith.constant 0 : i32
      %eq3A_1411 = arith.cmpi eq, %jit3A_1409, %eq3A_1410 : i32
      %jit3A_1412 = arith.constant 1 : i32
      %select_n3A_1413 = arith.select %eq3A_1411, %jit3A_1412, %jit3A_1409 : i32
      %rem3A_1414 = arith.remsi %select_n3A_1408, %select_n3A_1413 : i32
      %ne3A_1415 = arith.constant 0 : i32
      %ne3A_1416 = arith.cmpi ne, %rem3A_1414, %ne3A_1415 : i32
      %lt3A_1417 = arith.constant 0 : i32
      %lt3A_1418 = arith.cmpi slt, %rem3A_1414, %lt3A_1417 : i32
      %lt3A_1419 = arith.constant 0 : i32
      %lt3A_1420 = arith.cmpi slt, %select_n3A_1413, %lt3A_1419 : i32
      %ne3A_1421 = arith.xori %lt3A_1418, %lt3A_1420 : i1
      %and3A_1422 = arith.andi %ne3A_1421, %ne3A_1416 : i1
      %add3A_1423 = arith.addi %rem3A_1414, %select_n3A_1413 : i32
      %select_n3A_1424 = arith.select %and3A_1422, %add3A_1423, %rem3A_1414 : i32
      %gather3A = tpu.memref_slice %arg18[%mul3A_1384] : memref<2048xi32, #tpu.memory_space<vmem>> -> memref<16xi32, #tpu.memory_space<vmem>>
      %gather3A_1425 = tpu.vector_load_idx %gather3A[%iota3A] : memref<16xi32, #tpu.memory_space<vmem>>[vector<16xi32>], vector<16xi32>,
      %gather3A_1426 = tpu.memref_slice %arg20[%mul3A_1384] : memref<2048xf32, #tpu.memory_space<vmem>> -> memref<16xf32, #tpu.memory_space<vmem>>
      %gather3A_1427 = tpu.vector_load_idx %gather3A_1426[%iota3A] : memref<16xf32, #tpu.memory_space<vmem>>[vector<16xi32>], vector<16xf32>,
      %gt3A = arith.constant 0.000000e+00 : f32
      %gt3A_1428 = vector.broadcast %gt3A : f32 to vector<16xf32>
      %gt3A_1429 = arith.cmpf ogt, %gather3A_1427, %gt3A_1428 : vector<16xf32>
      %jit3A_1430 = arith.constant 1.000000e+00 : f32
      %jit3A_1431 = arith.constant 0.000000e+00 : f32
      %broadcast_in_dim3A_1432 = vector.broadcast %jit3A_1430 : f32 to vector<16xf32>
      %broadcast_in_dim3A_1433 = vector.broadcast %jit3A_1431 : f32 to vector<16xf32>
      %select_n3A_1434 = arith.select %gt3A_1429, %broadcast_in_dim3A_1432, %broadcast_in_dim3A_1433 : vector<16xi1>, vector<16xf32>
      %broadcast_in_dim3A_1435 = arith.constant 0.000000e+00 : f32
      %broadcast_in_dim3A_1436 = vector.broadcast %broadcast_in_dim3A_1435 : f32 to vector<16xf32>
      %broadcast_in_dim3A_1437 = arith.constant 0.000000e+00 : f32
      %broadcast_in_dim3A_1438 = vector.broadcast %broadcast_in_dim3A_1437 : f32 to vector<16xf32>
      %gather3A_1439 = tpu.memref_slice %arg12[%mul3A_1384] : memref<8192xf32, #tpu.memory_space<vmem>> -> memref<16xf32, #tpu.memory_space<vmem>>
      %gather3A_1440 = tpu.vector_load_idx %gather3A_1439[%add3A_44] : memref<16xf32, #tpu.memory_space<vmem>>[vector<16xi32>], vector<16xf32>,
      %add3A_1441 = arith.addi %gather3A_1425, %add3A_86 : vector<16xi32>
      %gather3A_1442 = arith.constant 0 : i32
      %gather3A_1443 = tpu.memref_slice %arg21[%select_n3A_1424, %gather3A_1442] : memref<8x256xf32, #tpu.memory_space<vmem>> -> memref<1x256xf32, #tpu.memory_space<vmem>>
      %gather3A_1444 = tpu.memref_squeeze %gather3A_1443 : memref<1x256xf32, #tpu.memory_space<vmem>> -> memref<256xf32, #tpu.memory_space<vmem>>
      %gather3A_1445 = tpu.vector_load_idx %gather3A_1444[%add3A_1441] : memref<256xf32, #tpu.memory_space<vmem>>[vector<16xi32>], vector<16xf32>,
      %sub3A_1446 = arith.subf %gather3A_1440, %gather3A_1445 : vector<16xf32>
      %abs3A = math.absf %sub3A_1446 : vector<16xf32>
      %min3A = arith.constant 1.000000e+00 : f32
      %min3A_1447 = vector.broadcast %min3A : f32 to vector<16xf32>
      %min3A_1448 = arith.minimumf %abs3A, %min3A_1447 : vector<16xf32>
      %mul3A_1449 = arith.mulf %min3A_1448, %min3A_1448 : vector<16xf32>
      %add3A_1450 = arith.addf %broadcast_in_dim3A_1436, %mul3A_1449 : vector<16xf32>
      %max3A = arith.constant 1.000000e+00 : f32
      %max3A_1451 = vector.broadcast %max3A : f32 to vector<16xf32>
      %max3A_1452 = arith.maximumf %abs3A, %max3A_1451 : vector<16xf32>
      %add3A_1453 = arith.addf %broadcast_in_dim3A_1438, %max3A_1452 : vector<16xf32>
      %gather3A_1454 = tpu.memref_slice %arg12[%mul3A_1384] : memref<8192xf32, #tpu.memory_space<vmem>> -> memref<16xf32, #tpu.memory_space<vmem>>
      %gather3A_1455 = tpu.vector_load_idx %gather3A_1454[%add3A_47] : memref<16xf32, #tpu.memory_space<vmem>>[vector<16xi32>], vector<16xf32>,
      %add3A_1456 = arith.addi %gather3A_1425, %add3A_89 : vector<16xi32>
      %gather3A_1457 = arith.constant 0 : i32
      %gather3A_1458 = tpu.memref_slice %arg21[%select_n3A_1424, %gather3A_1457] : memref<8x256xf32, #tpu.memory_space<vmem>> -> memref<1x256xf32, #tpu.memory_space<vmem>>
      %gather3A_1459 = tpu.memref_squeeze %gather3A_1458 : memref<1x256xf32, #tpu.memory_space<vmem>> -> memref<256xf32, #tpu.memory_space<vmem>>
      %gather3A_1460 = tpu.vector_load_idx %gather3A_1459[%add3A_1456] : memref<256xf32, #tpu.memory_space<vmem>>[vector<16xi32>], vector<16xf32>,
      %sub3A_1461 = arith.subf %gather3A_1455, %gather3A_1460 : vector<16xf32>
      %abs3A_1462 = math.absf %sub3A_1461 : vector<16xf32>
      %min3A_1463 = arith.constant 1.000000e+00 : f32
      %min3A_1464 = vector.broadcast %min3A_1463 : f32 to vector<16xf32>
      %min3A_1465 = arith.minimumf %abs3A_1462, %min3A_1464 : vector<16xf32>
      %mul3A_1466 = arith.mulf %min3A_1465, %min3A_1465 : vector<16xf32>
      %add3A_1467 = arith.addf %add3A_1450, %mul3A_1466 : vector<16xf32>
      %max3A_1468 = arith.constant 1.000000e+00 : f32
      %max3A_1469 = vector.broadcast %max3A_1468 : f32 to vector<16xf32>
      %max3A_1470 = arith.maximumf %abs3A_1462, %max3A_1469 : vector<16xf32>
      %add3A_1471 = arith.addf %add3A_1453, %max3A_1470 : vector<16xf32>
      %gather3A_1472 = tpu.memref_slice %arg12[%mul3A_1384] : memref<8192xf32, #tpu.memory_space<vmem>> -> memref<16xf32, #tpu.memory_space<vmem>>
      %gather3A_1473 = tpu.vector_load_idx %gather3A_1472[%add3A_50] : memref<16xf32, #tpu.memory_space<vmem>>[vector<16xi32>], vector<16xf32>,
      %add3A_1474 = arith.addi %gather3A_1425, %add3A_92 : vector<16xi32>
      %gather3A_1475 = arith.constant 0 : i32
      %gather3A_1476 = tpu.memref_slice %arg21[%select_n3A_1424, %gather3A_1475] : memref<8x256xf32, #tpu.memory_space<vmem>> -> memref<1x256xf32, #tpu.memory_space<vmem>>
      %gather3A_1477 = tpu.memref_squeeze %gather3A_1476 : memref<1x256xf32, #tpu.memory_space<vmem>> -> memref<256xf32, #tpu.memory_space<vmem>>
      %gather3A_1478 = tpu.vector_load_idx %gather3A_1477[%add3A_1474] : memref<256xf32, #tpu.memory_space<vmem>>[vector<16xi32>], vector<16xf32>,
      %sub3A_1479 = arith.subf %gather3A_1473, %gather3A_1478 : vector<16xf32>
      %abs3A_1480 = math.absf %sub3A_1479 : vector<16xf32>
      %min3A_1481 = arith.constant 1.000000e+00 : f32
      %min3A_1482 = vector.broadcast %min3A_1481 : f32 to vector<16xf32>
      %min3A_1483 = arith.minimumf %abs3A_1480, %min3A_1482 : vector<16xf32>
      %mul3A_1484 = arith.mulf %min3A_1483, %min3A_1483 : vector<16xf32>
      %add3A_1485 = arith.addf %add3A_1467, %mul3A_1484 : vector<16xf32>
      %max3A_1486 = arith.constant 1.000000e+00 : f32
      %max3A_1487 = vector.broadcast %max3A_1486 : f32 to vector<16xf32>
      %max3A_1488 = arith.maximumf %abs3A_1480, %max3A_1487 : vector<16xf32>
      %add3A_1489 = arith.addf %add3A_1471, %max3A_1488 : vector<16xf32>
      %gather3A_1490 = tpu.memref_slice %arg12[%mul3A_1384] : memref<8192xf32, #tpu.memory_space<vmem>> -> memref<16xf32, #tpu.memory_space<vmem>>
      %gather3A_1491 = tpu.vector_load_idx %gather3A_1490[%add3A_53] : memref<16xf32, #tpu.memory_space<vmem>>[vector<16xi32>], vector<16xf32>,
      %add3A_1492 = arith.addi %gather3A_1425, %add3A_95 : vector<16xi32>
      %gather3A_1493 = arith.constant 0 : i32
      %gather3A_1494 = tpu.memref_slice %arg21[%select_n3A_1424, %gather3A_1493] : memref<8x256xf32, #tpu.memory_space<vmem>> -> memref<1x256xf32, #tpu.memory_space<vmem>>
      %gather3A_1495 = tpu.memref_squeeze %gather3A_1494 : memref<1x256xf32, #tpu.memory_space<vmem>> -> memref<256xf32, #tpu.memory_space<vmem>>
      %gather3A_1496 = tpu.vector_load_idx %gather3A_1495[%add3A_1492] : memref<256xf32, #tpu.memory_space<vmem>>[vector<16xi32>], vector<16xf32>,
      %sub3A_1497 = arith.subf %gather3A_1491, %gather3A_1496 : vector<16xf32>
      %abs3A_1498 = math.absf %sub3A_1497 : vector<16xf32>
      %min3A_1499 = arith.constant 1.000000e+00 : f32
      %min3A_1500 = vector.broadcast %min3A_1499 : f32 to vector<16xf32>
      %min3A_1501 = arith.minimumf %abs3A_1498, %min3A_1500 : vector<16xf32>
      %mul3A_1502 = arith.mulf %min3A_1501, %min3A_1501 : vector<16xf32>
      %add3A_1503 = arith.addf %add3A_1485, %mul3A_1502 : vector<16xf32>
      %max3A_1504 = arith.constant 1.000000e+00 : f32
      %max3A_1505 = vector.broadcast %max3A_1504 : f32 to vector<16xf32>
      %max3A_1506 = arith.maximumf %abs3A_1498, %max3A_1505 : vector<16xf32>
      %add3A_1507 = arith.addf %add3A_1489, %max3A_1506 : vector<16xf32>
      %mul3A_1508 = arith.constant 5.000000e-01 : f32
      %mul3A_1509 = vector.broadcast %mul3A_1508 : f32 to vector<16xf32>
      %mul3A_1510 = arith.mulf %mul3A_1509, %add3A_1503 : vector<16xf32>
      %add3A_1511 = arith.addf %mul3A_1510, %add3A_1507 : vector<16xf32>
      %sub3A_1512 = arith.constant 4.000000e+00 : f32
      %sub3A_1513 = vector.broadcast %sub3A_1512 : f32 to vector<16xf32>
      %sub3A_1514 = arith.subf %add3A_1511, %sub3A_1513 : vector<16xf32>
      %mul3A_1515 = arith.mulf %sub3A_1514, %select_n3A_1434 : vector<16xf32>
      %add3A_1516 = arith.addf %scan3A_1380, %mul3A_1515 : vector<16xf32>
      %broadcast_in_dim3A_1517 = arith.constant 0.000000e+00 : f32
      %broadcast_in_dim3A_1518 = vector.broadcast %broadcast_in_dim3A_1517 : f32 to vector<16xf32>
      %broadcast_in_dim3A_1519 = arith.constant 0.000000e+00 : f32
      %broadcast_in_dim3A_1520 = vector.broadcast %broadcast_in_dim3A_1519 : f32 to vector<16xf32>
      %gather3A_1521 = tpu.memref_slice %arg14[%mul3A_1384] : memref<20480xf32, #tpu.memory_space<vmem>> -> memref<16xf32, #tpu.memory_space<vmem>>
      %gather3A_1522 = tpu.vector_load_idx %gather3A_1521[%add3A_56] : memref<16xf32, #tpu.memory_space<vmem>>[vector<16xi32>], vector<16xf32>,
      %add3A_1523 = arith.addi %gather3A_1425, %add3A_98 : vector<16xi32>
      %gather3A_1524 = arith.constant 0 : i32
      %gather3A_1525 = tpu.memref_slice %arg22[%select_n3A_1424, %gather3A_1524] : memref<8x640xf32, #tpu.memory_space<vmem>> -> memref<1x640xf32, #tpu.memory_space<vmem>>
      %gather3A_1526 = tpu.memref_squeeze %gather3A_1525 : memref<1x640xf32, #tpu.memory_space<vmem>> -> memref<640xf32, #tpu.memory_space<vmem>>
      %gather3A_1527 = tpu.vector_load_idx %gather3A_1526[%add3A_1523] : memref<640xf32, #tpu.memory_space<vmem>>[vector<16xi32>], vector<16xf32>,
      %sub3A_1528 = arith.subf %gather3A_1522, %gather3A_1527 : vector<16xf32>
      %abs3A_1529 = math.absf %sub3A_1528 : vector<16xf32>
      %min3A_1530 = arith.constant 1.000000e+00 : f32
      %min3A_1531 = vector.broadcast %min3A_1530 : f32 to vector<16xf32>
      %min3A_1532 = arith.minimumf %abs3A_1529, %min3A_1531 : vector<16xf32>
      %mul3A_1533 = arith.mulf %min3A_1532, %min3A_1532 : vector<16xf32>
      %add3A_1534 = arith.addf %broadcast_in_dim3A_1518, %mul3A_1533 : vector<16xf32>
      %max3A_1535 = arith.constant 1.000000e+00 : f32
      %max3A_1536 = vector.broadcast %max3A_1535 : f32 to vector<16xf32>
      %max3A_1537 = arith.maximumf %abs3A_1529, %max3A_1536 : vector<16xf32>
      %add3A_1538 = arith.addf %broadcast_in_dim3A_1520, %max3A_1537 : vector<16xf32>
      %gather3A_1539 = tpu.memref_slice %arg14[%mul3A_1384] : memref<20480xf32, #tpu.memory_space<vmem>> -> memref<16xf32, #tpu.memory_space<vmem>>
      %gather3A_1540 = tpu.vector_load_idx %gather3A_1539[%add3A_59] : memref<16xf32, #tpu.memory_space<vmem>>[vector<16xi32>], vector<16xf32>,
      %add3A_1541 = arith.addi %gather3A_1425, %add3A_101 : vector<16xi32>
      %gather3A_1542 = arith.constant 0 : i32
      %gather3A_1543 = tpu.memref_slice %arg22[%select_n3A_1424, %gather3A_1542] : memref<8x640xf32, #tpu.memory_space<vmem>> -> memref<1x640xf32, #tpu.memory_space<vmem>>
      %gather3A_1544 = tpu.memref_squeeze %gather3A_1543 : memref<1x640xf32, #tpu.memory_space<vmem>> -> memref<640xf32, #tpu.memory_space<vmem>>
      %gather3A_1545 = tpu.vector_load_idx %gather3A_1544[%add3A_1541] : memref<640xf32, #tpu.memory_space<vmem>>[vector<16xi32>], vector<16xf32>,
      %sub3A_1546 = arith.subf %gather3A_1540, %gather3A_1545 : vector<16xf32>
      %abs3A_1547 = math.absf %sub3A_1546 : vector<16xf32>
      %min3A_1548 = arith.constant 1.000000e+00 : f32
      %min3A_1549 = vector.broadcast %min3A_1548 : f32 to vector<16xf32>
      %min3A_1550 = arith.minimumf %abs3A_1547, %min3A_1549 : vector<16xf32>
      %mul3A_1551 = arith.mulf %min3A_1550, %min3A_1550 : vector<16xf32>
      %add3A_1552 = arith.addf %add3A_1534, %mul3A_1551 : vector<16xf32>
      %max3A_1553 = arith.constant 1.000000e+00 : f32
      %max3A_1554 = vector.broadcast %max3A_1553 : f32 to vector<16xf32>
      %max3A_1555 = arith.maximumf %abs3A_1547, %max3A_1554 : vector<16xf32>
      %add3A_1556 = arith.addf %add3A_1538, %max3A_1555 : vector<16xf32>
      %gather3A_1557 = tpu.memref_slice %arg14[%mul3A_1384] : memref<20480xf32, #tpu.memory_space<vmem>> -> memref<16xf32, #tpu.memory_space<vmem>>
      %gather3A_1558 = tpu.vector_load_idx %gather3A_1557[%add3A_62] : memref<16xf32, #tpu.memory_space<vmem>>[vector<16xi32>], vector<16xf32>,
      %add3A_1559 = arith.addi %gather3A_1425, %add3A_104 : vector<16xi32>
      %gather3A_1560 = arith.constant 0 : i32
      %gather3A_1561 = tpu.memref_slice %arg22[%select_n3A_1424, %gather3A_1560] : memref<8x640xf32, #tpu.memory_space<vmem>> -> memref<1x640xf32, #tpu.memory_space<vmem>>
      %gather3A_1562 = tpu.memref_squeeze %gather3A_1561 : memref<1x640xf32, #tpu.memory_space<vmem>> -> memref<640xf32, #tpu.memory_space<vmem>>
      %gather3A_1563 = tpu.vector_load_idx %gather3A_1562[%add3A_1559] : memref<640xf32, #tpu.memory_space<vmem>>[vector<16xi32>], vector<16xf32>,
      %sub3A_1564 = arith.subf %gather3A_1558, %gather3A_1563 : vector<16xf32>
      %abs3A_1565 = math.absf %sub3A_1564 : vector<16xf32>
      %min3A_1566 = arith.constant 1.000000e+00 : f32
      %min3A_1567 = vector.broadcast %min3A_1566 : f32 to vector<16xf32>
      %min3A_1568 = arith.minimumf %abs3A_1565, %min3A_1567 : vector<16xf32>
      %mul3A_1569 = arith.mulf %min3A_1568, %min3A_1568 : vector<16xf32>
      %add3A_1570 = arith.addf %add3A_1552, %mul3A_1569 : vector<16xf32>
      %max3A_1571 = arith.constant 1.000000e+00 : f32
      %max3A_1572 = vector.broadcast %max3A_1571 : f32 to vector<16xf32>
      %max3A_1573 = arith.maximumf %abs3A_1565, %max3A_1572 : vector<16xf32>
      %add3A_1574 = arith.addf %add3A_1556, %max3A_1573 : vector<16xf32>
      %gather3A_1575 = tpu.memref_slice %arg14[%mul3A_1384] : memref<20480xf32, #tpu.memory_space<vmem>> -> memref<16xf32, #tpu.memory_space<vmem>>
      %gather3A_1576 = tpu.vector_load_idx %gather3A_1575[%add3A_65] : memref<16xf32, #tpu.memory_space<vmem>>[vector<16xi32>], vector<16xf32>,
      %add3A_1577 = arith.addi %gather3A_1425, %add3A_107 : vector<16xi32>
      %gather3A_1578 = arith.constant 0 : i32
      %gather3A_1579 = tpu.memref_slice %arg22[%select_n3A_1424, %gather3A_1578] : memref<8x640xf32, #tpu.memory_space<vmem>> -> memref<1x640xf32, #tpu.memory_space<vmem>>
      %gather3A_1580 = tpu.memref_squeeze %gather3A_1579 : memref<1x640xf32, #tpu.memory_space<vmem>> -> memref<640xf32, #tpu.memory_space<vmem>>
      %gather3A_1581 = tpu.vector_load_idx %gather3A_1580[%add3A_1577] : memref<640xf32, #tpu.memory_space<vmem>>[vector<16xi32>], vector<16xf32>,
      %sub3A_1582 = arith.subf %gather3A_1576, %gather3A_1581 : vector<16xf32>
      %abs3A_1583 = math.absf %sub3A_1582 : vector<16xf32>
      %min3A_1584 = arith.constant 1.000000e+00 : f32
      %min3A_1585 = vector.broadcast %min3A_1584 : f32 to vector<16xf32>
      %min3A_1586 = arith.minimumf %abs3A_1583, %min3A_1585 : vector<16xf32>
      %mul3A_1587 = arith.mulf %min3A_1586, %min3A_1586 : vector<16xf32>
      %add3A_1588 = arith.addf %add3A_1570, %mul3A_1587 : vector<16xf32>
      %max3A_1589 = arith.constant 1.000000e+00 : f32
      %max3A_1590 = vector.broadcast %max3A_1589 : f32 to vector<16xf32>
      %max3A_1591 = arith.maximumf %abs3A_1583, %max3A_1590 : vector<16xf32>
      %add3A_1592 = arith.addf %add3A_1574, %max3A_1591 : vector<16xf32>
      %gather3A_1593 = tpu.memref_slice %arg14[%mul3A_1384] : memref<20480xf32, #tpu.memory_space<vmem>> -> memref<16xf32, #tpu.memory_space<vmem>>
      %gather3A_1594 = tpu.vector_load_idx %gather3A_1593[%add3A_68] : memref<16xf32, #tpu.memory_space<vmem>>[vector<16xi32>], vector<16xf32>,
      %add3A_1595 = arith.addi %gather3A_1425, %add3A_110 : vector<16xi32>
      %gather3A_1596 = arith.constant 0 : i32
      %gather3A_1597 = tpu.memref_slice %arg22[%select_n3A_1424, %gather3A_1596] : memref<8x640xf32, #tpu.memory_space<vmem>> -> memref<1x640xf32, #tpu.memory_space<vmem>>
      %gather3A_1598 = tpu.memref_squeeze %gather3A_1597 : memref<1x640xf32, #tpu.memory_space<vmem>> -> memref<640xf32, #tpu.memory_space<vmem>>
      %gather3A_1599 = tpu.vector_load_idx %gather3A_1598[%add3A_1595] : memref<640xf32, #tpu.memory_space<vmem>>[vector<16xi32>], vector<16xf32>,
      %sub3A_1600 = arith.subf %gather3A_1594, %gather3A_1599 : vector<16xf32>
      %abs3A_1601 = math.absf %sub3A_1600 : vector<16xf32>
      %min3A_1602 = arith.constant 1.000000e+00 : f32
      %min3A_1603 = vector.broadcast %min3A_1602 : f32 to vector<16xf32>
      %min3A_1604 = arith.minimumf %abs3A_1601, %min3A_1603 : vector<16xf32>
      %mul3A_1605 = arith.mulf %min3A_1604, %min3A_1604 : vector<16xf32>
      %add3A_1606 = arith.addf %add3A_1588, %mul3A_1605 : vector<16xf32>
      %max3A_1607 = arith.constant 1.000000e+00 : f32
      %max3A_1608 = vector.broadcast %max3A_1607 : f32 to vector<16xf32>
      %max3A_1609 = arith.maximumf %abs3A_1601, %max3A_1608 : vector<16xf32>
      %add3A_1610 = arith.addf %add3A_1592, %max3A_1609 : vector<16xf32>
      %gather3A_1611 = tpu.memref_slice %arg14[%mul3A_1384] : memref<20480xf32, #tpu.memory_space<vmem>> -> memref<16xf32, #tpu.memory_space<vmem>>
      %gather3A_1612 = tpu.vector_load_idx %gather3A_1611[%add3A_71] : memref<16xf32, #tpu.memory_space<vmem>>[vector<16xi32>], vector<16xf32>,
      %add3A_1613 = arith.addi %gather3A_1425, %add3A_113 : vector<16xi32>
      %gather3A_1614 = arith.constant 0 : i32
      %gather3A_1615 = tpu.memref_slice %arg22[%select_n3A_1424, %gather3A_1614] : memref<8x640xf32, #tpu.memory_space<vmem>> -> memref<1x640xf32, #tpu.memory_space<vmem>>
      %gather3A_1616 = tpu.memref_squeeze %gather3A_1615 : memref<1x640xf32, #tpu.memory_space<vmem>> -> memref<640xf32, #tpu.memory_space<vmem>>
      %gather3A_1617 = tpu.vector_load_idx %gather3A_1616[%add3A_1613] : memref<640xf32, #tpu.memory_space<vmem>>[vector<16xi32>], vector<16xf32>,
      %sub3A_1618 = arith.subf %gather3A_1612, %gather3A_1617 : vector<16xf32>
      %abs3A_1619 = math.absf %sub3A_1618 : vector<16xf32>
      %min3A_1620 = arith.constant 1.000000e+00 : f32
      %min3A_1621 = vector.broadcast %min3A_1620 : f32 to vector<16xf32>
      %min3A_1622 = arith.minimumf %abs3A_1619, %min3A_1621 : vector<16xf32>
      %mul3A_1623 = arith.mulf %min3A_1622, %min3A_1622 : vector<16xf32>
      %add3A_1624 = arith.addf %add3A_1606, %mul3A_1623 : vector<16xf32>
      %max3A_1625 = arith.constant 1.000000e+00 : f32
      %max3A_1626 = vector.broadcast %max3A_1625 : f32 to vector<16xf32>
      %max3A_1627 = arith.maximumf %abs3A_1619, %max3A_1626 : vector<16xf32>
      %add3A_1628 = arith.addf %add3A_1610, %max3A_1627 : vector<16xf32>
      %gather3A_1629 = tpu.memref_slice %arg14[%mul3A_1384] : memref<20480xf32, #tpu.memory_space<vmem>> -> memref<16xf32, #tpu.memory_space<vmem>>
      %gather3A_1630 = tpu.vector_load_idx %gather3A_1629[%add3A_74] : memref<16xf32, #tpu.memory_space<vmem>>[vector<16xi32>], vector<16xf32>,
      %add3A_1631 = arith.addi %gather3A_1425, %add3A_116 : vector<16xi32>
      %gather3A_1632 = arith.constant 0 : i32
      %gather3A_1633 = tpu.memref_slice %arg22[%select_n3A_1424, %gather3A_1632] : memref<8x640xf32, #tpu.memory_space<vmem>> -> memref<1x640xf32, #tpu.memory_space<vmem>>
      %gather3A_1634 = tpu.memref_squeeze %gather3A_1633 : memref<1x640xf32, #tpu.memory_space<vmem>> -> memref<640xf32, #tpu.memory_space<vmem>>
      %gather3A_1635 = tpu.vector_load_idx %gather3A_1634[%add3A_1631] : memref<640xf32, #tpu.memory_space<vmem>>[vector<16xi32>], vector<16xf32>,
      %sub3A_1636 = arith.subf %gather3A_1630, %gather3A_1635 : vector<16xf32>
      %abs3A_1637 = math.absf %sub3A_1636 : vector<16xf32>
      %min3A_1638 = arith.constant 1.000000e+00 : f32
      %min3A_1639 = vector.broadcast %min3A_1638 : f32 to vector<16xf32>
      %min3A_1640 = arith.minimumf %abs3A_1637, %min3A_1639 : vector<16xf32>
      %mul3A_1641 = arith.mulf %min3A_1640, %min3A_1640 : vector<16xf32>
      %add3A_1642 = arith.addf %add3A_1624, %mul3A_1641 : vector<16xf32>
      %max3A_1643 = arith.constant 1.000000e+00 : f32
      %max3A_1644 = vector.broadcast %max3A_1643 : f32 to vector<16xf32>
      %max3A_1645 = arith.maximumf %abs3A_1637, %max3A_1644 : vector<16xf32>
      %add3A_1646 = arith.addf %add3A_1628, %max3A_1645 : vector<16xf32>
      %gather3A_1647 = tpu.memref_slice %arg14[%mul3A_1384] : memref<20480xf32, #tpu.memory_space<vmem>> -> memref<16xf32, #tpu.memory_space<vmem>>
      %gather3A_1648 = tpu.vector_load_idx %gather3A_1647[%add3A_77] : memref<16xf32, #tpu.memory_space<vmem>>[vector<16xi32>], vector<16xf32>,
      %add3A_1649 = arith.addi %gather3A_1425, %add3A_119 : vector<16xi32>
      %gather3A_1650 = arith.constant 0 : i32
      %gather3A_1651 = tpu.memref_slice %arg22[%select_n3A_1424, %gather3A_1650] : memref<8x640xf32, #tpu.memory_space<vmem>> -> memref<1x640xf32, #tpu.memory_space<vmem>>
      %gather3A_1652 = tpu.memref_squeeze %gather3A_1651 : memref<1x640xf32, #tpu.memory_space<vmem>> -> memref<640xf32, #tpu.memory_space<vmem>>
      %gather3A_1653 = tpu.vector_load_idx %gather3A_1652[%add3A_1649] : memref<640xf32, #tpu.memory_space<vmem>>[vector<16xi32>], vector<16xf32>,
      %sub3A_1654 = arith.subf %gather3A_1648, %gather3A_1653 : vector<16xf32>
      %abs3A_1655 = math.absf %sub3A_1654 : vector<16xf32>
      %min3A_1656 = arith.constant 1.000000e+00 : f32
      %min3A_1657 = vector.broadcast %min3A_1656 : f32 to vector<16xf32>
      %min3A_1658 = arith.minimumf %abs3A_1655, %min3A_1657 : vector<16xf32>
      %mul3A_1659 = arith.mulf %min3A_1658, %min3A_1658 : vector<16xf32>
      %add3A_1660 = arith.addf %add3A_1642, %mul3A_1659 : vector<16xf32>
      %max3A_1661 = arith.constant 1.000000e+00 : f32
      %max3A_1662 = vector.broadcast %max3A_1661 : f32 to vector<16xf32>
      %max3A_1663 = arith.maximumf %abs3A_1655, %max3A_1662 : vector<16xf32>
      %add3A_1664 = arith.addf %add3A_1646, %max3A_1663 : vector<16xf32>
      %gather3A_1665 = tpu.memref_slice %arg14[%mul3A_1384] : memref<20480xf32, #tpu.memory_space<vmem>> -> memref<16xf32, #tpu.memory_space<vmem>>
      %gather3A_1666 = tpu.vector_load_idx %gather3A_1665[%add3A_80] : memref<16xf32, #tpu.memory_space<vmem>>[vector<16xi32>], vector<16xf32>,
      %add3A_1667 = arith.addi %gather3A_1425, %add3A_122 : vector<16xi32>
      %gather3A_1668 = arith.constant 0 : i32
      %gather3A_1669 = tpu.memref_slice %arg22[%select_n3A_1424, %gather3A_1668] : memref<8x640xf32, #tpu.memory_space<vmem>> -> memref<1x640xf32, #tpu.memory_space<vmem>>
      %gather3A_1670 = tpu.memref_squeeze %gather3A_1669 : memref<1x640xf32, #tpu.memory_space<vmem>> -> memref<640xf32, #tpu.memory_space<vmem>>
      %gather3A_1671 = tpu.vector_load_idx %gather3A_1670[%add3A_1667] : memref<640xf32, #tpu.memory_space<vmem>>[vector<16xi32>], vector<16xf32>,
      %sub3A_1672 = arith.subf %gather3A_1666, %gather3A_1671 : vector<16xf32>
      %abs3A_1673 = math.absf %sub3A_1672 : vector<16xf32>
      %min3A_1674 = arith.constant 1.000000e+00 : f32
      %min3A_1675 = vector.broadcast %min3A_1674 : f32 to vector<16xf32>
      %min3A_1676 = arith.minimumf %abs3A_1673, %min3A_1675 : vector<16xf32>
      %mul3A_1677 = arith.mulf %min3A_1676, %min3A_1676 : vector<16xf32>
      %add3A_1678 = arith.addf %add3A_1660, %mul3A_1677 : vector<16xf32>
      %max3A_1679 = arith.constant 1.000000e+00 : f32
      %max3A_1680 = vector.broadcast %max3A_1679 : f32 to vector<16xf32>
      %max3A_1681 = arith.maximumf %abs3A_1673, %max3A_1680 : vector<16xf32>
      %add3A_1682 = arith.addf %add3A_1664, %max3A_1681 : vector<16xf32>
      %gather3A_1683 = tpu.memref_slice %arg14[%mul3A_1384] : memref<20480xf32, #tpu.memory_space<vmem>> -> memref<16xf32, #tpu.memory_space<vmem>>
      %gather3A_1684 = tpu.vector_load_idx %gather3A_1683[%add3A_83] : memref<16xf32, #tpu.memory_space<vmem>>[vector<16xi32>], vector<16xf32>,
      %add3A_1685 = arith.addi %gather3A_1425, %add3A_125 : vector<16xi32>
      %gather3A_1686 = arith.constant 0 : i32
      %gather3A_1687 = tpu.memref_slice %arg22[%select_n3A_1424, %gather3A_1686] : memref<8x640xf32, #tpu.memory_space<vmem>> -> memref<1x640xf32, #tpu.memory_space<vmem>>
      %gather3A_1688 = tpu.memref_squeeze %gather3A_1687 : memref<1x640xf32, #tpu.memory_space<vmem>> -> memref<640xf32, #tpu.memory_space<vmem>>
      %gather3A_1689 = tpu.vector_load_idx %gather3A_1688[%add3A_1685] : memref<640xf32, #tpu.memory_space<vmem>>[vector<16xi32>], vector<16xf32>,
      %sub3A_1690 = arith.subf %gather3A_1684, %gather3A_1689 : vector<16xf32>
      %abs3A_1691 = math.absf %sub3A_1690 : vector<16xf32>
      %min3A_1692 = arith.constant 1.000000e+00 : f32
      %min3A_1693 = vector.broadcast %min3A_1692 : f32 to vector<16xf32>
      %min3A_1694 = arith.minimumf %abs3A_1691, %min3A_1693 : vector<16xf32>
      %mul3A_1695 = arith.mulf %min3A_1694, %min3A_1694 : vector<16xf32>
      %add3A_1696 = arith.addf %add3A_1678, %mul3A_1695 : vector<16xf32>
      %max3A_1697 = arith.constant 1.000000e+00 : f32
      %max3A_1698 = vector.broadcast %max3A_1697 : f32 to vector<16xf32>
      %max3A_1699 = arith.maximumf %abs3A_1691, %max3A_1698 : vector<16xf32>
      %add3A_1700 = arith.addf %add3A_1682, %max3A_1699 : vector<16xf32>
      %mul3A_1701 = arith.constant 5.000000e-01 : f32
      %mul3A_1702 = vector.broadcast %mul3A_1701 : f32 to vector<16xf32>
      %mul3A_1703 = arith.mulf %mul3A_1702, %add3A_1696 : vector<16xf32>
      %add3A_1704 = arith.addf %mul3A_1703, %add3A_1700 : vector<16xf32>
      %sub3A_1705 = arith.constant 1.000000e+01 : f32
      %sub3A_1706 = vector.broadcast %sub3A_1705 : f32 to vector<16xf32>
      %sub3A_1707 = arith.subf %add3A_1704, %sub3A_1706 : vector<16xf32>
      %mul3A_1708 = arith.mulf %sub3A_1707, %select_n3A_1434 : vector<16xf32>
      %add3A_1709 = arith.addf %scan3A_1381, %mul3A_1708 : vector<16xf32>
      %jit3A_1710 = arith.constant 64 : i32
      %div3A_1711 = arith.divsi %scan3A_1379, %jit3A_1710 : i32
      %sign3A_1712 = arith.constant 0 : i32
      %sign3A_1713 = arith.cmpi sgt, %scan3A_1379, %sign3A_1712 : i32
      %sign3A_1714 = arith.extui %sign3A_1713 : i1 to i32
      %sign3A_1715 = arith.constant 0 : i32
      %sign3A_1716 = arith.cmpi slt, %scan3A_1379, %sign3A_1715 : i32
      %sign3A_1717 = arith.extui %sign3A_1716 : i1 to i32
      %sign3A_1718 = arith.subi %sign3A_1714, %sign3A_1717 : i32
      %sign3A_1719 = arith.constant 0 : i32
      %sign3A_1720 = arith.cmpi sgt, %jit3A_1710, %sign3A_1719 : i32
      %sign3A_1721 = arith.extui %sign3A_1720 : i1 to i32
      %sign3A_1722 = arith.constant 0 : i32
      %sign3A_1723 = arith.cmpi slt, %jit3A_1710, %sign3A_1722 : i32
      %sign3A_1724 = arith.extui %sign3A_1723 : i1 to i32
      %sign3A_1725 = arith.subi %sign3A_1721, %sign3A_1724 : i32
      %ne3A_1726 = arith.cmpi ne, %sign3A_1718, %sign3A_1725 : i32
      %rem3A_1727 = arith.remsi %scan3A_1379, %jit3A_1710 : i32
      %ne3A_1728 = arith.constant 0 : i32
      %ne3A_1729 = arith.cmpi ne, %rem3A_1727, %ne3A_1728 : i32
      %and3A_1730 = arith.andi %ne3A_1726, %ne3A_1729 : i1
      %sub3A_1731 = arith.constant 1 : i32
      %sub3A_1732 = arith.subi %div3A_1711, %sub3A_1731 : i32
      %select_n3A_1733 = arith.select %and3A_1730, %sub3A_1732, %div3A_1711 : i32
      %mul3A_1734 = arith.constant 256 : i32
      %mul3A_1735 = arith.muli %select_n3A_1733, %mul3A_1734 : i32
      %jit3A_1736 = arith.constant 8 : i32
      %eq3A_1737 = arith.constant 0 : i32
      %eq3A_1738 = arith.cmpi eq, %jit3A_1736, %eq3A_1737 : i32
      %jit3A_1739 = arith.constant 1 : i32
      %select_n3A_1740 = arith.select %eq3A_1738, %jit3A_1739, %jit3A_1736 : i32
      %rem3A_1741 = arith.remsi %scan3A_1379, %select_n3A_1740 : i32
      %ne3A_1742 = arith.constant 0 : i32
      %ne3A_1743 = arith.cmpi ne, %rem3A_1741, %ne3A_1742 : i32
      %lt3A_1744 = arith.constant 0 : i32
      %lt3A_1745 = arith.cmpi slt, %rem3A_1741, %lt3A_1744 : i32
      %lt3A_1746 = arith.constant 0 : i32
      %lt3A_1747 = arith.cmpi slt, %select_n3A_1740, %lt3A_1746 : i32
      %ne3A_1748 = arith.xori %lt3A_1745, %lt3A_1747 : i1
      %and3A_1749 = arith.andi %ne3A_1748, %ne3A_1743 : i1
      %add3A_1750 = arith.addi %rem3A_1741, %select_n3A_1740 : i32
      %select_n3A_1751 = arith.select %and3A_1749, %add3A_1750, %rem3A_1741 : i32
      %mul3A_1752 = arith.constant 16 : i32
      %mul3A_1753 = arith.muli %select_n3A_1751, %mul3A_1752 : i32
      %add3A_1754 = arith.addi %mul3A_1735, %mul3A_1753 : i32
      %broadcast_in_dim3A_1755 = arith.constant 0.000000e+00 : f32
      %broadcast_in_dim3A_1756 = vector.broadcast %broadcast_in_dim3A_1755 : f32 to vector<16xf32>
      %broadcast_in_dim3A_1757 = arith.constant 0.000000e+00 : f32
      %broadcast_in_dim3A_1758 = vector.broadcast %broadcast_in_dim3A_1757 : f32 to vector<16xf32>
      %gather3A_1759 = tpu.memref_slice %arg16[%select_n3A_1424, %add3A_1754] : memref<8x512xf32, #tpu.memory_space<vmem>> -> memref<1x16xf32, #tpu.memory_space<vmem>>
      %gather3A_1760 = tpu.memref_squeeze %gather3A_1759 : memref<1x16xf32, #tpu.memory_space<vmem>> -> memref<16xf32, #tpu.memory_space<vmem>>
      %gather3A_1761 = tpu.vector_load_idx %gather3A_1760[%add3A_134] : memref<16xf32, #tpu.memory_space<vmem>>[vector<16xi32>], vector<16xf32>,
      %add3A_1762 = arith.addi %gather3A_1425, %add3A_128 : vector<16xi32>
      %gather3A_1763 = arith.constant 0 : i32
      %gather3A_1764 = tpu.memref_slice %arg23[%select_n3A_1424, %gather3A_1763] : memref<8x128xf32, #tpu.memory_space<vmem>> -> memref<1x128xf32, #tpu.memory_space<vmem>>
      %gather3A_1765 = tpu.memref_squeeze %gather3A_1764 : memref<1x128xf32, #tpu.memory_space<vmem>> -> memref<128xf32, #tpu.memory_space<vmem>>
      %gather3A_1766 = tpu.vector_load_idx %gather3A_1765[%add3A_1762] : memref<128xf32, #tpu.memory_space<vmem>>[vector<16xi32>], vector<16xf32>,
      %sub3A_1767 = arith.subf %gather3A_1761, %gather3A_1766 : vector<16xf32>
      %abs3A_1768 = math.absf %sub3A_1767 : vector<16xf32>
      %min3A_1769 = arith.constant 1.000000e+00 : f32
      %min3A_1770 = vector.broadcast %min3A_1769 : f32 to vector<16xf32>
      %min3A_1771 = arith.minimumf %abs3A_1768, %min3A_1770 : vector<16xf32>
      %mul3A_1772 = arith.mulf %min3A_1771, %min3A_1771 : vector<16xf32>
      %add3A_1773 = arith.addf %broadcast_in_dim3A_1756, %mul3A_1772 : vector<16xf32>
      %max3A_1774 = arith.constant 1.000000e+00 : f32
      %max3A_1775 = vector.broadcast %max3A_1774 : f32 to vector<16xf32>
      %max3A_1776 = arith.maximumf %abs3A_1768, %max3A_1775 : vector<16xf32>
      %add3A_1777 = arith.addf %broadcast_in_dim3A_1758, %max3A_1776 : vector<16xf32>
      %gather3A_1778 = tpu.memref_slice %arg16[%select_n3A_1424, %add3A_1754] : memref<8x512xf32, #tpu.memory_space<vmem>> -> memref<1x16xf32, #tpu.memory_space<vmem>>
      %gather3A_1779 = tpu.memref_squeeze %gather3A_1778 : memref<1x16xf32, #tpu.memory_space<vmem>> -> memref<16xf32, #tpu.memory_space<vmem>>
      %gather3A_1780 = tpu.vector_load_idx %gather3A_1779[%add3A_137] : memref<16xf32, #tpu.memory_space<vmem>>[vector<16xi32>], vector<16xf32>,
      %add3A_1781 = arith.addi %gather3A_1425, %add3A_131 : vector<16xi32>
      %gather3A_1782 = arith.constant 0 : i32
      %gather3A_1783 = tpu.memref_slice %arg23[%select_n3A_1424, %gather3A_1782] : memref<8x128xf32, #tpu.memory_space<vmem>> -> memref<1x128xf32, #tpu.memory_space<vmem>>
      %gather3A_1784 = tpu.memref_squeeze %gather3A_1783 : memref<1x128xf32, #tpu.memory_space<vmem>> -> memref<128xf32, #tpu.memory_space<vmem>>
      %gather3A_1785 = tpu.vector_load_idx %gather3A_1784[%add3A_1781] : memref<128xf32, #tpu.memory_space<vmem>>[vector<16xi32>], vector<16xf32>,
      %sub3A_1786 = arith.subf %gather3A_1780, %gather3A_1785 : vector<16xf32>
      %abs3A_1787 = math.absf %sub3A_1786 : vector<16xf32>
      %min3A_1788 = arith.constant 1.000000e+00 : f32
      %min3A_1789 = vector.broadcast %min3A_1788 : f32 to vector<16xf32>
      %min3A_1790 = arith.minimumf %abs3A_1787, %min3A_1789 : vector<16xf32>
      %mul3A_1791 = arith.mulf %min3A_1790, %min3A_1790 : vector<16xf32>
      %add3A_1792 = arith.addf %add3A_1773, %mul3A_1791 : vector<16xf32>
      %max3A_1793 = arith.constant 1.000000e+00 : f32
      %max3A_1794 = vector.broadcast %max3A_1793 : f32 to vector<16xf32>
      %max3A_1795 = arith.maximumf %abs3A_1787, %max3A_1794 : vector<16xf32>
      %add3A_1796 = arith.addf %add3A_1777, %max3A_1795 : vector<16xf32>
      %mul3A_1797 = arith.constant 5.000000e-01 : f32
      %mul3A_1798 = vector.broadcast %mul3A_1797 : f32 to vector<16xf32>
      %mul3A_1799 = arith.mulf %mul3A_1798, %add3A_1792 : vector<16xf32>
      %add3A_1800 = arith.addf %mul3A_1799, %add3A_1796 : vector<16xf32>
      %sub3A_1801 = arith.constant 2.000000e+00 : f32
      %sub3A_1802 = vector.broadcast %sub3A_1801 : f32 to vector<16xf32>
      %sub3A_1803 = arith.subf %add3A_1800, %sub3A_1802 : vector<16xf32>
      %mul3A_1804 = arith.mulf %sub3A_1803, %select_n3A_1434 : vector<16xf32>
      %add3A_1805 = arith.addf %scan3A_1382, %mul3A_1804 : vector<16xf32>
      scf.yield %add3A_1516, %add3A_1709, %add3A_1805 : vector<16xf32>, vector<16xf32>, vector<16xf32>
    }
    %scan3A_1367 = arith.constant 128 : i32
    %swap3A = arith.constant 0 : i32
    %swap3A_1368 = arith.index_cast %swap3A : i32 to index
    %swap3A_1369 = arith.constant 0 : index
    %swap3A_1370 = tpu.vector_load %arg24[%swap3A_1368, %swap3A_1369] {strides = array<i32>} : memref<3x16xf32, #tpu.memory_space<vmem>>, vector<16xf32>,
    tpu.vector_store %arg24[%swap3A_1368, %swap3A_1369], %scan3A_1366#0 {strides = array<i32>} : memref<3x16xf32, #tpu.memory_space<vmem>>, vector<16xf32>,
    %swap3A_1371 = arith.constant 1 : i32
    %swap3A_1372 = arith.index_cast %swap3A_1371 : i32 to index
    %swap3A_1373 = arith.constant 0 : index
    %swap3A_1374 = tpu.vector_load %arg24[%swap3A_1372, %swap3A_1373] {strides = array<i32>} : memref<3x16xf32, #tpu.memory_space<vmem>>, vector<16xf32>,
    tpu.vector_store %arg24[%swap3A_1372, %swap3A_1373], %scan3A_1366#1 {strides = array<i32>} : memref<3x16xf32, #tpu.memory_space<vmem>>, vector<16xf32>,
    %swap3A_1375 = arith.constant 2 : i32
    %swap3A_1376 = arith.index_cast %swap3A_1375 : i32 to index
    %swap3A_1377 = arith.constant 0 : index
    %swap3A_1378 = tpu.vector_load %arg24[%swap3A_1376, %swap3A_1377] {strides = array<i32>} : memref<3x16xf32, #tpu.memory_space<vmem>>, vector<16xf32>,
    tpu.vector_store %arg24[%swap3A_1376, %swap3A_1377], %scan3A_1366#2 {strides = array<i32>} : memref<3x16xf32, #tpu.memory_space<vmem>>, vector<16xf32>,
    "tpu.region"() ({
      %run_scoped3A = tpu.sem_alloc : memref<!tpu.dma_semaphore, #tpu.memory_space<semaphore_mem>>
      %dma_start3A_1379 = arith.constant 0 : i32
      %dma_start3A_1380 = arith.constant 0 : i32
      %dma_start3A_1381 = tpu.memref_slice %arg10[%add3A, %dma_start3A_1379, %dma_start3A_1380] : memref<32x3x16xf32, #tpu.memory_space<hbm>> -> memref<1x3x16xf32, #tpu.memory_space<hbm>>
      %dma_start3A_1382 = tpu.memref_squeeze %dma_start3A_1381 : memref<1x3x16xf32, #tpu.memory_space<hbm>> -> memref<3x16xf32, #tpu.memory_space<hbm>>
      %dma_start3A_1383 = arith.constant 0 : i32
      %dma_start3A_1384 = arith.constant 0 : i32
      %dma_start3A_1385 = tpu.memref_slice %arg10[%add3A, %dma_start3A_1383, %dma_start3A_1384] : memref<32x3x16xf32, #tpu.memory_space<hbm>> -> memref<1x3x16xf32, #tpu.memory_space<hbm>>
      %dma_start3A_1386 = tpu.memref_squeeze %dma_start3A_1385 : memref<1x3x16xf32, #tpu.memory_space<hbm>> -> memref<3x16xf32, #tpu.memory_space<hbm>>
      tpu.enqueue_dma source(%arg24 : memref<3x16xf32, #tpu.memory_space<vmem>>) target(%dma_start3A_1386 : memref<3x16xf32, #tpu.memory_space<hbm>>) target_semaphore(%run_scoped3A : memref<!tpu.dma_semaphore, #tpu.memory_space<semaphore_mem>>)
      %dma_wait3A_1387 = arith.constant 0 : i32
      %dma_wait3A_1388 = arith.constant 0 : i32
      %dma_wait3A_1389 = tpu.memref_slice %arg10[%add3A, %dma_wait3A_1387, %dma_wait3A_1388] : memref<32x3x16xf32, #tpu.memory_space<hbm>> -> memref<1x3x16xf32, #tpu.memory_space<hbm>>
      %dma_wait3A_1390 = tpu.memref_squeeze %dma_wait3A_1389 : memref<1x3x16xf32, #tpu.memory_space<hbm>> -> memref<3x16xf32, #tpu.memory_space<hbm>>
      %dma_wait3A_1391 = arith.constant 0 : i32
      %dma_wait3A_1392 = arith.constant 0 : i32
      %dma_wait3A_1393 = tpu.memref_slice %arg10[%add3A, %dma_wait3A_1391, %dma_wait3A_1392] : memref<32x3x16xf32, #tpu.memory_space<hbm>> -> memref<1x3x16xf32, #tpu.memory_space<hbm>>
      %dma_wait3A_1394 = tpu.memref_squeeze %dma_wait3A_1393 : memref<1x3x16xf32, #tpu.memory_space<hbm>> -> memref<3x16xf32, #tpu.memory_space<hbm>>
      tpu.wait_dma2 semaphore(%run_scoped3A : memref<!tpu.dma_semaphore, #tpu.memory_space<semaphore_mem>>) src(%arg24 : memref<3x16xf32, #tpu.memory_space<vmem>>) dst(%dma_wait3A_1394 : memref<3x16xf32, #tpu.memory_space<hbm>>)
      tpu.yield
    }) : () -> ()
    return
  }
}

module attributes {stable_mosaic.version = 14 : i64} {
  func.func @_bce_body(%arg0: memref<16x16384xf32, #tpu.memory_space<vmem>>, %arg1: memref<16x16384xf32, #tpu.memory_space<vmem>>, %arg2: memref<1x1xf32, #tpu.memory_space<vmem>>) attributes {dimension_semantics = [], scalar_prefetch = 0 : i64, scratch_operands = 0 : i64, tpu.core_type = #tpu.core_type<tc>} {
    %get3A = arith.constant 0 : index
    %get3A_0 = arith.constant 0 : index
    %get3A_1 = vector.load %arg0[%get3A, %get3A_0] : memref<16x16384xf32, #tpu.memory_space<vmem>>, vector<16x16384xf32>
    %get3A_2 = arith.constant 0 : index
    %get3A_3 = arith.constant 0 : index
    %get3A_4 = vector.load %arg1[%get3A_2, %get3A_3] : memref<16x16384xf32, #tpu.memory_space<vmem>>, vector<16x16384xf32>
    %max3A = arith.constant 0.000000e+00 : f32
    %max3A_5 = vector.broadcast %max3A : f32 to vector<16x16384xf32>
    %max3A_6 = arith.maximumf %get3A_1, %max3A_5 : vector<16x16384xf32>
    %mul3A = arith.mulf %get3A_1, %get3A_4 : vector<16x16384xf32>
    %sub3A = arith.subf %max3A_6, %mul3A : vector<16x16384xf32>
    %abs3A = math.absf %get3A_1 : vector<16x16384xf32>
    %neg3A = arith.constant 0.000000e+00 : f32
    %neg3A_7 = vector.broadcast %neg3A : f32 to vector<16x16384xf32>
    %neg3A_8 = arith.subf %neg3A_7, %abs3A : vector<16x16384xf32>
    %exp3A = math.exp %neg3A_8 : vector<16x16384xf32>
    %log1p3A = math.log1p %exp3A : vector<16x16384xf32>
    %add3A = arith.addf %sub3A, %log1p3A : vector<16x16384xf32>
    %reduce_sum3A = vector.shape_cast %add3A : vector<16x16384xf32> to vector<1x16x16384xf32>
    %reduce_sum3A_9 = arith.constant dense<0.000000e+00> : vector<1xf32>
    %reduce_sum3A_10 = vector.multi_reduction <add>, %reduce_sum3A, %reduce_sum3A_9 [1, 2] : vector<1x16x16384xf32> to vector<1xf32>
    %reduce_sum3A_11 = vector.shape_cast %reduce_sum3A_10 : vector<1xf32> to vector<1x1x1xf32>
    %reduce_sum3A_12 = vector.extract %reduce_sum3A_11[0, 0, 0] : f32 from vector<1x1x1xf32>
    %reshape3A = vector.broadcast %reduce_sum3A_12 : f32 to vector<1x1xf32>
    %swap3A = arith.constant 0 : index
    %swap3A_13 = arith.constant 0 : index
    %swap3A_14 = vector.load %arg2[%swap3A, %swap3A_13] : memref<1x1xf32, #tpu.memory_space<vmem>>, vector<1x1xf32>
    tpu.vector_store %arg2[%swap3A, %swap3A_13], %reshape3A {strides = array<i32>} : memref<1x1xf32, #tpu.memory_space<vmem>>, vector<1x1xf32>,
    return
  }
}

</mosaic_0001>

<sc_bundles>
// kernel: kernel.4.cloned.1.call-start
scs
__scs_entry_jumppad:
0x0: {  	(pc) =	sbr.rel $0x88, $3  }
0x1: {  	(tag) =	ssettag $0x0;
	lr =	simm.s32 $0x1  }
0x2: {  	[smem:$0x3F99] =	sst lr;
	_ =	strace $0xD0000000  }
0x3: {  	_ = 	snop  }
0x4: {  	_ = 	snop  }
0x5: {  	_ = 	snop  }
0x6: {  	_ = 	snop  }
0x7: {  	_ = 	snop  }
__scs_overlays_trampoline_lowered:
0x8: {  	[smem:$0x3FA8] =	sst s0  }
0x9: {  	[smem:$0x3FA9] =	sst s1  }
0xa: {  	[smem:$0x3FAA] =	sst s2  }
0xb: {  	[smem:$0x3FAB] =	sst s3  }
0xc: {  	[smem:$0x3FAC] =	sst s4  }
0xd: {  	[smem:$0x3FAD] =	sst s5  }
0xe: {  	[smem:$0x3FAE] =	sst s6  }
0xf: {  	[smem:$0x3FAF] =	sst s7  }
0x10: {  	[smem:$0x3FB0] =	sst s8  }
0x11: {  	[smem:$0x3FB1] =	sst s9;
	s0 =	simm.s32 @!p0 $0x0  }
0x12: {  	s1 =	sld [smem:$0x3F97];
	s0 =	simm.s32 @p0 $0x1  }
0x13: {  	[smem:$0x3FB2] =	sst s0;
	s0 =	simm.s32 @!p1 $0x0  }
0x14: {  	s2 =	sld [smem:$0x3F96];
	s0 =	simm.s32 @p1 $0x1  }
0x15: {  	[smem:$0x3FB3] =	sst s0;
	s0 =	simm.s32 @!p2 $0x0  }
0x16: {  	s3 =	sld [smem:$0x3FDB];
	s0 =	simm.s32 @p2 $0x1  }
0x17: {  	s4 =	simm.s32 $0x1BF5;
	[smem:$0x3FB5] =	sst s0  }
0x18: {  	s0 =	sld [smem:$0x3F98];
	_ =	swait.ge [sflag:s4], $0x0  }
0x19: {  	s7 =	sld [smem:$0x3F99]  }
0x1a: {  	s8 =	sadd.s32 $0xFFFFE003, lr  }
0x1b: {  	s9 =	sadd.s32 $0xFFFFFEF7, lr;
	s5 =	simm.s32 $0xFFFFFFFF;
	p2 =	slt.u32 s8, $0xFFFFF086  }
0x1c: {  	p1 =	slt.u32 s9, $0xF7A;
	s5 =	simm.s32 @!p2 $0x0  }
0x1d: {  	s5 =	simm.s32 @p1 $0x1;
	p0 =	seq.s32 s7, s2  }
0x1e: {  	s7 =	smul.u32 @!p0 $0xF7A, s2;
	p2 =	seq.s32 @!p0 s5, $0x0  }
0x1f: {  	s9 =	smul.u32 $0xF7A, s1;
	s8 =	simm.s32 @!p0 $0x1BF5;
	p2 =	por !p2, p0  }
0x20: {  	[sflag:s8] =	ssyncset.s32 @!p0 $0xFFFFF086;
	s6 =	sadd.s32 @!p0 s3, s7;
	s7 =	simm.s32 @!p0 $0x108  }
0x21: {  	s3 =	sadd.s32 s3, s9;
	s6 =	sadd.s32 @!p0 $0x88, s6;
	s7 =	simm.s32 @p2 $0x1082  }
0x22: {  	[simem:s7], [sflag:s8] =	dma.local @!p0 [hbm:s6], $0xF7A  }
0x23: {  	s9 =	sor.u32 $0xD0000000, s2;
	s6 =	simm.s32 $0x108;
	_ =	swait.ge @!p0 [sflag:s8], $0x0  }
0x24: {  	s3 =	sadd.s32 $0x88, s3;
	s6 =	simm.s32 @!p1 $0x1082;
	[sflag:s4] =	ssyncset.s32 $0xFFFFF086  }
0x25: {  	[simem:s6], [sflag:s4] =	dma.local [hbm:s3], $0xF7A  }
0x26: {  	[smem:$0x3F99] =	sst s1;
	(tag) =	ssettag s2;
	_ =	strace s9  }
0x27: {  	s1 =	sld [smem:$0x3FA9]  }
0x28: {  	s2 =	sld [smem:$0x3FAA]  }
0x29: {  	s4 =	sld [smem:$0x3FAC]  }
0x2a: {  	p0 =	seq.s32 s5, $0x0;
	s5 =	sld [smem:$0x3FAD]  }
0x2b: {  	s6 =	sld [smem:$0x3FAE]  }
0x2c: {  	s7 =	sld [smem:$0x3FAF]  }
0x2d: {  	s3 =	simm.s32 $0x108;
	s8 =	sld [smem:$0x3FB0]  }
0x2e: {  	s3 =	simm.s32 @!p0 $0x1082;
	s9 =	sld [smem:$0x3FB1]  }
0x2f: {  	lr =	sadd.s32 s0, s3;
	s0 =	sld [smem:$0x3FA8]  }
0x30: {  	s3 =	sld [smem:$0x3FAB]  }
0x31: {  	[smem:$0x3FB4] =	sst s10  }
0x32: {  	s10 =	sld [smem:$0x3FB2];
	_ =	sdelay $0x3  }
0x33: {  	p0 =	seq.s32 s10, $0x1;
	s10 =	sld [smem:$0x3FB4];
	_ =	sdelay $0x3  }
0x34: {  	[smem:$0x3FB4] =	sst s10  }
0x35: {  	s10 =	sld [smem:$0x3FB3];
	_ =	sdelay $0x3  }
0x36: {  	p1 =	seq.s32 s10, $0x1;
	s10 =	sld [smem:$0x3FB4];
	_ =	sdelay $0x3  }
0x37: {  	[smem:$0x3FB4] =	sst s10  }
0x38: {  	s10 =	sld [smem:$0x3FB5]  }
0x39: {  	_ = 	snop;
	(pc) =	sbr.ind lr, $3  }
0x3a: {  	_ = 	snop  }
0x3b: {  	_ = 	snop  }
0x3c: {  	p2 =	seq.s32 s10, $0x1;
	s10 =	sld [smem:$0x3FB4]  }
0x3d: {  	_ =	shalt  }
0x3e: {  	_ =	shalt  }
0x3f: {  	_ =	shalt  }
0x40: {  	_ =	shalt  }
0x41: {  	_ =	shalt  }
0x42: {  	_ =	shalt  }
0x43: {  	_ =	shalt  }
0x44: {  	_ =	shalt  }
0x45: {  	_ =	shalt  }
0x46: {  	_ =	shalt  }
0x47: {  	_ =	shalt  }
0x48: {  	_ =	shalt  }
0x49: {  	_ =	shalt  }
0x4a: {  	_ =	shalt  }
0x4b: {  	_ =	shalt  }
0x4c: {  	_ =	shalt  }
0x4d: {  	_ =	shalt  }
0x4e: {  	_ =	shalt  }
0x4f: {  	_ =	shalt  }
0x50: {  	_ =	shalt  }
0x51: {  	_ =	shalt  }
0x52: {  	_ =	shalt  }
0x53: {  	_ =	shalt  }
0x54: {  	_ =	shalt  }
0x55: {  	_ =	shalt  }
0x56: {  	_ =	shalt  }
0x57: {  	_ =	shalt  }
0x58: {  	_ =	shalt  }
0x59: {  	_ =	shalt  }
0x5a: {  	_ =	shalt  }
0x5b: {  	_ =	shalt  }
0x5c: {  	_ =	shalt  }
0x5d: {  	_ =	shalt  }
0x5e: {  	_ =	shalt  }
0x5f: {  	_ =	shalt  }
0x60: {  	_ =	shalt  }
0x61: {  	_ =	shalt  }
0x62: {  	_ =	shalt  }
0x63: {  	_ =	shalt  }
0x64: {  	_ =	shalt  }
0x65: {  	_ =	shalt  }
0x66: {  	_ =	shalt  }
0x67: {  	_ =	shalt  }
0x68: {  	_ =	shalt  }
0x69: {  	_ =	shalt  }
0x6a: {  	_ =	shalt  }
0x6b: {  	_ =	shalt  }
0x6c: {  	_ =	shalt  }
0x6d: {  	_ =	shalt  }
0x6e: {  	_ =	shalt  }
0x6f: {  	_ =	shalt  }
0x70: {  	_ =	shalt  }
0x71: {  	_ =	shalt  }
0x72: {  	_ =	shalt  }
0x73: {  	_ =	shalt  }
0x74: {  	_ =	shalt  }
0x75: {  	_ =	shalt  }
0x76: {  	_ =	shalt  }
0x77: {  	_ =	shalt  }
0x78: {  	_ =	shalt  }
0x79: {  	_ =	shalt  }
0x7a: {  	_ =	shalt  }
0x7b: {  	_ =	shalt  }
0x7c: {  	_ =	shalt  }
0x7d: {  	_ =	shalt  }
0x7e: {  	_ =	shalt  }
0x7f: {  	_ =	shalt  }
0x80: {  	_ =	shalt  }
0x81: {  	_ =	shalt  }
0x82: {  	_ =	shalt  }
0x83: {  	_ =	shalt  }
0x84: {  	_ =	shalt  }
0x85: {  	_ =	shalt  }
0x86: {  	_ =	shalt  }
0x87: {  	_ =	shalt  }
.Lfunc_end0:
.L_simem_size_0:
called_computation_lowered:
.L_overlay_start_0:
0x88: {  	s2 =	sld [smem:$0x3FD9]  }
0x89: {  	s3 =	sld [smem:$0x3FFE];
	_ =	sdelay $0x1  }
0x8a: {  	s1 =	srdreg.scid  }
0x8b: {  	s0 =	sand.u32 $0x1, s1  }
0x8c: {  	s17 =	sshll.u32 s0, $0xA;
	s2 =	sadd.s32 s3, s2  }
0x8d: {  	s2 =	sadd.s32 s2, s17  }
0x8e: {  	[smem:$0x3FC0] =	sst s2  }
0x8f: {  	_ = 	snop  }
0x90: {  	s2 =	sld [smem:$0x3FC9]  }
0x91: {  	s18 =	sld [smem:$0x3FC8]  }
0x92: {  	s4 =	sld [smem:$0x3FC7]  }
0x93: {  	s5 =	sld [smem:$0x3FC3]  }
0x94: {  	s6 =	sld [smem:$0x3FC2];
	(tm) =	ssettm $0x1  }
0x95: {  	s7 =	sld [smem:$0x3FFB];
	_ =	sdelay $0x3  }
0x96: {  	_ =	strace s7  }
0x97: {  	s7 =	sld [smem:$0x3FFC];
	_ =	sdelay $0x3  }
0x98: {  	_ =	strace s7  }
0x99: {  	s7 =	sld [smem:$0x3FFD];
	_ =	sdelay $0x3  }
0x9a: {  	_ =	strace s7  }
0x9b: {  	_ =	strace $0x8FFFFFFF  }
0x9c: {  	s19 =	sld [smem:$0x3FDB];
	_ =	sdelay $0x1  }
0x9d: {  	s8 =	simm.s32 $_scs_section_size  }
0x9e: {  	s9 =	simm.s32 $_size__tile_overlayer_lowered;
	s10 =	simm.s32 $_tile_overlayer_lowered  }
0x9f: {  	s22 =	simm.s32 $0x1BFF;
	s21 =	sshll.u32 s10, $0x1;
	s7 =	sadd.s32 s8, s19  }
0xa0: {  	s11 =	simm.s32 $0x0;
	s20 =	sshll.u32 s9, $0x1;
	s9 =	sadd.s32 s21, s7  }
0xa1: {  	[timem:s11], [sflag:s22] =	dma.local [hbm:s9], s20  }
0xa2: {  	_ =	swait.ge [sflag:s22], s20  }
0xa3: {  	s8 =	ssub.s32 $0x0, s20;
	[sflag:s22] =	ssyncset.done $0x0  }
0xa4: {  	[sflag:s22] =	ssyncadd.s32 s8;
	_ =	sdelay $0x1  }
0xa5: {  	s23 =	simm.s32 $0x1B8B  }
0xa6: {  	_ =	swait.ge [sflag:s23], $0x1  }
0xa7: {  	[sflag:s23] =	ssyncset.done $0x0  }
0xa8: {  	s25 =	simm.s32 $0x1B8E;
	s24 =	sld [smem:$0x3FFE];
	[sflag:s23] =	ssyncadd.s32 $0xFFFFFFFF  }
0xa9: {  	s26 =	simm.s32 $execute0_lowered;
	[smem:$0x3FD2] =	sst s25  }
0xaa: {  	s9 =	sshll.u32 s26, $0x1;
	_ =	strace $0x80000046;
	[dreg:$0x1] =	wrdreg $0xFFFFFFFF  }
0xab: {  	s28 =	simm.s32 $_size_execute0_lowered;
	s7 =	sadd.s32 s7, s9;
	[dreg:$0x0] =	wrdreg $0x0  }
0xac: {  	s9 =	sshll.u32 s28, $0x1;
	[dreg:$0x2] =	wrdreg s7  }
0xad: {  	[dreg:$0x3] =	wrdreg s9  }
0xae: {  	[dreg:$0x4] =	wrdreg $0xC0  }
0xaf: {  	_ =	task [dreg:s11], $0x5FFFF  }
0xb0: {  	[dreg:$0x1] =	wrdreg $0xFFFFFFFF  }
0xb1: {  	[dreg:$0x0] =	wrdreg $0x60  }
0xb2: {  	[dreg:$0x2] =	wrdreg s2  }
0xb3: {  	[dreg:$0x3] =	wrdreg s18  }
0xb4: {  	[dreg:$0x4] =	wrdreg s4  }
0xb5: {  	[dreg:$0x5] =	wrdreg s24  }
0xb6: {  	[dreg:$0x6] =	wrdreg s5  }
0xb7: {  	[dreg:$0x7] =	wrdreg s6  }
0xb8: {  	[dreg:$0x8] =	wrdreg $0x9  }
0xb9: {  	_ =	task.clear_ibuf [dreg:s11], $0x9FFFF;
	_ =	strace $0x90000046  }
0xba: {  	s29 =	simm.s32 $0x9;
	_ =	strace $0x80000048  }
0xbb: {  	_ =	swait.ge [sflag:s29], $0x1  }
0xbc: {  	[sflag:s29] =	ssyncadd.s32 $0xFFFFFFFF  }
0xbd: {  	_ =	strace $0x90000048  }
0xbe: {  	_ =	sfence  }
0xbf: {  	s30 =	sld [smem:$0x0];
	_ =	sdelay $0x2  }
0xc0: {  	s31 =	sshll.u32 s1, $0xD;
	s1 =	sshrl.u32 s1, $0x2  }
0xc1: {  	s3 =	sand.u32 $0x4000, s31;
	s1 =	sadd.s32 s1, s30  }
0xc2: {  	s0 =	sor.u32 s3, s0;
	s1 =	sshll.u32 s1, $0x11  }
0xc3: {  	s0 =	sor.u32 s1, s0  }
0xc4: {  	s0 =	sadd.s32 $0x8F2B, s0  }
0xc5: {  	[sflag:s0] =	ssyncadd.remote.s32 $0x1  }
0xc6: {  	_ =	sfence.sel $0xFFFF  }
0xc7: {  	[dreg:$0x0] =	wrdreg $0xFFFFFFFF;
	(pc) =	sbr.abs _section_cstart, $3  }
0xc8: {  	[dreg:$0x1] =	wrdreg $0xFFFFFFFF  }
0xc9: {  	_ =	task.clear_ibuf [dreg:s11], $0x2FFFF;
	_ =	strace $0x9FFFFFFF  }
0xca: {  	(tm) =	ssettm $0x7FFFFFFF  }
0xcb: {  	_ =	shalt  }
tec
execute0_lowered:
.L_overlay_start_1:
0x0: {  	(tag) =	ssettag $0x1  }
0x1: {  	s4 =	rddreg [dreg:$0x0]  }
0x2: {  	s3 =	rddreg [dreg:$0x1]  }
0x3: {  	s8 =	rddreg [dreg:$0x2]  }
0x4: {  	s9 =	rddreg [dreg:$0x3]  }
0x5: {  	s0 =	rddreg [dreg:$0x4]  }
0x6: {  	s2 =	rddreg [dreg:$0x5];
	s1 =	simm.s32 $0x0;
	s12 =	stileid.u32  }
0x7: {  	s5 =	srdreg.scid;
	[smem:$0x7FF] =	sst s1  }
0x8: {  	s10 =	sshrl.u32 s12, $0x3;
	s11 =	sand.u32 $0x1, s5;
	s12 =	sshll.u32 s12, $0x1  }
0x9: {  	s6 =	smul.u32 $0x280, s10;
	s7 =	sshll.u32 s10, $0x8;
	s25 =	sor.u32 s11, s12  }
0xa: {  	s26 =	sshll.u32 s10, $0x7;
	s11 =	ssub.s32 $0x2, s11;
	s17 =	sshll.u32 s10, $0x11  }
0xb: {  	s10 =	sshll.u32 s10, $0xF;
	s5 =	sadd.s32 s7, s9;
	s13 =	smul.u32 $0x6, s25  }
0xc: {  	s15 =	sand.u32 $0xF, s25;
	s7 =	sadd.s32 s26, s9;
	s14 =	sshrl.u32 s11, $0x1  }
0xd: {  	s8 =	sadd.s32 s8, s10;
	s6 =	sadd.s32 s6, s9;
	s16 =	sshll.u32 s15, $0xD  }
0xe: {  	s14 =	ssub.s32 s11, s14;
	s15 =	sshll.u32 s15, $0x8;
	s18 =	sor.u32 s17, s16  }
0xf: {  	s13 =	sadd.s32 s13, s9;
	s22 =	sor.u32 $0x800, s16;
	s15 =	sadd.s32 s15, s8  }
0x10: {  	s25 =	sor.u32 $0x1000, s16;
	s16 =	sor.u32 $0x1800, s16;
	s11 =	sshrl.u32 s18, $0x3  }
0x11: {  	[dreg:$0xa] =	wrdreg s15;
	s24 =	sshrl.u32 s22, $0x5;
	s19 =	sadd.s32 s4, s11  }
0x12: {  	s10 =	sor.u32 s17, s22;
	s15 =	sadd.s32 s24, s8;
	[dreg:$0x7] =	wrdreg s19  }
0x13: {  	s9 =	sor.u32 $0x8000, s11;
	s24 =	sadd.s32 s0, s11;
	[dreg:$0xb] =	wrdreg s15  }
0x14: {  	s12 =	sor.u32 $0x10000, s11;
	s20 =	sadd.s32 s4, s9;
	[dreg:$0x19] =	wrdreg s24  }
0x15: {  	s23 =	sor.u32 $0x18000, s11;
	s21 =	sadd.s32 s4, s12;
	[dreg:$0x8] =	wrdreg s20  }
0x16: {  	s19 =	sor.u32 s17, s25;
	s26 =	sadd.s32 s4, s23;
	[dreg:$0x9] =	wrdreg s21  }
0x17: {  	s15 =	sshrl.u32 s25, $0x5;
	s9 =	sadd.s32 s3, s9;
	[dreg:$0xe] =	wrdreg s26  }
0x18: {  	s12 =	sadd.s32 s3, s12;
	s15 =	sadd.s32 s15, s8;
	[dreg:$0xf] =	wrdreg s9  }
0x19: {  	[dreg:$0x10] =	wrdreg s12;
	s12 =	sshrl.u32 s10, $0x3;
	s9 =	sadd.s32 $0x28000, s3  }
0x1a: {  	[dreg:$0xc] =	wrdreg s15;
	s15 =	sor.u32 s17, s16;
	s17 =	sadd.s32 s3, s11  }
0x1b: {  	s10 =	sadd.s32 $0x30000, s3;
	s20 =	sadd.s32 s11, s9;
	[dreg:$0x12] =	wrdreg s17  }
0x1c: {  	s16 =	sshrl.u32 s16, $0x5;
	s21 =	sadd.s32 s11, s10;
	[dreg:$0x14] =	wrdreg s20  }
0x1d: {  	s8 =	sadd.s32 s16, s8;
	[dreg:$0x15] =	wrdreg s21  }
0x1e: {  	s25 =	sor.u32 $0x8000, s12;
	s16 =	sadd.s32 s3, s23;
	[dreg:$0xd] =	wrdreg s8  }
0x1f: {  	s17 =	sadd.s32 $0x40000, s3;
	s26 =	sadd.s32 s4, s25;
	[dreg:$0x11] =	wrdreg s16  }
0x20: {  	s23 =	sadd.s32 s11, s17;
	[dreg:$0x1b] =	wrdreg s26  }
0x21: {  	s8 =	sadd.s32 $0x20000, s3;
	s26 =	sadd.s32 s4, s12;
	[dreg:$0x17] =	wrdreg s23  }
0x22: {  	s16 =	sadd.s32 $0x38000, s3;
	s18 =	sadd.s32 s11, s8;
	[smem:$0x7D4] =	sst s26  }
0x23: {  	s21 =	sor.u32 $0x10000, s12;
	s22 =	sadd.s32 s11, s16;
	[dreg:$0x13] =	wrdreg s18  }
0x24: {  	s23 =	sor.u32 $0x18000, s12;
	[dreg:$0x16] =	wrdreg s22;
	s22 =	sadd.s32 s4, s21  }
0x25: {  	s18 =	sadd.s32 $0x48000, s3;
	s24 =	sadd.s32 s4, s23;
	[dreg:$0x1d] =	wrdreg s22  }
0x26: {  	s20 =	sadd.s32 s11, s18;
	[dreg:$0x1f] =	wrdreg s24  }
0x27: {  	s11 =	sadd.s32 s2, s11;
	[dreg:$0x18] =	wrdreg s20  }
0x28: {  	s22 =	sadd.s32 s12, s9;
	[dreg:$0x1a] =	wrdreg s11  }
0x29: {  	s24 =	sadd.s32 s12, s16;
	[smem:$0x7D7] =	sst s22  }
0x2a: {  	s26 =	sadd.s32 s12, s18;
	[smem:$0x7D9] =	sst s24  }
0x2b: {  	s20 =	sadd.s32 s3, s25;
	[smem:$0x7DB] =	sst s26  }
0x2c: {  	s11 =	sadd.s32 s3, s21;
	[dreg:$0x1c] =	wrdreg s20  }
0x2d: {  	s25 =	sadd.s32 s3, s23;
	[dreg:$0x1e] =	wrdreg s11  }
0x2e: {  	s21 =	sadd.s32 s12, s8;
	[smem:$0x7D3] =	sst s25  }
0x2f: {  	s23 =	sadd.s32 s12, s10;
	[smem:$0x7D6] =	sst s21  }
0x30: {  	s20 =	sadd.s32 s3, s12;
	[smem:$0x7D8] =	sst s23  }
0x31: {  	s25 =	sadd.s32 s12, s17;
	[smem:$0x7D5] =	sst s20  }
0x32: {  	[smem:$0x7DA] =	sst s25;
	s20 =	sadd.s32 s0, s12  }
0x33: {  	s11 =	sshrl.u32 s19, $0x3;
	s12 =	sadd.s32 s2, s12;
	[smem:$0x7DC] =	sst s20  }
0x34: {  	s21 =	sor.u32 $0x8000, s11;
	s19 =	sadd.s32 s11, s18;
	[smem:$0x7DD] =	sst s12  }
0x35: {  	s22 =	sadd.s32 s4, s21;
	[smem:$0x7EB] =	sst s19  }
0x36: {  	s23 =	sor.u32 $0x10000, s11;
	s12 =	sadd.s32 s3, s21;
	[smem:$0x7DE] =	sst s22  }
0x37: {  	s25 =	sor.u32 $0x18000, s11;
	s24 =	sadd.s32 s4, s23;
	[smem:$0x7DF] =	sst s12  }
0x38: {  	s26 =	sadd.s32 s4, s25;
	[smem:$0x7E0] =	sst s24  }
0x39: {  	s20 =	sadd.s32 s4, s11;
	[smem:$0x7E2] =	sst s26  }
0x3a: {  	s21 =	sadd.s32 s3, s11;
	[smem:$0x7E4] =	sst s20  }
0x3b: {  	s12 =	sadd.s32 s3, s23;
	[smem:$0x7E5] =	sst s21  }
0x3c: {  	s22 =	sadd.s32 s11, s8;
	[smem:$0x7E1] =	sst s12  }
0x3d: {  	s23 =	sadd.s32 s11, s9;
	[smem:$0x7E6] =	sst s22  }
0x3e: {  	s24 =	sadd.s32 s11, s10;
	[smem:$0x7E7] =	sst s23  }
0x3f: {  	s26 =	sadd.s32 s11, s17;
	[smem:$0x7E8] =	sst s24  }
0x40: {  	s20 =	sadd.s32 s0, s11;
	[smem:$0x7EA] =	sst s26  }
0x41: {  	s12 =	sadd.s32 s3, s25;
	[smem:$0x7EC] =	sst s20  }
0x42: {  	s28 =	simm.s32 $0xD800;
	s25 =	sadd.s32 s11, s16;
	[smem:$0x7E3] =	sst s12  }
0x43: {  	s11 =	sadd.s32 s2, s11;
	s12 =	sshrl.u32 s15, $0x3;
	[smem:$0x7E9] =	sst s25  }
0x44: {  	s29 =	simm.s32 $0x10800;
	[smem:$0x7ED] =	sst s11;
	s21 =	sadd.s32 s4, s12  }
0x45: {  	s30 =	simm.s32 $0x2;
	s20 =	sadd.s32 s12, s8;
	[smem:$0x7EE] =	sst s21  }
0x46: {  	s22 =	sor.u32 $0x8000, s12;
	s0 =	sadd.s32 s0, s12;
	[smem:$0x7F6] =	sst s20  }
0x47: {  	s24 =	sor.u32 $0x10000, s12;
	s23 =	sadd.s32 s4, s22;
	[smem:$0x7FC] =	sst s0  }
0x48: {  	s25 =	sor.u32 $0x18000, s12;
	s26 =	sadd.s32 s4, s24;
	[smem:$0x7EF] =	sst s23  }
0x49: {  	s31 =	simm.s32 $0x10000;
	s4 =	sadd.s32 s4, s25;
	[smem:$0x7F0] =	sst s26  }
0x4a: {  	s14 =	smax.u32 s14, $0x1;
	s11 =	sadd.s32 s3, s22;
	[smem:$0x7F1] =	sst s4  }
0x4b: {  	s13 =	sadd.s32 $0xE00, s13;
	s15 =	sadd.s32 s3, s24;
	[smem:$0x7F2] =	sst s11  }
0x4c: {  	s19 =	sadd.s32 s3, s25;
	s3 =	sadd.s32 s3, s12;
	[smem:$0x7F3] =	sst s15  }
0x4d: {  	s21 =	sadd.s32 s12, s9;
	s22 =	sadd.s32 s12, s10;
	[smem:$0x7F4] =	sst s19  }
0x4e: {  	s24 =	sadd.s32 s12, s17;
	s25 =	sadd.s32 s12, s18;
	[smem:$0x7F5] =	sst s3  }
0x4f: {  	s10 =	sadd.s32 $0x400, s5;
	s18 =	simm.s32 $0x8000;
	[smem:$0x7F7] =	sst s21  }
0x50: {  	s20 =	simm.s32 $0x1;
	s0 =	simm.s32 $0x11000;
	[smem:$0x7F8] =	sst s22  }
0x51: {  	v0 =	vlaneseq.u32;
	s17 =	simm.s32 $0x0;
	s23 =	sadd.s32 s12, s16;
	[smem:$0x7FA] =	sst s24  }
0x52: {  	v1 =	vimm.f32 $0.0e+00;
	v2 =	vor.u32 $0x800, v0;
	[smem:$0x7FB] =	sst s25;
	s26 =	sadd.s32 s2, s12;
	s11 =	sadd.s32 $0x600, s6  }
0x53: {  	v3 =	vor.u32 $0x1000, v0;
	v4 =	vor.u32 $0x1800, v0;
	v5 =	vor.u32 $0x2000, v0;
	s12 =	sadd.s32 $0xC00, s7;
	s15 =	simm.s32 $0x3;
	[smem:$0x7F9] =	sst s23  }
0x54: {  	v6 =	vor.u32 $0x2800, v0;
	v7 =	vor.u32 $0x3000, v0;
	v8 =	vor.u32 $0x3800, v0;
	s19 =	simm.s32 $0x200;
	s24 =	simm.s32 $0xF000;
	[smem:$0x7FD] =	sst s26  }
0x55: {  	v9 =	vor.u32 $0x4000, v0;
	v10 =	vor.u32 $0x4800, v0;
	v11 =	vor.u32 $0x80, v0;
	s21 =	simm.s32 $0x11800;
	s25 =	simm.s32 $0x4000;
	_ =	strace $0x80000047  }
.LBB2_1:
0x56: {  	s2 =	simm.s32 $0x12000  }
0x57: {  	[tilespmem:s2], [sflag:$0x3] =	stream.linear.gather [hbm4b:s10+s1], $0x800, $0x38;
	[tilespmem:$0x14030] =	vst v63  }
0x58: {  	_ =	swait.ge [sflag:s15], $0x800  }
0x59: {  	[sflag:s15] =	ssyncset.done $0x0  }
0x5a: {  	s3 =	simm.s32 $0x12800;
	[sflag:s15] =	ssyncadd.s32 $0xFFFFF800  }
0x5b: {  	[tilespmem:s3], [sflag:$0x3] =	stream.linear.gather [hbm4b:s11+s1], $0x1400, $0x38;
	[tilespmem:$0x14030] =	vst v63  }
0x5c: {  	_ =	swait.ge [sflag:s15], $0x1400  }
0x5d: {  	[sflag:s15] =	ssyncset.done $0x0  }
0x5e: {  	s4 =	simm.s32 $0x13C00;
	[sflag:s15] =	ssyncadd.s32 $0xFFFFEC00  }
0x5f: {  	[tilespmem:s4], [sflag:$0x3] =	stream.linear.gather [hbm4b:s12+s1], $0x400, $0x38;
	[tilespmem:$0x14030] =	vst v63  }
0x60: {  	_ =	swait.ge [sflag:s15], $0x400  }
0x61: {  	[sflag:s15] =	ssyncset.done $0x0  }
0x62: {  	s5 =	rddreg [dreg:$0x7];
	[sflag:s15] =	ssyncadd.s32 $0xFFFFFC00  }
0x63: {  	[tilespmem:s1], [sflag:$0x1] =	stream.linear.gather [hbm4b:s5+s1], $0x800, $0x38;
	[tilespmem:$0x14030] =	vst v63  }
0x64: {  	s3 =	simm.s32 $0x800;
	s6 =	rddreg [dreg:$0x8]  }
0x65: {  	[tilespmem:s3], [sflag:$0x1] =	stream.linear.gather [hbm4b:s6+s1], $0x800, $0x38;
	[tilespmem:$0x14030] =	vst v63  }
0x66: {  	s8 =	simm.s32 $0x1000;
	s7 =	rddreg [dreg:$0x9]  }
0x67: {  	[tilespmem:s8], [sflag:$0x1] =	stream.linear.gather [hbm4b:s7+s1], $0x800, $0x38;
	[tilespmem:$0x14030] =	vst v63  }
0x68: {  	s16 =	simm.s32 $0x1800;
	s9 =	rddreg [dreg:$0xe]  }
0x69: {  	[tilespmem:s16], [sflag:$0x1] =	stream.linear.gather [hbm4b:s9+s1], $0x800, $0x38;
	[tilespmem:$0x14030] =	vst v63  }
0x6a: {  	s22 =	rddreg [dreg:$0x12]  }
0x6b: {  	[tilespmem:s25], [sflag:$0x1] =	stream.linear.gather [hbm4b:s22+s1], $0x800, $0x38;
	[tilespmem:$0x14030] =	vst v63  }
0x6c: {  	s26 =	simm.s32 $0x4800;
	s23 =	rddreg [dreg:$0xf]  }
0x6d: {  	[tilespmem:s26], [sflag:$0x1] =	stream.linear.gather [hbm4b:s23+s1], $0x800, $0x38;
	[tilespmem:$0x14030] =	vst v63  }
0x6e: {  	s4 =	rddreg [dreg:$0x10];
	s5 =	simm.s32 $0x5000  }
0x6f: {  	[tilespmem:s5], [sflag:$0x1] =	stream.linear.gather [hbm4b:s4+s1], $0x800, $0x38;
	[tilespmem:$0x14030] =	vst v63  }
0x70: {  	s6 =	rddreg [dreg:$0x11];
	s7 =	simm.s32 $0x5800  }
0x71: {  	[tilespmem:s7], [sflag:$0x1] =	stream.linear.gather [hbm4b:s6+s1], $0x800, $0x38;
	[tilespmem:$0x14030] =	vst v63  }
0x72: {  	s8 =	rddreg [dreg:$0x13];
	s9 =	simm.s32 $0x6000  }
0x73: {  	[tilespmem:s9], [sflag:$0x1] =	stream.linear.gather [hbm4b:s8+s1], $0x800, $0x38;
	[tilespmem:$0x14030] =	vst v63  }
0x74: {  	s16 =	rddreg [dreg:$0x14];
	s22 =	simm.s32 $0x6800  }
0x75: {  	[tilespmem:s22], [sflag:$0x1] =	stream.linear.gather [hbm4b:s16+s1], $0x800, $0x38;
	[tilespmem:$0x14030] =	vst v63  }
0x76: {  	s23 =	rddreg [dreg:$0x15];
	s26 =	simm.s32 $0x7000  }
0x77: {  	[tilespmem:s26], [sflag:$0x1] =	stream.linear.gather [hbm4b:s23+s1], $0x800, $0x38;
	[tilespmem:$0x14030] =	vst v63  }
0x78: {  	s3 =	rddreg [dreg:$0x16];
	s4 =	simm.s32 $0x7800  }
0x79: {  	[tilespmem:s4], [sflag:$0x1] =	stream.linear.gather [hbm4b:s3+s1], $0x800, $0x38;
	[tilespmem:$0x14030] =	vst v63  }
0x7a: {  	s5 =	rddreg [dreg:$0x17]  }
0x7b: {  	[tilespmem:s18], [sflag:$0x1] =	stream.linear.gather [hbm4b:s5+s1], $0x800, $0x38;
	[tilespmem:$0x14030] =	vst v63  }
0x7c: {  	s6 =	rddreg [dreg:$0x18];
	s7 =	simm.s32 $0x8800  }
0x7d: {  	[tilespmem:s7], [sflag:$0x1] =	stream.linear.gather [hbm4b:s6+s1], $0x800, $0x38;
	[tilespmem:$0x14030] =	vst v63  }
0x7e: {  	s8 =	rddreg [dreg:$0xa];
	s9 =	simm.s32 $0xE000  }
0x7f: {  	[tilespmem:s9], [sflag:$0x1] =	stream.strided.gather [hbm4b:s8+s19], $0x1000, s18, s19, $0x38;
	[tilespmem:$0x14030] =	vst v63  }
0x80: {  	s16 =	rddreg [dreg:$0x19]  }
0x81: {  	[tilespmem:s31], [sflag:$0x1] =	stream.linear.gather [hbm4b:s16+s1], $0x800, $0x38;
	[tilespmem:$0x14030] =	vst v63  }
0x82: {  	s22 =	rddreg [dreg:$0x1a]  }
0x83: {  	[tilespmem:s0], [sflag:$0x1] =	stream.linear.gather [hbm4b:s22+s1], $0x800, $0x38;
	[tilespmem:$0x14030] =	vst v63  }
0x84: {  	_ =	swait.ge [sflag:s20], $0x800  }
0x85: {  	[sflag:s20] =	ssyncset.done $0x0  }
0x86: {  	[sflag:s20] =	ssyncadd.s32 $0xFFFFF800  }
0x87: {  	_ =	swait.ge [sflag:s20], $0x800  }
0x88: {  	[sflag:s20] =	ssyncset.done $0x0  }
0x89: {  	[sflag:s20] =	ssyncadd.s32 $0xFFFFF800  }
0x8a: {  	_ =	swait.ge [sflag:s20], $0x800  }
0x8b: {  	[sflag:s20] =	ssyncset.done $0x0  }
0x8c: {  	[sflag:s20] =	ssyncadd.s32 $0xFFFFF800  }
0x8d: {  	_ =	swait.ge [sflag:s20], $0x800  }
0x8e: {  	[sflag:s20] =	ssyncset.done $0x0  }
0x8f: {  	[sflag:s20] =	ssyncadd.s32 $0xFFFFF800  }
0x90: {  	_ =	swait.ge [sflag:s20], $0x800  }
0x91: {  	[sflag:s20] =	ssyncset.done $0x0  }
0x92: {  	[sflag:s20] =	ssyncadd.s32 $0xFFFFF800  }
0x93: {  	_ =	swait.ge [sflag:s20], $0x800  }
0x94: {  	[sflag:s20] =	ssyncset.done $0x0  }
0x95: {  	[sflag:s20] =	ssyncadd.s32 $0xFFFFF800  }
0x96: {  	_ =	swait.ge [sflag:s20], $0x800  }
0x97: {  	[sflag:s20] =	ssyncset.done $0x0  }
0x98: {  	[sflag:s20] =	ssyncadd.s32 $0xFFFFF800  }
0x99: {  	_ =	swait.ge [sflag:s20], $0x800  }
0x9a: {  	[sflag:s20] =	ssyncset.done $0x0  }
0x9b: {  	[sflag:s20] =	ssyncadd.s32 $0xFFFFF800  }
0x9c: {  	_ =	swait.ge [sflag:s20], $0x800  }
0x9d: {  	[sflag:s20] =	ssyncset.done $0x0  }
0x9e: {  	[sflag:s20] =	ssyncadd.s32 $0xFFFFF800  }
0x9f: {  	_ =	swait.ge [sflag:s20], $0x800  }
0xa0: {  	[sflag:s20] =	ssyncset.done $0x0  }
0xa1: {  	[sflag:s20] =	ssyncadd.s32 $0xFFFFF800  }
0xa2: {  	_ =	swait.ge [sflag:s20], $0x800  }
0xa3: {  	[sflag:s20] =	ssyncset.done $0x0  }
0xa4: {  	[sflag:s20] =	ssyncadd.s32 $0xFFFFF800  }
0xa5: {  	_ =	swait.ge [sflag:s20], $0x800  }
0xa6: {  	[sflag:s20] =	ssyncset.done $0x0  }
0xa7: {  	[sflag:s20] =	ssyncadd.s32 $0xFFFFF800  }
0xa8: {  	_ =	swait.ge [sflag:s20], $0x800  }
0xa9: {  	[sflag:s20] =	ssyncset.done $0x0  }
0xaa: {  	[sflag:s20] =	ssyncadd.s32 $0xFFFFF800  }
0xab: {  	_ =	swait.ge [sflag:s20], $0x800  }
0xac: {  	[sflag:s20] =	ssyncset.done $0x0  }
0xad: {  	[sflag:s20] =	ssyncadd.s32 $0xFFFFF800  }
0xae: {  	_ =	swait.ge [sflag:s20], $0x1000  }
0xaf: {  	[sflag:s20] =	ssyncset.done $0x0  }
0xb0: {  	[sflag:s20] =	ssyncadd.s32 $0xFFFFF000  }
0xb1: {  	_ =	swait.ge [sflag:s20], $0x800  }
0xb2: {  	[sflag:s20] =	ssyncset.done $0x0  }
0xb3: {  	[sflag:s20] =	ssyncadd.s32 $0xFFFFF800  }
0xb4: {  	_ =	swait.ge [sflag:s20], $0x800  }
0xb5: {  	s23 =	sld [smem:$0x7D4]  }
0xb6: {  	[sflag:s20] =	ssyncset.done $0x0  }
0xb7: {  	s26 =	simm.s32 $0x2000;
	s4 =	rddreg [dreg:$0x1b];
	[sflag:s20] =	ssyncadd.s32 $0xFFFFF800  }
0xb8: {  	[tilespmem:s26], [sflag:$0x2] =	stream.linear.gather [hbm4b:s23+s1], $0x800, $0x38;
	[tilespmem:$0x14030] =	vst v63  }
0xb9: {  	s5 =	simm.s32 $0x2800;
	s6 =	rddreg [dreg:$0x1d]  }
0xba: {  	[tilespmem:s5], [sflag:$0x2] =	stream.linear.gather [hbm4b:s4+s1], $0x800, $0x38;
	[tilespmem:$0x14030] =	vst v63  }
0xbb: {  	s7 =	simm.s32 $0x3000;
	s8 =	rddreg [dreg:$0x1f]  }
0xbc: {  	[tilespmem:s7], [sflag:$0x2] =	stream.linear.gather [hbm4b:s6+s1], $0x800, $0x38;
	[tilespmem:$0x14030] =	vst v63  }
0xbd: {  	s9 =	simm.s32 $0x3800;
	s16 =	sld [smem:$0x7D5]  }
0xbe: {  	[tilespmem:s9], [sflag:$0x2] =	stream.linear.gather [hbm4b:s8+s1], $0x800, $0x38;
	[tilespmem:$0x14030] =	vst v63  }
0xbf: {  	s22 =	simm.s32 $0x9000;
	s23 =	rddreg [dreg:$0x1c]  }
0xc0: {  	[tilespmem:s22], [sflag:$0x2] =	stream.linear.gather [hbm4b:s16+s1], $0x800, $0x38;
	[tilespmem:$0x14030] =	vst v63  }
0xc1: {  	s26 =	simm.s32 $0x9800;
	s4 =	rddreg [dreg:$0x1e]  }
0xc2: {  	[tilespmem:s26], [sflag:$0x2] =	stream.linear.gather [hbm4b:s23+s1], $0x800, $0x38;
	[tilespmem:$0x14030] =	vst v63  }
0xc3: {  	s5 =	simm.s32 $0xA000;
	s6 =	sld [smem:$0x7D3]  }
0xc4: {  	[tilespmem:s5], [sflag:$0x2] =	stream.linear.gather [hbm4b:s4+s1], $0x800, $0x38;
	[tilespmem:$0x14030] =	vst v63  }
0xc5: {  	s7 =	simm.s32 $0xA800;
	s8 =	sld [smem:$0x7D6]  }
0xc6: {  	[tilespmem:s7], [sflag:$0x2] =	stream.linear.gather [hbm4b:s6+s1], $0x800, $0x38;
	[tilespmem:$0x14030] =	vst v63  }
0xc7: {  	s9 =	simm.s32 $0xB000;
	s16 =	sld [smem:$0x7D7]  }
0xc8: {  	[tilespmem:s9], [sflag:$0x2] =	stream.linear.gather [hbm4b:s8+s1], $0x800, $0x38;
	[tilespmem:$0x14030] =	vst v63  }
0xc9: {  	s22 =	simm.s32 $0xB800;
	s23 =	sld [smem:$0x7D8]  }
0xca: {  	[tilespmem:s22], [sflag:$0x2] =	stream.linear.gather [hbm4b:s16+s1], $0x800, $0x38;
	[tilespmem:$0x14030] =	vst v63  }
0xcb: {  	s26 =	simm.s32 $0xC000;
	s4 =	sld [smem:$0x7D9]  }
0xcc: {  	[tilespmem:s26], [sflag:$0x2] =	stream.linear.gather [hbm4b:s23+s1], $0x800, $0x38;
	[tilespmem:$0x14030] =	vst v63  }
0xcd: {  	s5 =	simm.s32 $0xC800;
	s6 =	sld [smem:$0x7DA]  }
0xce: {  	[tilespmem:s5], [sflag:$0x2] =	stream.linear.gather [hbm4b:s4+s1], $0x800, $0x38;
	[tilespmem:$0x14030] =	vst v63  }
0xcf: {  	s7 =	simm.s32 $0xD000;
	s8 =	sld [smem:$0x7DB]  }
0xd0: {  	[tilespmem:s7], [sflag:$0x2] =	stream.linear.gather [hbm4b:s6+s1], $0x800, $0x38;
	[tilespmem:$0x14030] =	vst v63  }
0xd1: {  	s9 =	rddreg [dreg:$0xb]  }
0xd2: {  	[tilespmem:s28], [sflag:$0x2] =	stream.linear.gather [hbm4b:s8+s1], $0x800, $0x38;
	[tilespmem:$0x14030] =	vst v63  }
0xd3: {  	s16 =	sld [smem:$0x7DC]  }
0xd4: {  	[tilespmem:s24], [sflag:$0x2] =	stream.strided.gather [hbm4b:s9+s19], $0x1000, s18, s19, $0x38;
	[tilespmem:$0x14030] =	vst v63  }
0xd5: {  	s22 =	sld [smem:$0x7DD]  }
0xd6: {  	[tilespmem:s29], [sflag:$0x2] =	stream.linear.gather [hbm4b:s16+s1], $0x800, $0x38;
	[tilespmem:$0x14030] =	vst v63  }
0xd7: {  	_ = 	snop  }
0xd8: {  	[tilespmem:s21], [sflag:$0x2] =	stream.linear.gather [hbm4b:s22+s1], $0x800, $0x38;
	[tilespmem:$0x14030] =	vst v63  }
0xd9: {  	v12 =	vld.idx.msk [tilespmem:v0+s31+$0x0], $0xffff  }
0xda: {  	v13 =	vld.idx.msk [tilespmem:v2+s1+$0x0], $0xffff  }
0xdb: {  	v14 =	vld.idx.msk [tilespmem:v3+s1+$0x0], $0xffff  }
0xdc: {  	v16 =	vld.idx.msk [tilespmem:v8+s25+$0x0], $0xffff  }
0xdd: {  	v17 =	vld.idx.msk [tilespmem:v5+s25+$0x0], $0xffff  }
0xde: {  	v18 =	vld.idx.msk [tilespmem:v0+s25+$0x0], $0xffff  }
0xdf: {  	s23 =	simm.s32 $0x0;
	v20 =	vld.idx.msk [tilespmem:v6+s25+$0x0], $0xffff  }
0xe0: {  	s26 =	sand.u32 $0x7, s23;
	v22 =	vld.idx.msk [tilespmem:v7+s25+$0x0], $0xffff;
	v19 =	vadd.s32 $0x80, v12  }
0xe1: {  	s2 =	smul.u32 $0xA00, s26;
	v24 =	vld.idx.msk [tilespmem:v2+s25+$0x0], $0xffff;
	v21 =	vadd.s32 $0x40, v12  }
0xe2: {  	v26 =	vld.idx.msk [tilespmem:v4+s25+$0x0], $0xffff;
	v25 =	vadd.s32 $0x100, v12  }
0xe3: {  	s4 =	sshll.u32 s26, $0x8;
	s5 =	sshrl.u32 s2, $0x2;
	v55 =	vld.idx.msk [tilespmem:v0+s0+$0x0], $0xffff;
	v27 =	vadd.s32 $0x1C0, v12  }
0xe4: {  	s7 =	sor.u32 $0x12000, s4;
	v32 =	vadd.s32 $0xC0, v12;
	v28 =	vld.idx.msk [tilespmem:v12+s5+$0x12800], $0xffff  }
0xe5: {  	v23 =	vadd.s32 $0x140, v12;
	v30 =	vld.idx.msk [tilespmem:v19+s7+$0x0], $0xffff  }
0xe6: {  	s6 =	sand.u32 $0x400, s1;
	v31 =	vld.idx.msk [tilespmem:v21+s7+$0x0], $0xffff  }
0xe7: {  	s3 =	sshll.u32 s26, $0x9;
	s6 =	sshrl.u32 s6, $0x2;
	v29 =	vadd.s32 $0x180, v12;
	v25 =	vld.idx.msk [tilespmem:v25+s5+$0x12800], $0xffff  }
0xe8: {  	s3 =	sor.u32 s6, s3;
	s9 =	sand.u32 $0x70, s1;
	v27 =	vld.idx.msk [tilespmem:v27+s5+$0x12800], $0xffff  }
0xe9: {  	s3 =	sor.u32 s9, s3;
	v34 =	vld.idx.msk [tilespmem:v32+s5+$0x12800], $0xffff  }
0xea: {  	s3 =	sor.u32 $0xE000, s3;
	v23 =	vld.idx.msk [tilespmem:v23+s5+$0x12800], $0xffff;
	v18 =	vsub.f32 v18, v28  }
0xeb: {  	v58 =	vld.idx.msk [tilespmem:v11+s3+$0x0], $0xffff;
	v33 =	vadd.s32 $0x240, v12;
	vm0 =	vgt.f32 v55, $0.0e+00  }
0xec: {  	s8 =	sshll.u32 s26, $0x7;
	v28 =	vld.idx.msk [tilespmem:v29+s5+$0x12800], $0xffff;
	v14 =	vsub.f32 v14, v30;
	v18 =	vand.u32 $0x7FFFFFFF, v18;
	v13 =	vsub.f32 v13, v31  }
0xed: {  	s4 =	sor.u32 $0x13C00, s8;
	v29 =	vld.idx.msk [tilespmem:v21+s5+$0x12800], $0xffff;
	v30 =	vadd.s32 $0x200, v12;
	v17 =	vsub.f32 v17, v25;
	v16 =	vsub.f32 v16, v27  }
0xee: {  	v21 =	vld.idx.msk [tilespmem:v21+s4+$0x0], $0xffff;
	v26 =	vsub.f32 v26, v34;
	v35 =	vmin.f32 v18, $1.000000000e+00;
	v18 =	vmax.f32 v18, $1.000000000e+00  }
0xef: {  	v15 =	vld.idx.msk [tilespmem:v3+s25+$0x0], $0xffff;
	v36 =	vand.u32 $0x7FFFFFFF, v14;
	v14 =	vsub.f32 v20, v23;
	v23 =	vand.u32 $0x7FFFFFFF, v13  }
0xf0: {  	v19 =	vld.idx.msk [tilespmem:v19+s5+$0x12800], $0xffff;
	v16 =	vand.u32 $0x7FFFFFFF, v16;
	v31 =	vmul.f32 v35, v35;
	v26 =	vand.u32 $0x7FFFFFFF, v26  }
0xf1: {  	v38 =	vld.idx.msk [tilespmem:v12+s7+$0x0], $0xffff;
	v17 =	vand.u32 $0x7FFFFFFF, v17;
	v20 =	vmin.f32 v36, $1.000000000e+00;
	v22 =	vsub.f32 v22, v28  }
0xf2: {  	v25 =	vld.idx.msk [tilespmem:v0+s1+$0x0], $0xffff;
	v24 =	vsub.f32 v24, v29;
	v37 =	vmin.f32 v26, $1.000000000e+00;
	v39 =	vmin.f32 v17, $1.000000000e+00  }
0xf3: {  	v17 =	vmax.f32 v17, $1.000000000e+00;
	v21 =	vsub.f32 v58, v21;
	v14 =	vand.u32 $0x7FFFFFFF, v14  }
0xf4: {  	v57 =	vmul.f32 v37, v37;
	v20 =	vmul.f32 v20, v20;
	v13 =	vmin.f32 v14, $1.000000000e+00  }
0xf5: {  	v27 =	vmax.f32 v14, $1.000000000e+00;
	v14 =	vsub.f32 v15, v19;
	v19 =	vand.u32 $0x7FFFFFFF, v24  }
0xf6: {  	v15 =	vmin.f32 v16, $1.000000000e+00;
	v22 =	vand.u32 $0x7FFFFFFF, v22;
	v16 =	vmax.f32 v16, $1.000000000e+00  }
0xf7: {  	v56 =	vld.idx.msk [tilespmem:v9+s25+$0x0], $0xffff;
	v25 =	vsub.f32 v25, v38;
	v21 =	vand.u32 $0x7FFFFFFF, v21;
	v13 =	vmul.f32 v13, v13  }
0xf8: {  	v29 =	vld.idx.msk [tilespmem:v33+s5+$0x12800], $0xffff;
	v28 =	vmin.f32 v19, $1.000000000e+00;
	v15 =	vmul.f32 v15, v15;
	v19 =	vmax.f32 v19, $1.000000000e+00  }
0xf9: {  	v24 =	vld.idx.msk [tilespmem:v10+s25+$0x0], $0xffff;
	v59 =	vmin.f32 v22, $1.000000000e+00;
	v22 =	vmax.f32 v22, $1.000000000e+00;
	v14 =	vand.u32 $0x7FFFFFFF, v14  }
0xfa: {  	v30 =	vld.idx.msk [tilespmem:v30+s5+$0x12800], $0xffff;
	v28 =	vmul.f32 v28, v28;
	v18 =	vadd.f32 v19, v18;
	v19 =	vmax.f32 v26, $1.000000000e+00  }
0xfb: {  	v26 =	vld.idx.msk [tilespmem:v12+s4+$0x0], $0xffff;
	v12 =	vsel vm0, $0x3F800000, v1;
	v25 =	vand.u32 $0x7FFFFFFF, v25;
	v54 =	vmin.f32 v14, $1.000000000e+00  }
0xfc: {  	v14 =	vmax.f32 v14, $1.000000000e+00;
	v61 =	vmin.f32 v25, $1.000000000e+00;
	v25 =	vmax.f32 v25, $1.000000000e+00  }
0xfd: {  	v60 =	vld.idx.msk [tilespmem:v0+s3+$0x0], $0xffff;
	v33 =	vmul.f32 v54, v54;
	v28 =	vadd.f32 v28, v31;
	v31 =	vmin.f32 v23, $1.000000000e+00  }
0xfe: {  	s16 =	simm.s32 $0x10010;
	v18 =	vadd.f32 v14, v18;
	v23 =	vmax.f32 v23, $1.000000000e+00;
	v54 =	vmin.f32 v21, $1.000000000e+00  }
0xff: {  	s2 =	simm.s32 $0x10;
	v14 =	vld.idx.msk [tilespmem:v0+s16+$0x0], $0xffff;
	v21 =	vmax.f32 v21, $1.000000000e+00;
	v30 =	vsub.f32 v56, v30;
	v24 =	vsub.f32 v24, v29  }
0x100: {  	v40 =	vld.idx.msk [tilespmem:v3+s2+$0x0], $0xffff;
	v29 =	vmul.f32 v59, v59;
	v31 =	vmul.f32 v31, v31;
	v18 =	vadd.f32 v19, v18  }
0x101: {  	v32 =	vld.idx.msk [tilespmem:v32+s7+$0x0], $0xffff;
	v28 =	vadd.f32 v33, v28;
	v33 =	vmul.f32 v54, v54;
	v19 =	vand.u32 $0x7FFFFFFF, v30  }
0x102: {  	s22 =	simm.s32 $0x4010;
	v30 =	vmax.f32 v36, $1.000000000e+00;
	v26 =	vsub.f32 v60, v26;
	v17 =	vadd.f32 v17, v18;
	v18 =	vld.idx.msk [tilespmem:v4+s1+$0x0], $0xffff  }
0x103: {  	v53 =	vld.idx.msk [tilespmem:v8+s22+$0x0], $0xffff;
	v28 =	vadd.f32 v57, v28;
	v44 =	vmin.f32 v19, $1.000000000e+00;
	v19 =	vmax.f32 v19, $1.000000000e+00  }
0x104: {  	s26 =	simm.s32 $0x0;
	v46 =	vld.idx.msk [tilespmem:v5+s22+$0x0], $0xffff;
	v34 =	vadd.s32 $0x40, v14;
	v42 =	vand.u32 $0x7FFFFFFF, v26;
	v17 =	vadd.f32 v27, v17  }
0x105: {  	v47 =	vld.idx.msk [tilespmem:v0+s22+$0x0], $0xffff;
	s5 =	sand.u32 $0x7, s26;
	v62 =	vadd.s32 $0x100, v14;
	v52 =	vadd.s32 $0x1C0, v14;
	v45 =	vmin.f32 v42, $1.000000000e+00  }
0x106: {  	v55 =	vld.idx.msk [tilespmem:v7+s22+$0x0], $0xffff;
	s4 =	smul.u32 $0xA00, s5;
	v45 =	vmul.f32 v45, v45;
	v17 =	vadd.f32 v22, v17;
	v22 =	vmul.f32 v61, v61  }
0x107: {  	v36 =	vld.idx.msk [tilespmem:v2+s2+$0x0], $0xffff;
	v63 =	vadd.s32 $0x140, v14;
	v27 =	vadd.s32 $0x80, v14;
	v18 =	vsub.f32 v18, v32  }
0x108: {  	s7 =	sshll.u32 s5, $0x8;
	s9 =	sshrl.u32 s4, $0x2;
	v41 =	vadd.s32 $0x200, v14;
	v33 =	vadd.f32 v33, v45;
	v22 =	vadd.f32 v31, v22;
	v31 =	vld.idx.msk [tilespmem:v6+s22+$0x0], $0xffff  }
0x109: {  	s16 =	sor.u32 $0x12000, s7;
	v16 =	vadd.f32 v16, v17;
	v17 =	vadd.f32 v23, v25;
	v23 =	vmax.f32 v42, $1.000000000e+00;
	v25 =	vld.idx.msk [tilespmem:v14+s9+$0x12800], $0xffff  }
0x10a: {  	v26 =	vadd.s32 $0xC0, v14;
	v57 =	vld.idx.msk [tilespmem:v34+s16+$0x0], $0xffff;
	v18 =	vand.u32 $0x7FFFFFFF, v18;
	v21 =	vadd.f32 v21, v23  }
0x10b: {  	v59 =	vld.idx.msk [tilespmem:v52+s9+$0x12800], $0xffff;
	v23 =	vmul.f32 $5.000000000e-01, v33;
	v49 =	vmin.f32 v18, $1.000000000e+00;
	v16 =	vadd.f32 v19, v16  }
0x10c: {  	v56 =	vld.idx.msk [tilespmem:v27+s16+$0x0], $0xffff;
	v19 =	vadd.f32 v20, v22;
	v17 =	vadd.f32 v30, v17;
	v18 =	vmax.f32 v18, $1.000000000e+00  }
0x10d: {  	v22 =	vld.idx.msk [tilespmem:v2+s22+$0x0], $0xffff;
	v20 =	vmul.f32 v49, v49;
	v21 =	vadd.f32 v23, v21;
	v23 =	vand.u32 $0x7FFFFFFF, v24  }
0x10e: {  	v48 =	vadd.s32 $0x180, v14;
	v49 =	vld.idx.msk [tilespmem:v34+s9+$0x12800], $0xffff;
	v17 =	vadd.f32 v18, v17;
	v58 =	vmax.f32 v23, $1.000000000e+00  }
0x10f: {  	v19 =	vadd.f32 v20, v19;
	v20 =	vmul.f32 v39, v39;
	v18 =	vadd.f32 $-2.000000000e+00, v21;
	v21 =	vld.idx.msk [tilespmem:v62+s9+$0x12800], $0xffff  }
0x110: {  	v42 =	vadd.s32 $0x240, v14;
	v25 =	vsub.f32 v47, v25;
	v52 =	vadd.f32 v58, v16;
	v58 =	vld.idx.msk [tilespmem:v9+s22+$0x0], $0xffff  }
0x111: {  	v24 =	vmin.f32 v23, $1.000000000e+00;
	v23 =	vsub.f32 v40, v56;
	v56 =	vld.idx.msk [tilespmem:v41+s9+$0x12800], $0xffff;
	v20 =	vadd.f32 v20, v28  }
0x112: {  	v62 =	vmul.f32 v24, v24;
	v28 =	vld.idx.msk [tilespmem:v63+s9+$0x12800], $0xffff;
	v19 =	vmul.f32 $5.000000000e-01, v19;
	v25 =	vand.u32 $0x7FFFFFFF, v25  }
0x113: {  	v61 =	vld.idx.msk [tilespmem:v48+s9+$0x12800], $0xffff;
	v60 =	vmul.f32 v18, v12;
	v63 =	vmin.f32 v25, $1.000000000e+00;
	v20 =	vadd.f32 v13, v20  }
0x114: {  	v30 =	vld.idx.msk [tilespmem:v4+s22+$0x0], $0xffff;
	v48 =	vmax.f32 v25, $1.000000000e+00;
	v22 =	vsub.f32 v22, v49;
	v18 =	vadd.f32 v19, v17  }
0x115: {  	v23 =	vand.u32 $0x7FFFFFFF, v23;
	v17 =	vld.idx.msk [tilespmem:v26+s9+$0x12800], $0xffff;
	v13 =	vadd.f32 v60, v1;
	v19 =	vadd.f32 v29, v20  }
0x116: {  	v24 =	vmin.f32 v23, $1.000000000e+00;
	v60 =	vld.idx.msk [tilespmem:v42+s9+$0x12800], $0xffff;
	v29 =	vsub.f32 v46, v21;
	v21 =	vsub.f32 v36, v57  }
0x117: {  	v20 =	vld.idx.msk [tilespmem:v27+s9+$0x12800], $0xffff;
	v36 =	vand.u32 $0x7FFFFFFF, v22;
	v42 =	vsub.f32 v58, v56;
	v27 =	vsub.f32 v31, v28  }
0x118: {  	v28 =	vsub.f32 v53, v59;
	v31 =	vsub.f32 v55, v61;
	v53 =	vmul.f32 v63, v63  }
0x119: {  	v55 =	vmin.f32 v36, $1.000000000e+00;
	v15 =	vadd.f32 v15, v19;
	v19 =	vmul.f32 v44, v44  }
0x11a: {  	v43 =	vld.idx.msk [tilespmem:v3+s22+$0x0], $0xffff;
	v36 =	vmax.f32 v36, $1.000000000e+00;
	v25 =	vand.u32 $0x7FFFFFFF, v21;
	v57 =	vmul.f32 v55, v55  }
0x11b: {  	s23 =	sand.u32 $0x400, s2;
	v29 =	vand.u32 $0x7FFFFFFF, v29;
	v36 =	vadd.f32 v36, v48;
	v15 =	vadd.f32 v19, v15  }
0x11c: {  	s8 =	sshll.u32 s5, $0x9;
	s7 =	sshrl.u32 s23, $0x2;
	v21 =	vand.u32 $0x7FFFFFFF, v27;
	v28 =	vand.u32 $0x7FFFFFFF, v28;
	v30 =	vsub.f32 v30, v17  }
0x11d: {  	s26 =	sand.u32 $0x70, s2;
	s7 =	sor.u32 s7, s8;
	v31 =	vand.u32 $0x7FFFFFFF, v31;
	v33 =	vmin.f32 v25, $1.000000000e+00;
	v15 =	vadd.f32 v62, v15  }
0x11e: {  	s7 =	sor.u32 s26, s7;
	v54 =	vld.idx.msk [tilespmem:v10+s22+$0x0], $0xffff;
	v41 =	vmax.f32 v29, $1.000000000e+00;
	v19 =	vmin.f32 v21, $1.000000000e+00;
	v27 =	vmax.f32 v21, $1.000000000e+00  }
0x11f: {  	s7 =	sor.u32 $0xE000, s7;
	v35 =	vld.idx.msk [tilespmem:v14+s16+$0x0], $0xffff;
	v51 =	vmin.f32 v28, $1.000000000e+00;
	v50 =	vsub.f32 v43, v20;
	v15 =	vmul.f32 $5.000000000e-01, v15  }
0x120: {  	s6 =	sshll.u32 s5, $0x7;
	s22 =	simm.s32 $0x11010;
	v40 =	vld.idx.msk [tilespmem:v0+s7+$0x0], $0xffff;
	v22 =	vmax.f32 v28, $1.000000000e+00;
	v38 =	vmin.f32 v31, $1.000000000e+00;
	v17 =	vmul.f32 v19, v19  }
0x121: {  	s6 =	sor.u32 $0x13C00, s6;
	v59 =	vld.idx.msk [tilespmem:v0+s22+$0x0], $0xffff;
	v16 =	vmul.f32 v51, v51;
	v32 =	vand.u32 $0x7FFFFFFF, v50;
	v15 =	vadd.f32 v15, v52  }
0x122: {  	v19 =	vld.idx.msk [tilespmem:v34+s6+$0x0], $0xffff;
	v34 =	vadd.f32 v57, v53;
	v30 =	vand.u32 $0x7FFFFFFF, v30;
	v28 =	vmin.f32 v32, $1.000000000e+00  }
0x123: {  	v26 =	vld.idx.msk [tilespmem:v26+s16+$0x0], $0xffff;
	v62 =	vmin.f32 v30, $1.000000000e+00;
	v28 =	vmul.f32 v28, v28;
	v15 =	vadd.f32 $-1.000000000e+01, v15  }
0x124: {  	v21 =	vld.idx.msk [tilespmem:v0+s2+$0x0], $0xffff;
	v37 =	vmax.f32 v30, $1.000000000e+00;
	v30 =	vmin.f32 v29, $1.000000000e+00;
	v63 =	vmul.f32 v62, v62  }
0x125: {  	v20 =	vld.idx.msk [tilespmem:v11+s7+$0x0], $0xffff;
	v61 =	vmax.f32 v32, $1.000000000e+00;
	v28 =	vadd.f32 v28, v34;
	v15 =	vmul.f32 v15, v12  }
0x126: {  	s3 =	simm.s32 $0x10020;
	vm0 =	vgt.f32 v59, $0.0e+00;
	v29 =	vsub.f32 v54, v60;
	v32 =	vld.idx.msk [tilespmem:v14+s6+$0x0], $0xffff;
	v43 =	vadd.f32 v61, v36  }
0x127: {  	s23 =	simm.s32 $0x4020;
	s4 =	simm.s32 $0x10;
	s6 =	simm.s32 $0x2;
	v34 =	vld.idx.msk [tilespmem:v4+s2+$0x0], $0xffff;
	v28 =	vadd.f32 v63, v28;
	v14 =	vadd.f32 v15, v1;
	v15 =	vimm.f32 $0.0e+00  }
.LBB2_2:
0x128: {  	s5 =	smov.u32 s6  }
0x129: {  	s7 =	sshrl.u32 s6, $0x3;
	v36 =	vld.idx.msk [tilespmem:v0+s3+$0x0], $0xffff;
	v44 =	vsel vm0, $0x3F800000, v1;
	v38 =	vmul.f32 v38, v38;
	s2 =	sadd.s32 $0x10, s2;
	v18 =	vadd.f32 $-4.000000000e+00, v18;
	s5 =	sadd.s32 $0x1, s6  }
0x12a: {  	p0 =	sne.s32 s6, $0x7F;
	v21 =	vsub.f32 v21, v35;
	v42 =	vand.u32 $0x7FFFFFFF, v42;
	s8 =	sand.u32 $0x7, s7;
	v35 =	vadd.f32 v37, v43;
	v39 =	vld.idx.msk [tilespmem:v2+s2+$0x0], $0xffff  }
0x12b: {  	v24 =	vmul.f32 v24, v24;
	v23 =	vmax.f32 v23, $1.000000000e+00;
	s6 =	smul.u32 $0xA00, s8;
	s16 =	sshll.u32 s8, $0x9;
	s7 =	sshll.u32 s8, $0x7;
	v18 =	vmul.f32 v18, v12;
	v12 =	vmovc v44;
	v43 =	vld.idx.msk [tilespmem:v3+s2+$0x0], $0xffff  }
0x12c: {  	v25 =	vmax.f32 v25, $1.000000000e+00;
	v44 =	vand.u32 $0x7FFFFFFF, v21;
	s7 =	sor.u32 $0x13C00, s7;
	v21 =	vadd.f32 v41, v35;
	v37 =	vld.idx.msk [tilespmem:v3+s23+$0x0], $0xffff  }
0x12d: {  	v33 =	vmul.f32 v33, v33;
	v35 =	vmin.f32 v44, $1.000000000e+00;
	v15 =	vadd.f32 v18, v15;
	v41 =	vld.idx.msk [tilespmem:v8+s23+$0x0], $0xffff  }
0x12e: {  	v19 =	vsub.f32 v20, v19;
	v18 =	vmax.f32 v31, $1.000000000e+00;
	v31 =	vsub.f32 v40, v32;
	v45 =	vld.idx.msk [tilespmem:v5+s23+$0x0], $0xffff  }
0x12f: {  	s4 =	sadd.s32 $0x10, s4;
	s8 =	sshll.u32 s8, $0x8;
	v32 =	vadd.s32 $0x40, v36;
	v47 =	vadd.s32 $0x100, v36;
	v20 =	vadd.f32 v27, v21;
	v46 =	vld.idx.msk [tilespmem:v0+s23+$0x0], $0xffff  }
0x130: {  	s26 =	sor.u32 $0x12000, s8;
	s8 =	sshrl.u32 s6, $0x2;
	s6 =	sand.u32 $0x400, s4;
	v40 =	vand.u32 $0x7FFFFFFF, v19;
	v27 =	vadd.s32 $0x80, v36;
	v49 =	vadd.s32 $0x140, v36;
	v48 =	vld.idx.msk [tilespmem:v6+s23+$0x0], $0xffff  }
0x131: {  	v51 =	vadd.s32 $0x1C0, v36;
	v52 =	vadd.s32 $0x200, v36;
	s6 =	sshrl.u32 s6, $0x2;
	v31 =	vand.u32 $0x7FFFFFFF, v31;
	v50 =	vld.idx.msk [tilespmem:v7+s23+$0x0], $0xffff  }
0x132: {  	s9 =	sand.u32 $0x70, s4;
	v55 =	vmin.f32 v42, $1.000000000e+00;
	v53 =	vadd.s32 $0xC0, v36;
	s6 =	sor.u32 s6, s16;
	v56 =	vmin.f32 v31, $1.000000000e+00;
	v54 =	vld.idx.msk [tilespmem:v2+s23+$0x0], $0xffff  }
0x133: {  	v26 =	vsub.f32 v34, v26;
	v34 =	vmax.f32 v40, $1.000000000e+00;
	s6 =	sor.u32 s9, s6;
	v18 =	vadd.f32 v18, v20;
	v21 =	vld.idx.msk [tilespmem:v0+s2+$0x0], $0xffff  }
0x134: {  	v35 =	vmul.f32 v35, v35;
	v20 =	vmin.f32 v40, $1.000000000e+00;
	s6 =	sor.u32 $0xE000, s6;
	v56 =	vmul.f32 v56, v56;
	v19 =	vld.idx.msk [tilespmem:v32+s7+$0x0], $0xffff  }
0x135: {  	v58 =	vadd.s32 $0x180, v36;
	v26 =	vand.u32 $0x7FFFFFFF, v26;
	v59 =	vmul.f32 v20, v20;
	v57 =	vld.idx.msk [tilespmem:v4+s23+$0x0], $0xffff  }
0x136: {  	v33 =	vadd.f32 v33, v35;
	v35 =	vmin.f32 v26, $1.000000000e+00;
	v18 =	vadd.f32 v22, v18;
	v20 =	vld.idx.msk [tilespmem:v11+s6+$0x0], $0xffff  }
0x137: {  	v44 =	vmax.f32 v44, $1.000000000e+00;
	v22 =	vadd.s32 $0x240, v36;
	v56 =	vadd.f32 v59, v56;
	v40 =	vld.idx.msk [tilespmem:v10+s23+$0x0], $0xffff  }
0x138: {  	v42 =	vmax.f32 v42, $1.000000000e+00;
	v25 =	vadd.f32 v25, v44;
	v31 =	vmax.f32 v31, $1.000000000e+00;
	v59 =	vld.idx.msk [tilespmem:v36+s8+$0x12800], $0xffff  }
0x139: {  	v42 =	vadd.f32 v42, v18;
	v18 =	vadd.f32 v34, v31;
	v31 =	vmul.f32 $5.000000000e-01, v56;
	v44 =	vld.idx.msk [tilespmem:v27+s26+$0x0], $0xffff  }
0x13a: {  	v23 =	vadd.f32 v23, v25;
	v25 =	vmul.f32 v35, v35;
	v24 =	vadd.f32 v24, v33;
	v34 =	vld.idx.msk [tilespmem:v32+s26+$0x0], $0xffff  }
0x13b: {  	v29 =	vand.u32 $0x7FFFFFFF, v29;
	v26 =	vmax.f32 v26, $1.000000000e+00;
	v18 =	vadd.f32 v31, v18;
	v33 =	vld.idx.msk [tilespmem:v49+s8+$0x12800], $0xffff  }
0x13c: {  	v23 =	vadd.f32 v26, v23;
	v24 =	vadd.f32 v25, v24;
	v25 =	vmul.f32 v30, v30;
	v31 =	vld.idx.msk [tilespmem:v47+s8+$0x12800], $0xffff  }
0x13d: {  	v18 =	vadd.f32 $-2.000000000e+00, v18;
	v47 =	vld.idx.msk [tilespmem:v22+s8+$0x12800], $0xffff;
	v22 =	vmin.f32 v29, $1.000000000e+00;
	v29 =	vmax.f32 v29, $1.000000000e+00  }
0x13e: {  	v24 =	vmul.f32 $5.000000000e-01, v24;
	v25 =	vadd.f32 v25, v28;
	v26 =	vsub.f32 v46, v59;
	v30 =	vld.idx.msk [tilespmem:v51+s8+$0x12800], $0xffff  }
0x13f: {  	v35 =	vmul.f32 v18, v12;
	v28 =	vsub.f32 v43, v44;
	v22 =	vmul.f32 v22, v22;
	v43 =	vld.idx.msk [tilespmem:v58+s8+$0x12800], $0xffff  }
0x140: {  	v17 =	vadd.f32 v17, v25;
	v18 =	vadd.f32 v24, v23;
	v26 =	vand.u32 $0x7FFFFFFF, v26;
	v44 =	vld.idx.msk [tilespmem:v53+s8+$0x12800], $0xffff  }
0x141: {  	v13 =	vadd.f32 v35, v13;
	v46 =	vmin.f32 v26, $1.000000000e+00;
	v49 =	vmax.f32 v26, $1.000000000e+00;
	v51 =	vld.idx.msk [tilespmem:v27+s8+$0x12800], $0xffff  }
0x142: {  	v17 =	vadd.f32 v38, v17;
	v23 =	vand.u32 $0x7FFFFFFF, v28;
	v45 =	vsub.f32 v45, v31;
	v28 =	vld.idx.msk [tilespmem:v32+s8+$0x12800], $0xffff  }
0x143: {  	v25 =	vsub.f32 v39, v34;
	v24 =	vmin.f32 v23, $1.000000000e+00;
	v27 =	vsub.f32 v48, v33;
	v39 =	vld.idx.msk [tilespmem:v52+s8+$0x12800], $0xffff  }
0x144: {  	v16 =	vadd.f32 v16, v17;
	v17 =	vmul.f32 v55, v55;
	v30 =	vsub.f32 v41, v30;
	v35 =	vld.idx.msk [tilespmem:v36+s26+$0x0], $0xffff  }
0x145: {  	v25 =	vand.u32 $0x7FFFFFFF, v25;
	v27 =	vand.u32 $0x7FFFFFFF, v27;
	v31 =	vsub.f32 v50, v43;
	v26 =	vld.idx.msk [tilespmem:v53+s26+$0x0], $0xffff  }
0x146: {  	v16 =	vadd.f32 v17, v16;
	v33 =	vmin.f32 v27, $1.000000000e+00;
	v30 =	vand.u32 $0x7FFFFFFF, v30;
	v32 =	vld.idx.msk [tilespmem:v36+s7+$0x0], $0xffff  }
0x147: {  	v27 =	vmax.f32 v27, $1.000000000e+00;
	v34 =	vsub.f32 v57, v44;
	v17 =	vmul.f32 v33, v33  }
0x148: {  	v16 =	vadd.f32 v22, v16;
	v33 =	vsub.f32 v37, v51;
	v36 =	vmin.f32 v30, $1.000000000e+00  }
0x149: {  	v31 =	vand.u32 $0x7FFFFFFF, v31;
	v22 =	vsub.f32 v54, v28;
	v28 =	vadd.f32 v29, v42  }
0x14a: {  	v29 =	vmul.f32 v46, v46;
	v37 =	vand.u32 $0x7FFFFFFF, v33;
	v33 =	vmul.f32 $5.000000000e-01, v16  }
0x14b: {  	v16 =	vmul.f32 v36, v36;
	v38 =	vand.u32 $0x7FFFFFFF, v22;
	v22 =	vmax.f32 v30, $1.000000000e+00  }
0x14c: {  	v36 =	vmin.f32 v37, $1.000000000e+00;
	v30 =	vmin.f32 v38, $1.000000000e+00;
	v28 =	vadd.f32 v33, v28  }
0x14d: {  	s22 =	sadd.s32 $0x10, s22;
	v33 =	vmin.f32 v25, $1.000000000e+00;
	v36 =	vmul.f32 v36, v36;
	v30 =	vmul.f32 v30, v30;
	v42 =	vld.idx.msk [tilespmem:v9+s23+$0x0], $0xffff  }
0x14e: {  	v44 =	vmax.f32 v37, $1.000000000e+00;
	v38 =	vmax.f32 v38, $1.000000000e+00;
	v28 =	vadd.f32 $-1.000000000e+01, v28;
	v43 =	vld.idx.msk [tilespmem:v0+s22+$0x0], $0xffff  }
0x14f: {  	v46 =	vadd.f32 v38, v49;
	v29 =	vadd.f32 v30, v29;
	v30 =	vand.u32 $0x7FFFFFFF, v34  }
.Ltmp0:
0x150: {  	v34 =	vmin.f32 v30, $1.000000000e+00;
	v37 =	vmax.f32 v30, $1.000000000e+00;
	v28 =	vmul.f32 v28, v12;
	(pc) =	sbr.rel @p0 .LBB2_2-.Ltmp0, $4  }
0x151: {  	v29 =	vadd.f32 v36, v29;
	v36 =	vmul.f32 v34, v34;
	v34 =	vand.u32 $0x7FFFFFFF, v45  }
0x152: {  	v30 =	vmin.f32 v34, $1.000000000e+00;
	v41 =	vmax.f32 v34, $1.000000000e+00;
	v14 =	vadd.f32 v28, v14  }
0x153: {  	v38 =	vmin.f32 v31, $1.000000000e+00;
	v28 =	vadd.f32 v36, v29;
	v42 =	vsub.f32 v42, v39;
	v34 =	vld.idx.msk [tilespmem:v4+s2+$0x0], $0xffff  }
0x154: {  	s3 =	sadd.s32 $0x10, s3;
	s23 =	sadd.s32 $0x10, s23;
	v29 =	vsub.f32 v40, v47;
	vm0 =	vgt.f32 v43, $0.0e+00;
	v43 =	vadd.f32 v44, v46;
	v40 =	vld.idx.msk [tilespmem:v0+s6+$0x0], $0xffff;
	s6 =	smov.u32 s5  }
0x155: {  	_ =	swait.ge [sflag:s30], $0x800  }
0x156: {  	[sflag:s30] =	ssyncset.done $0x0  }
0x157: {  	[sflag:s30] =	ssyncadd.s32 $0xFFFFF800  }
0x158: {  	_ =	swait.ge [sflag:s30], $0x800  }
0x159: {  	[sflag:s30] =	ssyncset.done $0x0  }
0x15a: {  	[sflag:s30] =	ssyncadd.s32 $0xFFFFF800  }
0x15b: {  	_ =	swait.ge [sflag:s30], $0x800  }
0x15c: {  	[sflag:s30] =	ssyncset.done $0x0  }
0x15d: {  	[sflag:s30] =	ssyncadd.s32 $0xFFFFF800  }
0x15e: {  	_ =	swait.ge [sflag:s30], $0x800  }
0x15f: {  	[sflag:s30] =	ssyncset.done $0x0  }
0x160: {  	[sflag:s30] =	ssyncadd.s32 $0xFFFFF800  }
0x161: {  	_ =	swait.ge [sflag:s30], $0x800  }
0x162: {  	[sflag:s30] =	ssyncset.done $0x0  }
0x163: {  	[sflag:s30] =	ssyncadd.s32 $0xFFFFF800  }
0x164: {  	_ =	swait.ge [sflag:s30], $0x800  }
0x165: {  	[sflag:s30] =	ssyncset.done $0x0  }
0x166: {  	[sflag:s30] =	ssyncadd.s32 $0xFFFFF800  }
0x167: {  	_ =	swait.ge [sflag:s30], $0x800  }
0x168: {  	[sflag:s30] =	ssyncset.done $0x0  }
0x169: {  	[sflag:s30] =	ssyncadd.s32 $0xFFFFF800  }
0x16a: {  	_ =	swait.ge [sflag:s30], $0x800  }
0x16b: {  	[sflag:s30] =	ssyncset.done $0x0  }
0x16c: {  	[sflag:s30] =	ssyncadd.s32 $0xFFFFF800  }
0x16d: {  	_ =	swait.ge [sflag:s30], $0x800  }
0x16e: {  	[sflag:s30] =	ssyncset.done $0x0  }
0x16f: {  	[sflag:s30] =	ssyncadd.s32 $0xFFFFF800  }
0x170: {  	_ =	swait.ge [sflag:s30], $0x800  }
0x171: {  	[sflag:s30] =	ssyncset.done $0x0  }
0x172: {  	[sflag:s30] =	ssyncadd.s32 $0xFFFFF800  }
0x173: {  	_ =	swait.ge [sflag:s30], $0x800  }
0x174: {  	[sflag:s30] =	ssyncset.done $0x0  }
0x175: {  	[sflag:s30] =	ssyncadd.s32 $0xFFFFF800  }
0x176: {  	_ =	swait.ge [sflag:s30], $0x800  }
0x177: {  	[sflag:s30] =	ssyncset.done $0x0  }
0x178: {  	[sflag:s30] =	ssyncadd.s32 $0xFFFFF800  }
0x179: {  	_ =	swait.ge [sflag:s30], $0x800  }
0x17a: {  	[sflag:s30] =	ssyncset.done $0x0  }
0x17b: {  	[sflag:s30] =	ssyncadd.s32 $0xFFFFF800  }
0x17c: {  	_ =	swait.ge [sflag:s30], $0x800  }
0x17d: {  	[sflag:s30] =	ssyncset.done $0x0  }
0x17e: {  	[sflag:s30] =	ssyncadd.s32 $0xFFFFF800  }
0x17f: {  	_ =	swait.ge [sflag:s30], $0x1000  }
0x180: {  	[sflag:s30] =	ssyncset.done $0x0  }
0x181: {  	[sflag:s30] =	ssyncadd.s32 $0xFFFFF000  }
0x182: {  	_ =	swait.ge [sflag:s30], $0x800  }
0x183: {  	[sflag:s30] =	ssyncset.done $0x0  }
0x184: {  	[sflag:s30] =	ssyncadd.s32 $0xFFFFF800  }
0x185: {  	_ =	swait.ge [sflag:s30], $0x800  }
0x186: {  	s3 =	sld [smem:$0x7E4]  }
0x187: {  	[sflag:s30] =	ssyncset.done $0x0  }
0x188: {  	s2 =	simm.s32 $0x0;
	s26 =	sld [smem:$0x7DE];
	[sflag:s30] =	ssyncadd.s32 $0xFFFFF800  }
0x189: {  	[tilespmem:s2], [sflag:$0x1] =	stream.linear.gather [hbm4b:s3+s2], $0x800, $0x38;
	[tilespmem:$0x14030] =	vst v63  }
0x18a: {  	s4 =	simm.s32 $0x800;
	s5 =	sld [smem:$0x7E0]  }
0x18b: {  	[tilespmem:s4], [sflag:$0x1] =	stream.linear.gather [hbm4b:s26+s2], $0x800, $0x38;
	[tilespmem:$0x14030] =	vst v63  }
0x18c: {  	s6 =	simm.s32 $0x1000;
	s7 =	sld [smem:$0x7E2]  }
0x18d: {  	[tilespmem:s6], [sflag:$0x1] =	stream.linear.gather [hbm4b:s5+s2], $0x800, $0x38;
	[tilespmem:$0x14030] =	vst v63  }
0x18e: {  	s8 =	simm.s32 $0x1800;
	s9 =	sld [smem:$0x7E5]  }
0x18f: {  	[tilespmem:s8], [sflag:$0x1] =	stream.linear.gather [hbm4b:s7+s2], $0x800, $0x38;
	[tilespmem:$0x14030] =	vst v63  }
0x190: {  	s16 =	sld [smem:$0x7DF]  }
0x191: {  	[tilespmem:s25], [sflag:$0x1] =	stream.linear.gather [hbm4b:s9+s2], $0x800, $0x38;
	[tilespmem:$0x14030] =	vst v63  }
0x192: {  	s22 =	simm.s32 $0x4800;
	s23 =	sld [smem:$0x7E1]  }
0x193: {  	[tilespmem:s22], [sflag:$0x1] =	stream.linear.gather [hbm4b:s16+s2], $0x800, $0x38;
	[tilespmem:$0x14030] =	vst v63  }
0x194: {  	s26 =	simm.s32 $0x5000;
	s4 =	sld [smem:$0x7E3]  }
0x195: {  	[tilespmem:s26], [sflag:$0x1] =	stream.linear.gather [hbm4b:s23+s2], $0x800, $0x38;
	[tilespmem:$0x14030] =	vst v63  }
0x196: {  	s5 =	simm.s32 $0x5800;
	s6 =	sld [smem:$0x7E6]  }
0x197: {  	[tilespmem:s5], [sflag:$0x1] =	stream.linear.gather [hbm4b:s4+s2], $0x800, $0x38;
	[tilespmem:$0x14030] =	vst v63  }
0x198: {  	s7 =	simm.s32 $0x6000;
	s8 =	sld [smem:$0x7E7]  }
0x199: {  	[tilespmem:s7], [sflag:$0x1] =	stream.linear.gather [hbm4b:s6+s2], $0x800, $0x38;
	[tilespmem:$0x14030] =	vst v63  }
0x19a: {  	s9 =	simm.s32 $0x6800;
	s16 =	sld [smem:$0x7E8]  }
0x19b: {  	[tilespmem:s9], [sflag:$0x1] =	stream.linear.gather [hbm4b:s8+s2], $0x800, $0x38;
	[tilespmem:$0x14030] =	vst v63  }
0x19c: {  	s22 =	simm.s32 $0x7000;
	s23 =	sld [smem:$0x7E9]  }
0x19d: {  	[tilespmem:s22], [sflag:$0x1] =	stream.linear.gather [hbm4b:s16+s2], $0x800, $0x38;
	[tilespmem:$0x14030] =	vst v63  }
0x19e: {  	s26 =	simm.s32 $0x7800;
	s4 =	sld [smem:$0x7EA]  }
0x19f: {  	[tilespmem:s26], [sflag:$0x1] =	stream.linear.gather [hbm4b:s23+s2], $0x800, $0x38;
	[tilespmem:$0x14030] =	vst v63  }
0x1a0: {  	s5 =	sld [smem:$0x7EB]  }
0x1a1: {  	v36 =	vmul.f32 v38, v38;
	v21 =	vsub.f32 v21, v35;
	v51 =	vand.u32 $0x7FFFFFFF, v42;
	[tilespmem:s18], [sflag:$0x1] =	stream.linear.gather [hbm4b:s4+s2], $0x800, $0x38;
	[tilespmem:$0x14030] =	vst v63  }
0x1a2: {  	v24 =	vmul.f32 v24, v24;
	v25 =	vmax.f32 v25, $1.000000000e+00;
	v30 =	vmul.f32 v30, v30;
	s6 =	simm.s32 $0x8800;
	s7 =	rddreg [dreg:$0xc]  }
0x1a3: {  	v19 =	vsub.f32 v20, v19;
	v20 =	vmul.f32 v33, v33;
	v50 =	vadd.f32 v37, v43;
	[tilespmem:s6], [sflag:$0x1] =	stream.linear.gather [hbm4b:s5+s2], $0x800, $0x38;
	[tilespmem:$0x14030] =	vst v63  }
0x1a4: {  	v31 =	vmax.f32 v31, $1.000000000e+00;
	v21 =	vand.u32 $0x7FFFFFFF, v21;
	v28 =	vadd.f32 v30, v28;
	s8 =	simm.s32 $0xE000;
	s9 =	sld [smem:$0x7EC]  }
0x1a5: {  	v19 =	vand.u32 $0x7FFFFFFF, v19;
	v35 =	vadd.f32 v41, v50;
	v32 =	vsub.f32 v40, v32;
	[tilespmem:s8], [sflag:$0x1] =	stream.strided.gather [hbm4b:s7+s19], $0x1000, s18, s19, $0x38;
	[tilespmem:$0x14030] =	vst v63  }
0x1a6: {  	v52 =	vmin.f32 v21, $1.000000000e+00;
	v26 =	vsub.f32 v34, v26;
	v21 =	vmax.f32 v21, $1.000000000e+00;
	s16 =	sld [smem:$0x7ED]  }
0x1a7: {  	v55 =	vmul.f32 v52, v52;
	v27 =	vadd.f32 v27, v35;
	v32 =	vand.u32 $0x7FFFFFFF, v32;
	[tilespmem:s31], [sflag:$0x1] =	stream.linear.gather [hbm4b:s9+s2], $0x800, $0x38;
	[tilespmem:$0x14030] =	vst v63  }
0x1a8: {  	v17 =	vadd.f32 v17, v28;
	v21 =	vadd.f32 v25, v21;
	v54 =	vmin.f32 v32, $1.000000000e+00;
	s22 =	simm.s32 $0x10800  }
0x1a9: {  	v27 =	vadd.f32 v31, v27;
	v31 =	vmax.f32 v19, $1.000000000e+00;
	v19 =	vmin.f32 v19, $1.000000000e+00;
	[tilespmem:s0], [sflag:$0x1] =	stream.linear.gather [hbm4b:s16+s2], $0x800, $0x38;
	[tilespmem:$0x14030] =	vst v63  }
0x1aa: {  	v20 =	vadd.f32 v20, v55;
	v35 =	vmul.f32 v54, v54;
	v30 =	vmul.f32 v19, v19;
	s3 =	simm.s32 $0x2000;
	v19 =	vld.idx.msk [tilespmem:v0+s22+$0x0], $0xffff  }
0x1ab: {  	v23 =	vmax.f32 v23, $1.000000000e+00;
	v17 =	vadd.f32 v36, v17;
	v22 =	vadd.f32 v22, v27;
	v25 =	vld.idx.msk [tilespmem:v2+s3+$0x0], $0xffff  }
0x1ac: {  	v32 =	vmax.f32 v32, $1.000000000e+00;
	v28 =	vadd.f32 v30, v35;
	v30 =	vmax.f32 v51, $1.000000000e+00;
	s5 =	simm.s32 $0x9000;
	v56 =	vld.idx.msk [tilespmem:v3+s3+$0x0], $0xffff  }
0x1ad: {  	v53 =	vmin.f32 v51, $1.000000000e+00;
	v22 =	vadd.f32 v30, v22;
	v30 =	vadd.f32 v31, v32;
	v31 =	vld.idx.msk [tilespmem:v3+s5+$0x0], $0xffff  }
0x1ae: {  	v26 =	vand.u32 $0x7FFFFFFF, v26;
	v16 =	vadd.f32 v16, v17;
	v17 =	vmul.f32 v53, v53;
	v57 =	vld.idx.msk [tilespmem:v8+s5+$0x0], $0xffff  }
0x1af: {  	v29 =	vand.u32 $0x7FFFFFFF, v29;
	v20 =	vadd.f32 v24, v20;
	v27 =	vmin.f32 v26, $1.000000000e+00;
	v58 =	vld.idx.msk [tilespmem:v5+s5+$0x0], $0xffff  }
0x1b0: {  	v24 =	vmul.f32 v27, v27;
	v27 =	vmin.f32 v29, $1.000000000e+00;
	v16 =	vadd.f32 v17, v16;
	v17 =	vld.idx.msk [tilespmem:v0+s5+$0x0], $0xffff  }
0x1b1: {  	v21 =	vadd.f32 v23, v21;
	v23 =	vmul.f32 v27, v27;
	v27 =	vld.idx.msk [tilespmem:v6+s5+$0x0], $0xffff  }
0x1b2: {  	v26 =	vmax.f32 v26, $1.000000000e+00;
	v20 =	vadd.f32 v24, v20;
	s23 =	simm.s32 $0x0;
	v60 =	vld.idx.msk [tilespmem:v2+s5+$0x0], $0xffff  }
0x1b3: {  	v18 =	vadd.f32 $-4.000000000e+00, v18;
	v21 =	vadd.f32 v26, v21;
	v29 =	vmax.f32 v29, $1.000000000e+00;
	s6 =	sand.u32 $0x7, s23;
	v61 =	vld.idx.msk [tilespmem:v4+s5+$0x0], $0xffff  }
0x1b4: {  	v16 =	vadd.f32 v23, v16;
	v20 =	vmul.f32 $5.000000000e-01, v20;
	s4 =	smul.u32 $0xA00, s6;
	v47 =	vld.idx.msk [tilespmem:v0+s3+$0x0], $0xffff;
	v24 =	vadd.s32 $0x80, v19  }
0x1b5: {  	v28 =	vmul.f32 $5.000000000e-01, v28;
	v22 =	vadd.f32 v29, v22;
	s16 =	simm.s32 $0x11800;
	v51 =	vld.idx.msk [tilespmem:v9+s5+$0x0], $0xffff;
	v23 =	vadd.s32 $0x40, v19  }
0x1b6: {  	v16 =	vmul.f32 $5.000000000e-01, v16;
	v20 =	vadd.f32 v20, v21;
	s8 =	sshll.u32 s6, $0x8;
	s7 =	sshrl.u32 s4, $0x2;
	v52 =	vld.idx.msk [tilespmem:v0+s16+$0x0], $0xffff;
	v59 =	vadd.s32 $0x140, v19  }
0x1b7: {  	v12 =	vmul.f32 v18, v12;
	v28 =	vadd.f32 v28, v30;
	s4 =	sor.u32 $0x12000, s8;
	v29 =	vadd.s32 $0x100, v19;
	v62 =	vld.idx.msk [tilespmem:v19+s7+$0x12800], $0xffff  }
0x1b8: {  	v16 =	vadd.f32 v16, v22;
	v18 =	vadd.f32 $-4.000000000e+00, v20;
	v30 =	vadd.s32 $0x1C0, v19;
	v53 =	vld.idx.msk [tilespmem:v19+s4+$0x0], $0xffff  }
0x1b9: {  	v39 =	vsel vm0, $0x3F800000, v1;
	v63 =	vadd.s32 $0xC0, v19;
	v22 =	vld.idx.msk [tilespmem:v24+s4+$0x0], $0xffff  }
0x1ba: {  	v12 =	vadd.f32 v12, v15;
	v16 =	vadd.f32 $-1.000000000e+01, v16;
	v18 =	vmul.f32 v18, v39;
	v44 =	vld.idx.msk [tilespmem:v23+s4+$0x0], $0xffff  }
0x1bb: {  	v28 =	vadd.f32 $-2.000000000e+00, v28;
	v20 =	vld.idx.msk [tilespmem:v59+s7+$0x12800], $0xffff  }
0x1bc: {  	v15 =	vmul.f32 v16, v39;
	v12 =	vadd.f32 v18, v12;
	v18 =	vadd.s32 $0x200, v19;
	v29 =	vld.idx.msk [tilespmem:v29+s7+$0x12800], $0xffff  }
0x1bd: {  	v28 =	vmul.f32 v28, v39;
	v30 =	vld.idx.msk [tilespmem:v30+s7+$0x12800], $0xffff  }
0x1be: {  	v15 =	vadd.f32 v15, v14;
	v14 =	vld.idx.msk [tilespmem:v63+s7+$0x12800], $0xffff  }
0x1bf: {  	v16 =	vadd.f32 v28, v13;
	v21 =	vadd.s32 $0x180, v19;
	v28 =	vld.idx.msk [tilespmem:v23+s7+$0x12800], $0xffff  }
0x1c0: {  	v24 =	vld.idx.msk [tilespmem:v24+s7+$0x12800], $0xffff  }
0x1c1: {  	v18 =	vld.idx.msk [tilespmem:v18+s7+$0x12800], $0xffff;
	v13 =	vsub.f32 v17, v62;
	v33 =	vsub.f32 v47, v53  }
0x1c2: {  	v22 =	vsub.f32 v56, v22;
	v20 =	vsub.f32 v27, v20  }
0x1c3: {  	vm0 =	vgt.f32 v52, $0.0e+00;
	v27 =	vsub.f32 v58, v29;
	v25 =	vsub.f32 v25, v44  }
0x1c4: {  	v17 =	vld.idx.msk [tilespmem:v21+s7+$0x12800], $0xffff;
	v21 =	vadd.s32 $0x240, v19;
	v30 =	vsub.f32 v57, v30;
	v46 =	vsub.f32 v61, v14  }
0x1c5: {  	v26 =	vld.idx.msk [tilespmem:v7+s5+$0x0], $0xffff;
	v13 =	vand.u32 $0x7FFFFFFF, v13;
	v28 =	vsub.f32 v60, v28;
	v24 =	vsub.f32 v31, v24  }
0x1c6: {  	v18 =	vsub.f32 v51, v18;
	v45 =	vmin.f32 v13, $1.000000000e+00;
	v13 =	vmax.f32 v13, $1.000000000e+00  }
0x1c7: {  	v22 =	vand.u32 $0x7FFFFFFF, v22;
	v20 =	vand.u32 $0x7FFFFFFF, v20;
	v25 =	vand.u32 $0x7FFFFFFF, v25  }
0x1c8: {  	v30 =	vand.u32 $0x7FFFFFFF, v30;
	v28 =	vand.u32 $0x7FFFFFFF, v28;
	v34 =	vmul.f32 v45, v45  }
0x1c9: {  	s26 =	sand.u32 $0x400, s2;
	v24 =	vand.u32 $0x7FFFFFFF, v24;
	v32 =	vand.u32 $0x7FFFFFFF, v46;
	v27 =	vand.u32 $0x7FFFFFFF, v27  }
0x1ca: {  	s8 =	sshrl.u32 s26, $0x2;
	s9 =	sshll.u32 s6, $0x9;
	v18 =	vand.u32 $0x7FFFFFFF, v18;
	v29 =	vmin.f32 v22, $1.000000000e+00;
	v17 =	vsub.f32 v26, v17  }
0x1cb: {  	s23 =	sor.u32 s8, s9;
	s2 =	sand.u32 $0x70, s2;
	v26 =	vmin.f32 v20, $1.000000000e+00;
	v20 =	vmax.f32 v20, $1.000000000e+00;
	v31 =	vmin.f32 v30, $1.000000000e+00  }
0x1cc: {  	s2 =	sor.u32 s2, s23;
	v49 =	vmin.f32 v28, $1.000000000e+00;
	v30 =	vmax.f32 v30, $1.000000000e+00;
	v50 =	vmin.f32 v25, $1.000000000e+00  }
0x1cd: {  	s2 =	sor.u32 $0xF000, s2;
	v28 =	vmax.f32 v28, $1.000000000e+00;
	v41 =	vmin.f32 v27, $1.000000000e+00;
	v27 =	vmax.f32 v27, $1.000000000e+00  }
0x1ce: {  	v54 =	vld.idx.msk [tilespmem:v11+s2+$0x0], $0xffff;
	v22 =	vmax.f32 v22, $1.000000000e+00;
	v25 =	vmax.f32 v25, $1.000000000e+00;
	v46 =	vmin.f32 v18, $1.000000000e+00  }
0x1cf: {  	v56 =	vld.idx.msk [tilespmem:v63+s4+$0x0], $0xffff;
	v18 =	vmax.f32 v18, $1.000000000e+00;
	v14 =	vmul.f32 v26, v26;
	v36 =	vmul.f32 v49, v49  }
0x1d0: {  	v21 =	vld.idx.msk [tilespmem:v21+s7+$0x12800], $0xffff;
	v13 =	vadd.f32 v28, v13;
	v28 =	vmin.f32 v32, $1.000000000e+00;
	v32 =	vmax.f32 v32, $1.000000000e+00  }
0x1d1: {  	s22 =	sshll.u32 s6, $0x7;
	v26 =	vld.idx.msk [tilespmem:v10+s5+$0x0], $0xffff;
	v29 =	vmul.f32 v29, v29;
	v37 =	vmul.f32 v50, v50;
	v48 =	vand.u32 $0x7FFFFFFF, v17  }
0x1d2: {  	v58 =	vld.idx.msk [tilespmem:v4+s3+$0x0], $0xffff;
	s5 =	sor.u32 $0x13C00, s22;
	v17 =	vmul.f32 v31, v31;
	v31 =	vmin.f32 v24, $1.000000000e+00;
	v24 =	vmax.f32 v24, $1.000000000e+00  }
0x1d3: {  	v23 =	vld.idx.msk [tilespmem:v23+s5+$0x0], $0xffff;
	v28 =	vmul.f32 v28, v28;
	v31 =	vmul.f32 v31, v31;
	v34 =	vadd.f32 v36, v34  }
0x1d4: {  	v55 =	vmin.f32 v48, $1.000000000e+00;
	v24 =	vadd.f32 v24, v13;
	v13 =	vsel vm0, $0x3F800000, v1  }
0x1d5: {  	v19 =	vld.idx.msk [tilespmem:v19+s5+$0x0], $0xffff;
	v35 =	vmax.f32 v48, $1.000000000e+00;
	v38 =	vmul.f32 v55, v55;
	v31 =	vadd.f32 v31, v34  }
0x1d6: {  	s26 =	simm.s32 $0x10810;
	v24 =	vadd.f32 v32, v24;
	v32 =	vand.u32 $0x7FFFFFFF, v33;
	v21 =	vsub.f32 v26, v21;
	v26 =	vld.idx.msk [tilespmem:v0+s2+$0x0], $0xffff  }
0x1d7: {  	v33 =	vsub.f32 v58, v56;
	v57 =	vmin.f32 v32, $1.000000000e+00;
	v31 =	vadd.f32 v28, v31;
	v28 =	vld.idx.msk [tilespmem:v0+s26+$0x0], $0xffff  }
0x1d8: {  	v32 =	vmax.f32 v32, $1.000000000e+00;
	v24 =	vadd.f32 v27, v24;
	v23 =	vsub.f32 v54, v23  }
0x1d9: {  	s3 =	simm.s32 $0x9010;
	v36 =	vmul.f32 v57, v57;
	v33 =	vand.u32 $0x7FFFFFFF, v33;
	v25 =	vadd.f32 v25, v32  }
0x1da: {  	v62 =	vld.idx.msk [tilespmem:v8+s3+$0x0], $0xffff;
	v63 =	vmin.f32 v33, $1.000000000e+00;
	v20 =	vadd.f32 v20, v24;
	v23 =	vand.u32 $0x7FFFFFFF, v23  }
0x1db: {  	v51 =	vld.idx.msk [tilespmem:v0+s3+$0x0], $0xffff;
	s5 =	simm.s32 $0x0;
	v36 =	vadd.f32 v37, v36;
	v22 =	vadd.f32 v22, v25;
	v25 =	vmul.f32 v63, v63  }
0x1dc: {  	v53 =	vld.idx.msk [tilespmem:v7+s3+$0x0], $0xffff;
	s6 =	sand.u32 $0x7, s5;
	v61 =	vmax.f32 v23, $1.000000000e+00;
	v19 =	vsub.f32 v26, v19;
	v26 =	vadd.s32 $0x100, v28  }
0x1dd: {  	v49 =	vld.idx.msk [tilespmem:v5+s3+$0x0], $0xffff;
	s4 =	smul.u32 $0xA00, s6;
	s2 =	simm.s32 $0x2010;
	v23 =	vmin.f32 v23, $1.000000000e+00;
	v20 =	vadd.f32 v35, v20;
	v59 =	vadd.s32 $0x140, v28  }
0x1de: {  	v45 =	vld.idx.msk [tilespmem:v3+s2+$0x0], $0xffff;
	v29 =	vadd.f32 v29, v36;
	v60 =	vadd.s32 $0x1C0, v28;
	v19 =	vand.u32 $0x7FFFFFFF, v19  }
0x1df: {  	s4 =	sshrl.u32 s4, $0x2;
	v24 =	vadd.s32 $0x80, v28;
	v20 =	vadd.f32 v30, v20;
	v30 =	vld.idx.msk [tilespmem:v6+s3+$0x0], $0xffff;
	v47 =	vmin.f32 v19, $1.000000000e+00  }
0x1e0: {  	v21 =	vand.u32 $0x7FFFFFFF, v21;
	v23 =	vmul.f32 v23, v23;
	v47 =	vmul.f32 v47, v47;
	v54 =	vld.idx.msk [tilespmem:v28+s4+$0x12800], $0xffff  }
0x1e1: {  	v34 =	vadd.s32 $0x40, v28;
	v25 =	vadd.f32 v25, v29;
	v29 =	vmul.f32 v41, v41;
	v26 =	vld.idx.msk [tilespmem:v26+s4+$0x12800], $0xffff  }
0x1e2: {  	s26 =	sshll.u32 s6, $0x8;
	v33 =	vmax.f32 v33, $1.000000000e+00;
	v56 =	vmin.f32 v21, $1.000000000e+00;
	v23 =	vadd.f32 v23, v47;
	v57 =	vld.idx.msk [tilespmem:v59+s4+$0x12800], $0xffff  }
0x1e3: {  	s9 =	sor.u32 $0x12000, s26;
	v50 =	vadd.s32 $0x180, v28;
	v19 =	vmax.f32 v19, $1.000000000e+00;
	v29 =	vadd.f32 v29, v31;
	v31 =	vld.idx.msk [tilespmem:v60+s4+$0x12800], $0xffff  }
0x1e4: {  	v20 =	vadd.f32 v18, v20;
	v18 =	vadd.f32 v61, v19;
	v19 =	vmul.f32 $5.000000000e-01, v23;
	v23 =	vld.idx.msk [tilespmem:v24+s9+$0x0], $0xffff  }
0x1e5: {  	v42 =	vld.idx.msk [tilespmem:v2+s2+$0x0], $0xffff;
	v21 =	vmax.f32 v21, $1.000000000e+00;
	v22 =	vadd.f32 v33, v22;
	v33 =	vmul.f32 v56, v56  }
0x1e6: {  	v44 =	vadd.s32 $0x200, v28;
	v27 =	vadd.s32 $0xC0, v28;
	v18 =	vadd.f32 v19, v18;
	v19 =	vld.idx.msk [tilespmem:v34+s9+$0x0], $0xffff  }
0x1e7: {  	v48 =	vld.idx.msk [tilespmem:v3+s3+$0x0], $0xffff;
	v52 =	vadd.s32 $0x240, v28;
	v32 =	vsub.f32 v51, v54;
	v41 =	vsub.f32 v49, v26  }
0x1e8: {  	v55 =	vld.idx.msk [tilespmem:v2+s3+$0x0], $0xffff;
	v25 =	vmul.f32 $5.000000000e-01, v25;
	v30 =	vsub.f32 v30, v57;
	v18 =	vadd.f32 $-2.000000000e+00, v18  }
0x1e9: {  	v59 =	vld.idx.msk [tilespmem:v50+s4+$0x12800], $0xffff;
	v32 =	vand.u32 $0x7FFFFFFF, v32;
	v31 =	vsub.f32 v62, v31;
	v23 =	vsub.f32 v45, v23  }
0x1ea: {  	v60 =	vld.idx.msk [tilespmem:v24+s4+$0x12800], $0xffff;
	v58 =	vmul.f32 v18, v13;
	v18 =	vadd.f32 v25, v22;
	v22 =	vadd.f32 v14, v29  }
0x1eb: {  	s22 =	simm.s32 $0x10;
	v39 =	vand.u32 $0x7FFFFFFF, v31;
	v25 =	vld.idx.msk [tilespmem:v4+s3+$0x0], $0xffff;
	v29 =	vmin.f32 v32, $1.000000000e+00;
	v19 =	vsub.f32 v42, v19  }
0x1ec: {  	s16 =	sand.u32 $0x400, s22;
	v32 =	vmax.f32 v32, $1.000000000e+00;
	v14 =	vadd.f32 v58, v16;
	v16 =	vld.idx.msk [tilespmem:v27+s4+$0x12800], $0xffff;
	v22 =	vadd.f32 v38, v22  }
0x1ed: {  	s7 =	sshrl.u32 s16, $0x2;
	s23 =	sshll.u32 s6, $0x9;
	v61 =	vld.idx.msk [tilespmem:v34+s4+$0x12800], $0xffff;
	v23 =	vand.u32 $0x7FFFFFFF, v23;
	v26 =	vand.u32 $0x7FFFFFFF, v19;
	v19 =	vand.u32 $0x7FFFFFFF, v30  }
0x1ee: {  	s7 =	sor.u32 s7, s23;
	s26 =	sand.u32 $0x70, s22;
	v30 =	vsub.f32 v53, v59;
	v17 =	vadd.f32 v17, v22;
	v22 =	vmul.f32 v46, v46  }
0x1ef: {  	s5 =	sshll.u32 s6, $0x7;
	s6 =	sor.u32 s26, s7;
	v29 =	vmul.f32 v29, v29;
	v24 =	vmin.f32 v23, $1.000000000e+00;
	v62 =	vmin.f32 v19, $1.000000000e+00  }
0x1f0: {  	s7 =	sor.u32 $0xF000, s6;
	v31 =	vand.u32 $0x7FFFFFFF, v30;
	v30 =	vadd.f32 v21, v20;
	v17 =	vadd.f32 v22, v17  }
0x1f1: {  	v40 =	vld.idx.msk [tilespmem:v0+s7+$0x0], $0xffff;
	v63 =	vsub.f32 v25, v16;
	v25 =	vmax.f32 v19, $1.000000000e+00;
	v19 =	vsub.f32 v48, v60  }
0x1f2: {  	v54 =	vld.idx.msk [tilespmem:v10+s3+$0x0], $0xffff;
	v22 =	vmin.f32 v39, $1.000000000e+00;
	v16 =	vmul.f32 v62, v62;
	v48 =	vsub.f32 v55, v61  }
0x1f3: {  	v45 =	vld.idx.msk [tilespmem:v52+s4+$0x12800], $0xffff;
	v17 =	vadd.f32 v33, v17;
	v33 =	vmin.f32 v26, $1.000000000e+00;
	v49 =	vand.u32 $0x7FFFFFFF, v19  }
0x1f4: {  	v42 =	vld.idx.msk [tilespmem:v44+s4+$0x12800], $0xffff;
	v51 =	vand.u32 $0x7FFFFFFF, v48;
	v59 =	vand.u32 $0x7FFFFFFF, v63;
	v63 =	vand.u32 $0x7FFFFFFF, v41  }
0x1f5: {  	v55 =	vld.idx.msk [tilespmem:v9+s3+$0x0], $0xffff;
	s3 =	simm.s32 $0x11810;
	v50 =	vmul.f32 $5.000000000e-01, v17;
	v17 =	vmul.f32 v22, v22;
	v52 =	vmin.f32 v51, $1.000000000e+00  }
0x1f6: {  	s5 =	sor.u32 $0x13C00, s5;
	v57 =	vld.idx.msk [tilespmem:v0+s3+$0x0], $0xffff;
	v22 =	vmax.f32 v39, $1.000000000e+00;
	v53 =	vmin.f32 v49, $1.000000000e+00;
	v37 =	vmul.f32 v52, v52  }
0x1f7: {  	v19 =	vld.idx.msk [tilespmem:v34+s5+$0x0], $0xffff;
	v34 =	vmax.f32 v51, $1.000000000e+00;
	v56 =	vmax.f32 v49, $1.000000000e+00;
	v30 =	vadd.f32 v50, v30  }
0x1f8: {  	v35 =	vld.idx.msk [tilespmem:v28+s9+$0x0], $0xffff;
	v60 =	vmin.f32 v59, $1.000000000e+00;
	v38 =	vmul.f32 v53, v53;
	v29 =	vadd.f32 v37, v29  }
0x1f9: {  	v27 =	vld.idx.msk [tilespmem:v27+s9+$0x0], $0xffff;
	v41 =	vmax.f32 v63, $1.000000000e+00;
	v58 =	vadd.f32 v34, v32;
	v30 =	vadd.f32 $-1.000000000e+01, v30  }
0x1fa: {  	v21 =	vld.idx.msk [tilespmem:v0+s2+$0x0], $0xffff;
	v62 =	vmul.f32 v60, v60;
	v42 =	vsub.f32 v55, v42;
	v29 =	vadd.f32 v38, v29  }
0x1fb: {  	v20 =	vld.idx.msk [tilespmem:v11+s7+$0x0], $0xffff;
	v37 =	vmax.f32 v59, $1.000000000e+00;
	vm0 =	vgt.f32 v57, $0.0e+00;
	v61 =	vmul.f32 v30, v13  }
0x1fc: {  	v32 =	vld.idx.msk [tilespmem:v28+s5+$0x0], $0xffff;
	v43 =	vadd.f32 v56, v58;
	v38 =	vmin.f32 v31, $1.000000000e+00;
	v28 =	vadd.f32 v62, v29  }
0x1fd: {  	s23 =	simm.s32 $0x10820;
	s6 =	simm.s32 $0x2;
	s4 =	simm.s32 $0x9020;
	v34 =	vld.idx.msk [tilespmem:v4+s2+$0x0], $0xffff;
	v30 =	vmin.f32 v63, $1.000000000e+00;
	v29 =	vsub.f32 v54, v45;
	v15 =	vadd.f32 v61, v15  }
.LBB2_4:
0x1fe: {  	s5 =	smov.u32 s6  }
0x1ff: {  	s7 =	sshrl.u32 s6, $0x3;
	v36 =	vld.idx.msk [tilespmem:v0+s23+$0x0], $0xffff;
	v44 =	vsel vm0, $0x3F800000, v1;
	v38 =	vmul.f32 v38, v38;
	s2 =	sadd.s32 $0x10, s2;
	v18 =	vadd.f32 $-4.000000000e+00, v18;
	s5 =	sadd.s32 $0x1, s6  }
0x200: {  	p0 =	sne.s32 s6, $0x7F;
	v21 =	vsub.f32 v21, v35;
	v42 =	vand.u32 $0x7FFFFFFF, v42;
	s8 =	sand.u32 $0x7, s7;
	v35 =	vadd.f32 v37, v43;
	v39 =	vld.idx.msk [tilespmem:v2+s2+$0x0], $0xffff  }
0x201: {  	v24 =	vmul.f32 v24, v24;
	v23 =	vmax.f32 v23, $1.000000000e+00;
	s6 =	smul.u32 $0xA00, s8;
	s9 =	sshll.u32 s8, $0x9;
	s7 =	sshll.u32 s8, $0x7;
	v18 =	vmul.f32 v18, v13;
	v13 =	vmovc v44;
	v43 =	vld.idx.msk [tilespmem:v3+s2+$0x0], $0xffff  }
0x202: {  	v26 =	vmax.f32 v26, $1.000000000e+00;
	v44 =	vand.u32 $0x7FFFFFFF, v21;
	s7 =	sor.u32 $0x13C00, s7;
	v21 =	vadd.f32 v41, v35;
	v37 =	vld.idx.msk [tilespmem:v3+s4+$0x0], $0xffff  }
0x203: {  	v33 =	vmul.f32 v33, v33;
	v35 =	vmin.f32 v44, $1.000000000e+00;
	v12 =	vadd.f32 v18, v12;
	v41 =	vld.idx.msk [tilespmem:v8+s4+$0x0], $0xffff  }
0x204: {  	v19 =	vsub.f32 v20, v19;
	v18 =	vmax.f32 v31, $1.000000000e+00;
	v31 =	vsub.f32 v40, v32;
	v45 =	vld.idx.msk [tilespmem:v5+s4+$0x0], $0xffff  }
0x205: {  	s22 =	sadd.s32 $0x10, s22;
	s8 =	sshll.u32 s8, $0x8;
	v32 =	vadd.s32 $0x40, v36;
	v47 =	vadd.s32 $0x100, v36;
	v20 =	vadd.f32 v25, v21;
	v46 =	vld.idx.msk [tilespmem:v0+s4+$0x0], $0xffff  }
0x206: {  	s26 =	sor.u32 $0x12000, s8;
	s8 =	sshrl.u32 s6, $0x2;
	s6 =	sand.u32 $0x400, s22;
	v40 =	vand.u32 $0x7FFFFFFF, v19;
	v25 =	vadd.s32 $0x80, v36;
	v49 =	vadd.s32 $0x140, v36;
	v48 =	vld.idx.msk [tilespmem:v6+s4+$0x0], $0xffff  }
0x207: {  	v51 =	vadd.s32 $0x1C0, v36;
	v52 =	vadd.s32 $0x200, v36;
	s6 =	sshrl.u32 s6, $0x2;
	v31 =	vand.u32 $0x7FFFFFFF, v31;
	v50 =	vld.idx.msk [tilespmem:v7+s4+$0x0], $0xffff  }
0x208: {  	s16 =	sand.u32 $0x70, s22;
	v55 =	vmin.f32 v42, $1.000000000e+00;
	v53 =	vadd.s32 $0xC0, v36;
	s6 =	sor.u32 s6, s9;
	v56 =	vmin.f32 v31, $1.000000000e+00;
	v54 =	vld.idx.msk [tilespmem:v2+s4+$0x0], $0xffff  }
0x209: {  	v27 =	vsub.f32 v34, v27;
	v34 =	vmax.f32 v40, $1.000000000e+00;
	s6 =	sor.u32 s16, s6;
	v18 =	vadd.f32 v18, v20;
	v21 =	vld.idx.msk [tilespmem:v0+s2+$0x0], $0xffff  }
0x20a: {  	v35 =	vmul.f32 v35, v35;
	v20 =	vmin.f32 v40, $1.000000000e+00;
	s6 =	sor.u32 $0xF000, s6;
	v56 =	vmul.f32 v56, v56;
	v19 =	vld.idx.msk [tilespmem:v32+s7+$0x0], $0xffff  }
0x20b: {  	v58 =	vadd.s32 $0x180, v36;
	v27 =	vand.u32 $0x7FFFFFFF, v27;
	v59 =	vmul.f32 v20, v20;
	v57 =	vld.idx.msk [tilespmem:v4+s4+$0x0], $0xffff  }
0x20c: {  	v33 =	vadd.f32 v33, v35;
	v35 =	vmin.f32 v27, $1.000000000e+00;
	v18 =	vadd.f32 v22, v18;
	v20 =	vld.idx.msk [tilespmem:v11+s6+$0x0], $0xffff  }
0x20d: {  	v44 =	vmax.f32 v44, $1.000000000e+00;
	v22 =	vadd.s32 $0x240, v36;
	v56 =	vadd.f32 v59, v56;
	v40 =	vld.idx.msk [tilespmem:v10+s4+$0x0], $0xffff  }
0x20e: {  	v42 =	vmax.f32 v42, $1.000000000e+00;
	v26 =	vadd.f32 v26, v44;
	v31 =	vmax.f32 v31, $1.000000000e+00;
	v59 =	vld.idx.msk [tilespmem:v36+s8+$0x12800], $0xffff  }
0x20f: {  	v42 =	vadd.f32 v42, v18;
	v18 =	vadd.f32 v34, v31;
	v31 =	vmul.f32 $5.000000000e-01, v56;
	v44 =	vld.idx.msk [tilespmem:v25+s26+$0x0], $0xffff  }
0x210: {  	v23 =	vadd.f32 v23, v26;
	v26 =	vmul.f32 v35, v35;
	v24 =	vadd.f32 v24, v33;
	v34 =	vld.idx.msk [tilespmem:v32+s26+$0x0], $0xffff  }
0x211: {  	v29 =	vand.u32 $0x7FFFFFFF, v29;
	v27 =	vmax.f32 v27, $1.000000000e+00;
	v18 =	vadd.f32 v31, v18;
	v33 =	vld.idx.msk [tilespmem:v49+s8+$0x12800], $0xffff  }
0x212: {  	v23 =	vadd.f32 v27, v23;
	v24 =	vadd.f32 v26, v24;
	v26 =	vmul.f32 v30, v30;
	v31 =	vld.idx.msk [tilespmem:v47+s8+$0x12800], $0xffff  }
0x213: {  	v18 =	vadd.f32 $-2.000000000e+00, v18;
	v47 =	vld.idx.msk [tilespmem:v22+s8+$0x12800], $0xffff;
	v22 =	vmin.f32 v29, $1.000000000e+00;
	v29 =	vmax.f32 v29, $1.000000000e+00  }
0x214: {  	v24 =	vmul.f32 $5.000000000e-01, v24;
	v26 =	vadd.f32 v26, v28;
	v27 =	vsub.f32 v46, v59;
	v30 =	vld.idx.msk [tilespmem:v51+s8+$0x12800], $0xffff  }
0x215: {  	v35 =	vmul.f32 v18, v13;
	v28 =	vsub.f32 v43, v44;
	v22 =	vmul.f32 v22, v22;
	v43 =	vld.idx.msk [tilespmem:v58+s8+$0x12800], $0xffff  }
0x216: {  	v16 =	vadd.f32 v16, v26;
	v18 =	vadd.f32 v24, v23;
	v27 =	vand.u32 $0x7FFFFFFF, v27;
	v44 =	vld.idx.msk [tilespmem:v53+s8+$0x12800], $0xffff  }
0x217: {  	v14 =	vadd.f32 v35, v14;
	v46 =	vmin.f32 v27, $1.000000000e+00;
	v49 =	vmax.f32 v27, $1.000000000e+00;
	v51 =	vld.idx.msk [tilespmem:v25+s8+$0x12800], $0xffff  }
0x218: {  	v16 =	vadd.f32 v38, v16;
	v23 =	vand.u32 $0x7FFFFFFF, v28;
	v45 =	vsub.f32 v45, v31;
	v28 =	vld.idx.msk [tilespmem:v32+s8+$0x12800], $0xffff  }
0x219: {  	v25 =	vsub.f32 v39, v34;
	v24 =	vmin.f32 v23, $1.000000000e+00;
	v31 =	vsub.f32 v48, v33;
	v39 =	vld.idx.msk [tilespmem:v52+s8+$0x12800], $0xffff  }
0x21a: {  	v16 =	vadd.f32 v17, v16;
	v17 =	vmul.f32 v55, v55;
	v30 =	vsub.f32 v41, v30;
	v35 =	vld.idx.msk [tilespmem:v36+s26+$0x0], $0xffff  }
0x21b: {  	v26 =	vand.u32 $0x7FFFFFFF, v25;
	v25 =	vand.u32 $0x7FFFFFFF, v31;
	v31 =	vsub.f32 v50, v43;
	v27 =	vld.idx.msk [tilespmem:v53+s26+$0x0], $0xffff  }
0x21c: {  	v17 =	vadd.f32 v17, v16;
	v33 =	vmin.f32 v25, $1.000000000e+00;
	v30 =	vand.u32 $0x7FFFFFFF, v30;
	v32 =	vld.idx.msk [tilespmem:v36+s7+$0x0], $0xffff  }
0x21d: {  	v25 =	vmax.f32 v25, $1.000000000e+00;
	v34 =	vsub.f32 v57, v44;
	v16 =	vmul.f32 v33, v33  }
0x21e: {  	v17 =	vadd.f32 v22, v17;
	v33 =	vsub.f32 v37, v51;
	v36 =	vmin.f32 v30, $1.000000000e+00  }
0x21f: {  	v31 =	vand.u32 $0x7FFFFFFF, v31;
	v22 =	vsub.f32 v54, v28;
	v28 =	vadd.f32 v29, v42  }
0x220: {  	v29 =	vmul.f32 v46, v46;
	v37 =	vand.u32 $0x7FFFFFFF, v33;
	v33 =	vmul.f32 $5.000000000e-01, v17  }
0x221: {  	v17 =	vmul.f32 v36, v36;
	v38 =	vand.u32 $0x7FFFFFFF, v22;
	v22 =	vmax.f32 v30, $1.000000000e+00  }
0x222: {  	v36 =	vmin.f32 v37, $1.000000000e+00;
	v30 =	vmin.f32 v38, $1.000000000e+00;
	v28 =	vadd.f32 v33, v28  }
0x223: {  	s3 =	sadd.s32 $0x10, s3;
	v33 =	vmin.f32 v26, $1.000000000e+00;
	v36 =	vmul.f32 v36, v36;
	v30 =	vmul.f32 v30, v30;
	v42 =	vld.idx.msk [tilespmem:v9+s4+$0x0], $0xffff  }
0x224: {  	v44 =	vmax.f32 v37, $1.000000000e+00;
	v38 =	vmax.f32 v38, $1.000000000e+00;
	v28 =	vadd.f32 $-1.000000000e+01, v28;
	v43 =	vld.idx.msk [tilespmem:v0+s3+$0x0], $0xffff  }
0x225: {  	v46 =	vadd.f32 v38, v49;
	v29 =	vadd.f32 v30, v29;
	v30 =	vand.u32 $0x7FFFFFFF, v34  }
.Ltmp1:
0x226: {  	v34 =	vmin.f32 v30, $1.000000000e+00;
	v37 =	vmax.f32 v30, $1.000000000e+00;
	v28 =	vmul.f32 v28, v13;
	(pc) =	sbr.rel @p0 .LBB2_4-.Ltmp1, $4  }
0x227: {  	v29 =	vadd.f32 v36, v29;
	v36 =	vmul.f32 v34, v34;
	v34 =	vand.u32 $0x7FFFFFFF, v45  }
0x228: {  	v30 =	vmin.f32 v34, $1.000000000e+00;
	v41 =	vmax.f32 v34, $1.000000000e+00;
	v15 =	vadd.f32 v28, v15  }
0x229: {  	v38 =	vmin.f32 v31, $1.000000000e+00;
	v28 =	vadd.f32 v36, v29;
	v42 =	vsub.f32 v42, v39;
	v34 =	vld.idx.msk [tilespmem:v4+s2+$0x0], $0xffff  }
0x22a: {  	s23 =	sadd.s32 $0x10, s23;
	s4 =	sadd.s32 $0x10, s4;
	v29 =	vsub.f32 v40, v47;
	vm0 =	vgt.f32 v43, $0.0e+00;
	v43 =	vadd.f32 v44, v46;
	v40 =	vld.idx.msk [tilespmem:v0+s6+$0x0], $0xffff;
	s6 =	smov.u32 s5  }
0x22b: {  	_ =	swait.ge [sflag:s20], $0x800  }
0x22c: {  	[sflag:s20] =	ssyncset.done $0x0  }
0x22d: {  	[sflag:s20] =	ssyncadd.s32 $0xFFFFF800  }
0x22e: {  	_ =	swait.ge [sflag:s20], $0x800  }
0x22f: {  	[sflag:s20] =	ssyncset.done $0x0  }
0x230: {  	[sflag:s20] =	ssyncadd.s32 $0xFFFFF800  }
0x231: {  	_ =	swait.ge [sflag:s20], $0x800  }
0x232: {  	[sflag:s20] =	ssyncset.done $0x0  }
0x233: {  	[sflag:s20] =	ssyncadd.s32 $0xFFFFF800  }
0x234: {  	_ =	swait.ge [sflag:s20], $0x800  }
0x235: {  	[sflag:s20] =	ssyncset.done $0x0  }
0x236: {  	[sflag:s20] =	ssyncadd.s32 $0xFFFFF800  }
0x237: {  	_ =	swait.ge [sflag:s20], $0x800  }
0x238: {  	[sflag:s20] =	ssyncset.done $0x0  }
0x239: {  	[sflag:s20] =	ssyncadd.s32 $0xFFFFF800  }
0x23a: {  	_ =	swait.ge [sflag:s20], $0x800  }
0x23b: {  	[sflag:s20] =	ssyncset.done $0x0  }
0x23c: {  	[sflag:s20] =	ssyncadd.s32 $0xFFFFF800  }
0x23d: {  	_ =	swait.ge [sflag:s20], $0x800  }
0x23e: {  	[sflag:s20] =	ssyncset.done $0x0  }
0x23f: {  	[sflag:s20] =	ssyncadd.s32 $0xFFFFF800  }
0x240: {  	_ =	swait.ge [sflag:s20], $0x800  }
0x241: {  	[sflag:s20] =	ssyncset.done $0x0  }
0x242: {  	[sflag:s20] =	ssyncadd.s32 $0xFFFFF800  }
0x243: {  	_ =	swait.ge [sflag:s20], $0x800  }
0x244: {  	[sflag:s20] =	ssyncset.done $0x0  }
0x245: {  	[sflag:s20] =	ssyncadd.s32 $0xFFFFF800  }
0x246: {  	_ =	swait.ge [sflag:s20], $0x800  }
0x247: {  	[sflag:s20] =	ssyncset.done $0x0  }
0x248: {  	[sflag:s20] =	ssyncadd.s32 $0xFFFFF800  }
0x249: {  	_ =	swait.ge [sflag:s20], $0x800  }
0x24a: {  	[sflag:s20] =	ssyncset.done $0x0  }
0x24b: {  	[sflag:s20] =	ssyncadd.s32 $0xFFFFF800  }
0x24c: {  	_ =	swait.ge [sflag:s20], $0x800  }
0x24d: {  	[sflag:s20] =	ssyncset.done $0x0  }
0x24e: {  	[sflag:s20] =	ssyncadd.s32 $0xFFFFF800  }
0x24f: {  	_ =	swait.ge [sflag:s20], $0x800  }
0x250: {  	[sflag:s20] =	ssyncset.done $0x0  }
0x251: {  	[sflag:s20] =	ssyncadd.s32 $0xFFFFF800  }
0x252: {  	_ =	swait.ge [sflag:s20], $0x800  }
0x253: {  	[sflag:s20] =	ssyncset.done $0x0  }
0x254: {  	[sflag:s20] =	ssyncadd.s32 $0xFFFFF800  }
0x255: {  	_ =	swait.ge [sflag:s20], $0x1000  }
0x256: {  	[sflag:s20] =	ssyncset.done $0x0  }
0x257: {  	[sflag:s20] =	ssyncadd.s32 $0xFFFFF000  }
0x258: {  	_ =	swait.ge [sflag:s20], $0x800  }
0x259: {  	[sflag:s20] =	ssyncset.done $0x0  }
0x25a: {  	[sflag:s20] =	ssyncadd.s32 $0xFFFFF800  }
0x25b: {  	_ =	swait.ge [sflag:s20], $0x800  }
0x25c: {  	s3 =	sld [smem:$0x7EE]  }
0x25d: {  	s2 =	simm.s32 $0x0;
	[sflag:s20] =	ssyncset.done $0x0  }
0x25e: {  	s4 =	simm.s32 $0x2000;
	s23 =	sld [smem:$0x7EF];
	[sflag:s20] =	ssyncadd.s32 $0xFFFFF800  }
0x25f: {  	[tilespmem:s4], [sflag:$0x2] =	stream.linear.gather [hbm4b:s3+s2], $0x800, $0x38;
	[tilespmem:$0x14030] =	vst v63  }
0x260: {  	s26 =	simm.s32 $0x2800;
	s4 =	sld [smem:$0x7F0]  }
0x261: {  	[tilespmem:s26], [sflag:$0x2] =	stream.linear.gather [hbm4b:s23+s2], $0x800, $0x38;
	[tilespmem:$0x14030] =	vst v63  }
0x262: {  	s5 =	simm.s32 $0x3000;
	s6 =	sld [smem:$0x7F1]  }
0x263: {  	[tilespmem:s5], [sflag:$0x2] =	stream.linear.gather [hbm4b:s4+s2], $0x800, $0x38;
	[tilespmem:$0x14030] =	vst v63  }
0x264: {  	s7 =	simm.s32 $0x3800;
	s8 =	sld [smem:$0x7F5]  }
0x265: {  	[tilespmem:s7], [sflag:$0x2] =	stream.linear.gather [hbm4b:s6+s2], $0x800, $0x38;
	[tilespmem:$0x14030] =	vst v63  }
0x266: {  	s9 =	simm.s32 $0x9000;
	s16 =	sld [smem:$0x7F2]  }
0x267: {  	[tilespmem:s9], [sflag:$0x2] =	stream.linear.gather [hbm4b:s8+s2], $0x800, $0x38;
	[tilespmem:$0x14030] =	vst v63  }
0x268: {  	s22 =	simm.s32 $0x9800;
	s23 =	sld [smem:$0x7F3]  }
0x269: {  	[tilespmem:s22], [sflag:$0x2] =	stream.linear.gather [hbm4b:s16+s2], $0x800, $0x38;
	[tilespmem:$0x14030] =	vst v63  }
0x26a: {  	s26 =	simm.s32 $0xA000;
	s4 =	sld [smem:$0x7F4]  }
0x26b: {  	[tilespmem:s26], [sflag:$0x2] =	stream.linear.gather [hbm4b:s23+s2], $0x800, $0x38;
	[tilespmem:$0x14030] =	vst v63  }
0x26c: {  	s5 =	simm.s32 $0xA800;
	s6 =	sld [smem:$0x7F6]  }
0x26d: {  	[tilespmem:s5], [sflag:$0x2] =	stream.linear.gather [hbm4b:s4+s2], $0x800, $0x38;
	[tilespmem:$0x14030] =	vst v63  }
0x26e: {  	s7 =	simm.s32 $0xB000;
	s8 =	sld [smem:$0x7F7]  }
0x26f: {  	[tilespmem:s7], [sflag:$0x2] =	stream.linear.gather [hbm4b:s6+s2], $0x800, $0x38;
	[tilespmem:$0x14030] =	vst v63  }
0x270: {  	s9 =	simm.s32 $0xB800;
	s16 =	sld [smem:$0x7F8]  }
0x271: {  	[tilespmem:s9], [sflag:$0x2] =	stream.linear.gather [hbm4b:s8+s2], $0x800, $0x38;
	[tilespmem:$0x14030] =	vst v63  }
0x272: {  	s22 =	simm.s32 $0xC000;
	s23 =	sld [smem:$0x7F9]  }
0x273: {  	[tilespmem:s22], [sflag:$0x2] =	stream.linear.gather [hbm4b:s16+s2], $0x800, $0x38;
	[tilespmem:$0x14030] =	vst v63  }
0x274: {  	v36 =	vmul.f32 v38, v38;
	v21 =	vsub.f32 v21, v35;
	s26 =	simm.s32 $0xC800;
	s4 =	sld [smem:$0x7FA]  }
0x275: {  	v50 =	vand.u32 $0x7FFFFFFF, v42;
	v24 =	vmul.f32 v24, v24;
	v23 =	vmax.f32 v23, $1.000000000e+00;
	[tilespmem:s26], [sflag:$0x2] =	stream.linear.gather [hbm4b:s23+s2], $0x800, $0x38;
	[tilespmem:$0x14030] =	vst v63  }
0x276: {  	v26 =	vmax.f32 v26, $1.000000000e+00;
	v19 =	vsub.f32 v20, v19;
	v20 =	vmul.f32 v33, v33;
	s5 =	simm.s32 $0xD000;
	s6 =	sld [smem:$0x7FB]  }
0x277: {  	v31 =	vmax.f32 v31, $1.000000000e+00;
	v30 =	vmul.f32 v30, v30;
	v49 =	vadd.f32 v37, v43;
	[tilespmem:s5], [sflag:$0x2] =	stream.linear.gather [hbm4b:s4+s2], $0x800, $0x38;
	[tilespmem:$0x14030] =	vst v63  }
0x278: {  	v52 =	vmin.f32 v50, $1.000000000e+00;
	v29 =	vand.u32 $0x7FFFFFFF, v29;
	v21 =	vand.u32 $0x7FFFFFFF, v21;
	s7 =	rddreg [dreg:$0xd]  }
0x279: {  	v19 =	vand.u32 $0x7FFFFFFF, v19;
	v28 =	vadd.f32 v30, v28;
	v35 =	vadd.f32 v41, v49;
	[tilespmem:s28], [sflag:$0x2] =	stream.linear.gather [hbm4b:s6+s2], $0x800, $0x38;
	[tilespmem:$0x14030] =	vst v63  }
0x27a: {  	v51 =	vmin.f32 v21, $1.000000000e+00;
	v27 =	vsub.f32 v34, v27;
	v21 =	vmax.f32 v21, $1.000000000e+00;
	s8 =	sld [smem:$0x7FC]  }
0x27b: {  	v32 =	vsub.f32 v40, v32;
	v54 =	vmul.f32 v51, v51;
	v16 =	vadd.f32 v16, v28;
	[tilespmem:s24], [sflag:$0x2] =	stream.strided.gather [hbm4b:s7+s19], $0x1000, s18, s19, $0x38;
	[tilespmem:$0x14030] =	vst v63  }
0x27c: {  	v21 =	vadd.f32 v26, v21;
	v25 =	vadd.f32 v25, v35;
	v27 =	vand.u32 $0x7FFFFFFF, v27;
	s9 =	sld [smem:$0x7FD]  }
0x27d: {  	v32 =	vand.u32 $0x7FFFFFFF, v32;
	v20 =	vadd.f32 v20, v54;
	v16 =	vadd.f32 v36, v16;
	[tilespmem:s29], [sflag:$0x2] =	stream.linear.gather [hbm4b:s8+s2], $0x800, $0x38;
	[tilespmem:$0x14030] =	vst v63  }
0x27e: {  	v53 =	vmin.f32 v32, $1.000000000e+00;
	v25 =	vadd.f32 v31, v25;
	v31 =	vmax.f32 v19, $1.000000000e+00;
	s16 =	simm.s32 $0x10000  }
0x27f: {  	v19 =	vmin.f32 v19, $1.000000000e+00;
	v32 =	vmax.f32 v32, $1.000000000e+00;
	v35 =	vmul.f32 v53, v53;
	[tilespmem:s21], [sflag:$0x2] =	stream.linear.gather [hbm4b:s9+s2], $0x800, $0x38;
	[tilespmem:$0x14030] =	vst v63  }
0x280: {  	v30 =	vmul.f32 v19, v19;
	v16 =	vadd.f32 v17, v16;
	v17 =	vmul.f32 v52, v52;
	v19 =	vld.idx.msk [tilespmem:v0+s16+$0x0], $0xffff  }
0x281: {  	v20 =	vadd.f32 v24, v20;
	v22 =	vadd.f32 v22, v25;
	v25 =	vmin.f32 v27, $1.000000000e+00;
	v26 =	vld.idx.msk [tilespmem:v2+s2+$0x0], $0xffff  }
0x282: {  	v28 =	vadd.f32 v30, v35;
	v30 =	vmax.f32 v50, $1.000000000e+00;
	v24 =	vmul.f32 v25, v25;
	s22 =	simm.s32 $0x4000;
	v55 =	vld.idx.msk [tilespmem:v3+s2+$0x0], $0xffff  }
0x283: {  	v25 =	vmin.f32 v29, $1.000000000e+00;
	v22 =	vadd.f32 v30, v22;
	v30 =	vadd.f32 v31, v32;
	v31 =	vld.idx.msk [tilespmem:v3+s22+$0x0], $0xffff  }
0x284: {  	v21 =	vadd.f32 v23, v21;
	v16 =	vadd.f32 v17, v16;
	v23 =	vmul.f32 v25, v25;
	v56 =	vld.idx.msk [tilespmem:v8+s22+$0x0], $0xffff  }
0x285: {  	v57 =	vld.idx.msk [tilespmem:v5+s22+$0x0], $0xffff  }
0x286: {  	v16 =	vadd.f32 v23, v16;
	v17 =	vld.idx.msk [tilespmem:v0+s22+$0x0], $0xffff  }
0x287: {  	v29 =	vmax.f32 v29, $1.000000000e+00;
	v25 =	vmax.f32 v27, $1.000000000e+00;
	v20 =	vadd.f32 v24, v20;
	v27 =	vld.idx.msk [tilespmem:v6+s22+$0x0], $0xffff  }
0x288: {  	v21 =	vadd.f32 v25, v21;
	v22 =	vadd.f32 v29, v22;
	v16 =	vmul.f32 $5.000000000e-01, v16;
	s23 =	simm.s32 $0x0;
	v25 =	vld.idx.msk [tilespmem:v7+s22+$0x0], $0xffff  }
0x289: {  	v18 =	vadd.f32 $-4.000000000e+00, v18;
	v28 =	vmul.f32 $5.000000000e-01, v28;
	s5 =	sand.u32 $0x7, s23;
	v59 =	vld.idx.msk [tilespmem:v2+s22+$0x0], $0xffff;
	v24 =	vadd.s32 $0x80, v19  }
0x28a: {  	v20 =	vmul.f32 $5.000000000e-01, v20;
	v16 =	vadd.f32 v16, v22;
	s3 =	smul.u32 $0xA00, s5;
	v60 =	vld.idx.msk [tilespmem:v4+s22+$0x0], $0xffff;
	v23 =	vadd.s32 $0x40, v19  }
0x28b: {  	v13 =	vmul.f32 v18, v13;
	v28 =	vadd.f32 v28, v30;
	s9 =	simm.s32 $0x11000;
	v49 =	vld.idx.msk [tilespmem:v9+s22+$0x0], $0xffff;
	v30 =	vadd.s32 $0x1C0, v19  }
0x28c: {  	v20 =	vadd.f32 v20, v21;
	v16 =	vadd.f32 $-1.000000000e+01, v16;
	s6 =	sshrl.u32 s3, $0x2;
	s7 =	sshll.u32 s5, $0x8;
	v50 =	vld.idx.msk [tilespmem:v0+s9+$0x0], $0xffff;
	v21 =	vadd.s32 $0x180, v19  }
0x28d: {  	v39 =	vsel vm0, $0x3F800000, v1;
	s3 =	sor.u32 $0x12000, s7;
	v62 =	vadd.s32 $0xC0, v19;
	v61 =	vld.idx.msk [tilespmem:v19+s6+$0x12800], $0xffff  }
0x28e: {  	v12 =	vadd.f32 v13, v12;
	v18 =	vadd.f32 $-4.000000000e+00, v20;
	v13 =	vmul.f32 v16, v39;
	v22 =	vld.idx.msk [tilespmem:v24+s3+$0x0], $0xffff  }
0x28f: {  	v63 =	vld.idx.msk [tilespmem:v23+s3+$0x0], $0xffff  }
0x290: {  	v16 =	vmul.f32 v18, v39;
	v15 =	vadd.f32 v13, v15;
	v13 =	vadd.s32 $0x200, v19;
	v18 =	vld.idx.msk [tilespmem:v30+s6+$0x12800], $0xffff  }
0x291: {  	v58 =	vadd.s32 $0x140, v19;
	v21 =	vld.idx.msk [tilespmem:v21+s6+$0x12800], $0xffff  }
0x292: {  	v28 =	vadd.f32 $-2.000000000e+00, v28;
	v12 =	vadd.f32 v16, v12;
	v29 =	vadd.s32 $0x100, v19;
	v16 =	vld.idx.msk [tilespmem:v62+s6+$0x12800], $0xffff  }
0x293: {  	v30 =	vld.idx.msk [tilespmem:v23+s6+$0x12800], $0xffff  }
0x294: {  	v28 =	vmul.f32 v28, v39;
	v24 =	vld.idx.msk [tilespmem:v24+s6+$0x12800], $0xffff  }
0x295: {  	v13 =	vld.idx.msk [tilespmem:v13+s6+$0x12800], $0xffff  }
0x296: {  	v14 =	vadd.f32 v28, v14;
	v20 =	vld.idx.msk [tilespmem:v58+s6+$0x12800], $0xffff;
	v17 =	vsub.f32 v17, v61  }
0x297: {  	v28 =	vadd.s32 $0x240, v19;
	v29 =	vld.idx.msk [tilespmem:v29+s6+$0x12800], $0xffff;
	v22 =	vsub.f32 v55, v22;
	v26 =	vsub.f32 v26, v63  }
0x298: {  	vm0 =	vgt.f32 v50, $0.0e+00;
	v18 =	vsub.f32 v56, v18;
	v21 =	vsub.f32 v25, v21  }
0x299: {  	v17 =	vand.u32 $0x7FFFFFFF, v17;
	v25 =	vsub.f32 v60, v16;
	v16 =	vsub.f32 v59, v30  }
0x29a: {  	v24 =	vsub.f32 v31, v24;
	v38 =	vsub.f32 v49, v13;
	v13 =	vsel vm0, $0x3F800000, v1  }
0x29b: {  	v42 =	vmin.f32 v17, $1.000000000e+00;
	v43 =	vmax.f32 v17, $1.000000000e+00;
	v17 =	vsub.f32 v27, v20  }
0x29c: {  	v20 =	vand.u32 $0x7FFFFFFF, v22;
	v22 =	vsub.f32 v57, v29;
	v26 =	vand.u32 $0x7FFFFFFF, v26  }
0x29d: {  	v18 =	vand.u32 $0x7FFFFFFF, v18;
	v21 =	vand.u32 $0x7FFFFFFF, v21;
	v45 =	vand.u32 $0x7FFFFFFF, v16  }
0x29e: {  	v51 =	vld.idx.msk [tilespmem:v19+s3+$0x0], $0xffff;
	v34 =	vmul.f32 v42, v42;
	v24 =	vand.u32 $0x7FFFFFFF, v24;
	v25 =	vand.u32 $0x7FFFFFFF, v25  }
0x29f: {  	v28 =	vld.idx.msk [tilespmem:v28+s6+$0x12800], $0xffff;
	v57 =	vand.u32 $0x7FFFFFFF, v38;
	v27 =	vmin.f32 v20, $1.000000000e+00;
	v29 =	vand.u32 $0x7FFFFFFF, v17  }
0x2a0: {  	v58 =	vld.idx.msk [tilespmem:v62+s3+$0x0], $0xffff;
	v44 =	vmin.f32 v18, $1.000000000e+00;
	v46 =	vmin.f32 v45, $1.000000000e+00;
	v47 =	vmin.f32 v24, $1.000000000e+00  }
0x2a1: {  	s26 =	sand.u32 $0x400, s2;
	v30 =	vld.idx.msk [tilespmem:v0+s2+$0x0], $0xffff;
	v18 =	vmax.f32 v18, $1.000000000e+00;
	v48 =	vmin.f32 v26, $1.000000000e+00;
	v33 =	vmax.f32 v45, $1.000000000e+00  }
0x2a2: {  	s7 =	sshrl.u32 s26, $0x2;
	s8 =	sshll.u32 s5, $0x9;
	s16 =	sshll.u32 s5, $0x7;
	v31 =	vld.idx.msk [tilespmem:v10+s22+$0x0], $0xffff;
	v24 =	vmax.f32 v24, $1.000000000e+00;
	v52 =	vmin.f32 v25, $1.000000000e+00;
	v25 =	vmax.f32 v25, $1.000000000e+00  }
0x2a3: {  	s7 =	sor.u32 s7, s8;
	s4 =	sor.u32 $0x13C00, s16;
	s22 =	sand.u32 $0x70, s2;
	v59 =	vld.idx.msk [tilespmem:v4+s2+$0x0], $0xffff;
	v55 =	vmin.f32 v21, $1.000000000e+00;
	v20 =	vmax.f32 v20, $1.000000000e+00;
	v26 =	vmax.f32 v26, $1.000000000e+00  }
0x2a4: {  	v19 =	vld.idx.msk [tilespmem:v19+s4+$0x0], $0xffff;
	s5 =	sor.u32 s22, s7;
	v21 =	vmax.f32 v21, $1.000000000e+00;
	v17 =	vmin.f32 v29, $1.000000000e+00;
	v16 =	vmul.f32 v44, v44  }
0x2a5: {  	v23 =	vld.idx.msk [tilespmem:v23+s4+$0x0], $0xffff;
	s5 =	sor.u32 $0xE000, s5;
	v29 =	vmax.f32 v29, $1.000000000e+00;
	v36 =	vmul.f32 v46, v46;
	v32 =	vmul.f32 v47, v47  }
0x2a6: {  	v54 =	vld.idx.msk [tilespmem:v11+s5+$0x0], $0xffff;
	v33 =	vadd.f32 v33, v43;
	v53 =	vmul.f32 v52, v52;
	v22 =	vand.u32 $0x7FFFFFFF, v22  }
0x2a7: {  	v56 =	vld.idx.msk [tilespmem:v0+s5+$0x0], $0xffff;
	v27 =	vmul.f32 v27, v27;
	v37 =	vmul.f32 v48, v48;
	v31 =	vsub.f32 v31, v28  }
0x2a8: {  	s23 =	simm.s32 $0x10010;
	v46 =	vmin.f32 v57, $1.000000000e+00;
	v30 =	vsub.f32 v30, v51;
	v38 =	vsub.f32 v59, v58  }
0x2a9: {  	v17 =	vmul.f32 v17, v17;
	v28 =	vld.idx.msk [tilespmem:v0+s23+$0x0], $0xffff;
	v34 =	vadd.f32 v36, v34;
	v24 =	vadd.f32 v24, v33  }
0x2aa: {  	v41 =	vmin.f32 v22, $1.000000000e+00;
	v22 =	vmax.f32 v22, $1.000000000e+00;
	v30 =	vand.u32 $0x7FFFFFFF, v30  }
0x2ab: {  	v38 =	vand.u32 $0x7FFFFFFF, v38;
	v32 =	vadd.f32 v32, v34;
	v24 =	vadd.f32 v25, v24  }
0x2ac: {  	v34 =	vmul.f32 v55, v55;
	v19 =	vsub.f32 v56, v19;
	v23 =	vsub.f32 v54, v23  }
0x2ad: {  	s3 =	simm.s32 $0x4010;
	v63 =	vmin.f32 v38, $1.000000000e+00;
	v32 =	vadd.f32 v53, v32;
	v22 =	vadd.f32 v22, v24  }
0x2ae: {  	s26 =	simm.s32 $0x0;
	v39 =	vld.idx.msk [tilespmem:v8+s3+$0x0], $0xffff;
	v24 =	vmin.f32 v30, $1.000000000e+00;
	v33 =	vadd.s32 $0x40, v28;
	v60 =	vadd.s32 $0x100, v28  }
0x2af: {  	s2 =	simm.s32 $0x10;
	v49 =	vld.idx.msk [tilespmem:v5+s3+$0x0], $0xffff;
	s5 =	sand.u32 $0x7, s26;
	v61 =	vadd.s32 $0x140, v28;
	v23 =	vand.u32 $0x7FFFFFFF, v23;
	v62 =	vadd.s32 $0x1C0, v28  }
0x2b0: {  	v42 =	vld.idx.msk [tilespmem:v2+s2+$0x0], $0xffff;
	s4 =	smul.u32 $0xA00, s5;
	v44 =	vadd.s32 $0x200, v28;
	v19 =	vand.u32 $0x7FFFFFFF, v19;
	v30 =	vmax.f32 v30, $1.000000000e+00  }
0x2b1: {  	v45 =	vld.idx.msk [tilespmem:v3+s2+$0x0], $0xffff;
	v25 =	vadd.s32 $0xC0, v28;
	v26 =	vadd.f32 v26, v30;
	v22 =	vadd.f32 v29, v22  }
0x2b2: {  	v51 =	vld.idx.msk [tilespmem:v0+s3+$0x0], $0xffff;
	s9 =	sshrl.u32 s4, $0x2;
	v47 =	vmin.f32 v19, $1.000000000e+00;
	v24 =	vmul.f32 v24, v24;
	v29 =	vadd.s32 $0x80, v28  }
0x2b3: {  	v47 =	vmul.f32 v47, v47;
	v55 =	vld.idx.msk [tilespmem:v28+s9+$0x12800], $0xffff;
	v20 =	vadd.f32 v20, v26;
	v21 =	vadd.f32 v21, v22  }
0x2b4: {  	v48 =	vld.idx.msk [tilespmem:v3+s3+$0x0], $0xffff;
	v26 =	vmax.f32 v38, $1.000000000e+00;
	v22 =	vmax.f32 v23, $1.000000000e+00;
	v23 =	vmin.f32 v23, $1.000000000e+00  }
0x2b5: {  	v23 =	vmul.f32 v23, v23;
	v20 =	vadd.f32 v26, v20;
	v26 =	vld.idx.msk [tilespmem:v60+s9+$0x12800], $0xffff;
	v18 =	vadd.f32 v18, v21  }
0x2b6: {  	v50 =	vadd.s32 $0x180, v28;
	v30 =	vmax.f32 v57, $1.000000000e+00;
	v24 =	vadd.f32 v37, v24;
	v58 =	vld.idx.msk [tilespmem:v62+s9+$0x12800], $0xffff  }
0x2b7: {  	v54 =	vld.idx.msk [tilespmem:v7+s3+$0x0], $0xffff;
	v19 =	vmax.f32 v19, $1.000000000e+00;
	v23 =	vadd.f32 v23, v47;
	v30 =	vadd.f32 v30, v18  }
0x2b8: {  	s8 =	sshll.u32 s5, $0x8;
	v56 =	vld.idx.msk [tilespmem:v2+s3+$0x0], $0xffff;
	v52 =	vadd.s32 $0x240, v28;
	v18 =	vadd.f32 v22, v19;
	v36 =	vsub.f32 v51, v55  }
0x2b9: {  	s16 =	sor.u32 $0x12000, s8;
	v21 =	vld.idx.msk [tilespmem:v6+s3+$0x0], $0xffff;
	v19 =	vmul.f32 $5.000000000e-01, v23;
	v23 =	vadd.f32 v27, v24;
	v27 =	vand.u32 $0x7FFFFFFF, v31  }
0x2ba: {  	v22 =	vld.idx.msk [tilespmem:v29+s16+$0x0], $0xffff;
	v24 =	vmul.f32 v63, v63;
	v31 =	vmin.f32 v27, $1.000000000e+00;
	v57 =	vmax.f32 v27, $1.000000000e+00  }
0x2bb: {  	v27 =	vld.idx.msk [tilespmem:v61+s9+$0x12800], $0xffff;
	v36 =	vand.u32 $0x7FFFFFFF, v36;
	v63 =	vsub.f32 v49, v26;
	v26 =	vsub.f32 v39, v58  }
0x2bc: {  	v58 =	vld.idx.msk [tilespmem:v9+s3+$0x0], $0xffff;
	v18 =	vadd.f32 v19, v18;
	v23 =	vadd.f32 v24, v23;
	v24 =	vmul.f32 v41, v41  }
0x2bd: {  	v19 =	vld.idx.msk [tilespmem:v33+s16+$0x0], $0xffff;
	v31 =	vmul.f32 v31, v31;
	v61 =	vmin.f32 v36, $1.000000000e+00;
	v36 =	vmax.f32 v36, $1.000000000e+00  }
0x2be: {  	v30 =	vadd.f32 v57, v30;
	v57 =	vld.idx.msk [tilespmem:v44+s9+$0x12800], $0xffff;
	v47 =	vand.u32 $0x7FFFFFFF, v26;
	v24 =	vadd.f32 v24, v32  }
0x2bf: {  	v60 =	vld.idx.msk [tilespmem:v50+s9+$0x12800], $0xffff;
	v18 =	vadd.f32 $-2.000000000e+00, v18;
	v23 =	vmul.f32 $5.000000000e-01, v23;
	v22 =	vsub.f32 v45, v22  }
0x2c0: {  	v62 =	vld.idx.msk [tilespmem:v25+s9+$0x12800], $0xffff;
	v49 =	vmul.f32 v61, v61;
	v63 =	vand.u32 $0x7FFFFFFF, v63;
	v17 =	vadd.f32 v17, v24  }
0x2c1: {  	v59 =	vmul.f32 v18, v13;
	v18 =	vadd.f32 v23, v20;
	v23 =	vand.u32 $0x7FFFFFFF, v22;
	v22 =	vld.idx.msk [tilespmem:v29+s9+$0x12800], $0xffff  }
0x2c2: {  	v41 =	vmax.f32 v63, $1.000000000e+00;
	v21 =	vsub.f32 v21, v27;
	v29 =	vld.idx.msk [tilespmem:v33+s9+$0x12800], $0xffff;
	v17 =	vadd.f32 v34, v17  }
0x2c3: {  	v20 =	vld.idx.msk [tilespmem:v4+s3+$0x0], $0xffff;
	v19 =	vsub.f32 v42, v19;
	v24 =	vmin.f32 v23, $1.000000000e+00;
	v42 =	vsub.f32 v58, v57  }
0x2c4: {  	v14 =	vadd.f32 v59, v14;
	v16 =	vadd.f32 v16, v17;
	v17 =	vmul.f32 v46, v46  }
0x2c5: {  	s6 =	sshll.u32 s5, $0x7;
	v27 =	vand.u32 $0x7FFFFFFF, v19;
	v19 =	vand.u32 $0x7FFFFFFF, v21;
	v46 =	vsub.f32 v54, v60  }
0x2c6: {  	s6 =	sor.u32 $0x13C00, s6;
	v21 =	vmin.f32 v19, $1.000000000e+00;
	v26 =	vmax.f32 v19, $1.000000000e+00;
	v16 =	vadd.f32 v17, v16  }
0x2c7: {  	v19 =	vld.idx.msk [tilespmem:v33+s6+$0x0], $0xffff;
	v33 =	vmin.f32 v27, $1.000000000e+00;
	v22 =	vsub.f32 v48, v22;
	v29 =	vsub.f32 v56, v29  }
0x2c8: {  	s22 =	sand.u32 $0x400, s2;
	v38 =	vsub.f32 v20, v62;
	v48 =	vmin.f32 v47, $1.000000000e+00;
	v16 =	vadd.f32 v31, v16  }
0x2c9: {  	v35 =	vld.idx.msk [tilespmem:v4+s2+$0x0], $0xffff;
	s7 =	sshrl.u32 s22, $0x2;
	s22 =	simm.s32 $0x11010;
	s23 =	sshll.u32 s5, $0x9;
	v17 =	vmul.f32 v21, v21;
	v50 =	vand.u32 $0x7FFFFFFF, v22;
	v29 =	vand.u32 $0x7FFFFFFF, v29  }
0x2ca: {  	s26 =	sand.u32 $0x70, s2;
	s7 =	sor.u32 s7, s23;
	v60 =	vld.idx.msk [tilespmem:v0+s22+$0x0], $0xffff;
	v22 =	vmax.f32 v47, $1.000000000e+00;
	v55 =	vmin.f32 v29, $1.000000000e+00;
	v51 =	vmul.f32 $5.000000000e-01, v16  }
0x2cb: {  	s7 =	sor.u32 s26, s7;
	v53 =	vld.idx.msk [tilespmem:v10+s3+$0x0], $0xffff;
	v61 =	vand.u32 $0x7FFFFFFF, v38;
	v31 =	vand.u32 $0x7FFFFFFF, v46;
	v37 =	vmul.f32 v55, v55  }
0x2cc: {  	s7 =	sor.u32 $0xE000, s7;
	v54 =	vld.idx.msk [tilespmem:v52+s9+$0x12800], $0xffff;
	v56 =	vmin.f32 v50, $1.000000000e+00;
	v29 =	vmax.f32 v29, $1.000000000e+00;
	v30 =	vadd.f32 v51, v30  }
0x2cd: {  	v40 =	vld.idx.msk [tilespmem:v0+s7+$0x0], $0xffff;
	v59 =	vmax.f32 v50, $1.000000000e+00;
	v39 =	vmul.f32 v56, v56;
	v32 =	vadd.f32 v37, v49  }
0x2ce: {  	v25 =	vld.idx.msk [tilespmem:v25+s16+$0x0], $0xffff;
	v38 =	vmin.f32 v61, $1.000000000e+00;
	v29 =	vadd.f32 v29, v36;
	v30 =	vadd.f32 $-1.000000000e+01, v30  }
0x2cf: {  	v21 =	vld.idx.msk [tilespmem:v0+s2+$0x0], $0xffff;
	v38 =	vmul.f32 v38, v38;
	vm0 =	vgt.f32 v60, $0.0e+00;
	v39 =	vadd.f32 v39, v32  }
0x2d0: {  	v36 =	vld.idx.msk [tilespmem:v28+s16+$0x0], $0xffff;
	v16 =	vmul.f32 v48, v48;
	v43 =	vadd.f32 v59, v29;
	v62 =	vmul.f32 v30, v13  }
0x2d1: {  	s23 =	simm.s32 $0x4020;
	v37 =	vmax.f32 v61, $1.000000000e+00;
	v29 =	vsub.f32 v53, v54;
	v32 =	vld.idx.msk [tilespmem:v28+s6+$0x0], $0xffff;
	v28 =	vadd.f32 v38, v39  }
0x2d2: {  	s4 =	simm.s32 $0x10;
	s3 =	simm.s32 $0x10020;
	v20 =	vld.idx.msk [tilespmem:v11+s7+$0x0], $0xffff;
	s6 =	simm.s32 $0x2;
	v38 =	vmin.f32 v31, $1.000000000e+00;
	v30 =	vmin.f32 v63, $1.000000000e+00;
	v15 =	vadd.f32 v62, v15  }
.LBB2_6:
0x2d3: {  	s5 =	smov.u32 s6  }
0x2d4: {  	s7 =	sshrl.u32 s6, $0x3;
	v34 =	vld.idx.msk [tilespmem:v0+s3+$0x0], $0xffff;
	v44 =	vsel vm0, $0x3F800000, v1;
	v38 =	vmul.f32 v38, v38;
	s2 =	sadd.s32 $0x10, s2;
	v18 =	vadd.f32 $-4.000000000e+00, v18;
	s5 =	sadd.s32 $0x1, s6  }
0x2d5: {  	p0 =	sne.s32 s6, $0x7F;
	v21 =	vsub.f32 v21, v36;
	v42 =	vand.u32 $0x7FFFFFFF, v42;
	s8 =	sand.u32 $0x7, s7;
	v36 =	vadd.f32 v37, v43;
	v39 =	vld.idx.msk [tilespmem:v2+s2+$0x0], $0xffff  }
0x2d6: {  	v24 =	vmul.f32 v24, v24;
	v23 =	vmax.f32 v23, $1.000000000e+00;
	s6 =	smul.u32 $0xA00, s8;
	s9 =	sshll.u32 s8, $0x9;
	s7 =	sshll.u32 s8, $0x7;
	v18 =	vmul.f32 v18, v13;
	v13 =	vmovc v44;
	v43 =	vld.idx.msk [tilespmem:v3+s2+$0x0], $0xffff  }
0x2d7: {  	v27 =	vmax.f32 v27, $1.000000000e+00;
	v44 =	vand.u32 $0x7FFFFFFF, v21;
	s7 =	sor.u32 $0x13C00, s7;
	v21 =	vadd.f32 v41, v36;
	v37 =	vld.idx.msk [tilespmem:v3+s23+$0x0], $0xffff  }
0x2d8: {  	v33 =	vmul.f32 v33, v33;
	v36 =	vmin.f32 v44, $1.000000000e+00;
	v12 =	vadd.f32 v18, v12;
	v41 =	vld.idx.msk [tilespmem:v8+s23+$0x0], $0xffff  }
0x2d9: {  	v19 =	vsub.f32 v20, v19;
	v18 =	vmax.f32 v31, $1.000000000e+00;
	v31 =	vsub.f32 v40, v32;
	v45 =	vld.idx.msk [tilespmem:v5+s23+$0x0], $0xffff  }
0x2da: {  	s4 =	sadd.s32 $0x10, s4;
	s8 =	sshll.u32 s8, $0x8;
	v32 =	vadd.s32 $0x40, v34;
	v47 =	vadd.s32 $0x100, v34;
	v20 =	vadd.f32 v26, v21;
	v46 =	vld.idx.msk [tilespmem:v0+s23+$0x0], $0xffff  }
0x2db: {  	s26 =	sor.u32 $0x12000, s8;
	s8 =	sshrl.u32 s6, $0x2;
	s6 =	sand.u32 $0x400, s4;
	v40 =	vand.u32 $0x7FFFFFFF, v19;
	v26 =	vadd.s32 $0x80, v34;
	v49 =	vadd.s32 $0x140, v34;
	v48 =	vld.idx.msk [tilespmem:v6+s23+$0x0], $0xffff  }
0x2dc: {  	v51 =	vadd.s32 $0x1C0, v34;
	v52 =	vadd.s32 $0x200, v34;
	s6 =	sshrl.u32 s6, $0x2;
	v31 =	vand.u32 $0x7FFFFFFF, v31;
	v50 =	vld.idx.msk [tilespmem:v7+s23+$0x0], $0xffff  }
0x2dd: {  	s16 =	sand.u32 $0x70, s4;
	v55 =	vmin.f32 v42, $1.000000000e+00;
	v53 =	vadd.s32 $0xC0, v34;
	s6 =	sor.u32 s6, s9;
	v56 =	vmin.f32 v31, $1.000000000e+00;
	v54 =	vld.idx.msk [tilespmem:v2+s23+$0x0], $0xffff  }
0x2de: {  	v25 =	vsub.f32 v35, v25;
	v35 =	vmax.f32 v40, $1.000000000e+00;
	s6 =	sor.u32 s16, s6;
	v18 =	vadd.f32 v18, v20;
	v21 =	vld.idx.msk [tilespmem:v0+s2+$0x0], $0xffff  }
0x2df: {  	v36 =	vmul.f32 v36, v36;
	v20 =	vmin.f32 v40, $1.000000000e+00;
	s6 =	sor.u32 $0xE000, s6;
	v56 =	vmul.f32 v56, v56;
	v19 =	vld.idx.msk [tilespmem:v32+s7+$0x0], $0xffff  }
0x2e0: {  	v58 =	vadd.s32 $0x180, v34;
	v25 =	vand.u32 $0x7FFFFFFF, v25;
	v59 =	vmul.f32 v20, v20;
	v57 =	vld.idx.msk [tilespmem:v4+s23+$0x0], $0xffff  }
0x2e1: {  	v33 =	vadd.f32 v33, v36;
	v36 =	vmin.f32 v25, $1.000000000e+00;
	v18 =	vadd.f32 v22, v18;
	v20 =	vld.idx.msk [tilespmem:v11+s6+$0x0], $0xffff  }
0x2e2: {  	v44 =	vmax.f32 v44, $1.000000000e+00;
	v22 =	vadd.s32 $0x240, v34;
	v56 =	vadd.f32 v59, v56;
	v40 =	vld.idx.msk [tilespmem:v10+s23+$0x0], $0xffff  }
0x2e3: {  	v42 =	vmax.f32 v42, $1.000000000e+00;
	v27 =	vadd.f32 v27, v44;
	v31 =	vmax.f32 v31, $1.000000000e+00;
	v59 =	vld.idx.msk [tilespmem:v34+s8+$0x12800], $0xffff  }
0x2e4: {  	v42 =	vadd.f32 v42, v18;
	v18 =	vadd.f32 v35, v31;
	v31 =	vmul.f32 $5.000000000e-01, v56;
	v44 =	vld.idx.msk [tilespmem:v26+s26+$0x0], $0xffff  }
0x2e5: {  	v23 =	vadd.f32 v23, v27;
	v27 =	vmul.f32 v36, v36;
	v24 =	vadd.f32 v24, v33;
	v35 =	vld.idx.msk [tilespmem:v32+s26+$0x0], $0xffff  }
0x2e6: {  	v29 =	vand.u32 $0x7FFFFFFF, v29;
	v25 =	vmax.f32 v25, $1.000000000e+00;
	v18 =	vadd.f32 v31, v18;
	v33 =	vld.idx.msk [tilespmem:v49+s8+$0x12800], $0xffff  }
0x2e7: {  	v23 =	vadd.f32 v25, v23;
	v25 =	vmul.f32 v30, v30;
	v24 =	vadd.f32 v27, v24;
	v31 =	vld.idx.msk [tilespmem:v47+s8+$0x12800], $0xffff  }
0x2e8: {  	v18 =	vadd.f32 $-2.000000000e+00, v18;
	v47 =	vld.idx.msk [tilespmem:v22+s8+$0x12800], $0xffff;
	v22 =	vmin.f32 v29, $1.000000000e+00;
	v29 =	vmax.f32 v29, $1.000000000e+00  }
0x2e9: {  	v25 =	vadd.f32 v25, v28;
	v24 =	vmul.f32 $5.000000000e-01, v24;
	v27 =	vsub.f32 v46, v59;
	v30 =	vld.idx.msk [tilespmem:v51+s8+$0x12800], $0xffff  }
0x2ea: {  	v36 =	vmul.f32 v18, v13;
	v28 =	vsub.f32 v43, v44;
	v22 =	vmul.f32 v22, v22;
	v43 =	vld.idx.msk [tilespmem:v58+s8+$0x12800], $0xffff  }
0x2eb: {  	v17 =	vadd.f32 v17, v25;
	v18 =	vadd.f32 v24, v23;
	v27 =	vand.u32 $0x7FFFFFFF, v27;
	v44 =	vld.idx.msk [tilespmem:v53+s8+$0x12800], $0xffff  }
0x2ec: {  	v14 =	vadd.f32 v36, v14;
	v46 =	vmin.f32 v27, $1.000000000e+00;
	v49 =	vmax.f32 v27, $1.000000000e+00;
	v51 =	vld.idx.msk [tilespmem:v26+s8+$0x12800], $0xffff  }
0x2ed: {  	v17 =	vadd.f32 v38, v17;
	v23 =	vand.u32 $0x7FFFFFFF, v28;
	v45 =	vsub.f32 v45, v31;
	v28 =	vld.idx.msk [tilespmem:v32+s8+$0x12800], $0xffff  }
0x2ee: {  	v25 =	vsub.f32 v39, v35;
	v24 =	vmin.f32 v23, $1.000000000e+00;
	v26 =	vsub.f32 v48, v33;
	v39 =	vld.idx.msk [tilespmem:v52+s8+$0x12800], $0xffff  }
0x2ef: {  	v16 =	vadd.f32 v16, v17;
	v17 =	vmul.f32 v55, v55;
	v30 =	vsub.f32 v41, v30;
	v36 =	vld.idx.msk [tilespmem:v34+s26+$0x0], $0xffff  }
0x2f0: {  	v27 =	vand.u32 $0x7FFFFFFF, v25;
	v26 =	vand.u32 $0x7FFFFFFF, v26;
	v31 =	vsub.f32 v50, v43;
	v25 =	vld.idx.msk [tilespmem:v53+s26+$0x0], $0xffff  }
0x2f1: {  	v16 =	vadd.f32 v17, v16;
	v33 =	vmin.f32 v26, $1.000000000e+00;
	v30 =	vand.u32 $0x7FFFFFFF, v30;
	v32 =	vld.idx.msk [tilespmem:v34+s7+$0x0], $0xffff  }
0x2f2: {  	v26 =	vmax.f32 v26, $1.000000000e+00;
	v17 =	vmul.f32 v33, v33;
	v34 =	vsub.f32 v57, v44  }
0x2f3: {  	v16 =	vadd.f32 v22, v16;
	v33 =	vsub.f32 v37, v51;
	v35 =	vmin.f32 v30, $1.000000000e+00  }
0x2f4: {  	v31 =	vand.u32 $0x7FFFFFFF, v31;
	v22 =	vsub.f32 v54, v28;
	v28 =	vadd.f32 v29, v42  }
0x2f5: {  	v29 =	vmul.f32 v46, v46;
	v37 =	vand.u32 $0x7FFFFFFF, v33;
	v33 =	vmul.f32 $5.000000000e-01, v16  }
0x2f6: {  	v16 =	vmul.f32 v35, v35;
	v38 =	vand.u32 $0x7FFFFFFF, v22;
	v22 =	vmax.f32 v30, $1.000000000e+00  }
0x2f7: {  	v35 =	vmin.f32 v37, $1.000000000e+00;
	v30 =	vmin.f32 v38, $1.000000000e+00;
	v28 =	vadd.f32 v33, v28  }
0x2f8: {  	s22 =	sadd.s32 $0x10, s22;
	v33 =	vmin.f32 v27, $1.000000000e+00;
	v35 =	vmul.f32 v35, v35;
	v30 =	vmul.f32 v30, v30;
	v42 =	vld.idx.msk [tilespmem:v9+s23+$0x0], $0xffff  }
0x2f9: {  	v44 =	vmax.f32 v37, $1.000000000e+00;
	v38 =	vmax.f32 v38, $1.000000000e+00;
	v28 =	vadd.f32 $-1.000000000e+01, v28;
	v43 =	vld.idx.msk [tilespmem:v0+s22+$0x0], $0xffff  }
0x2fa: {  	v46 =	vadd.f32 v38, v49;
	v29 =	vadd.f32 v30, v29;
	v30 =	vand.u32 $0x7FFFFFFF, v34  }
.Ltmp2:
0x2fb: {  	v34 =	vmin.f32 v30, $1.000000000e+00;
	v37 =	vmax.f32 v30, $1.000000000e+00;
	v28 =	vmul.f32 v28, v13;
	(pc) =	sbr.rel @p0 .LBB2_6-.Ltmp2, $4  }
0x2fc: {  	v29 =	vadd.f32 v35, v29;
	v34 =	vmul.f32 v34, v34;
	v35 =	vand.u32 $0x7FFFFFFF, v45  }
0x2fd: {  	v30 =	vmin.f32 v35, $1.000000000e+00;
	v41 =	vmax.f32 v35, $1.000000000e+00;
	v15 =	vadd.f32 v28, v15  }
0x2fe: {  	v38 =	vmin.f32 v31, $1.000000000e+00;
	v28 =	vadd.f32 v34, v29;
	v42 =	vsub.f32 v42, v39;
	v35 =	vld.idx.msk [tilespmem:v4+s2+$0x0], $0xffff  }
0x2ff: {  	s3 =	sadd.s32 $0x10, s3;
	s23 =	sadd.s32 $0x10, s23;
	v29 =	vsub.f32 v40, v47;
	vm0 =	vgt.f32 v43, $0.0e+00;
	v43 =	vadd.f32 v44, v46;
	v40 =	vld.idx.msk [tilespmem:v0+s6+$0x0], $0xffff;
	s6 =	smov.u32 s5  }
0x300: {  	_ =	swait.ge [sflag:s30], $0x800  }
0x301: {  	[sflag:s30] =	ssyncset.done $0x0  }
0x302: {  	[sflag:s30] =	ssyncadd.s32 $0xFFFFF800  }
0x303: {  	_ =	swait.ge [sflag:s30], $0x800  }
0x304: {  	[sflag:s30] =	ssyncset.done $0x0  }
0x305: {  	[sflag:s30] =	ssyncadd.s32 $0xFFFFF800  }
0x306: {  	_ =	swait.ge [sflag:s30], $0x800  }
0x307: {  	[sflag:s30] =	ssyncset.done $0x0  }
0x308: {  	[sflag:s30] =	ssyncadd.s32 $0xFFFFF800  }
0x309: {  	_ =	swait.ge [sflag:s30], $0x800  }
0x30a: {  	[sflag:s30] =	ssyncset.done $0x0  }
0x30b: {  	[sflag:s30] =	ssyncadd.s32 $0xFFFFF800  }
0x30c: {  	_ =	swait.ge [sflag:s30], $0x800  }
0x30d: {  	[sflag:s30] =	ssyncset.done $0x0  }
0x30e: {  	[sflag:s30] =	ssyncadd.s32 $0xFFFFF800  }
0x30f: {  	_ =	swait.ge [sflag:s30], $0x800  }
0x310: {  	[sflag:s30] =	ssyncset.done $0x0  }
0x311: {  	[sflag:s30] =	ssyncadd.s32 $0xFFFFF800  }
0x312: {  	_ =	swait.ge [sflag:s30], $0x800  }
0x313: {  	[sflag:s30] =	ssyncset.done $0x0  }
0x314: {  	[sflag:s30] =	ssyncadd.s32 $0xFFFFF800  }
0x315: {  	_ =	swait.ge [sflag:s30], $0x800  }
0x316: {  	[sflag:s30] =	ssyncset.done $0x0  }
0x317: {  	[sflag:s30] =	ssyncadd.s32 $0xFFFFF800  }
0x318: {  	_ =	swait.ge [sflag:s30], $0x800  }
0x319: {  	[sflag:s30] =	ssyncset.done $0x0  }
0x31a: {  	[sflag:s30] =	ssyncadd.s32 $0xFFFFF800  }
0x31b: {  	_ =	swait.ge [sflag:s30], $0x800  }
0x31c: {  	[sflag:s30] =	ssyncset.done $0x0  }
0x31d: {  	[sflag:s30] =	ssyncadd.s32 $0xFFFFF800  }
0x31e: {  	_ =	swait.ge [sflag:s30], $0x800  }
0x31f: {  	[sflag:s30] =	ssyncset.done $0x0  }
0x320: {  	[sflag:s30] =	ssyncadd.s32 $0xFFFFF800  }
0x321: {  	_ =	swait.ge [sflag:s30], $0x800  }
0x322: {  	[sflag:s30] =	ssyncset.done $0x0  }
0x323: {  	[sflag:s30] =	ssyncadd.s32 $0xFFFFF800  }
0x324: {  	_ =	swait.ge [sflag:s30], $0x800  }
0x325: {  	[sflag:s30] =	ssyncset.done $0x0  }
0x326: {  	[sflag:s30] =	ssyncadd.s32 $0xFFFFF800  }
0x327: {  	v34 =	vmul.f32 v38, v38;
	v21 =	vsub.f32 v21, v36;
	_ =	swait.ge [sflag:s30], $0x800  }
0x328: {  	v50 =	vand.u32 $0x7FFFFFFF, v42;
	v24 =	vmul.f32 v24, v24;
	v23 =	vmax.f32 v23, $1.000000000e+00;
	[sflag:s30] =	ssyncset.done $0x0  }
0x329: {  	v27 =	vmax.f32 v27, $1.000000000e+00;
	v19 =	vsub.f32 v20, v19;
	v20 =	vmul.f32 v33, v33;
	[sflag:s30] =	ssyncadd.s32 $0xFFFFF800  }
0x32a: {  	v31 =	vmax.f32 v31, $1.000000000e+00;
	v30 =	vmul.f32 v30, v30;
	v49 =	vadd.f32 v37, v43;
	_ =	swait.ge [sflag:s30], $0x1000  }
0x32b: {  	v52 =	vmin.f32 v50, $1.000000000e+00;
	v29 =	vand.u32 $0x7FFFFFFF, v29;
	v21 =	vand.u32 $0x7FFFFFFF, v21;
	[sflag:s30] =	ssyncset.done $0x0  }
0x32c: {  	v19 =	vand.u32 $0x7FFFFFFF, v19;
	v28 =	vadd.f32 v30, v28;
	v36 =	vadd.f32 v41, v49;
	[sflag:s30] =	ssyncadd.s32 $0xFFFFF000  }
0x32d: {  	v51 =	vmin.f32 v21, $1.000000000e+00;
	v25 =	vsub.f32 v35, v25;
	v21 =	vmax.f32 v21, $1.000000000e+00;
	_ =	swait.ge [sflag:s30], $0x800  }
0x32e: {  	v32 =	vsub.f32 v40, v32;
	v54 =	vmul.f32 v51, v51;
	v17 =	vadd.f32 v17, v28;
	[sflag:s30] =	ssyncset.done $0x0  }
0x32f: {  	v21 =	vadd.f32 v27, v21;
	v26 =	vadd.f32 v26, v36;
	v25 =	vand.u32 $0x7FFFFFFF, v25;
	[sflag:s30] =	ssyncadd.s32 $0xFFFFF800  }
0x330: {  	v32 =	vand.u32 $0x7FFFFFFF, v32;
	v20 =	vadd.f32 v20, v54;
	v17 =	vadd.f32 v34, v17;
	_ =	swait.ge [sflag:s30], $0x800  }
0x331: {  	v53 =	vmin.f32 v32, $1.000000000e+00;
	v26 =	vadd.f32 v31, v26;
	v31 =	vmax.f32 v19, $1.000000000e+00;
	[sflag:s30] =	ssyncset.done $0x0  }
0x332: {  	s3 =	simm.s32 $0x10800;
	v19 =	vmin.f32 v19, $1.000000000e+00;
	v32 =	vmax.f32 v32, $1.000000000e+00;
	v36 =	vmul.f32 v53, v53;
	[sflag:s30] =	ssyncadd.s32 $0xFFFFF800  }
0x333: {  	s2 =	simm.s32 $0x2000;
	v30 =	vmul.f32 v19, v19;
	v16 =	vadd.f32 v16, v17;
	v17 =	vmul.f32 v52, v52;
	v19 =	vld.idx.msk [tilespmem:v0+s3+$0x0], $0xffff  }
0x334: {  	v20 =	vadd.f32 v24, v20;
	v22 =	vadd.f32 v22, v26;
	v26 =	vmin.f32 v25, $1.000000000e+00;
	v27 =	vld.idx.msk [tilespmem:v2+s2+$0x0], $0xffff  }
0x335: {  	s4 =	simm.s32 $0x9000;
	v28 =	vadd.f32 v30, v36;
	v30 =	vmax.f32 v50, $1.000000000e+00;
	v24 =	vmul.f32 v26, v26;
	v55 =	vld.idx.msk [tilespmem:v3+s2+$0x0], $0xffff  }
0x336: {  	v26 =	vmin.f32 v29, $1.000000000e+00;
	v22 =	vadd.f32 v30, v22;
	v30 =	vadd.f32 v31, v32;
	v31 =	vld.idx.msk [tilespmem:v3+s4+$0x0], $0xffff  }
0x337: {  	v21 =	vadd.f32 v23, v21;
	v16 =	vadd.f32 v17, v16;
	v23 =	vmul.f32 v26, v26;
	v56 =	vld.idx.msk [tilespmem:v8+s4+$0x0], $0xffff  }
0x338: {  	v57 =	vld.idx.msk [tilespmem:v5+s4+$0x0], $0xffff  }
0x339: {  	v25 =	vmax.f32 v25, $1.000000000e+00;
	v16 =	vadd.f32 v23, v16;
	v17 =	vld.idx.msk [tilespmem:v0+s4+$0x0], $0xffff  }
0x33a: {  	v21 =	vadd.f32 v25, v21;
	v29 =	vmax.f32 v29, $1.000000000e+00;
	v26 =	vld.idx.msk [tilespmem:v6+s4+$0x0], $0xffff  }
0x33b: {  	s23 =	simm.s32 $0x0;
	v20 =	vadd.f32 v24, v20;
	v22 =	vadd.f32 v29, v22;
	v16 =	vmul.f32 $5.000000000e-01, v16;
	v25 =	vld.idx.msk [tilespmem:v7+s4+$0x0], $0xffff  }
0x33c: {  	v18 =	vadd.f32 $-4.000000000e+00, v18;
	s5 =	sand.u32 $0x7, s23;
	v28 =	vmul.f32 $5.000000000e-01, v28;
	v59 =	vld.idx.msk [tilespmem:v2+s4+$0x0], $0xffff;
	v24 =	vadd.s32 $0x80, v19  }
0x33d: {  	v20 =	vmul.f32 $5.000000000e-01, v20;
	v16 =	vadd.f32 v16, v22;
	s3 =	smul.u32 $0xA00, s5;
	v60 =	vld.idx.msk [tilespmem:v4+s4+$0x0], $0xffff;
	v23 =	vadd.s32 $0x40, v19  }
0x33e: {  	s16 =	simm.s32 $0x11800;
	v13 =	vmul.f32 v18, v13;
	v28 =	vadd.f32 v28, v30;
	v48 =	vld.idx.msk [tilespmem:v9+s4+$0x0], $0xffff;
	v30 =	vadd.s32 $0x1C0, v19  }
0x33f: {  	s7 =	sshll.u32 s5, $0x8;
	v20 =	vadd.f32 v20, v21;
	v16 =	vadd.f32 $-1.000000000e+01, v16;
	v49 =	vld.idx.msk [tilespmem:v0+s16+$0x0], $0xffff;
	s6 =	sshrl.u32 s3, $0x2;
	v21 =	vadd.s32 $0x180, v19  }
0x340: {  	v39 =	vsel vm0, $0x3F800000, v1;
	s3 =	sor.u32 $0x12000, s7;
	v62 =	vadd.s32 $0xC0, v19;
	v61 =	vld.idx.msk [tilespmem:v19+s6+$0x12800], $0xffff  }
0x341: {  	v12 =	vadd.f32 v13, v12;
	v18 =	vadd.f32 $-4.000000000e+00, v20;
	v13 =	vmul.f32 v16, v39;
	v22 =	vld.idx.msk [tilespmem:v24+s3+$0x0], $0xffff  }
0x342: {  	v63 =	vld.idx.msk [tilespmem:v23+s3+$0x0], $0xffff  }
0x343: {  	v16 =	vmul.f32 v18, v39;
	v15 =	vadd.f32 v13, v15;
	v13 =	vadd.s32 $0x200, v19;
	v18 =	vld.idx.msk [tilespmem:v30+s6+$0x12800], $0xffff  }
0x344: {  	v58 =	vadd.s32 $0x140, v19;
	v21 =	vld.idx.msk [tilespmem:v21+s6+$0x12800], $0xffff  }
0x345: {  	v28 =	vadd.f32 $-2.000000000e+00, v28;
	v12 =	vadd.f32 v16, v12;
	v29 =	vadd.s32 $0x100, v19;
	v16 =	vld.idx.msk [tilespmem:v62+s6+$0x12800], $0xffff  }
0x346: {  	v30 =	vld.idx.msk [tilespmem:v23+s6+$0x12800], $0xffff  }
0x347: {  	v28 =	vmul.f32 v28, v39;
	v24 =	vld.idx.msk [tilespmem:v24+s6+$0x12800], $0xffff  }
0x348: {  	v13 =	vld.idx.msk [tilespmem:v13+s6+$0x12800], $0xffff  }
0x349: {  	v14 =	vadd.f32 v28, v14;
	v20 =	vld.idx.msk [tilespmem:v58+s6+$0x12800], $0xffff;
	v17 =	vsub.f32 v17, v61  }
0x34a: {  	s26 =	simm.s32 $0x0;
	v28 =	vadd.s32 $0x240, v19;
	v29 =	vld.idx.msk [tilespmem:v29+s6+$0x12800], $0xffff;
	v22 =	vsub.f32 v55, v22;
	v18 =	vsub.f32 v56, v18  }
0x34b: {  	s8 =	sand.u32 $0x400, s26;
	vm0 =	vgt.f32 v49, $0.0e+00;
	v21 =	vsub.f32 v25, v21;
	v25 =	vsub.f32 v60, v16  }
0x34c: {  	s9 =	sshll.u32 s5, $0x9;
	s8 =	sshrl.u32 s8, $0x2;
	v17 =	vand.u32 $0x7FFFFFFF, v17;
	v16 =	vsub.f32 v59, v30;
	v24 =	vsub.f32 v31, v24  }
0x34d: {  	s23 =	sand.u32 $0x70, s26;
	s26 =	sor.u32 s8, s9;
	v38 =	vsub.f32 v48, v13;
	v13 =	vsel vm0, $0x3F800000, v1;
	v39 =	vmin.f32 v17, $1.000000000e+00  }
0x34e: {  	s22 =	sshll.u32 s5, $0x7;
	s5 =	sor.u32 s23, s26;
	v42 =	vmax.f32 v17, $1.000000000e+00;
	v17 =	vsub.f32 v26, v20;
	v26 =	vsub.f32 v27, v63  }
0x34f: {  	s5 =	sor.u32 $0xF000, s5;
	v20 =	vand.u32 $0x7FFFFFFF, v22;
	v22 =	vsub.f32 v57, v29;
	v18 =	vand.u32 $0x7FFFFFFF, v18  }
0x350: {  	v53 =	vld.idx.msk [tilespmem:v11+s5+$0x0], $0xffff;
	v21 =	vand.u32 $0x7FFFFFFF, v21;
	v44 =	vand.u32 $0x7FFFFFFF, v16;
	v34 =	vmul.f32 v39, v39  }
0x351: {  	v50 =	vld.idx.msk [tilespmem:v19+s3+$0x0], $0xffff;
	v24 =	vand.u32 $0x7FFFFFFF, v24;
	v25 =	vand.u32 $0x7FFFFFFF, v25;
	v27 =	vmin.f32 v20, $1.000000000e+00  }
0x352: {  	v28 =	vld.idx.msk [tilespmem:v28+s6+$0x12800], $0xffff;
	v29 =	vand.u32 $0x7FFFFFFF, v17;
	v26 =	vand.u32 $0x7FFFFFFF, v26;
	v43 =	vmin.f32 v18, $1.000000000e+00  }
0x353: {  	v30 =	vld.idx.msk [tilespmem:v0+s2+$0x0], $0xffff;
	v45 =	vmin.f32 v44, $1.000000000e+00;
	v46 =	vmin.f32 v24, $1.000000000e+00;
	v18 =	vmax.f32 v18, $1.000000000e+00  }
0x354: {  	v31 =	vld.idx.msk [tilespmem:v10+s4+$0x0], $0xffff;
	v33 =	vmax.f32 v44, $1.000000000e+00;
	v24 =	vmax.f32 v24, $1.000000000e+00;
	v51 =	vmin.f32 v25, $1.000000000e+00  }
0x355: {  	v55 =	vld.idx.msk [tilespmem:v0+s5+$0x0], $0xffff;
	v25 =	vmax.f32 v25, $1.000000000e+00;
	v54 =	vmin.f32 v21, $1.000000000e+00;
	v20 =	vmax.f32 v20, $1.000000000e+00  }
0x356: {  	s4 =	sor.u32 $0x13C00, s22;
	v56 =	vld.idx.msk [tilespmem:v62+s3+$0x0], $0xffff;
	v21 =	vmax.f32 v21, $1.000000000e+00;
	v17 =	vmin.f32 v29, $1.000000000e+00;
	v29 =	vmax.f32 v29, $1.000000000e+00  }
0x357: {  	v23 =	vld.idx.msk [tilespmem:v23+s4+$0x0], $0xffff;
	v16 =	vmul.f32 v43, v43;
	v36 =	vmul.f32 v45, v45;
	v47 =	vmin.f32 v26, $1.000000000e+00  }
0x358: {  	v19 =	vld.idx.msk [tilespmem:v19+s4+$0x0], $0xffff;
	v32 =	vmul.f32 v46, v46;
	v33 =	vadd.f32 v33, v42;
	v52 =	vmul.f32 v51, v51  }
0x359: {  	v57 =	vld.idx.msk [tilespmem:v4+s2+$0x0], $0xffff;
	v22 =	vand.u32 $0x7FFFFFFF, v22;
	v27 =	vmul.f32 v27, v27;
	v26 =	vmax.f32 v26, $1.000000000e+00  }
0x35a: {  	v17 =	vmul.f32 v17, v17;
	v41 =	vmin.f32 v22, $1.000000000e+00;
	v22 =	vmax.f32 v22, $1.000000000e+00  }
0x35b: {  	v31 =	vsub.f32 v31, v28;
	v30 =	vsub.f32 v30, v50;
	v37 =	vmul.f32 v47, v47  }
0x35c: {  	s6 =	simm.s32 $0x10810;
	v34 =	vadd.f32 v36, v34;
	v24 =	vadd.f32 v24, v33;
	v36 =	vand.u32 $0x7FFFFFFF, v38  }
0x35d: {  	v28 =	vld.idx.msk [tilespmem:v0+s6+$0x0], $0xffff;
	v19 =	vsub.f32 v55, v19;
	v23 =	vsub.f32 v53, v23;
	v30 =	vand.u32 $0x7FFFFFFF, v30  }
0x35e: {  	v46 =	vmin.f32 v36, $1.000000000e+00;
	v38 =	vsub.f32 v57, v56;
	v32 =	vadd.f32 v32, v34  }
0x35f: {  	v34 =	vmul.f32 v54, v54;
	v24 =	vadd.f32 v25, v24;
	v19 =	vand.u32 $0x7FFFFFFF, v19  }
0x360: {  	v23 =	vand.u32 $0x7FFFFFFF, v23;
	v47 =	vmin.f32 v19, $1.000000000e+00;
	v38 =	vand.u32 $0x7FFFFFFF, v38  }
0x361: {  	s7 =	simm.s32 $0x0;
	v19 =	vmax.f32 v19, $1.000000000e+00;
	v32 =	vadd.f32 v52, v32;
	v22 =	vadd.f32 v22, v24  }
0x362: {  	s8 =	sand.u32 $0x7, s7;
	s3 =	simm.s32 $0x9010;
	v24 =	vmin.f32 v30, $1.000000000e+00;
	v33 =	vadd.s32 $0x40, v28;
	v58 =	vadd.s32 $0x100, v28  }
0x363: {  	v48 =	vld.idx.msk [tilespmem:v3+s3+$0x0], $0xffff;
	s4 =	smul.u32 $0xA00, s8;
	v59 =	vadd.s32 $0x140, v28;
	v61 =	vadd.s32 $0x1C0, v28;
	v44 =	vadd.s32 $0x200, v28  }
0x364: {  	v62 =	vld.idx.msk [tilespmem:v8+s3+$0x0], $0xffff;
	v25 =	vadd.s32 $0xC0, v28;
	v30 =	vmax.f32 v30, $1.000000000e+00;
	v22 =	vadd.f32 v29, v22  }
0x365: {  	s5 =	sshrl.u32 s4, $0x2;
	v51 =	vld.idx.msk [tilespmem:v0+s3+$0x0], $0xffff;
	v47 =	vmul.f32 v47, v47;
	v50 =	vadd.s32 $0x180, v28;
	v26 =	vadd.f32 v26, v30  }
0x366: {  	v54 =	vld.idx.msk [tilespmem:v28+s5+$0x12800], $0xffff;
	v21 =	vadd.f32 v21, v22;
	v22 =	vmax.f32 v23, $1.000000000e+00;
	v23 =	vmin.f32 v23, $1.000000000e+00  }
0x367: {  	v49 =	vld.idx.msk [tilespmem:v5+s3+$0x0], $0xffff;
	s2 =	simm.s32 $0x2010;
	v24 =	vmul.f32 v24, v24;
	v30 =	vmax.f32 v36, $1.000000000e+00;
	v23 =	vmul.f32 v23, v23  }
0x368: {  	v60 =	vld.idx.msk [tilespmem:v2+s2+$0x0], $0xffff;
	v29 =	vadd.s32 $0x80, v28;
	v20 =	vadd.f32 v20, v26;
	v18 =	vadd.f32 v18, v21  }
0x369: {  	v45 =	vld.idx.msk [tilespmem:v3+s2+$0x0], $0xffff;
	v24 =	vadd.f32 v37, v24;
	v26 =	vmax.f32 v38, $1.000000000e+00;
	v23 =	vadd.f32 v23, v47  }
0x36a: {  	v53 =	vld.idx.msk [tilespmem:v7+s3+$0x0], $0xffff;
	v63 =	vmin.f32 v38, $1.000000000e+00;
	v20 =	vadd.f32 v26, v20;
	v30 =	vadd.f32 v30, v18  }
0x36b: {  	s9 =	sshll.u32 s8, $0x8;
	v26 =	vld.idx.msk [tilespmem:v58+s5+$0x12800], $0xffff;
	v18 =	vadd.f32 v22, v19;
	v36 =	vsub.f32 v51, v54;
	v19 =	vmul.f32 $5.000000000e-01, v23  }
0x36c: {  	s4 =	sor.u32 $0x12000, s9;
	v57 =	vld.idx.msk [tilespmem:v61+s5+$0x12800], $0xffff;
	v23 =	vadd.f32 v27, v24;
	v24 =	vmul.f32 v63, v63;
	v27 =	vand.u32 $0x7FFFFFFF, v31  }
0x36d: {  	v52 =	vadd.s32 $0x240, v28;
	v22 =	vld.idx.msk [tilespmem:v29+s4+$0x0], $0xffff;
	v31 =	vmin.f32 v27, $1.000000000e+00;
	v56 =	vmax.f32 v27, $1.000000000e+00  }
0x36e: {  	v29 =	vld.idx.msk [tilespmem:v29+s5+$0x12800], $0xffff;
	v36 =	vand.u32 $0x7FFFFFFF, v36;
	v23 =	vadd.f32 v24, v23;
	v24 =	vmul.f32 v41, v41  }
0x36f: {  	v27 =	vld.idx.msk [tilespmem:v59+s5+$0x12800], $0xffff;
	v18 =	vadd.f32 v19, v18;
	v31 =	vmul.f32 v31, v31;
	v59 =	vmin.f32 v36, $1.000000000e+00  }
0x370: {  	v21 =	vld.idx.msk [tilespmem:v6+s3+$0x0], $0xffff;
	v36 =	vmax.f32 v36, $1.000000000e+00;
	v41 =	vsub.f32 v49, v26;
	v24 =	vadd.f32 v24, v32  }
0x371: {  	v19 =	vld.idx.msk [tilespmem:v33+s4+$0x0], $0xffff;
	v30 =	vadd.f32 v56, v30;
	v49 =	vmul.f32 v59, v59;
	v18 =	vadd.f32 $-2.000000000e+00, v18  }
0x372: {  	v56 =	vld.idx.msk [tilespmem:v44+s5+$0x12800], $0xffff;
	v23 =	vmul.f32 $5.000000000e-01, v23;
	v22 =	vsub.f32 v45, v22;
	v17 =	vadd.f32 v17, v24  }
0x373: {  	v59 =	vld.idx.msk [tilespmem:v9+s3+$0x0], $0xffff;
	v29 =	vsub.f32 v48, v29;
	v41 =	vand.u32 $0x7FFFFFFF, v41;
	v18 =	vmul.f32 v18, v13  }
0x374: {  	v58 =	vld.idx.msk [tilespmem:v50+s5+$0x12800], $0xffff;
	v23 =	vadd.f32 v23, v20;
	v22 =	vand.u32 $0x7FFFFFFF, v22;
	v17 =	vadd.f32 v34, v17  }
0x375: {  	v55 =	vld.idx.msk [tilespmem:v2+s3+$0x0], $0xffff;
	v21 =	vsub.f32 v21, v27;
	v27 =	vsub.f32 v62, v57;
	v29 =	vand.u32 $0x7FFFFFFF, v29  }
0x376: {  	v19 =	vsub.f32 v60, v19;
	v60 =	vld.idx.msk [tilespmem:v33+s5+$0x12800], $0xffff;
	v16 =	vadd.f32 v16, v17;
	v17 =	vmul.f32 v46, v46  }
0x377: {  	v20 =	vld.idx.msk [tilespmem:v4+s3+$0x0], $0xffff;
	v24 =	vmin.f32 v22, $1.000000000e+00;
	v14 =	vadd.f32 v18, v14;
	v62 =	vand.u32 $0x7FFFFFFF, v27  }
0x378: {  	v18 =	vld.idx.msk [tilespmem:v25+s5+$0x12800], $0xffff;
	v42 =	vsub.f32 v59, v56;
	v26 =	vand.u32 $0x7FFFFFFF, v19;
	v17 =	vadd.f32 v17, v16  }
0x379: {  	v19 =	vand.u32 $0x7FFFFFFF, v21;
	v21 =	vsub.f32 v53, v58;
	v48 =	vmin.f32 v62, $1.000000000e+00  }
0x37a: {  	v61 =	vmin.f32 v19, $1.000000000e+00;
	v27 =	vmax.f32 v19, $1.000000000e+00;
	v17 =	vadd.f32 v31, v17  }
0x37b: {  	v39 =	vld.idx.msk [tilespmem:v4+s2+$0x0], $0xffff;
	v38 =	vmin.f32 v26, $1.000000000e+00;
	v32 =	vand.u32 $0x7FFFFFFF, v21;
	v31 =	vsub.f32 v55, v60  }
0x37c: {  	v40 =	vld.idx.msk [tilespmem:v28+s4+$0x0], $0xffff;
	v21 =	vmax.f32 v62, $1.000000000e+00;
	v16 =	vmul.f32 v61, v61;
	v50 =	vmul.f32 $5.000000000e-01, v17  }
0x37d: {  	s6 =	sshll.u32 s8, $0x7;
	v51 =	vld.idx.msk [tilespmem:v10+s3+$0x0], $0xffff;
	v63 =	vsub.f32 v20, v18;
	v55 =	vmin.f32 v29, $1.000000000e+00;
	v31 =	vand.u32 $0x7FFFFFFF, v31  }
0x37e: {  	s22 =	simm.s32 $0x10;
	s6 =	sor.u32 $0x13C00, s6;
	v53 =	vld.idx.msk [tilespmem:v52+s5+$0x12800], $0xffff;
	v60 =	vmax.f32 v29, $1.000000000e+00;
	v54 =	vmin.f32 v31, $1.000000000e+00;
	v30 =	vadd.f32 v50, v30  }
0x37f: {  	s16 =	sand.u32 $0x400, s22;
	v37 =	vld.idx.msk [tilespmem:v28+s6+$0x0], $0xffff;
	s3 =	simm.s32 $0x11810;
	v58 =	vmul.f32 v55, v55;
	v31 =	vmax.f32 v31, $1.000000000e+00;
	v57 =	vmul.f32 v54, v54  }
0x380: {  	s23 =	sshll.u32 s8, $0x9;
	s7 =	sshrl.u32 s16, $0x2;
	v61 =	vand.u32 $0x7FFFFFFF, v63;
	v31 =	vadd.f32 v31, v36;
	v29 =	vadd.f32 $-1.000000000e+01, v30;
	v30 =	vld.idx.msk [tilespmem:v0+s3+$0x0], $0xffff  }
0x381: {  	s26 =	sand.u32 $0x70, s22;
	s7 =	sor.u32 s7, s23;
	v25 =	vld.idx.msk [tilespmem:v25+s4+$0x0], $0xffff;
	v17 =	vmul.f32 v48, v48;
	v62 =	vmin.f32 v61, $1.000000000e+00;
	v34 =	vadd.f32 v57, v49  }
0x382: {  	s7 =	sor.u32 s26, s7;
	v18 =	vld.idx.msk [tilespmem:v33+s6+$0x0], $0xffff;
	v33 =	vmax.f32 v61, $1.000000000e+00;
	v43 =	vadd.f32 v60, v31;
	v63 =	vmul.f32 v29, v13  }
0x383: {  	s7 =	sor.u32 $0xF000, s7;
	v20 =	vld.idx.msk [tilespmem:v0+s2+$0x0], $0xffff;
	v36 =	vmul.f32 v62, v62;
	v31 =	vsub.f32 v51, v53;
	v34 =	vadd.f32 v58, v34  }
0x384: {  	v19 =	vld.idx.msk [tilespmem:v11+s7+$0x0], $0xffff;
	v29 =	vmin.f32 v41, $1.000000000e+00;
	v41 =	vmax.f32 v41, $1.000000000e+00;
	v15 =	vadd.f32 v63, v15  }
0x385: {  	s23 =	simm.s32 $0x10820;
	s4 =	simm.s32 $0x9020;
	s6 =	simm.s32 $0x2;
	v28 =	vadd.f32 v36, v34;
	v34 =	vmin.f32 v32, $1.000000000e+00;
	v36 =	vld.idx.msk [tilespmem:v0+s7+$0x0], $0xffff;
	vm0 =	vgt.f32 v30, $0.0e+00  }
.LBB2_8:
0x386: {  	s5 =	smov.u32 s6  }
0x387: {  	s7 =	sshrl.u32 s6, $0x3;
	v30 =	vld.idx.msk [tilespmem:v0+s23+$0x0], $0xffff;
	v44 =	vsel vm0, $0x3F800000, v1;
	v34 =	vmul.f32 v34, v34;
	s2 =	sadd.s32 $0x10, s2;
	v23 =	vadd.f32 $-4.000000000e+00, v23;
	s5 =	sadd.s32 $0x1, s6  }
0x388: {  	p0 =	sne.s32 s6, $0x7F;
	v20 =	vsub.f32 v20, v40;
	v42 =	vand.u32 $0x7FFFFFFF, v42;
	s8 =	sand.u32 $0x7, s7;
	v40 =	vadd.f32 v33, v43;
	v35 =	vld.idx.msk [tilespmem:v2+s2+$0x0], $0xffff  }
0x389: {  	v24 =	vmul.f32 v24, v24;
	v22 =	vmax.f32 v22, $1.000000000e+00;
	s6 =	smul.u32 $0xA00, s8;
	s9 =	sshll.u32 s8, $0x9;
	s7 =	sshll.u32 s8, $0x7;
	v23 =	vmul.f32 v23, v13;
	v13 =	vmovc v44;
	v43 =	vld.idx.msk [tilespmem:v3+s2+$0x0], $0xffff  }
0x38a: {  	v26 =	vmax.f32 v26, $1.000000000e+00;
	v44 =	vand.u32 $0x7FFFFFFF, v20;
	s7 =	sor.u32 $0x13C00, s7;
	v20 =	vadd.f32 v41, v40;
	v33 =	vld.idx.msk [tilespmem:v3+s4+$0x0], $0xffff  }
0x38b: {  	v38 =	vmul.f32 v38, v38;
	v40 =	vmin.f32 v44, $1.000000000e+00;
	v12 =	vadd.f32 v23, v12;
	v41 =	vld.idx.msk [tilespmem:v8+s4+$0x0], $0xffff  }
0x38c: {  	v18 =	vsub.f32 v19, v18;
	v23 =	vmax.f32 v32, $1.000000000e+00;
	v32 =	vsub.f32 v36, v37;
	v45 =	vld.idx.msk [tilespmem:v5+s4+$0x0], $0xffff  }
0x38d: {  	s22 =	sadd.s32 $0x10, s22;
	s8 =	sshll.u32 s8, $0x8;
	v37 =	vadd.s32 $0x40, v30;
	v47 =	vadd.s32 $0x100, v30;
	v19 =	vadd.f32 v27, v20;
	v46 =	vld.idx.msk [tilespmem:v0+s4+$0x0], $0xffff  }
0x38e: {  	s26 =	sor.u32 $0x12000, s8;
	s8 =	sshrl.u32 s6, $0x2;
	s6 =	sand.u32 $0x400, s22;
	v36 =	vand.u32 $0x7FFFFFFF, v18;
	v27 =	vadd.s32 $0x80, v30;
	v49 =	vadd.s32 $0x140, v30;
	v48 =	vld.idx.msk [tilespmem:v6+s4+$0x0], $0xffff  }
0x38f: {  	v51 =	vadd.s32 $0x1C0, v30;
	v52 =	vadd.s32 $0x200, v30;
	s6 =	sshrl.u32 s6, $0x2;
	v32 =	vand.u32 $0x7FFFFFFF, v32;
	v50 =	vld.idx.msk [tilespmem:v7+s4+$0x0], $0xffff  }
0x390: {  	s16 =	sand.u32 $0x70, s22;
	v55 =	vmin.f32 v42, $1.000000000e+00;
	v53 =	vadd.s32 $0xC0, v30;
	s6 =	sor.u32 s6, s9;
	v56 =	vmin.f32 v32, $1.000000000e+00;
	v54 =	vld.idx.msk [tilespmem:v2+s4+$0x0], $0xffff  }
0x391: {  	v25 =	vsub.f32 v39, v25;
	v39 =	vmax.f32 v36, $1.000000000e+00;
	s6 =	sor.u32 s16, s6;
	v23 =	vadd.f32 v23, v19;
	v20 =	vld.idx.msk [tilespmem:v0+s2+$0x0], $0xffff  }
0x392: {  	v40 =	vmul.f32 v40, v40;
	v19 =	vmin.f32 v36, $1.000000000e+00;
	s6 =	sor.u32 $0xF000, s6;
	v56 =	vmul.f32 v56, v56;
	v18 =	vld.idx.msk [tilespmem:v37+s7+$0x0], $0xffff  }
0x393: {  	v58 =	vadd.s32 $0x180, v30;
	v25 =	vand.u32 $0x7FFFFFFF, v25;
	v59 =	vmul.f32 v19, v19;
	v57 =	vld.idx.msk [tilespmem:v4+s4+$0x0], $0xffff  }
0x394: {  	v38 =	vadd.f32 v38, v40;
	v40 =	vmin.f32 v25, $1.000000000e+00;
	v21 =	vadd.f32 v21, v23;
	v19 =	vld.idx.msk [tilespmem:v11+s6+$0x0], $0xffff  }
0x395: {  	v44 =	vmax.f32 v44, $1.000000000e+00;
	v23 =	vadd.s32 $0x240, v30;
	v56 =	vadd.f32 v59, v56;
	v36 =	vld.idx.msk [tilespmem:v10+s4+$0x0], $0xffff  }
0x396: {  	v42 =	vmax.f32 v42, $1.000000000e+00;
	v26 =	vadd.f32 v26, v44;
	v32 =	vmax.f32 v32, $1.000000000e+00;
	v59 =	vld.idx.msk [tilespmem:v30+s8+$0x12800], $0xffff  }
0x397: {  	v32 =	vadd.f32 v39, v32;
	v21 =	vadd.f32 v42, v21;
	v39 =	vmul.f32 $5.000000000e-01, v56;
	v44 =	vld.idx.msk [tilespmem:v27+s26+$0x0], $0xffff  }
0x398: {  	v22 =	vadd.f32 v22, v26;
	v26 =	vmul.f32 v40, v40;
	v24 =	vadd.f32 v24, v38;
	v42 =	vld.idx.msk [tilespmem:v37+s26+$0x0], $0xffff  }
0x399: {  	v31 =	vand.u32 $0x7FFFFFFF, v31;
	v25 =	vmax.f32 v25, $1.000000000e+00;
	v32 =	vadd.f32 v39, v32;
	v38 =	vld.idx.msk [tilespmem:v49+s8+$0x12800], $0xffff  }
0x39a: {  	v22 =	vadd.f32 v25, v22;
	v25 =	vmul.f32 v29, v29;
	v24 =	vadd.f32 v26, v24;
	v39 =	vld.idx.msk [tilespmem:v47+s8+$0x12800], $0xffff  }
0x39b: {  	v29 =	vmax.f32 v31, $1.000000000e+00;
	v26 =	vadd.f32 $-2.000000000e+00, v32;
	v47 =	vld.idx.msk [tilespmem:v23+s8+$0x12800], $0xffff;
	v23 =	vmin.f32 v31, $1.000000000e+00  }
0x39c: {  	v25 =	vadd.f32 v25, v28;
	v24 =	vmul.f32 $5.000000000e-01, v24;
	v31 =	vsub.f32 v46, v59;
	v32 =	vld.idx.msk [tilespmem:v51+s8+$0x12800], $0xffff  }
0x39d: {  	v26 =	vmul.f32 v26, v13;
	v28 =	vsub.f32 v43, v44;
	v44 =	vmul.f32 v23, v23;
	v43 =	vld.idx.msk [tilespmem:v58+s8+$0x12800], $0xffff  }
0x39e: {  	v16 =	vadd.f32 v16, v25;
	v23 =	vadd.f32 v24, v22;
	v31 =	vand.u32 $0x7FFFFFFF, v31;
	v46 =	vld.idx.msk [tilespmem:v53+s8+$0x12800], $0xffff  }
0x39f: {  	v14 =	vadd.f32 v26, v14;
	v49 =	vmin.f32 v31, $1.000000000e+00;
	v31 =	vmax.f32 v31, $1.000000000e+00;
	v51 =	vld.idx.msk [tilespmem:v27+s8+$0x12800], $0xffff  }
0x3a0: {  	v16 =	vadd.f32 v34, v16;
	v22 =	vand.u32 $0x7FFFFFFF, v28;
	v39 =	vsub.f32 v45, v39;
	v28 =	vld.idx.msk [tilespmem:v37+s8+$0x12800], $0xffff  }
0x3a1: {  	v25 =	vsub.f32 v35, v42;
	v24 =	vmin.f32 v22, $1.000000000e+00;
	v27 =	vsub.f32 v48, v38;
	v35 =	vld.idx.msk [tilespmem:v52+s8+$0x12800], $0xffff  }
0x3a2: {  	v16 =	vadd.f32 v17, v16;
	v17 =	vmul.f32 v55, v55;
	v32 =	vsub.f32 v41, v32;
	v40 =	vld.idx.msk [tilespmem:v30+s26+$0x0], $0xffff  }
0x3a3: {  	v26 =	vand.u32 $0x7FFFFFFF, v25;
	v27 =	vand.u32 $0x7FFFFFFF, v27;
	v34 =	vsub.f32 v50, v43;
	v25 =	vld.idx.msk [tilespmem:v53+s26+$0x0], $0xffff  }
0x3a4: {  	v17 =	vadd.f32 v17, v16;
	v38 =	vmin.f32 v27, $1.000000000e+00;
	v41 =	vand.u32 $0x7FFFFFFF, v32;
	v37 =	vld.idx.msk [tilespmem:v30+s7+$0x0], $0xffff  }
0x3a5: {  	v27 =	vmax.f32 v27, $1.000000000e+00;
	v16 =	vmul.f32 v38, v38;
	v30 =	vsub.f32 v57, v46  }
0x3a6: {  	v17 =	vadd.f32 v44, v17;
	v33 =	vsub.f32 v33, v51;
	v38 =	vmin.f32 v41, $1.000000000e+00  }
0x3a7: {  	v29 =	vadd.f32 v29, v21;
	v32 =	vand.u32 $0x7FFFFFFF, v34;
	v28 =	vsub.f32 v54, v28  }
0x3a8: {  	v42 =	vmul.f32 $5.000000000e-01, v17;
	v34 =	vmul.f32 v49, v49;
	v33 =	vand.u32 $0x7FFFFFFF, v33  }
0x3a9: {  	v21 =	vmax.f32 v41, $1.000000000e+00;
	v17 =	vmul.f32 v38, v38;
	v28 =	vand.u32 $0x7FFFFFFF, v28  }
0x3aa: {  	v29 =	vadd.f32 v42, v29;
	v43 =	vmin.f32 v33, $1.000000000e+00;
	v41 =	vmin.f32 v28, $1.000000000e+00  }
0x3ab: {  	s3 =	sadd.s32 $0x10, s3;
	v38 =	vmin.f32 v26, $1.000000000e+00;
	v42 =	vmul.f32 v43, v43;
	v41 =	vmul.f32 v41, v41;
	v43 =	vld.idx.msk [tilespmem:v9+s4+$0x0], $0xffff  }
0x3ac: {  	v29 =	vadd.f32 $-1.000000000e+01, v29;
	v45 =	vmax.f32 v33, $1.000000000e+00;
	v28 =	vmax.f32 v28, $1.000000000e+00;
	v44 =	vld.idx.msk [tilespmem:v0+s3+$0x0], $0xffff  }
0x3ad: {  	v31 =	vadd.f32 v28, v31;
	v28 =	vand.u32 $0x7FFFFFFF, v30;
	v34 =	vadd.f32 v41, v34  }
.Ltmp3:
0x3ae: {  	v30 =	vmin.f32 v28, $1.000000000e+00;
	v33 =	vmax.f32 v28, $1.000000000e+00;
	v28 =	vmul.f32 v29, v13;
	(pc) =	sbr.rel @p0 .LBB2_8-.Ltmp3, $4  }
0x3af: {  	v39 =	vand.u32 $0x7FFFFFFF, v39;
	v30 =	vmul.f32 v30, v30;
	v34 =	vadd.f32 v42, v34  }
0x3b0: {  	v29 =	vmin.f32 v39, $1.000000000e+00;
	v41 =	vmax.f32 v39, $1.000000000e+00;
	v15 =	vadd.f32 v28, v15  }
0x3b1: {  	v28 =	vadd.f32 v30, v34;
	v34 =	vmin.f32 v32, $1.000000000e+00;
	v42 =	vsub.f32 v43, v35;
	v39 =	vld.idx.msk [tilespmem:v4+s2+$0x0], $0xffff  }
0x3b2: {  	s23 =	sadd.s32 $0x10, s23;
	s4 =	sadd.s32 $0x10, s4;
	v43 =	vadd.f32 v45, v31;
	v31 =	vsub.f32 v36, v47;
	vm0 =	vgt.f32 v44, $0.0e+00;
	v36 =	vld.idx.msk [tilespmem:v0+s6+$0x0], $0xffff;
	s6 =	smov.u32 s5  }
0x3b3: {  	v23 =	vadd.f32 $-4.000000000e+00, v23  }
0x3b4: {  	v30 =	vmul.f32 v34, v34;
	v20 =	vsub.f32 v20, v40;
	v40 =	vand.u32 $0x7FFFFFFF, v42  }
0x3b5: {  	v24 =	vmul.f32 v24, v24;
	v22 =	vmax.f32 v22, $1.000000000e+00;
	v26 =	vmax.f32 v26, $1.000000000e+00  }
0x3b6: {  	v18 =	vsub.f32 v19, v18;
	v42 =	vmul.f32 v38, v38;
	v32 =	vmax.f32 v32, $1.000000000e+00  }
0x3b7: {  	v29 =	vmul.f32 v29, v29;
	v33 =	vadd.f32 v33, v43;
	v44 =	vmin.f32 v40, $1.000000000e+00  }
0x3b8: {  	v50 =	vand.u32 $0x7FFFFFFF, v31;
	v54 =	vmax.f32 v40, $1.000000000e+00;
	v20 =	vand.u32 $0x7FFFFFFF, v20  }
0x3b9: {  	v18 =	vand.u32 $0x7FFFFFFF, v18;
	v28 =	vadd.f32 v29, v28;
	v51 =	vmul.f32 v44, v44  }
0x3ba: {  	v53 =	vmin.f32 v50, $1.000000000e+00;
	v33 =	vadd.f32 v41, v33;
	v35 =	vmin.f32 v20, $1.000000000e+00  }
0x3bb: {  	v25 =	vsub.f32 v39, v25;
	v46 =	vmax.f32 v18, $1.000000000e+00;
	v18 =	vmin.f32 v18, $1.000000000e+00  }
0x3bc: {  	v20 =	vmax.f32 v20, $1.000000000e+00;
	v36 =	vsub.f32 v36, v37;
	v47 =	vmul.f32 v35, v35  }
0x3bd: {  	v16 =	vadd.f32 v16, v28;
	v18 =	vmul.f32 v18, v18;
	v20 =	vadd.f32 v26, v20  }
0x3be: {  	v27 =	vadd.f32 v27, v33;
	v25 =	vand.u32 $0x7FFFFFFF, v25;
	v43 =	vand.u32 $0x7FFFFFFF, v36  }
0x3bf: {  	v19 =	vadd.f32 v42, v47;
	v16 =	vadd.f32 v30, v16;
	v49 =	vmin.f32 v25, $1.000000000e+00  }
0x3c0: {  	v20 =	vadd.f32 v22, v20;
	v45 =	vmin.f32 v43, $1.000000000e+00;
	v27 =	vadd.f32 v32, v27  }
0x3c1: {  	v52 =	vmul.f32 v49, v49;
	v16 =	vadd.f32 v17, v16;
	v19 =	vadd.f32 v24, v19  }
0x3c2: {  	v55 =	vmax.f32 v25, $1.000000000e+00;
	v48 =	vmul.f32 v45, v45;
	v21 =	vadd.f32 v21, v27  }
0x3c3: {  	v27 =	vmul.f32 v53, v53;
	v16 =	vadd.f32 v51, v16;
	v19 =	vadd.f32 v52, v19  }
0x3c4: {  	v57 =	vmax.f32 v43, $1.000000000e+00;
	v20 =	vadd.f32 v55, v20;
	v18 =	vadd.f32 v18, v48  }
0x3c5: {  	v17 =	vadd.f32 v54, v21;
	v16 =	vadd.f32 v27, v16;
	v19 =	vmul.f32 $5.000000000e-01, v19  }
0x3c6: {  	v56 =	vmax.f32 v50, $1.000000000e+00;
	v58 =	vadd.f32 v46, v57;
	v18 =	vmul.f32 $5.000000000e-01, v18  }
0x3c7: {  	v17 =	vadd.f32 v56, v17;
	v16 =	vmul.f32 $5.000000000e-01, v16;
	v19 =	vadd.f32 v19, v20  }
0x3c8: {  	v59 =	vadd.f32 v18, v58  }
0x3c9: {  	v13 =	vmul.f32 v23, v13;
	v16 =	vadd.f32 v16, v17;
	v60 =	vadd.f32 $-4.000000000e+00, v19  }
0x3ca: {  	v61 =	vsel vm0, $0x3F800000, v1;
	v62 =	vadd.f32 $-2.000000000e+00, v59  }
0x3cb: {  	v12 =	vadd.f32 v13, v12;
	v16 =	vadd.f32 $-1.000000000e+01, v16;
	v63 =	vmul.f32 v60, v61  }
0x3cc: {  	v13 =	vmul.f32 v62, v61  }
0x3cd: {  	v16 =	vmul.f32 v16, v61;
	v12 =	vadd.f32 v63, v12  }
0x3ce: {  	v13 =	vadd.f32 v13, v14  }
0x3cf: {  	s17 =	sadd.s32 $0x1, s17;
	v15 =	vadd.f32 v16, v15;
	[tilespmem:$0x14000] =	vst v12  }
0x3d0: {  	p0 =	sne.s32 s17, s14;
	[tilespmem:$0x14020] =	vst v13  }
.Ltmp4:
0x3d1: {  	s2 =	simm.s32 $0x14000;
	[tilespmem:$0x14010] =	vst v15;
	(pc) =	sbr.rel @p0 .LBB2_1-.Ltmp4, $4  }
0x3d2: {  	[hbm4b:s13+s1] =	stream.linear.scatter [tilespmem:s2], [sflag:$0x3], $0x30, $0x38;
	[tilespmem:$0x14030] =	vst v63  }
0x3d3: {  	_ =	swait.ge [sflag:s15], $0x30  }
0x3d4: {  	[sflag:s15] =	ssyncset.done $0x0  }
0x3d5: {  	[sflag:s15] =	ssyncadd.s32 $0xFFFFFFD0  }
0x3d6: {  	_ =	sfence.sel $0x180000  }
0x3d7: {  	[bflag:$0x0] =	sbarrier.arrive $0xFFFF  }
0x3d8: {  	_ =	strace $0x90000047  }
0x3d9: {  	s0 =	stileid.u32;
	[bflag:$0x2] =	sbarrier.arrive $0xFFFF  }
0x3da: {  	p0 =	sne.s32 s0, $0x0;
	s0 =	rddreg [dreg:$0x6]  }
0x3db: {  	s0 =	sadd.s32 @!p0 $0x100000, s0  }
0x3dc: {  	[sflag:s0] =	ssyncadd.tile.s32 @!p0 $0x1;
	_ =	shalt  }
.Lfunc_end2:
_tile_overlayer_lowered:
.L_overlay_start_2:
0x3dd: {  	(tag) =	ssettag $0x2  }
0x3de: {  	s0 =	rddreg [dreg:$0x0];
	s2 =	stileid.u32  }
0x3df: {  	s1 =	rddreg [dreg:$0x1];
	p0 =	sne.s32 s2, $0x0  }
0x3e0: {  	s3 =	rddreg [dreg:$0x2];
	[bflag:$0x3] =	sbarrier.arrive $0xFFFF;
	s2 =	simm.s32 @!p0 $0x1C03  }
0x3e1: {  	[timem:s3], [sflag:s2] =	dma.local @!p0 [hbm:s0], s1  }
0x3e2: {  	s0 =	simm.s32 @!p0 $0x3  }
0x3e3: {  	_ =	swait.ge @!p0 [sflag:s0], s1  }
0x3e4: {  	s1 =	ssub.s32 @!p0 $0x0, s1;
	[sflag:s0] =	ssyncset.done @!p0 $0x0  }
0x3e5: {  	[sflag:s0] =	ssyncadd.s32 @!p0 s1  }
0x3e6: {  	[bflag:$0x3] =	sbarrier.arrive $0xFFFF  }
0x3e7: {  	_ =	shalt  }

</sc_bundles>
